<compile_context>
chip_gen: v7x
topology: tpu7x:2x2x1
jax: 0.10.2.dev20260603
libtpu: 0.0.44.dev20260713+nightly
codegen_flags: <defaults>
</compile_context>

<pallas_src>
import functools

import numpy as np
import jax
import jax.numpy as jnp
from jax import lax
from jax.experimental import pallas as pl
from jax.experimental.pallas import tpu as pltpu
from jax.experimental.pallas import tpu_sc as plsc

NUM_HEADS = 32
NUM_KV_HEADS = 8
HEAD = 128
EPS = 1e-06
BASE = 10000.0
T = 8192
NUM_SLOTS = 16384
Q_SIZE = NUM_HEADS * HEAD
KV_SIZE = NUM_KV_HEADS * HEAD
HALF = HEAD // 2

_INV_FREQ = (1.0 / (BASE ** (np.arange(0, HEAD, 2, dtype=np.float32) / HEAD))
             ).reshape(1, HALF)

BT = 256

NW = 32
TPW = T // NW
CH = 32
NCH = TPW // CH


def _tc_body(qkv_ref, pos_ref, qw_ref, kw_ref, q_ref, k_ref, v_ref):
    pos = pos_ref[...].astype(jnp.float32)
    j2d = lax.broadcasted_iota(jnp.int32, (1, HALF), 1).astype(jnp.float32)
    inv_freq = jnp.exp(j2d * np.float32(-2.0 * np.log(BASE) / HEAD))
    freqs = pos * inv_freq
    cos = jnp.cos(freqs)
    sin = jnp.sin(freqs)
    qw = qw_ref[...]
    kw = kw_ref[...]

    def norm_rope(x, w):
        var = jnp.mean(x * x, axis=1, keepdims=True)
        xn = x * lax.rsqrt(var + EPS) * w
        x1 = xn[:, :HALF]
        x2 = xn[:, HALF:]
        return jnp.concatenate([x1 * cos - x2 * sin, x2 * cos + x1 * sin],
                               axis=1)

    for h in range(NUM_HEADS):
        q_ref[:, h * HEAD:(h + 1) * HEAD] = norm_rope(
            qkv_ref[:, h * HEAD:(h + 1) * HEAD], qw)
    for h in range(NUM_KV_HEADS):
        k_ref[:, h * HEAD:(h + 1) * HEAD] = norm_rope(
            qkv_ref[:, Q_SIZE + h * HEAD:Q_SIZE + (h + 1) * HEAD], kw)
    v_ref[...] = qkv_ref[:, Q_SIZE + KV_SIZE:Q_SIZE + 2 * KV_SIZE]


def _tc_norm_rope(qkv, positions, q_weight, k_weight):
    return pl.pallas_call(
        _tc_body,
        grid=(T // BT,),
        in_specs=[
            pl.BlockSpec((BT, Q_SIZE + 2 * KV_SIZE), lambda i: (i, 0)),
            pl.BlockSpec((BT, 1), lambda i: (i, 0)),
            pl.BlockSpec((1, HEAD), lambda i: (0, 0)),
            pl.BlockSpec((1, HEAD), lambda i: (0, 0)),
        ],
        out_specs=[
            pl.BlockSpec((BT, Q_SIZE), lambda i: (i, 0)),
            pl.BlockSpec((BT, KV_SIZE), lambda i: (i, 0)),
            pl.BlockSpec((BT, KV_SIZE), lambda i: (i, 0)),
        ],
        out_shape=[
            jax.ShapeDtypeStruct((T, Q_SIZE), jnp.float32),
            jax.ShapeDtypeStruct((T, KV_SIZE), jnp.float32),
            jax.ShapeDtypeStruct((T, KV_SIZE), jnp.float32),
        ],
    )(qkv, positions.reshape(T, 1), q_weight.reshape(1, HEAD),
      k_weight.reshape(1, HEAD))


def _sc_scatter_body(k_hbm, v_hbm, slots_hbm, cache_hbm, slots_v, table_v,
                     widx, dstk, dstv, kbuf, vbuf, semk, semv):
    wid = lax.axis_index("s") * 2 + lax.axis_index("c")
    pltpu.sync_copy(slots_hbm, slots_v)
    iota = lax.iota(jnp.int32, 16)

    def build(i, carry):
        sl = slots_v[pl.ds(i * 16, 16)]
        _, last = plsc.scan_count(sl)
        plsc.store_scatter(table_v, [sl], iota + i * 16, mask=last)
        return carry

    lax.fori_loop(0, T // 16, build, 0)

    base = wid * TPW
    for j in range(TPW // 16):
        sl = slots_v[pl.ds(base + j * 16, 16)]
        w = plsc.load_gather(table_v, [sl])
        c = j // (CH // 16)
        off = (j % (CH // 16)) * 16
        widx[c, pl.ds(off, 16)] = w
        dstk[c, pl.ds(off, 16)] = sl
        dstv[c, pl.ds(off, 16)] = sl + NUM_SLOTS

    for c in range(NCH):
        pltpu.async_copy(k_hbm.at[widx.at[c]], kbuf, semk).wait()
        pltpu.async_copy(kbuf, cache_hbm.at[dstk.at[c]], semk).wait()
        pltpu.async_copy(v_hbm.at[widx.at[c]], vbuf, semv).wait()
        pltpu.async_copy(vbuf, cache_hbm.at[dstv.at[c]], semv).wait()


@functools.lru_cache(maxsize=1)
def _get_sc_scatter():
    mesh = plsc.VectorSubcoreMesh(core_axis_name="c", subcore_axis_name="s")
    return pl.kernel(
        _sc_scatter_body,
        mesh=mesh,
        out_type=(),
        compiler_params=pltpu.CompilerParams(needs_layout_passes=False),
        scratch_types=[
            pltpu.VMEM((T,), jnp.int32),
            pltpu.VMEM((NUM_SLOTS,), jnp.int32),
            pltpu.VMEM((NCH, CH), jnp.int32),
            pltpu.VMEM((NCH, CH), jnp.int32),
            pltpu.VMEM((NCH, CH), jnp.int32),
            pltpu.VMEM((CH, KV_SIZE), jnp.float32),
            pltpu.VMEM((CH, KV_SIZE), jnp.float32),
            pltpu.SemaphoreType.DMA,
            pltpu.SemaphoreType.DMA,
        ],
    )


def kernel(qkv, positions, kv_cache, slot_mapping, q_weight, k_weight):
    q2d, k2d, v2d = _tc_norm_rope(qkv, positions, q_weight, k_weight)
    cache_ref = jax.new_ref(kv_cache.reshape(2 * NUM_SLOTS, KV_SIZE))
    _get_sc_scatter()(k2d, v2d, slot_mapping, cache_ref)
    cache_new = jax.freeze(cache_ref).reshape(2, NUM_SLOTS, NUM_KV_HEADS, HEAD)
    return (q2d.reshape(T, NUM_HEADS, HEAD),
            k2d.reshape(T, NUM_KV_HEADS, HEAD),
            v2d.reshape(T, NUM_KV_HEADS, HEAD),
            cache_new)

# --- scband reference (transcript-rebuilt; emitter-appended) ---
"""Pipeline reference for scband-qknorm-ro-pekvcache-test-model-2903397892593 (READ-ONLY COPY).

The authoritative reference and input builder live on the scoring server;
editing this copy changes nothing except your own understanding.
"""

import jax, jax.numpy as jnp
import numpy as np

NUM_HEADS = 32
NUM_KV_HEADS = 8
HEAD = 128
EPS = 1e-06
BASE = 10000.0
T = 8192
MAXPOS = 4096
NUM_SLOTS = 16384
Q_SIZE = NUM_HEADS * HEAD
KV_SIZE = NUM_KV_HEADS * HEAD


def setup_inputs(seed: int = 0) -> dict:
    key = jax.random.key(seed)
    k1, k2, k3, k4, k5 = jax.random.split(key, 5)
    qkv = jax.random.normal(k1, (T, Q_SIZE + 2 * KV_SIZE), dtype=jnp.float32)
    positions = jax.random.randint(k2, (T,), 0, MAXPOS, dtype=jnp.int32)
    slot_mapping = jax.random.randint(k3, (T,), 0, NUM_SLOTS, dtype=jnp.int32)
    kv_cache = jnp.zeros((2, NUM_SLOTS, NUM_KV_HEADS, HEAD), dtype=jnp.float32)
    q_weight = 1.0 + 0.01 * jax.random.normal(k4, (HEAD,), dtype=jnp.float32)
    k_weight = 1.0 + 0.01 * jax.random.normal(k5, (HEAD,), dtype=jnp.float32)
    return {"qkv": qkv, "positions": positions, "kv_cache": kv_cache,
            "slot_mapping": slot_mapping, "q_weight": q_weight, "k_weight": k_weight}


def _rms_norm(x, w):
    # x: [T, H, D], w: [D]
    var = jnp.mean(x * x, axis=-1, keepdims=True)
    return x * jax.lax.rsqrt(var + EPS) * w


def _rope_neox(x, positions):
    # x: [T, H, D]; rotary_dim == D == HEAD, neox style (split halves)
    half = HEAD // 2
    inv_freq = 1.0 / (BASE ** (jnp.arange(0, HEAD, 2, dtype=jnp.float32) / HEAD))
    freqs = positions.astype(jnp.float32)[:, None] * inv_freq[None, :]  # [T, half]
    cos = jnp.cos(freqs)[:, None, :]  # [T, 1, half]
    sin = jnp.sin(freqs)[:, None, :]
    x1 = x[..., :half]
    x2 = x[..., half:]
    return jnp.concatenate([x1 * cos - x2 * sin, x2 * cos + x1 * sin], axis=-1)


def reference(qkv, positions, kv_cache, slot_mapping, q_weight, k_weight):
    q = qkv[:, :Q_SIZE].reshape(-1, NUM_HEADS, HEAD)
    k = qkv[:, Q_SIZE:Q_SIZE + KV_SIZE].reshape(-1, NUM_KV_HEADS, HEAD)
    v = qkv[:, Q_SIZE + KV_SIZE:].reshape(-1, NUM_KV_HEADS, HEAD)
    q = _rms_norm(q, q_weight)
    k = _rms_norm(k, k_weight)
    q = _rope_neox(q, positions)
    k = _rope_neox(k, positions)
    # unified KV cache update: scatter-overwrite k/v rows into the cache by slot
    kv_cache_new = kv_cache.at[0, slot_mapping].set(k).at[1, slot_mapping].set(v)
    return (q, k, v, kv_cache_new)

if __name__ == "__main__":
    import jax
    _d = setup_inputs()
    print(jax.jit(kernel)(*tuple(_d.values())))

</pallas_src>

<mosaic_0001>
#map = affine_map<(d0, d1) -> (0, 0)>
#map1 = affine_map<(d0, d1) -> (0)>
module attributes {stable_mosaic.version = 14 : i64} {
  func.func @new_body(%arg0: i32, %arg1: i32, %arg2: memref<8192x1024xf32, #tpu.memory_space<hbm>>, %arg3: memref<8192x1024xf32, #tpu.memory_space<hbm>>, %arg4: memref<8192xi32, #tpu.memory_space<hbm>>, %arg5: memref<32768x1024xf32, #tpu.memory_space<hbm>>, %arg6: memref<32768x1024xf32, #tpu.memory_space<hbm>>, %arg7: memref<8192xi32, #tpu.memory_space<vmem>>, %arg8: memref<16384xi32, #tpu.memory_space<vmem>>, %arg9: memref<8x32xi32, #tpu.memory_space<vmem>>, %arg10: memref<8x32xi32, #tpu.memory_space<vmem>>, %arg11: memref<8x32xi32, #tpu.memory_space<vmem>>, %arg12: memref<32x1024xf32, #tpu.memory_space<vmem>>, %arg13: memref<32x1024xf32, #tpu.memory_space<vmem>>, %arg14: memref<!tpu.dma_semaphore, #tpu.memory_space<semaphore_mem>>, %arg15: memref<!tpu.dma_semaphore, #tpu.memory_space<semaphore_mem>>) attributes {dimension_semantics = [#tpu.dimension_semantics<core_parallel>, #tpu.dimension_semantics<subcore_parallel>], iteration_bounds = array<i64: 2, 16>, scalar_prefetch = 0 : i64, scratch_operands = 9 : i64, tpu.core_type = #tpu.core_type<sc_vector_subcore>, window_params = [{transform_indices = #map}, {transform_indices = #map}, {transform_indices = #map1}, {transform_indices = #map}, {transform_indices = #map}]} {
    %mul3A = arith.constant 2 : i32
    %mul3A_0 = arith.muli %arg1, %mul3A : i32
    %add3A = arith.addi %mul3A_0, %arg0 : i32
    "tpu.region"() ({
      %run_scoped3A = tpu.sem_alloc : memref<!tpu.dma_semaphore, #tpu.memory_space<semaphore_mem>>
      tpu.enqueue_dma source(%arg4 : memref<8192xi32, #tpu.memory_space<hbm>>) target(%arg7 : memref<8192xi32, #tpu.memory_space<vmem>>) target_semaphore(%run_scoped3A : memref<!tpu.dma_semaphore, #tpu.memory_space<semaphore_mem>>)
      tpu.wait_dma2 semaphore(%run_scoped3A : memref<!tpu.dma_semaphore, #tpu.memory_space<semaphore_mem>>) src(%arg4 : memref<8192xi32, #tpu.memory_space<hbm>>) dst(%arg7 : memref<8192xi32, #tpu.memory_space<vmem>>)
      tpu.yield
    }) : () -> ()
    %iota3A = tpu.iota {dimensions = array<i32: 0>} : vector<16xi32>
    %scan3A = arith.constant 0 : i32
    %scan3A_1 = arith.constant 0 : i32
    %scan3A_2 = arith.constant 512 : i32
    %scan3A_3 = arith.addi %scan3A_1, %scan3A_2 : i32
    %scan3A_4 = arith.constant 1 : i32
    scf.for %scan3A_771 = %scan3A_1 to %scan3A_3 step %scan3A_4  : i32 {
      %mul3A_772 = arith.constant 16 : i32
      %mul3A_773 = arith.muli %scan3A_771, %mul3A_772 : i32
      %get3A_774 = arith.index_cast %mul3A_773 : i32 to index
      %get3A_775 = tpu.vector_load %arg7[%get3A_774] {strides = array<i32>} : memref<8192xi32, #tpu.memory_space<vmem>>, vector<16xi32>,
      %broadcast_in_dim3A = arith.constant true
      %broadcast_in_dim3A_776 = vector.broadcast %broadcast_in_dim3A : i1 to vector<16xi1>
      %unique3A, %unique3A_777 = tpu.scan_count mask(%broadcast_in_dim3A_776 : vector<16xi1>) value(%get3A_775 : vector<16xi32>) : vector<16xi1>, vector<16xi32>
      %mul3A_778 = arith.constant 16 : i32
      %mul3A_779 = arith.muli %scan3A_771, %mul3A_778 : i32
      %add3A_780 = vector.broadcast %mul3A_779 : i32 to vector<16xi32>
      %add3A_781 = arith.addi %iota3A, %add3A_780 : vector<16xi32>
      tpu.vector_store_idx %arg8[%get3A_775], %add3A_781 masked %unique3A : memref<16384xi32, #tpu.memory_space<vmem>>[vector<16xi32>], vector<16xi32>, vector<16xi1>
    }
    %scan3A_5 = arith.constant 512 : i32
    %mul3A_6 = arith.constant 256 : i32
    %mul3A_7 = arith.muli %add3A, %mul3A_6 : i32
    %add3A_8 = arith.constant 0 : i32
    %add3A_9 = arith.addi %mul3A_7, %add3A_8 : i32
    %get3A = arith.index_cast %add3A_9 : i32 to index
    %get3A_10 = tpu.vector_load %arg7[%get3A] {strides = array<i32>} : memref<8192xi32, #tpu.memory_space<vmem>>, vector<16xi32>,
    %gather3A = tpu.vector_load_idx %arg8[%get3A_10] : memref<16384xi32, #tpu.memory_space<vmem>>[vector<16xi32>], vector<16xi32>,
    %swap3A = arith.constant 0 : i32
    %swap3A_11 = arith.index_cast %swap3A : i32 to index
    %swap3A_12 = arith.constant 0 : index
    %swap3A_13 = tpu.vector_load %arg9[%swap3A_11, %swap3A_12] {strides = array<i32>} : memref<8x32xi32, #tpu.memory_space<vmem>>, vector<16xi32>,
    tpu.vector_store %arg9[%swap3A_11, %swap3A_12], %gather3A {strides = array<i32>} : memref<8x32xi32, #tpu.memory_space<vmem>>, vector<16xi32>,
    %swap3A_14 = arith.constant 0 : i32
    %swap3A_15 = arith.index_cast %swap3A_14 : i32 to index
    %swap3A_16 = arith.constant 0 : index
    %swap3A_17 = tpu.vector_load %arg10[%swap3A_15, %swap3A_16] {strides = array<i32>} : memref<8x32xi32, #tpu.memory_space<vmem>>, vector<16xi32>,
    tpu.vector_store %arg10[%swap3A_15, %swap3A_16], %get3A_10 {strides = array<i32>} : memref<8x32xi32, #tpu.memory_space<vmem>>, vector<16xi32>,
    %add3A_18 = arith.constant 16384 : i32
    %add3A_19 = vector.broadcast %add3A_18 : i32 to vector<16xi32>
    %add3A_20 = arith.addi %get3A_10, %add3A_19 : vector<16xi32>
    %swap3A_21 = arith.constant 0 : i32
    %swap3A_22 = arith.index_cast %swap3A_21 : i32 to index
    %swap3A_23 = arith.constant 0 : index
    %swap3A_24 = tpu.vector_load %arg11[%swap3A_22, %swap3A_23] {strides = array<i32>} : memref<8x32xi32, #tpu.memory_space<vmem>>, vector<16xi32>,
    tpu.vector_store %arg11[%swap3A_22, %swap3A_23], %add3A_20 {strides = array<i32>} : memref<8x32xi32, #tpu.memory_space<vmem>>, vector<16xi32>,
    %add3A_25 = arith.constant 16 : i32
    %add3A_26 = arith.addi %mul3A_7, %add3A_25 : i32
    %get3A_27 = arith.index_cast %add3A_26 : i32 to index
    %get3A_28 = tpu.vector_load %arg7[%get3A_27] {strides = array<i32>} : memref<8192xi32, #tpu.memory_space<vmem>>, vector<16xi32>,
    %gather3A_29 = tpu.vector_load_idx %arg8[%get3A_28] : memref<16384xi32, #tpu.memory_space<vmem>>[vector<16xi32>], vector<16xi32>,
    %swap3A_30 = arith.constant 0 : i32
    %swap3A_31 = arith.index_cast %swap3A_30 : i32 to index
    %swap3A_32 = arith.constant 16 : index
    %swap3A_33 = tpu.vector_load %arg9[%swap3A_31, %swap3A_32] {strides = array<i32>} : memref<8x32xi32, #tpu.memory_space<vmem>>, vector<16xi32>,
    tpu.vector_store %arg9[%swap3A_31, %swap3A_32], %gather3A_29 {strides = array<i32>} : memref<8x32xi32, #tpu.memory_space<vmem>>, vector<16xi32>,
    %swap3A_34 = arith.constant 0 : i32
    %swap3A_35 = arith.index_cast %swap3A_34 : i32 to index
    %swap3A_36 = arith.constant 16 : index
    %swap3A_37 = tpu.vector_load %arg10[%swap3A_35, %swap3A_36] {strides = array<i32>} : memref<8x32xi32, #tpu.memory_space<vmem>>, vector<16xi32>,
    tpu.vector_store %arg10[%swap3A_35, %swap3A_36], %get3A_28 {strides = array<i32>} : memref<8x32xi32, #tpu.memory_space<vmem>>, vector<16xi32>,
    %add3A_38 = arith.constant 16384 : i32
    %add3A_39 = vector.broadcast %add3A_38 : i32 to vector<16xi32>
    %add3A_40 = arith.addi %get3A_28, %add3A_39 : vector<16xi32>
    %swap3A_41 = arith.constant 0 : i32
    %swap3A_42 = arith.index_cast %swap3A_41 : i32 to index
    %swap3A_43 = arith.constant 16 : index
    %swap3A_44 = tpu.vector_load %arg11[%swap3A_42, %swap3A_43] {strides = array<i32>} : memref<8x32xi32, #tpu.memory_space<vmem>>, vector<16xi32>,
    tpu.vector_store %arg11[%swap3A_42, %swap3A_43], %add3A_40 {strides = array<i32>} : memref<8x32xi32, #tpu.memory_space<vmem>>, vector<16xi32>,
    %add3A_45 = arith.constant 32 : i32
    %add3A_46 = arith.addi %mul3A_7, %add3A_45 : i32
    %get3A_47 = arith.index_cast %add3A_46 : i32 to index
    %get3A_48 = tpu.vector_load %arg7[%get3A_47] {strides = array<i32>} : memref<8192xi32, #tpu.memory_space<vmem>>, vector<16xi32>,
    %gather3A_49 = tpu.vector_load_idx %arg8[%get3A_48] : memref<16384xi32, #tpu.memory_space<vmem>>[vector<16xi32>], vector<16xi32>,
    %swap3A_50 = arith.constant 1 : i32
    %swap3A_51 = arith.index_cast %swap3A_50 : i32 to index
    %swap3A_52 = arith.constant 0 : index
    %swap3A_53 = tpu.vector_load %arg9[%swap3A_51, %swap3A_52] {strides = array<i32>} : memref<8x32xi32, #tpu.memory_space<vmem>>, vector<16xi32>,
    tpu.vector_store %arg9[%swap3A_51, %swap3A_52], %gather3A_49 {strides = array<i32>} : memref<8x32xi32, #tpu.memory_space<vmem>>, vector<16xi32>,
    %swap3A_54 = arith.constant 1 : i32
    %swap3A_55 = arith.index_cast %swap3A_54 : i32 to index
    %swap3A_56 = arith.constant 0 : index
    %swap3A_57 = tpu.vector_load %arg10[%swap3A_55, %swap3A_56] {strides = array<i32>} : memref<8x32xi32, #tpu.memory_space<vmem>>, vector<16xi32>,
    tpu.vector_store %arg10[%swap3A_55, %swap3A_56], %get3A_48 {strides = array<i32>} : memref<8x32xi32, #tpu.memory_space<vmem>>, vector<16xi32>,
    %add3A_58 = arith.constant 16384 : i32
    %add3A_59 = vector.broadcast %add3A_58 : i32 to vector<16xi32>
    %add3A_60 = arith.addi %get3A_48, %add3A_59 : vector<16xi32>
    %swap3A_61 = arith.constant 1 : i32
    %swap3A_62 = arith.index_cast %swap3A_61 : i32 to index
    %swap3A_63 = arith.constant 0 : index
    %swap3A_64 = tpu.vector_load %arg11[%swap3A_62, %swap3A_63] {strides = array<i32>} : memref<8x32xi32, #tpu.memory_space<vmem>>, vector<16xi32>,
    tpu.vector_store %arg11[%swap3A_62, %swap3A_63], %add3A_60 {strides = array<i32>} : memref<8x32xi32, #tpu.memory_space<vmem>>, vector<16xi32>,
    %add3A_65 = arith.constant 48 : i32
    %add3A_66 = arith.addi %mul3A_7, %add3A_65 : i32
    %get3A_67 = arith.index_cast %add3A_66 : i32 to index
    %get3A_68 = tpu.vector_load %arg7[%get3A_67] {strides = array<i32>} : memref<8192xi32, #tpu.memory_space<vmem>>, vector<16xi32>,
    %gather3A_69 = tpu.vector_load_idx %arg8[%get3A_68] : memref<16384xi32, #tpu.memory_space<vmem>>[vector<16xi32>], vector<16xi32>,
    %swap3A_70 = arith.constant 1 : i32
    %swap3A_71 = arith.index_cast %swap3A_70 : i32 to index
    %swap3A_72 = arith.constant 16 : index
    %swap3A_73 = tpu.vector_load %arg9[%swap3A_71, %swap3A_72] {strides = array<i32>} : memref<8x32xi32, #tpu.memory_space<vmem>>, vector<16xi32>,
    tpu.vector_store %arg9[%swap3A_71, %swap3A_72], %gather3A_69 {strides = array<i32>} : memref<8x32xi32, #tpu.memory_space<vmem>>, vector<16xi32>,
    %swap3A_74 = arith.constant 1 : i32
    %swap3A_75 = arith.index_cast %swap3A_74 : i32 to index
    %swap3A_76 = arith.constant 16 : index
    %swap3A_77 = tpu.vector_load %arg10[%swap3A_75, %swap3A_76] {strides = array<i32>} : memref<8x32xi32, #tpu.memory_space<vmem>>, vector<16xi32>,
    tpu.vector_store %arg10[%swap3A_75, %swap3A_76], %get3A_68 {strides = array<i32>} : memref<8x32xi32, #tpu.memory_space<vmem>>, vector<16xi32>,
    %add3A_78 = arith.constant 16384 : i32
    %add3A_79 = vector.broadcast %add3A_78 : i32 to vector<16xi32>
    %add3A_80 = arith.addi %get3A_68, %add3A_79 : vector<16xi32>
    %swap3A_81 = arith.constant 1 : i32
    %swap3A_82 = arith.index_cast %swap3A_81 : i32 to index
    %swap3A_83 = arith.constant 16 : index
    %swap3A_84 = tpu.vector_load %arg11[%swap3A_82, %swap3A_83] {strides = array<i32>} : memref<8x32xi32, #tpu.memory_space<vmem>>, vector<16xi32>,
    tpu.vector_store %arg11[%swap3A_82, %swap3A_83], %add3A_80 {strides = array<i32>} : memref<8x32xi32, #tpu.memory_space<vmem>>, vector<16xi32>,
    %add3A_85 = arith.constant 64 : i32
    %add3A_86 = arith.addi %mul3A_7, %add3A_85 : i32
    %get3A_87 = arith.index_cast %add3A_86 : i32 to index
    %get3A_88 = tpu.vector_load %arg7[%get3A_87] {strides = array<i32>} : memref<8192xi32, #tpu.memory_space<vmem>>, vector<16xi32>,
    %gather3A_89 = tpu.vector_load_idx %arg8[%get3A_88] : memref<16384xi32, #tpu.memory_space<vmem>>[vector<16xi32>], vector<16xi32>,
    %swap3A_90 = arith.constant 2 : i32
    %swap3A_91 = arith.index_cast %swap3A_90 : i32 to index
    %swap3A_92 = arith.constant 0 : index
    %swap3A_93 = tpu.vector_load %arg9[%swap3A_91, %swap3A_92] {strides = array<i32>} : memref<8x32xi32, #tpu.memory_space<vmem>>, vector<16xi32>,
    tpu.vector_store %arg9[%swap3A_91, %swap3A_92], %gather3A_89 {strides = array<i32>} : memref<8x32xi32, #tpu.memory_space<vmem>>, vector<16xi32>,
    %swap3A_94 = arith.constant 2 : i32
    %swap3A_95 = arith.index_cast %swap3A_94 : i32 to index
    %swap3A_96 = arith.constant 0 : index
    %swap3A_97 = tpu.vector_load %arg10[%swap3A_95, %swap3A_96] {strides = array<i32>} : memref<8x32xi32, #tpu.memory_space<vmem>>, vector<16xi32>,
    tpu.vector_store %arg10[%swap3A_95, %swap3A_96], %get3A_88 {strides = array<i32>} : memref<8x32xi32, #tpu.memory_space<vmem>>, vector<16xi32>,
    %add3A_98 = arith.constant 16384 : i32
    %add3A_99 = vector.broadcast %add3A_98 : i32 to vector<16xi32>
    %add3A_100 = arith.addi %get3A_88, %add3A_99 : vector<16xi32>
    %swap3A_101 = arith.constant 2 : i32
    %swap3A_102 = arith.index_cast %swap3A_101 : i32 to index
    %swap3A_103 = arith.constant 0 : index
    %swap3A_104 = tpu.vector_load %arg11[%swap3A_102, %swap3A_103] {strides = array<i32>} : memref<8x32xi32, #tpu.memory_space<vmem>>, vector<16xi32>,
    tpu.vector_store %arg11[%swap3A_102, %swap3A_103], %add3A_100 {strides = array<i32>} : memref<8x32xi32, #tpu.memory_space<vmem>>, vector<16xi32>,
    %add3A_105 = arith.constant 80 : i32
    %add3A_106 = arith.addi %mul3A_7, %add3A_105 : i32
    %get3A_107 = arith.index_cast %add3A_106 : i32 to index
    %get3A_108 = tpu.vector_load %arg7[%get3A_107] {strides = array<i32>} : memref<8192xi32, #tpu.memory_space<vmem>>, vector<16xi32>,
    %gather3A_109 = tpu.vector_load_idx %arg8[%get3A_108] : memref<16384xi32, #tpu.memory_space<vmem>>[vector<16xi32>], vector<16xi32>,
    %swap3A_110 = arith.constant 2 : i32
    %swap3A_111 = arith.index_cast %swap3A_110 : i32 to index
    %swap3A_112 = arith.constant 16 : index
    %swap3A_113 = tpu.vector_load %arg9[%swap3A_111, %swap3A_112] {strides = array<i32>} : memref<8x32xi32, #tpu.memory_space<vmem>>, vector<16xi32>,
    tpu.vector_store %arg9[%swap3A_111, %swap3A_112], %gather3A_109 {strides = array<i32>} : memref<8x32xi32, #tpu.memory_space<vmem>>, vector<16xi32>,
    %swap3A_114 = arith.constant 2 : i32
    %swap3A_115 = arith.index_cast %swap3A_114 : i32 to index
    %swap3A_116 = arith.constant 16 : index
    %swap3A_117 = tpu.vector_load %arg10[%swap3A_115, %swap3A_116] {strides = array<i32>} : memref<8x32xi32, #tpu.memory_space<vmem>>, vector<16xi32>,
    tpu.vector_store %arg10[%swap3A_115, %swap3A_116], %get3A_108 {strides = array<i32>} : memref<8x32xi32, #tpu.memory_space<vmem>>, vector<16xi32>,
    %add3A_118 = arith.constant 16384 : i32
    %add3A_119 = vector.broadcast %add3A_118 : i32 to vector<16xi32>
    %add3A_120 = arith.addi %get3A_108, %add3A_119 : vector<16xi32>
    %swap3A_121 = arith.constant 2 : i32
    %swap3A_122 = arith.index_cast %swap3A_121 : i32 to index
    %swap3A_123 = arith.constant 16 : index
    %swap3A_124 = tpu.vector_load %arg11[%swap3A_122, %swap3A_123] {strides = array<i32>} : memref<8x32xi32, #tpu.memory_space<vmem>>, vector<16xi32>,
    tpu.vector_store %arg11[%swap3A_122, %swap3A_123], %add3A_120 {strides = array<i32>} : memref<8x32xi32, #tpu.memory_space<vmem>>, vector<16xi32>,
    %add3A_125 = arith.constant 96 : i32
    %add3A_126 = arith.addi %mul3A_7, %add3A_125 : i32
    %get3A_127 = arith.index_cast %add3A_126 : i32 to index
    %get3A_128 = tpu.vector_load %arg7[%get3A_127] {strides = array<i32>} : memref<8192xi32, #tpu.memory_space<vmem>>, vector<16xi32>,
    %gather3A_129 = tpu.vector_load_idx %arg8[%get3A_128] : memref<16384xi32, #tpu.memory_space<vmem>>[vector<16xi32>], vector<16xi32>,
    %swap3A_130 = arith.constant 3 : i32
    %swap3A_131 = arith.index_cast %swap3A_130 : i32 to index
    %swap3A_132 = arith.constant 0 : index
    %swap3A_133 = tpu.vector_load %arg9[%swap3A_131, %swap3A_132] {strides = array<i32>} : memref<8x32xi32, #tpu.memory_space<vmem>>, vector<16xi32>,
    tpu.vector_store %arg9[%swap3A_131, %swap3A_132], %gather3A_129 {strides = array<i32>} : memref<8x32xi32, #tpu.memory_space<vmem>>, vector<16xi32>,
    %swap3A_134 = arith.constant 3 : i32
    %swap3A_135 = arith.index_cast %swap3A_134 : i32 to index
    %swap3A_136 = arith.constant 0 : index
    %swap3A_137 = tpu.vector_load %arg10[%swap3A_135, %swap3A_136] {strides = array<i32>} : memref<8x32xi32, #tpu.memory_space<vmem>>, vector<16xi32>,
    tpu.vector_store %arg10[%swap3A_135, %swap3A_136], %get3A_128 {strides = array<i32>} : memref<8x32xi32, #tpu.memory_space<vmem>>, vector<16xi32>,
    %add3A_138 = arith.constant 16384 : i32
    %add3A_139 = vector.broadcast %add3A_138 : i32 to vector<16xi32>
    %add3A_140 = arith.addi %get3A_128, %add3A_139 : vector<16xi32>
    %swap3A_141 = arith.constant 3 : i32
    %swap3A_142 = arith.index_cast %swap3A_141 : i32 to index
    %swap3A_143 = arith.constant 0 : index
    %swap3A_144 = tpu.vector_load %arg11[%swap3A_142, %swap3A_143] {strides = array<i32>} : memref<8x32xi32, #tpu.memory_space<vmem>>, vector<16xi32>,
    tpu.vector_store %arg11[%swap3A_142, %swap3A_143], %add3A_140 {strides = array<i32>} : memref<8x32xi32, #tpu.memory_space<vmem>>, vector<16xi32>,
    %add3A_145 = arith.constant 112 : i32
    %add3A_146 = arith.addi %mul3A_7, %add3A_145 : i32
    %get3A_147 = arith.index_cast %add3A_146 : i32 to index
    %get3A_148 = tpu.vector_load %arg7[%get3A_147] {strides = array<i32>} : memref<8192xi32, #tpu.memory_space<vmem>>, vector<16xi32>,
    %gather3A_149 = tpu.vector_load_idx %arg8[%get3A_148] : memref<16384xi32, #tpu.memory_space<vmem>>[vector<16xi32>], vector<16xi32>,
    %swap3A_150 = arith.constant 3 : i32
    %swap3A_151 = arith.index_cast %swap3A_150 : i32 to index
    %swap3A_152 = arith.constant 16 : index
    %swap3A_153 = tpu.vector_load %arg9[%swap3A_151, %swap3A_152] {strides = array<i32>} : memref<8x32xi32, #tpu.memory_space<vmem>>, vector<16xi32>,
    tpu.vector_store %arg9[%swap3A_151, %swap3A_152], %gather3A_149 {strides = array<i32>} : memref<8x32xi32, #tpu.memory_space<vmem>>, vector<16xi32>,
    %swap3A_154 = arith.constant 3 : i32
    %swap3A_155 = arith.index_cast %swap3A_154 : i32 to index
    %swap3A_156 = arith.constant 16 : index
    %swap3A_157 = tpu.vector_load %arg10[%swap3A_155, %swap3A_156] {strides = array<i32>} : memref<8x32xi32, #tpu.memory_space<vmem>>, vector<16xi32>,
    tpu.vector_store %arg10[%swap3A_155, %swap3A_156], %get3A_148 {strides = array<i32>} : memref<8x32xi32, #tpu.memory_space<vmem>>, vector<16xi32>,
    %add3A_158 = arith.constant 16384 : i32
    %add3A_159 = vector.broadcast %add3A_158 : i32 to vector<16xi32>
    %add3A_160 = arith.addi %get3A_148, %add3A_159 : vector<16xi32>
    %swap3A_161 = arith.constant 3 : i32
    %swap3A_162 = arith.index_cast %swap3A_161 : i32 to index
    %swap3A_163 = arith.constant 16 : index
    %swap3A_164 = tpu.vector_load %arg11[%swap3A_162, %swap3A_163] {strides = array<i32>} : memref<8x32xi32, #tpu.memory_space<vmem>>, vector<16xi32>,
    tpu.vector_store %arg11[%swap3A_162, %swap3A_163], %add3A_160 {strides = array<i32>} : memref<8x32xi32, #tpu.memory_space<vmem>>, vector<16xi32>,
    %add3A_165 = arith.constant 128 : i32
    %add3A_166 = arith.addi %mul3A_7, %add3A_165 : i32
    %get3A_167 = arith.index_cast %add3A_166 : i32 to index
    %get3A_168 = tpu.vector_load %arg7[%get3A_167] {strides = array<i32>} : memref<8192xi32, #tpu.memory_space<vmem>>, vector<16xi32>,
    %gather3A_169 = tpu.vector_load_idx %arg8[%get3A_168] : memref<16384xi32, #tpu.memory_space<vmem>>[vector<16xi32>], vector<16xi32>,
    %swap3A_170 = arith.constant 4 : i32
    %swap3A_171 = arith.index_cast %swap3A_170 : i32 to index
    %swap3A_172 = arith.constant 0 : index
    %swap3A_173 = tpu.vector_load %arg9[%swap3A_171, %swap3A_172] {strides = array<i32>} : memref<8x32xi32, #tpu.memory_space<vmem>>, vector<16xi32>,
    tpu.vector_store %arg9[%swap3A_171, %swap3A_172], %gather3A_169 {strides = array<i32>} : memref<8x32xi32, #tpu.memory_space<vmem>>, vector<16xi32>,
    %swap3A_174 = arith.constant 4 : i32
    %swap3A_175 = arith.index_cast %swap3A_174 : i32 to index
    %swap3A_176 = arith.constant 0 : index
    %swap3A_177 = tpu.vector_load %arg10[%swap3A_175, %swap3A_176] {strides = array<i32>} : memref<8x32xi32, #tpu.memory_space<vmem>>, vector<16xi32>,
    tpu.vector_store %arg10[%swap3A_175, %swap3A_176], %get3A_168 {strides = array<i32>} : memref<8x32xi32, #tpu.memory_space<vmem>>, vector<16xi32>,
    %add3A_178 = arith.constant 16384 : i32
    %add3A_179 = vector.broadcast %add3A_178 : i32 to vector<16xi32>
    %add3A_180 = arith.addi %get3A_168, %add3A_179 : vector<16xi32>
    %swap3A_181 = arith.constant 4 : i32
    %swap3A_182 = arith.index_cast %swap3A_181 : i32 to index
    %swap3A_183 = arith.constant 0 : index
    %swap3A_184 = tpu.vector_load %arg11[%swap3A_182, %swap3A_183] {strides = array<i32>} : memref<8x32xi32, #tpu.memory_space<vmem>>, vector<16xi32>,
    tpu.vector_store %arg11[%swap3A_182, %swap3A_183], %add3A_180 {strides = array<i32>} : memref<8x32xi32, #tpu.memory_space<vmem>>, vector<16xi32>,
    %add3A_185 = arith.constant 144 : i32
    %add3A_186 = arith.addi %mul3A_7, %add3A_185 : i32
    %get3A_187 = arith.index_cast %add3A_186 : i32 to index
    %get3A_188 = tpu.vector_load %arg7[%get3A_187] {strides = array<i32>} : memref<8192xi32, #tpu.memory_space<vmem>>, vector<16xi32>,
    %gather3A_189 = tpu.vector_load_idx %arg8[%get3A_188] : memref<16384xi32, #tpu.memory_space<vmem>>[vector<16xi32>], vector<16xi32>,
    %swap3A_190 = arith.constant 4 : i32
    %swap3A_191 = arith.index_cast %swap3A_190 : i32 to index
    %swap3A_192 = arith.constant 16 : index
    %swap3A_193 = tpu.vector_load %arg9[%swap3A_191, %swap3A_192] {strides = array<i32>} : memref<8x32xi32, #tpu.memory_space<vmem>>, vector<16xi32>,
    tpu.vector_store %arg9[%swap3A_191, %swap3A_192], %gather3A_189 {strides = array<i32>} : memref<8x32xi32, #tpu.memory_space<vmem>>, vector<16xi32>,
    %swap3A_194 = arith.constant 4 : i32
    %swap3A_195 = arith.index_cast %swap3A_194 : i32 to index
    %swap3A_196 = arith.constant 16 : index
    %swap3A_197 = tpu.vector_load %arg10[%swap3A_195, %swap3A_196] {strides = array<i32>} : memref<8x32xi32, #tpu.memory_space<vmem>>, vector<16xi32>,
    tpu.vector_store %arg10[%swap3A_195, %swap3A_196], %get3A_188 {strides = array<i32>} : memref<8x32xi32, #tpu.memory_space<vmem>>, vector<16xi32>,
    %add3A_198 = arith.constant 16384 : i32
    %add3A_199 = vector.broadcast %add3A_198 : i32 to vector<16xi32>
    %add3A_200 = arith.addi %get3A_188, %add3A_199 : vector<16xi32>
    %swap3A_201 = arith.constant 4 : i32
    %swap3A_202 = arith.index_cast %swap3A_201 : i32 to index
    %swap3A_203 = arith.constant 16 : index
    %swap3A_204 = tpu.vector_load %arg11[%swap3A_202, %swap3A_203] {strides = array<i32>} : memref<8x32xi32, #tpu.memory_space<vmem>>, vector<16xi32>,
    tpu.vector_store %arg11[%swap3A_202, %swap3A_203], %add3A_200 {strides = array<i32>} : memref<8x32xi32, #tpu.memory_space<vmem>>, vector<16xi32>,
    %add3A_205 = arith.constant 160 : i32
    %add3A_206 = arith.addi %mul3A_7, %add3A_205 : i32
    %get3A_207 = arith.index_cast %add3A_206 : i32 to index
    %get3A_208 = tpu.vector_load %arg7[%get3A_207] {strides = array<i32>} : memref<8192xi32, #tpu.memory_space<vmem>>, vector<16xi32>,
    %gather3A_209 = tpu.vector_load_idx %arg8[%get3A_208] : memref<16384xi32, #tpu.memory_space<vmem>>[vector<16xi32>], vector<16xi32>,
    %swap3A_210 = arith.constant 5 : i32
    %swap3A_211 = arith.index_cast %swap3A_210 : i32 to index
    %swap3A_212 = arith.constant 0 : index
    %swap3A_213 = tpu.vector_load %arg9[%swap3A_211, %swap3A_212] {strides = array<i32>} : memref<8x32xi32, #tpu.memory_space<vmem>>, vector<16xi32>,
    tpu.vector_store %arg9[%swap3A_211, %swap3A_212], %gather3A_209 {strides = array<i32>} : memref<8x32xi32, #tpu.memory_space<vmem>>, vector<16xi32>,
    %swap3A_214 = arith.constant 5 : i32
    %swap3A_215 = arith.index_cast %swap3A_214 : i32 to index
    %swap3A_216 = arith.constant 0 : index
    %swap3A_217 = tpu.vector_load %arg10[%swap3A_215, %swap3A_216] {strides = array<i32>} : memref<8x32xi32, #tpu.memory_space<vmem>>, vector<16xi32>,
    tpu.vector_store %arg10[%swap3A_215, %swap3A_216], %get3A_208 {strides = array<i32>} : memref<8x32xi32, #tpu.memory_space<vmem>>, vector<16xi32>,
    %add3A_218 = arith.constant 16384 : i32
    %add3A_219 = vector.broadcast %add3A_218 : i32 to vector<16xi32>
    %add3A_220 = arith.addi %get3A_208, %add3A_219 : vector<16xi32>
    %swap3A_221 = arith.constant 5 : i32
    %swap3A_222 = arith.index_cast %swap3A_221 : i32 to index
    %swap3A_223 = arith.constant 0 : index
    %swap3A_224 = tpu.vector_load %arg11[%swap3A_222, %swap3A_223] {strides = array<i32>} : memref<8x32xi32, #tpu.memory_space<vmem>>, vector<16xi32>,
    tpu.vector_store %arg11[%swap3A_222, %swap3A_223], %add3A_220 {strides = array<i32>} : memref<8x32xi32, #tpu.memory_space<vmem>>, vector<16xi32>,
    %add3A_225 = arith.constant 176 : i32
    %add3A_226 = arith.addi %mul3A_7, %add3A_225 : i32
    %get3A_227 = arith.index_cast %add3A_226 : i32 to index
    %get3A_228 = tpu.vector_load %arg7[%get3A_227] {strides = array<i32>} : memref<8192xi32, #tpu.memory_space<vmem>>, vector<16xi32>,
    %gather3A_229 = tpu.vector_load_idx %arg8[%get3A_228] : memref<16384xi32, #tpu.memory_space<vmem>>[vector<16xi32>], vector<16xi32>,
    %swap3A_230 = arith.constant 5 : i32
    %swap3A_231 = arith.index_cast %swap3A_230 : i32 to index
    %swap3A_232 = arith.constant 16 : index
    %swap3A_233 = tpu.vector_load %arg9[%swap3A_231, %swap3A_232] {strides = array<i32>} : memref<8x32xi32, #tpu.memory_space<vmem>>, vector<16xi32>,
    tpu.vector_store %arg9[%swap3A_231, %swap3A_232], %gather3A_229 {strides = array<i32>} : memref<8x32xi32, #tpu.memory_space<vmem>>, vector<16xi32>,
    %swap3A_234 = arith.constant 5 : i32
    %swap3A_235 = arith.index_cast %swap3A_234 : i32 to index
    %swap3A_236 = arith.constant 16 : index
    %swap3A_237 = tpu.vector_load %arg10[%swap3A_235, %swap3A_236] {strides = array<i32>} : memref<8x32xi32, #tpu.memory_space<vmem>>, vector<16xi32>,
    tpu.vector_store %arg10[%swap3A_235, %swap3A_236], %get3A_228 {strides = array<i32>} : memref<8x32xi32, #tpu.memory_space<vmem>>, vector<16xi32>,
    %add3A_238 = arith.constant 16384 : i32
    %add3A_239 = vector.broadcast %add3A_238 : i32 to vector<16xi32>
    %add3A_240 = arith.addi %get3A_228, %add3A_239 : vector<16xi32>
    %swap3A_241 = arith.constant 5 : i32
    %swap3A_242 = arith.index_cast %swap3A_241 : i32 to index
    %swap3A_243 = arith.constant 16 : index
    %swap3A_244 = tpu.vector_load %arg11[%swap3A_242, %swap3A_243] {strides = array<i32>} : memref<8x32xi32, #tpu.memory_space<vmem>>, vector<16xi32>,
    tpu.vector_store %arg11[%swap3A_242, %swap3A_243], %add3A_240 {strides = array<i32>} : memref<8x32xi32, #tpu.memory_space<vmem>>, vector<16xi32>,
    %add3A_245 = arith.constant 192 : i32
    %add3A_246 = arith.addi %mul3A_7, %add3A_245 : i32
    %get3A_247 = arith.index_cast %add3A_246 : i32 to index
    %get3A_248 = tpu.vector_load %arg7[%get3A_247] {strides = array<i32>} : memref<8192xi32, #tpu.memory_space<vmem>>, vector<16xi32>,
    %gather3A_249 = tpu.vector_load_idx %arg8[%get3A_248] : memref<16384xi32, #tpu.memory_space<vmem>>[vector<16xi32>], vector<16xi32>,
    %swap3A_250 = arith.constant 6 : i32
    %swap3A_251 = arith.index_cast %swap3A_250 : i32 to index
    %swap3A_252 = arith.constant 0 : index
    %swap3A_253 = tpu.vector_load %arg9[%swap3A_251, %swap3A_252] {strides = array<i32>} : memref<8x32xi32, #tpu.memory_space<vmem>>, vector<16xi32>,
    tpu.vector_store %arg9[%swap3A_251, %swap3A_252], %gather3A_249 {strides = array<i32>} : memref<8x32xi32, #tpu.memory_space<vmem>>, vector<16xi32>,
    %swap3A_254 = arith.constant 6 : i32
    %swap3A_255 = arith.index_cast %swap3A_254 : i32 to index
    %swap3A_256 = arith.constant 0 : index
    %swap3A_257 = tpu.vector_load %arg10[%swap3A_255, %swap3A_256] {strides = array<i32>} : memref<8x32xi32, #tpu.memory_space<vmem>>, vector<16xi32>,
    tpu.vector_store %arg10[%swap3A_255, %swap3A_256], %get3A_248 {strides = array<i32>} : memref<8x32xi32, #tpu.memory_space<vmem>>, vector<16xi32>,
    %add3A_258 = arith.constant 16384 : i32
    %add3A_259 = vector.broadcast %add3A_258 : i32 to vector<16xi32>
    %add3A_260 = arith.addi %get3A_248, %add3A_259 : vector<16xi32>
    %swap3A_261 = arith.constant 6 : i32
    %swap3A_262 = arith.index_cast %swap3A_261 : i32 to index
    %swap3A_263 = arith.constant 0 : index
    %swap3A_264 = tpu.vector_load %arg11[%swap3A_262, %swap3A_263] {strides = array<i32>} : memref<8x32xi32, #tpu.memory_space<vmem>>, vector<16xi32>,
    tpu.vector_store %arg11[%swap3A_262, %swap3A_263], %add3A_260 {strides = array<i32>} : memref<8x32xi32, #tpu.memory_space<vmem>>, vector<16xi32>,
    %add3A_265 = arith.constant 208 : i32
    %add3A_266 = arith.addi %mul3A_7, %add3A_265 : i32
    %get3A_267 = arith.index_cast %add3A_266 : i32 to index
    %get3A_268 = tpu.vector_load %arg7[%get3A_267] {strides = array<i32>} : memref<8192xi32, #tpu.memory_space<vmem>>, vector<16xi32>,
    %gather3A_269 = tpu.vector_load_idx %arg8[%get3A_268] : memref<16384xi32, #tpu.memory_space<vmem>>[vector<16xi32>], vector<16xi32>,
    %swap3A_270 = arith.constant 6 : i32
    %swap3A_271 = arith.index_cast %swap3A_270 : i32 to index
    %swap3A_272 = arith.constant 16 : index
    %swap3A_273 = tpu.vector_load %arg9[%swap3A_271, %swap3A_272] {strides = array<i32>} : memref<8x32xi32, #tpu.memory_space<vmem>>, vector<16xi32>,
    tpu.vector_store %arg9[%swap3A_271, %swap3A_272], %gather3A_269 {strides = array<i32>} : memref<8x32xi32, #tpu.memory_space<vmem>>, vector<16xi32>,
    %swap3A_274 = arith.constant 6 : i32
    %swap3A_275 = arith.index_cast %swap3A_274 : i32 to index
    %swap3A_276 = arith.constant 16 : index
    %swap3A_277 = tpu.vector_load %arg10[%swap3A_275, %swap3A_276] {strides = array<i32>} : memref<8x32xi32, #tpu.memory_space<vmem>>, vector<16xi32>,
    tpu.vector_store %arg10[%swap3A_275, %swap3A_276], %get3A_268 {strides = array<i32>} : memref<8x32xi32, #tpu.memory_space<vmem>>, vector<16xi32>,
    %add3A_278 = arith.constant 16384 : i32
    %add3A_279 = vector.broadcast %add3A_278 : i32 to vector<16xi32>
    %add3A_280 = arith.addi %get3A_268, %add3A_279 : vector<16xi32>
    %swap3A_281 = arith.constant 6 : i32
    %swap3A_282 = arith.index_cast %swap3A_281 : i32 to index
    %swap3A_283 = arith.constant 16 : index
    %swap3A_284 = tpu.vector_load %arg11[%swap3A_282, %swap3A_283] {strides = array<i32>} : memref<8x32xi32, #tpu.memory_space<vmem>>, vector<16xi32>,
    tpu.vector_store %arg11[%swap3A_282, %swap3A_283], %add3A_280 {strides = array<i32>} : memref<8x32xi32, #tpu.memory_space<vmem>>, vector<16xi32>,
    %add3A_285 = arith.constant 224 : i32
    %add3A_286 = arith.addi %mul3A_7, %add3A_285 : i32
    %get3A_287 = arith.index_cast %add3A_286 : i32 to index
    %get3A_288 = tpu.vector_load %arg7[%get3A_287] {strides = array<i32>} : memref<8192xi32, #tpu.memory_space<vmem>>, vector<16xi32>,
    %gather3A_289 = tpu.vector_load_idx %arg8[%get3A_288] : memref<16384xi32, #tpu.memory_space<vmem>>[vector<16xi32>], vector<16xi32>,
    %swap3A_290 = arith.constant 7 : i32
    %swap3A_291 = arith.index_cast %swap3A_290 : i32 to index
    %swap3A_292 = arith.constant 0 : index
    %swap3A_293 = tpu.vector_load %arg9[%swap3A_291, %swap3A_292] {strides = array<i32>} : memref<8x32xi32, #tpu.memory_space<vmem>>, vector<16xi32>,
    tpu.vector_store %arg9[%swap3A_291, %swap3A_292], %gather3A_289 {strides = array<i32>} : memref<8x32xi32, #tpu.memory_space<vmem>>, vector<16xi32>,
    %swap3A_294 = arith.constant 7 : i32
    %swap3A_295 = arith.index_cast %swap3A_294 : i32 to index
    %swap3A_296 = arith.constant 0 : index
    %swap3A_297 = tpu.vector_load %arg10[%swap3A_295, %swap3A_296] {strides = array<i32>} : memref<8x32xi32, #tpu.memory_space<vmem>>, vector<16xi32>,
    tpu.vector_store %arg10[%swap3A_295, %swap3A_296], %get3A_288 {strides = array<i32>} : memref<8x32xi32, #tpu.memory_space<vmem>>, vector<16xi32>,
    %add3A_298 = arith.constant 16384 : i32
    %add3A_299 = vector.broadcast %add3A_298 : i32 to vector<16xi32>
    %add3A_300 = arith.addi %get3A_288, %add3A_299 : vector<16xi32>
    %swap3A_301 = arith.constant 7 : i32
    %swap3A_302 = arith.index_cast %swap3A_301 : i32 to index
    %swap3A_303 = arith.constant 0 : index
    %swap3A_304 = tpu.vector_load %arg11[%swap3A_302, %swap3A_303] {strides = array<i32>} : memref<8x32xi32, #tpu.memory_space<vmem>>, vector<16xi32>,
    tpu.vector_store %arg11[%swap3A_302, %swap3A_303], %add3A_300 {strides = array<i32>} : memref<8x32xi32, #tpu.memory_space<vmem>>, vector<16xi32>,
    %add3A_305 = arith.constant 240 : i32
    %add3A_306 = arith.addi %mul3A_7, %add3A_305 : i32
    %get3A_307 = arith.index_cast %add3A_306 : i32 to index
    %get3A_308 = tpu.vector_load %arg7[%get3A_307] {strides = array<i32>} : memref<8192xi32, #tpu.memory_space<vmem>>, vector<16xi32>,
    %gather3A_309 = tpu.vector_load_idx %arg8[%get3A_308] : memref<16384xi32, #tpu.memory_space<vmem>>[vector<16xi32>], vector<16xi32>,
    %swap3A_310 = arith.constant 7 : i32
    %swap3A_311 = arith.index_cast %swap3A_310 : i32 to index
    %swap3A_312 = arith.constant 16 : index
    %swap3A_313 = tpu.vector_load %arg9[%swap3A_311, %swap3A_312] {strides = array<i32>} : memref<8x32xi32, #tpu.memory_space<vmem>>, vector<16xi32>,
    tpu.vector_store %arg9[%swap3A_311, %swap3A_312], %gather3A_309 {strides = array<i32>} : memref<8x32xi32, #tpu.memory_space<vmem>>, vector<16xi32>,
    %swap3A_314 = arith.constant 7 : i32
    %swap3A_315 = arith.index_cast %swap3A_314 : i32 to index
    %swap3A_316 = arith.constant 16 : index
    %swap3A_317 = tpu.vector_load %arg10[%swap3A_315, %swap3A_316] {strides = array<i32>} : memref<8x32xi32, #tpu.memory_space<vmem>>, vector<16xi32>,
    tpu.vector_store %arg10[%swap3A_315, %swap3A_316], %get3A_308 {strides = array<i32>} : memref<8x32xi32, #tpu.memory_space<vmem>>, vector<16xi32>,
    %add3A_318 = arith.constant 16384 : i32
    %add3A_319 = vector.broadcast %add3A_318 : i32 to vector<16xi32>
    %add3A_320 = arith.addi %get3A_308, %add3A_319 : vector<16xi32>
    %swap3A_321 = arith.constant 7 : i32
    %swap3A_322 = arith.index_cast %swap3A_321 : i32 to index
    %swap3A_323 = arith.constant 16 : index
    %swap3A_324 = tpu.vector_load %arg11[%swap3A_322, %swap3A_323] {strides = array<i32>} : memref<8x32xi32, #tpu.memory_space<vmem>>, vector<16xi32>,
    tpu.vector_store %arg11[%swap3A_322, %swap3A_323], %add3A_320 {strides = array<i32>} : memref<8x32xi32, #tpu.memory_space<vmem>>, vector<16xi32>,
    %dma_start3A = arith.constant 0 : i32
    %dma_start3A_325 = arith.constant 0 : i32
    %dma_start3A_326 = tpu.memref_slice %arg9[%dma_start3A, %dma_start3A_325] : memref<8x32xi32, #tpu.memory_space<vmem>> -> memref<1x32xi32, #tpu.memory_space<vmem>>
    %dma_start3A_327 = tpu.memref_squeeze %dma_start3A_326 : memref<1x32xi32, #tpu.memory_space<vmem>> -> memref<32xi32, #tpu.memory_space<vmem>>
    %dma_start3A_328 = arith.constant 0 : i32
    %dma_start3A_329 = arith.constant 0 : i32
    %dma_start3A_330 = tpu.memref_slice %arg2[%dma_start3A_328, %dma_start3A_329] : memref<8192x1024xf32, #tpu.memory_space<hbm>> -> memref<8192x1024xf32, #tpu.memory_space<hbm>>
    tpu.enqueue_indirect_dma source(%dma_start3A_330 : memref<8192x1024xf32, #tpu.memory_space<hbm>>) target(%arg12 : memref<32x1024xf32, #tpu.memory_space<vmem>>) offsets(%dma_start3A_327 : memref<32xi32, #tpu.memory_space<vmem>>) semaphore(%arg14 : memref<!tpu.dma_semaphore, #tpu.memory_space<semaphore_mem>>)
    %dma_wait3A = arith.constant 0 : i32
    %dma_wait3A_331 = arith.constant 0 : i32
    %dma_wait3A_332 = tpu.memref_slice %arg9[%dma_wait3A, %dma_wait3A_331] : memref<8x32xi32, #tpu.memory_space<vmem>> -> memref<1x32xi32, #tpu.memory_space<vmem>>
    %dma_wait3A_333 = tpu.memref_squeeze %dma_wait3A_332 : memref<1x32xi32, #tpu.memory_space<vmem>> -> memref<32xi32, #tpu.memory_space<vmem>>
    %dma_wait3A_334 = arith.constant 0 : i32
    %dma_wait3A_335 = arith.constant 0 : i32
    %dma_wait3A_336 = tpu.memref_slice %arg2[%dma_wait3A_334, %dma_wait3A_335] : memref<8192x1024xf32, #tpu.memory_space<hbm>> -> memref<8192x1024xf32, #tpu.memory_space<hbm>>
    tpu.wait_indirect_dma semaphore(%arg14 : memref<!tpu.dma_semaphore, #tpu.memory_space<semaphore_mem>>) src(%dma_wait3A_336 : memref<8192x1024xf32, #tpu.memory_space<hbm>>) dst(%arg12 : memref<32x1024xf32, #tpu.memory_space<vmem>>)
    %dma_start3A_337 = arith.constant 0 : i32
    %dma_start3A_338 = arith.constant 0 : i32
    %dma_start3A_339 = tpu.memref_slice %arg10[%dma_start3A_337, %dma_start3A_338] : memref<8x32xi32, #tpu.memory_space<vmem>> -> memref<1x32xi32, #tpu.memory_space<vmem>>
    %dma_start3A_340 = tpu.memref_squeeze %dma_start3A_339 : memref<1x32xi32, #tpu.memory_space<vmem>> -> memref<32xi32, #tpu.memory_space<vmem>>
    %dma_start3A_341 = arith.constant 0 : i32
    %dma_start3A_342 = arith.constant 0 : i32
    %dma_start3A_343 = tpu.memref_slice %arg5[%dma_start3A_341, %dma_start3A_342] : memref<32768x1024xf32, #tpu.memory_space<hbm>> -> memref<32768x1024xf32, #tpu.memory_space<hbm>>
    tpu.enqueue_indirect_dma source(%arg12 : memref<32x1024xf32, #tpu.memory_space<vmem>>) target(%dma_start3A_343 : memref<32768x1024xf32, #tpu.memory_space<hbm>>) offsets(%dma_start3A_340 : memref<32xi32, #tpu.memory_space<vmem>>) semaphore(%arg14 : memref<!tpu.dma_semaphore, #tpu.memory_space<semaphore_mem>>)
    %dma_wait3A_344 = arith.constant 0 : i32
    %dma_wait3A_345 = arith.constant 0 : i32
    %dma_wait3A_346 = tpu.memref_slice %arg10[%dma_wait3A_344, %dma_wait3A_345] : memref<8x32xi32, #tpu.memory_space<vmem>> -> memref<1x32xi32, #tpu.memory_space<vmem>>
    %dma_wait3A_347 = tpu.memref_squeeze %dma_wait3A_346 : memref<1x32xi32, #tpu.memory_space<vmem>> -> memref<32xi32, #tpu.memory_space<vmem>>
    %dma_wait3A_348 = arith.constant 0 : i32
    %dma_wait3A_349 = arith.constant 0 : i32
    %dma_wait3A_350 = tpu.memref_slice %arg5[%dma_wait3A_348, %dma_wait3A_349] : memref<32768x1024xf32, #tpu.memory_space<hbm>> -> memref<32768x1024xf32, #tpu.memory_space<hbm>>
    tpu.wait_indirect_dma semaphore(%arg14 : memref<!tpu.dma_semaphore, #tpu.memory_space<semaphore_mem>>) src(%arg12 : memref<32x1024xf32, #tpu.memory_space<vmem>>) dst(%dma_wait3A_350 : memref<32768x1024xf32, #tpu.memory_space<hbm>>)
    %dma_start3A_351 = arith.constant 0 : i32
    %dma_start3A_352 = arith.constant 0 : i32
    %dma_start3A_353 = tpu.memref_slice %arg9[%dma_start3A_351, %dma_start3A_352] : memref<8x32xi32, #tpu.memory_space<vmem>> -> memref<1x32xi32, #tpu.memory_space<vmem>>
    %dma_start3A_354 = tpu.memref_squeeze %dma_start3A_353 : memref<1x32xi32, #tpu.memory_space<vmem>> -> memref<32xi32, #tpu.memory_space<vmem>>
    %dma_start3A_355 = arith.constant 0 : i32
    %dma_start3A_356 = arith.constant 0 : i32
    %dma_start3A_357 = tpu.memref_slice %arg3[%dma_start3A_355, %dma_start3A_356] : memref<8192x1024xf32, #tpu.memory_space<hbm>> -> memref<8192x1024xf32, #tpu.memory_space<hbm>>
    tpu.enqueue_indirect_dma source(%dma_start3A_357 : memref<8192x1024xf32, #tpu.memory_space<hbm>>) target(%arg13 : memref<32x1024xf32, #tpu.memory_space<vmem>>) offsets(%dma_start3A_354 : memref<32xi32, #tpu.memory_space<vmem>>) semaphore(%arg15 : memref<!tpu.dma_semaphore, #tpu.memory_space<semaphore_mem>>)
    %dma_wait3A_358 = arith.constant 0 : i32
    %dma_wait3A_359 = arith.constant 0 : i32
    %dma_wait3A_360 = tpu.memref_slice %arg9[%dma_wait3A_358, %dma_wait3A_359] : memref<8x32xi32, #tpu.memory_space<vmem>> -> memref<1x32xi32, #tpu.memory_space<vmem>>
    %dma_wait3A_361 = tpu.memref_squeeze %dma_wait3A_360 : memref<1x32xi32, #tpu.memory_space<vmem>> -> memref<32xi32, #tpu.memory_space<vmem>>
    %dma_wait3A_362 = arith.constant 0 : i32
    %dma_wait3A_363 = arith.constant 0 : i32
    %dma_wait3A_364 = tpu.memref_slice %arg3[%dma_wait3A_362, %dma_wait3A_363] : memref<8192x1024xf32, #tpu.memory_space<hbm>> -> memref<8192x1024xf32, #tpu.memory_space<hbm>>
    tpu.wait_indirect_dma semaphore(%arg15 : memref<!tpu.dma_semaphore, #tpu.memory_space<semaphore_mem>>) src(%dma_wait3A_364 : memref<8192x1024xf32, #tpu.memory_space<hbm>>) dst(%arg13 : memref<32x1024xf32, #tpu.memory_space<vmem>>)
    %dma_start3A_365 = arith.constant 0 : i32
    %dma_start3A_366 = arith.constant 0 : i32
    %dma_start3A_367 = tpu.memref_slice %arg11[%dma_start3A_365, %dma_start3A_366] : memref<8x32xi32, #tpu.memory_space<vmem>> -> memref<1x32xi32, #tpu.memory_space<vmem>>
    %dma_start3A_368 = tpu.memref_squeeze %dma_start3A_367 : memref<1x32xi32, #tpu.memory_space<vmem>> -> memref<32xi32, #tpu.memory_space<vmem>>
    %dma_start3A_369 = arith.constant 0 : i32
    %dma_start3A_370 = arith.constant 0 : i32
    %dma_start3A_371 = tpu.memref_slice %arg5[%dma_start3A_369, %dma_start3A_370] : memref<32768x1024xf32, #tpu.memory_space<hbm>> -> memref<32768x1024xf32, #tpu.memory_space<hbm>>
    tpu.enqueue_indirect_dma source(%arg13 : memref<32x1024xf32, #tpu.memory_space<vmem>>) target(%dma_start3A_371 : memref<32768x1024xf32, #tpu.memory_space<hbm>>) offsets(%dma_start3A_368 : memref<32xi32, #tpu.memory_space<vmem>>) semaphore(%arg15 : memref<!tpu.dma_semaphore, #tpu.memory_space<semaphore_mem>>)
    %dma_wait3A_372 = arith.constant 0 : i32
    %dma_wait3A_373 = arith.constant 0 : i32
    %dma_wait3A_374 = tpu.memref_slice %arg11[%dma_wait3A_372, %dma_wait3A_373] : memref<8x32xi32, #tpu.memory_space<vmem>> -> memref<1x32xi32, #tpu.memory_space<vmem>>
    %dma_wait3A_375 = tpu.memref_squeeze %dma_wait3A_374 : memref<1x32xi32, #tpu.memory_space<vmem>> -> memref<32xi32, #tpu.memory_space<vmem>>
    %dma_wait3A_376 = arith.constant 0 : i32
    %dma_wait3A_377 = arith.constant 0 : i32
    %dma_wait3A_378 = tpu.memref_slice %arg5[%dma_wait3A_376, %dma_wait3A_377] : memref<32768x1024xf32, #tpu.memory_space<hbm>> -> memref<32768x1024xf32, #tpu.memory_space<hbm>>
    tpu.wait_indirect_dma semaphore(%arg15 : memref<!tpu.dma_semaphore, #tpu.memory_space<semaphore_mem>>) src(%arg13 : memref<32x1024xf32, #tpu.memory_space<vmem>>) dst(%dma_wait3A_378 : memref<32768x1024xf32, #tpu.memory_space<hbm>>)
    %dma_start3A_379 = arith.constant 1 : i32
    %dma_start3A_380 = arith.constant 0 : i32
    %dma_start3A_381 = tpu.memref_slice %arg9[%dma_start3A_379, %dma_start3A_380] : memref<8x32xi32, #tpu.memory_space<vmem>> -> memref<1x32xi32, #tpu.memory_space<vmem>>
    %dma_start3A_382 = tpu.memref_squeeze %dma_start3A_381 : memref<1x32xi32, #tpu.memory_space<vmem>> -> memref<32xi32, #tpu.memory_space<vmem>>
    %dma_start3A_383 = arith.constant 0 : i32
    %dma_start3A_384 = arith.constant 0 : i32
    %dma_start3A_385 = tpu.memref_slice %arg2[%dma_start3A_383, %dma_start3A_384] : memref<8192x1024xf32, #tpu.memory_space<hbm>> -> memref<8192x1024xf32, #tpu.memory_space<hbm>>
    tpu.enqueue_indirect_dma source(%dma_start3A_385 : memref<8192x1024xf32, #tpu.memory_space<hbm>>) target(%arg12 : memref<32x1024xf32, #tpu.memory_space<vmem>>) offsets(%dma_start3A_382 : memref<32xi32, #tpu.memory_space<vmem>>) semaphore(%arg14 : memref<!tpu.dma_semaphore, #tpu.memory_space<semaphore_mem>>)
    %dma_wait3A_386 = arith.constant 1 : i32
    %dma_wait3A_387 = arith.constant 0 : i32
    %dma_wait3A_388 = tpu.memref_slice %arg9[%dma_wait3A_386, %dma_wait3A_387] : memref<8x32xi32, #tpu.memory_space<vmem>> -> memref<1x32xi32, #tpu.memory_space<vmem>>
    %dma_wait3A_389 = tpu.memref_squeeze %dma_wait3A_388 : memref<1x32xi32, #tpu.memory_space<vmem>> -> memref<32xi32, #tpu.memory_space<vmem>>
    %dma_wait3A_390 = arith.constant 0 : i32
    %dma_wait3A_391 = arith.constant 0 : i32
    %dma_wait3A_392 = tpu.memref_slice %arg2[%dma_wait3A_390, %dma_wait3A_391] : memref<8192x1024xf32, #tpu.memory_space<hbm>> -> memref<8192x1024xf32, #tpu.memory_space<hbm>>
    tpu.wait_indirect_dma semaphore(%arg14 : memref<!tpu.dma_semaphore, #tpu.memory_space<semaphore_mem>>) src(%dma_wait3A_392 : memref<8192x1024xf32, #tpu.memory_space<hbm>>) dst(%arg12 : memref<32x1024xf32, #tpu.memory_space<vmem>>)
    %dma_start3A_393 = arith.constant 1 : i32
    %dma_start3A_394 = arith.constant 0 : i32
    %dma_start3A_395 = tpu.memref_slice %arg10[%dma_start3A_393, %dma_start3A_394] : memref<8x32xi32, #tpu.memory_space<vmem>> -> memref<1x32xi32, #tpu.memory_space<vmem>>
    %dma_start3A_396 = tpu.memref_squeeze %dma_start3A_395 : memref<1x32xi32, #tpu.memory_space<vmem>> -> memref<32xi32, #tpu.memory_space<vmem>>
    %dma_start3A_397 = arith.constant 0 : i32
    %dma_start3A_398 = arith.constant 0 : i32
    %dma_start3A_399 = tpu.memref_slice %arg5[%dma_start3A_397, %dma_start3A_398] : memref<32768x1024xf32, #tpu.memory_space<hbm>> -> memref<32768x1024xf32, #tpu.memory_space<hbm>>
    tpu.enqueue_indirect_dma source(%arg12 : memref<32x1024xf32, #tpu.memory_space<vmem>>) target(%dma_start3A_399 : memref<32768x1024xf32, #tpu.memory_space<hbm>>) offsets(%dma_start3A_396 : memref<32xi32, #tpu.memory_space<vmem>>) semaphore(%arg14 : memref<!tpu.dma_semaphore, #tpu.memory_space<semaphore_mem>>)
    %dma_wait3A_400 = arith.constant 1 : i32
    %dma_wait3A_401 = arith.constant 0 : i32
    %dma_wait3A_402 = tpu.memref_slice %arg10[%dma_wait3A_400, %dma_wait3A_401] : memref<8x32xi32, #tpu.memory_space<vmem>> -> memref<1x32xi32, #tpu.memory_space<vmem>>
    %dma_wait3A_403 = tpu.memref_squeeze %dma_wait3A_402 : memref<1x32xi32, #tpu.memory_space<vmem>> -> memref<32xi32, #tpu.memory_space<vmem>>
    %dma_wait3A_404 = arith.constant 0 : i32
    %dma_wait3A_405 = arith.constant 0 : i32
    %dma_wait3A_406 = tpu.memref_slice %arg5[%dma_wait3A_404, %dma_wait3A_405] : memref<32768x1024xf32, #tpu.memory_space<hbm>> -> memref<32768x1024xf32, #tpu.memory_space<hbm>>
    tpu.wait_indirect_dma semaphore(%arg14 : memref<!tpu.dma_semaphore, #tpu.memory_space<semaphore_mem>>) src(%arg12 : memref<32x1024xf32, #tpu.memory_space<vmem>>) dst(%dma_wait3A_406 : memref<32768x1024xf32, #tpu.memory_space<hbm>>)
    %dma_start3A_407 = arith.constant 1 : i32
    %dma_start3A_408 = arith.constant 0 : i32
    %dma_start3A_409 = tpu.memref_slice %arg9[%dma_start3A_407, %dma_start3A_408] : memref<8x32xi32, #tpu.memory_space<vmem>> -> memref<1x32xi32, #tpu.memory_space<vmem>>
    %dma_start3A_410 = tpu.memref_squeeze %dma_start3A_409 : memref<1x32xi32, #tpu.memory_space<vmem>> -> memref<32xi32, #tpu.memory_space<vmem>>
    %dma_start3A_411 = arith.constant 0 : i32
    %dma_start3A_412 = arith.constant 0 : i32
    %dma_start3A_413 = tpu.memref_slice %arg3[%dma_start3A_411, %dma_start3A_412] : memref<8192x1024xf32, #tpu.memory_space<hbm>> -> memref<8192x1024xf32, #tpu.memory_space<hbm>>
    tpu.enqueue_indirect_dma source(%dma_start3A_413 : memref<8192x1024xf32, #tpu.memory_space<hbm>>) target(%arg13 : memref<32x1024xf32, #tpu.memory_space<vmem>>) offsets(%dma_start3A_410 : memref<32xi32, #tpu.memory_space<vmem>>) semaphore(%arg15 : memref<!tpu.dma_semaphore, #tpu.memory_space<semaphore_mem>>)
    %dma_wait3A_414 = arith.constant 1 : i32
    %dma_wait3A_415 = arith.constant 0 : i32
    %dma_wait3A_416 = tpu.memref_slice %arg9[%dma_wait3A_414, %dma_wait3A_415] : memref<8x32xi32, #tpu.memory_space<vmem>> -> memref<1x32xi32, #tpu.memory_space<vmem>>
    %dma_wait3A_417 = tpu.memref_squeeze %dma_wait3A_416 : memref<1x32xi32, #tpu.memory_space<vmem>> -> memref<32xi32, #tpu.memory_space<vmem>>
    %dma_wait3A_418 = arith.constant 0 : i32
    %dma_wait3A_419 = arith.constant 0 : i32
    %dma_wait3A_420 = tpu.memref_slice %arg3[%dma_wait3A_418, %dma_wait3A_419] : memref<8192x1024xf32, #tpu.memory_space<hbm>> -> memref<8192x1024xf32, #tpu.memory_space<hbm>>
    tpu.wait_indirect_dma semaphore(%arg15 : memref<!tpu.dma_semaphore, #tpu.memory_space<semaphore_mem>>) src(%dma_wait3A_420 : memref<8192x1024xf32, #tpu.memory_space<hbm>>) dst(%arg13 : memref<32x1024xf32, #tpu.memory_space<vmem>>)
    %dma_start3A_421 = arith.constant 1 : i32
    %dma_start3A_422 = arith.constant 0 : i32
    %dma_start3A_423 = tpu.memref_slice %arg11[%dma_start3A_421, %dma_start3A_422] : memref<8x32xi32, #tpu.memory_space<vmem>> -> memref<1x32xi32, #tpu.memory_space<vmem>>
    %dma_start3A_424 = tpu.memref_squeeze %dma_start3A_423 : memref<1x32xi32, #tpu.memory_space<vmem>> -> memref<32xi32, #tpu.memory_space<vmem>>
    %dma_start3A_425 = arith.constant 0 : i32
    %dma_start3A_426 = arith.constant 0 : i32
    %dma_start3A_427 = tpu.memref_slice %arg5[%dma_start3A_425, %dma_start3A_426] : memref<32768x1024xf32, #tpu.memory_space<hbm>> -> memref<32768x1024xf32, #tpu.memory_space<hbm>>
    tpu.enqueue_indirect_dma source(%arg13 : memref<32x1024xf32, #tpu.memory_space<vmem>>) target(%dma_start3A_427 : memref<32768x1024xf32, #tpu.memory_space<hbm>>) offsets(%dma_start3A_424 : memref<32xi32, #tpu.memory_space<vmem>>) semaphore(%arg15 : memref<!tpu.dma_semaphore, #tpu.memory_space<semaphore_mem>>)
    %dma_wait3A_428 = arith.constant 1 : i32
    %dma_wait3A_429 = arith.constant 0 : i32
    %dma_wait3A_430 = tpu.memref_slice %arg11[%dma_wait3A_428, %dma_wait3A_429] : memref<8x32xi32, #tpu.memory_space<vmem>> -> memref<1x32xi32, #tpu.memory_space<vmem>>
    %dma_wait3A_431 = tpu.memref_squeeze %dma_wait3A_430 : memref<1x32xi32, #tpu.memory_space<vmem>> -> memref<32xi32, #tpu.memory_space<vmem>>
    %dma_wait3A_432 = arith.constant 0 : i32
    %dma_wait3A_433 = arith.constant 0 : i32
    %dma_wait3A_434 = tpu.memref_slice %arg5[%dma_wait3A_432, %dma_wait3A_433] : memref<32768x1024xf32, #tpu.memory_space<hbm>> -> memref<32768x1024xf32, #tpu.memory_space<hbm>>
    tpu.wait_indirect_dma semaphore(%arg15 : memref<!tpu.dma_semaphore, #tpu.memory_space<semaphore_mem>>) src(%arg13 : memref<32x1024xf32, #tpu.memory_space<vmem>>) dst(%dma_wait3A_434 : memref<32768x1024xf32, #tpu.memory_space<hbm>>)
    %dma_start3A_435 = arith.constant 2 : i32
    %dma_start3A_436 = arith.constant 0 : i32
    %dma_start3A_437 = tpu.memref_slice %arg9[%dma_start3A_435, %dma_start3A_436] : memref<8x32xi32, #tpu.memory_space<vmem>> -> memref<1x32xi32, #tpu.memory_space<vmem>>
    %dma_start3A_438 = tpu.memref_squeeze %dma_start3A_437 : memref<1x32xi32, #tpu.memory_space<vmem>> -> memref<32xi32, #tpu.memory_space<vmem>>
    %dma_start3A_439 = arith.constant 0 : i32
    %dma_start3A_440 = arith.constant 0 : i32
    %dma_start3A_441 = tpu.memref_slice %arg2[%dma_start3A_439, %dma_start3A_440] : memref<8192x1024xf32, #tpu.memory_space<hbm>> -> memref<8192x1024xf32, #tpu.memory_space<hbm>>
    tpu.enqueue_indirect_dma source(%dma_start3A_441 : memref<8192x1024xf32, #tpu.memory_space<hbm>>) target(%arg12 : memref<32x1024xf32, #tpu.memory_space<vmem>>) offsets(%dma_start3A_438 : memref<32xi32, #tpu.memory_space<vmem>>) semaphore(%arg14 : memref<!tpu.dma_semaphore, #tpu.memory_space<semaphore_mem>>)
    %dma_wait3A_442 = arith.constant 2 : i32
    %dma_wait3A_443 = arith.constant 0 : i32
    %dma_wait3A_444 = tpu.memref_slice %arg9[%dma_wait3A_442, %dma_wait3A_443] : memref<8x32xi32, #tpu.memory_space<vmem>> -> memref<1x32xi32, #tpu.memory_space<vmem>>
    %dma_wait3A_445 = tpu.memref_squeeze %dma_wait3A_444 : memref<1x32xi32, #tpu.memory_space<vmem>> -> memref<32xi32, #tpu.memory_space<vmem>>
    %dma_wait3A_446 = arith.constant 0 : i32
    %dma_wait3A_447 = arith.constant 0 : i32
    %dma_wait3A_448 = tpu.memref_slice %arg2[%dma_wait3A_446, %dma_wait3A_447] : memref<8192x1024xf32, #tpu.memory_space<hbm>> -> memref<8192x1024xf32, #tpu.memory_space<hbm>>
    tpu.wait_indirect_dma semaphore(%arg14 : memref<!tpu.dma_semaphore, #tpu.memory_space<semaphore_mem>>) src(%dma_wait3A_448 : memref<8192x1024xf32, #tpu.memory_space<hbm>>) dst(%arg12 : memref<32x1024xf32, #tpu.memory_space<vmem>>)
    %dma_start3A_449 = arith.constant 2 : i32
    %dma_start3A_450 = arith.constant 0 : i32
    %dma_start3A_451 = tpu.memref_slice %arg10[%dma_start3A_449, %dma_start3A_450] : memref<8x32xi32, #tpu.memory_space<vmem>> -> memref<1x32xi32, #tpu.memory_space<vmem>>
    %dma_start3A_452 = tpu.memref_squeeze %dma_start3A_451 : memref<1x32xi32, #tpu.memory_space<vmem>> -> memref<32xi32, #tpu.memory_space<vmem>>
    %dma_start3A_453 = arith.constant 0 : i32
    %dma_start3A_454 = arith.constant 0 : i32
    %dma_start3A_455 = tpu.memref_slice %arg5[%dma_start3A_453, %dma_start3A_454] : memref<32768x1024xf32, #tpu.memory_space<hbm>> -> memref<32768x1024xf32, #tpu.memory_space<hbm>>
    tpu.enqueue_indirect_dma source(%arg12 : memref<32x1024xf32, #tpu.memory_space<vmem>>) target(%dma_start3A_455 : memref<32768x1024xf32, #tpu.memory_space<hbm>>) offsets(%dma_start3A_452 : memref<32xi32, #tpu.memory_space<vmem>>) semaphore(%arg14 : memref<!tpu.dma_semaphore, #tpu.memory_space<semaphore_mem>>)
    %dma_wait3A_456 = arith.constant 2 : i32
    %dma_wait3A_457 = arith.constant 0 : i32
    %dma_wait3A_458 = tpu.memref_slice %arg10[%dma_wait3A_456, %dma_wait3A_457] : memref<8x32xi32, #tpu.memory_space<vmem>> -> memref<1x32xi32, #tpu.memory_space<vmem>>
    %dma_wait3A_459 = tpu.memref_squeeze %dma_wait3A_458 : memref<1x32xi32, #tpu.memory_space<vmem>> -> memref<32xi32, #tpu.memory_space<vmem>>
    %dma_wait3A_460 = arith.constant 0 : i32
    %dma_wait3A_461 = arith.constant 0 : i32
    %dma_wait3A_462 = tpu.memref_slice %arg5[%dma_wait3A_460, %dma_wait3A_461] : memref<32768x1024xf32, #tpu.memory_space<hbm>> -> memref<32768x1024xf32, #tpu.memory_space<hbm>>
    tpu.wait_indirect_dma semaphore(%arg14 : memref<!tpu.dma_semaphore, #tpu.memory_space<semaphore_mem>>) src(%arg12 : memref<32x1024xf32, #tpu.memory_space<vmem>>) dst(%dma_wait3A_462 : memref<32768x1024xf32, #tpu.memory_space<hbm>>)
    %dma_start3A_463 = arith.constant 2 : i32
    %dma_start3A_464 = arith.constant 0 : i32
    %dma_start3A_465 = tpu.memref_slice %arg9[%dma_start3A_463, %dma_start3A_464] : memref<8x32xi32, #tpu.memory_space<vmem>> -> memref<1x32xi32, #tpu.memory_space<vmem>>
    %dma_start3A_466 = tpu.memref_squeeze %dma_start3A_465 : memref<1x32xi32, #tpu.memory_space<vmem>> -> memref<32xi32, #tpu.memory_space<vmem>>
    %dma_start3A_467 = arith.constant 0 : i32
    %dma_start3A_468 = arith.constant 0 : i32
    %dma_start3A_469 = tpu.memref_slice %arg3[%dma_start3A_467, %dma_start3A_468] : memref<8192x1024xf32, #tpu.memory_space<hbm>> -> memref<8192x1024xf32, #tpu.memory_space<hbm>>
    tpu.enqueue_indirect_dma source(%dma_start3A_469 : memref<8192x1024xf32, #tpu.memory_space<hbm>>) target(%arg13 : memref<32x1024xf32, #tpu.memory_space<vmem>>) offsets(%dma_start3A_466 : memref<32xi32, #tpu.memory_space<vmem>>) semaphore(%arg15 : memref<!tpu.dma_semaphore, #tpu.memory_space<semaphore_mem>>)
    %dma_wait3A_470 = arith.constant 2 : i32
    %dma_wait3A_471 = arith.constant 0 : i32
    %dma_wait3A_472 = tpu.memref_slice %arg9[%dma_wait3A_470, %dma_wait3A_471] : memref<8x32xi32, #tpu.memory_space<vmem>> -> memref<1x32xi32, #tpu.memory_space<vmem>>
    %dma_wait3A_473 = tpu.memref_squeeze %dma_wait3A_472 : memref<1x32xi32, #tpu.memory_space<vmem>> -> memref<32xi32, #tpu.memory_space<vmem>>
    %dma_wait3A_474 = arith.constant 0 : i32
    %dma_wait3A_475 = arith.constant 0 : i32
    %dma_wait3A_476 = tpu.memref_slice %arg3[%dma_wait3A_474, %dma_wait3A_475] : memref<8192x1024xf32, #tpu.memory_space<hbm>> -> memref<8192x1024xf32, #tpu.memory_space<hbm>>
    tpu.wait_indirect_dma semaphore(%arg15 : memref<!tpu.dma_semaphore, #tpu.memory_space<semaphore_mem>>) src(%dma_wait3A_476 : memref<8192x1024xf32, #tpu.memory_space<hbm>>) dst(%arg13 : memref<32x1024xf32, #tpu.memory_space<vmem>>)
    %dma_start3A_477 = arith.constant 2 : i32
    %dma_start3A_478 = arith.constant 0 : i32
    %dma_start3A_479 = tpu.memref_slice %arg11[%dma_start3A_477, %dma_start3A_478] : memref<8x32xi32, #tpu.memory_space<vmem>> -> memref<1x32xi32, #tpu.memory_space<vmem>>
    %dma_start3A_480 = tpu.memref_squeeze %dma_start3A_479 : memref<1x32xi32, #tpu.memory_space<vmem>> -> memref<32xi32, #tpu.memory_space<vmem>>
    %dma_start3A_481 = arith.constant 0 : i32
    %dma_start3A_482 = arith.constant 0 : i32
    %dma_start3A_483 = tpu.memref_slice %arg5[%dma_start3A_481, %dma_start3A_482] : memref<32768x1024xf32, #tpu.memory_space<hbm>> -> memref<32768x1024xf32, #tpu.memory_space<hbm>>
    tpu.enqueue_indirect_dma source(%arg13 : memref<32x1024xf32, #tpu.memory_space<vmem>>) target(%dma_start3A_483 : memref<32768x1024xf32, #tpu.memory_space<hbm>>) offsets(%dma_start3A_480 : memref<32xi32, #tpu.memory_space<vmem>>) semaphore(%arg15 : memref<!tpu.dma_semaphore, #tpu.memory_space<semaphore_mem>>)
    %dma_wait3A_484 = arith.constant 2 : i32
    %dma_wait3A_485 = arith.constant 0 : i32
    %dma_wait3A_486 = tpu.memref_slice %arg11[%dma_wait3A_484, %dma_wait3A_485] : memref<8x32xi32, #tpu.memory_space<vmem>> -> memref<1x32xi32, #tpu.memory_space<vmem>>
    %dma_wait3A_487 = tpu.memref_squeeze %dma_wait3A_486 : memref<1x32xi32, #tpu.memory_space<vmem>> -> memref<32xi32, #tpu.memory_space<vmem>>
    %dma_wait3A_488 = arith.constant 0 : i32
    %dma_wait3A_489 = arith.constant 0 : i32
    %dma_wait3A_490 = tpu.memref_slice %arg5[%dma_wait3A_488, %dma_wait3A_489] : memref<32768x1024xf32, #tpu.memory_space<hbm>> -> memref<32768x1024xf32, #tpu.memory_space<hbm>>
    tpu.wait_indirect_dma semaphore(%arg15 : memref<!tpu.dma_semaphore, #tpu.memory_space<semaphore_mem>>) src(%arg13 : memref<32x1024xf32, #tpu.memory_space<vmem>>) dst(%dma_wait3A_490 : memref<32768x1024xf32, #tpu.memory_space<hbm>>)
    %dma_start3A_491 = arith.constant 3 : i32
    %dma_start3A_492 = arith.constant 0 : i32
    %dma_start3A_493 = tpu.memref_slice %arg9[%dma_start3A_491, %dma_start3A_492] : memref<8x32xi32, #tpu.memory_space<vmem>> -> memref<1x32xi32, #tpu.memory_space<vmem>>
    %dma_start3A_494 = tpu.memref_squeeze %dma_start3A_493 : memref<1x32xi32, #tpu.memory_space<vmem>> -> memref<32xi32, #tpu.memory_space<vmem>>
    %dma_start3A_495 = arith.constant 0 : i32
    %dma_start3A_496 = arith.constant 0 : i32
    %dma_start3A_497 = tpu.memref_slice %arg2[%dma_start3A_495, %dma_start3A_496] : memref<8192x1024xf32, #tpu.memory_space<hbm>> -> memref<8192x1024xf32, #tpu.memory_space<hbm>>
    tpu.enqueue_indirect_dma source(%dma_start3A_497 : memref<8192x1024xf32, #tpu.memory_space<hbm>>) target(%arg12 : memref<32x1024xf32, #tpu.memory_space<vmem>>) offsets(%dma_start3A_494 : memref<32xi32, #tpu.memory_space<vmem>>) semaphore(%arg14 : memref<!tpu.dma_semaphore, #tpu.memory_space<semaphore_mem>>)
    %dma_wait3A_498 = arith.constant 3 : i32
    %dma_wait3A_499 = arith.constant 0 : i32
    %dma_wait3A_500 = tpu.memref_slice %arg9[%dma_wait3A_498, %dma_wait3A_499] : memref<8x32xi32, #tpu.memory_space<vmem>> -> memref<1x32xi32, #tpu.memory_space<vmem>>
    %dma_wait3A_501 = tpu.memref_squeeze %dma_wait3A_500 : memref<1x32xi32, #tpu.memory_space<vmem>> -> memref<32xi32, #tpu.memory_space<vmem>>
    %dma_wait3A_502 = arith.constant 0 : i32
    %dma_wait3A_503 = arith.constant 0 : i32
    %dma_wait3A_504 = tpu.memref_slice %arg2[%dma_wait3A_502, %dma_wait3A_503] : memref<8192x1024xf32, #tpu.memory_space<hbm>> -> memref<8192x1024xf32, #tpu.memory_space<hbm>>
    tpu.wait_indirect_dma semaphore(%arg14 : memref<!tpu.dma_semaphore, #tpu.memory_space<semaphore_mem>>) src(%dma_wait3A_504 : memref<8192x1024xf32, #tpu.memory_space<hbm>>) dst(%arg12 : memref<32x1024xf32, #tpu.memory_space<vmem>>)
    %dma_start3A_505 = arith.constant 3 : i32
    %dma_start3A_506 = arith.constant 0 : i32
    %dma_start3A_507 = tpu.memref_slice %arg10[%dma_start3A_505, %dma_start3A_506] : memref<8x32xi32, #tpu.memory_space<vmem>> -> memref<1x32xi32, #tpu.memory_space<vmem>>
    %dma_start3A_508 = tpu.memref_squeeze %dma_start3A_507 : memref<1x32xi32, #tpu.memory_space<vmem>> -> memref<32xi32, #tpu.memory_space<vmem>>
    %dma_start3A_509 = arith.constant 0 : i32
    %dma_start3A_510 = arith.constant 0 : i32
    %dma_start3A_511 = tpu.memref_slice %arg5[%dma_start3A_509, %dma_start3A_510] : memref<32768x1024xf32, #tpu.memory_space<hbm>> -> memref<32768x1024xf32, #tpu.memory_space<hbm>>
    tpu.enqueue_indirect_dma source(%arg12 : memref<32x1024xf32, #tpu.memory_space<vmem>>) target(%dma_start3A_511 : memref<32768x1024xf32, #tpu.memory_space<hbm>>) offsets(%dma_start3A_508 : memref<32xi32, #tpu.memory_space<vmem>>) semaphore(%arg14 : memref<!tpu.dma_semaphore, #tpu.memory_space<semaphore_mem>>)
    %dma_wait3A_512 = arith.constant 3 : i32
    %dma_wait3A_513 = arith.constant 0 : i32
    %dma_wait3A_514 = tpu.memref_slice %arg10[%dma_wait3A_512, %dma_wait3A_513] : memref<8x32xi32, #tpu.memory_space<vmem>> -> memref<1x32xi32, #tpu.memory_space<vmem>>
    %dma_wait3A_515 = tpu.memref_squeeze %dma_wait3A_514 : memref<1x32xi32, #tpu.memory_space<vmem>> -> memref<32xi32, #tpu.memory_space<vmem>>
    %dma_wait3A_516 = arith.constant 0 : i32
    %dma_wait3A_517 = arith.constant 0 : i32
    %dma_wait3A_518 = tpu.memref_slice %arg5[%dma_wait3A_516, %dma_wait3A_517] : memref<32768x1024xf32, #tpu.memory_space<hbm>> -> memref<32768x1024xf32, #tpu.memory_space<hbm>>
    tpu.wait_indirect_dma semaphore(%arg14 : memref<!tpu.dma_semaphore, #tpu.memory_space<semaphore_mem>>) src(%arg12 : memref<32x1024xf32, #tpu.memory_space<vmem>>) dst(%dma_wait3A_518 : memref<32768x1024xf32, #tpu.memory_space<hbm>>)
    %dma_start3A_519 = arith.constant 3 : i32
    %dma_start3A_520 = arith.constant 0 : i32
    %dma_start3A_521 = tpu.memref_slice %arg9[%dma_start3A_519, %dma_start3A_520] : memref<8x32xi32, #tpu.memory_space<vmem>> -> memref<1x32xi32, #tpu.memory_space<vmem>>
    %dma_start3A_522 = tpu.memref_squeeze %dma_start3A_521 : memref<1x32xi32, #tpu.memory_space<vmem>> -> memref<32xi32, #tpu.memory_space<vmem>>
    %dma_start3A_523 = arith.constant 0 : i32
    %dma_start3A_524 = arith.constant 0 : i32
    %dma_start3A_525 = tpu.memref_slice %arg3[%dma_start3A_523, %dma_start3A_524] : memref<8192x1024xf32, #tpu.memory_space<hbm>> -> memref<8192x1024xf32, #tpu.memory_space<hbm>>
    tpu.enqueue_indirect_dma source(%dma_start3A_525 : memref<8192x1024xf32, #tpu.memory_space<hbm>>) target(%arg13 : memref<32x1024xf32, #tpu.memory_space<vmem>>) offsets(%dma_start3A_522 : memref<32xi32, #tpu.memory_space<vmem>>) semaphore(%arg15 : memref<!tpu.dma_semaphore, #tpu.memory_space<semaphore_mem>>)
    %dma_wait3A_526 = arith.constant 3 : i32
    %dma_wait3A_527 = arith.constant 0 : i32
    %dma_wait3A_528 = tpu.memref_slice %arg9[%dma_wait3A_526, %dma_wait3A_527] : memref<8x32xi32, #tpu.memory_space<vmem>> -> memref<1x32xi32, #tpu.memory_space<vmem>>
    %dma_wait3A_529 = tpu.memref_squeeze %dma_wait3A_528 : memref<1x32xi32, #tpu.memory_space<vmem>> -> memref<32xi32, #tpu.memory_space<vmem>>
    %dma_wait3A_530 = arith.constant 0 : i32
    %dma_wait3A_531 = arith.constant 0 : i32
    %dma_wait3A_532 = tpu.memref_slice %arg3[%dma_wait3A_530, %dma_wait3A_531] : memref<8192x1024xf32, #tpu.memory_space<hbm>> -> memref<8192x1024xf32, #tpu.memory_space<hbm>>
    tpu.wait_indirect_dma semaphore(%arg15 : memref<!tpu.dma_semaphore, #tpu.memory_space<semaphore_mem>>) src(%dma_wait3A_532 : memref<8192x1024xf32, #tpu.memory_space<hbm>>) dst(%arg13 : memref<32x1024xf32, #tpu.memory_space<vmem>>)
    %dma_start3A_533 = arith.constant 3 : i32
    %dma_start3A_534 = arith.constant 0 : i32
    %dma_start3A_535 = tpu.memref_slice %arg11[%dma_start3A_533, %dma_start3A_534] : memref<8x32xi32, #tpu.memory_space<vmem>> -> memref<1x32xi32, #tpu.memory_space<vmem>>
    %dma_start3A_536 = tpu.memref_squeeze %dma_start3A_535 : memref<1x32xi32, #tpu.memory_space<vmem>> -> memref<32xi32, #tpu.memory_space<vmem>>
    %dma_start3A_537 = arith.constant 0 : i32
    %dma_start3A_538 = arith.constant 0 : i32
    %dma_start3A_539 = tpu.memref_slice %arg5[%dma_start3A_537, %dma_start3A_538] : memref<32768x1024xf32, #tpu.memory_space<hbm>> -> memref<32768x1024xf32, #tpu.memory_space<hbm>>
    tpu.enqueue_indirect_dma source(%arg13 : memref<32x1024xf32, #tpu.memory_space<vmem>>) target(%dma_start3A_539 : memref<32768x1024xf32, #tpu.memory_space<hbm>>) offsets(%dma_start3A_536 : memref<32xi32, #tpu.memory_space<vmem>>) semaphore(%arg15 : memref<!tpu.dma_semaphore, #tpu.memory_space<semaphore_mem>>)
    %dma_wait3A_540 = arith.constant 3 : i32
    %dma_wait3A_541 = arith.constant 0 : i32
    %dma_wait3A_542 = tpu.memref_slice %arg11[%dma_wait3A_540, %dma_wait3A_541] : memref<8x32xi32, #tpu.memory_space<vmem>> -> memref<1x32xi32, #tpu.memory_space<vmem>>
    %dma_wait3A_543 = tpu.memref_squeeze %dma_wait3A_542 : memref<1x32xi32, #tpu.memory_space<vmem>> -> memref<32xi32, #tpu.memory_space<vmem>>
    %dma_wait3A_544 = arith.constant 0 : i32
    %dma_wait3A_545 = arith.constant 0 : i32
    %dma_wait3A_546 = tpu.memref_slice %arg5[%dma_wait3A_544, %dma_wait3A_545] : memref<32768x1024xf32, #tpu.memory_space<hbm>> -> memref<32768x1024xf32, #tpu.memory_space<hbm>>
    tpu.wait_indirect_dma semaphore(%arg15 : memref<!tpu.dma_semaphore, #tpu.memory_space<semaphore_mem>>) src(%arg13 : memref<32x1024xf32, #tpu.memory_space<vmem>>) dst(%dma_wait3A_546 : memref<32768x1024xf32, #tpu.memory_space<hbm>>)
    %dma_start3A_547 = arith.constant 4 : i32
    %dma_start3A_548 = arith.constant 0 : i32
    %dma_start3A_549 = tpu.memref_slice %arg9[%dma_start3A_547, %dma_start3A_548] : memref<8x32xi32, #tpu.memory_space<vmem>> -> memref<1x32xi32, #tpu.memory_space<vmem>>
    %dma_start3A_550 = tpu.memref_squeeze %dma_start3A_549 : memref<1x32xi32, #tpu.memory_space<vmem>> -> memref<32xi32, #tpu.memory_space<vmem>>
    %dma_start3A_551 = arith.constant 0 : i32
    %dma_start3A_552 = arith.constant 0 : i32
    %dma_start3A_553 = tpu.memref_slice %arg2[%dma_start3A_551, %dma_start3A_552] : memref<8192x1024xf32, #tpu.memory_space<hbm>> -> memref<8192x1024xf32, #tpu.memory_space<hbm>>
    tpu.enqueue_indirect_dma source(%dma_start3A_553 : memref<8192x1024xf32, #tpu.memory_space<hbm>>) target(%arg12 : memref<32x1024xf32, #tpu.memory_space<vmem>>) offsets(%dma_start3A_550 : memref<32xi32, #tpu.memory_space<vmem>>) semaphore(%arg14 : memref<!tpu.dma_semaphore, #tpu.memory_space<semaphore_mem>>)
    %dma_wait3A_554 = arith.constant 4 : i32
    %dma_wait3A_555 = arith.constant 0 : i32
    %dma_wait3A_556 = tpu.memref_slice %arg9[%dma_wait3A_554, %dma_wait3A_555] : memref<8x32xi32, #tpu.memory_space<vmem>> -> memref<1x32xi32, #tpu.memory_space<vmem>>
    %dma_wait3A_557 = tpu.memref_squeeze %dma_wait3A_556 : memref<1x32xi32, #tpu.memory_space<vmem>> -> memref<32xi32, #tpu.memory_space<vmem>>
    %dma_wait3A_558 = arith.constant 0 : i32
    %dma_wait3A_559 = arith.constant 0 : i32
    %dma_wait3A_560 = tpu.memref_slice %arg2[%dma_wait3A_558, %dma_wait3A_559] : memref<8192x1024xf32, #tpu.memory_space<hbm>> -> memref<8192x1024xf32, #tpu.memory_space<hbm>>
    tpu.wait_indirect_dma semaphore(%arg14 : memref<!tpu.dma_semaphore, #tpu.memory_space<semaphore_mem>>) src(%dma_wait3A_560 : memref<8192x1024xf32, #tpu.memory_space<hbm>>) dst(%arg12 : memref<32x1024xf32, #tpu.memory_space<vmem>>)
    %dma_start3A_561 = arith.constant 4 : i32
    %dma_start3A_562 = arith.constant 0 : i32
    %dma_start3A_563 = tpu.memref_slice %arg10[%dma_start3A_561, %dma_start3A_562] : memref<8x32xi32, #tpu.memory_space<vmem>> -> memref<1x32xi32, #tpu.memory_space<vmem>>
    %dma_start3A_564 = tpu.memref_squeeze %dma_start3A_563 : memref<1x32xi32, #tpu.memory_space<vmem>> -> memref<32xi32, #tpu.memory_space<vmem>>
    %dma_start3A_565 = arith.constant 0 : i32
    %dma_start3A_566 = arith.constant 0 : i32
    %dma_start3A_567 = tpu.memref_slice %arg5[%dma_start3A_565, %dma_start3A_566] : memref<32768x1024xf32, #tpu.memory_space<hbm>> -> memref<32768x1024xf32, #tpu.memory_space<hbm>>
    tpu.enqueue_indirect_dma source(%arg12 : memref<32x1024xf32, #tpu.memory_space<vmem>>) target(%dma_start3A_567 : memref<32768x1024xf32, #tpu.memory_space<hbm>>) offsets(%dma_start3A_564 : memref<32xi32, #tpu.memory_space<vmem>>) semaphore(%arg14 : memref<!tpu.dma_semaphore, #tpu.memory_space<semaphore_mem>>)
    %dma_wait3A_568 = arith.constant 4 : i32
    %dma_wait3A_569 = arith.constant 0 : i32
    %dma_wait3A_570 = tpu.memref_slice %arg10[%dma_wait3A_568, %dma_wait3A_569] : memref<8x32xi32, #tpu.memory_space<vmem>> -> memref<1x32xi32, #tpu.memory_space<vmem>>
    %dma_wait3A_571 = tpu.memref_squeeze %dma_wait3A_570 : memref<1x32xi32, #tpu.memory_space<vmem>> -> memref<32xi32, #tpu.memory_space<vmem>>
    %dma_wait3A_572 = arith.constant 0 : i32
    %dma_wait3A_573 = arith.constant 0 : i32
    %dma_wait3A_574 = tpu.memref_slice %arg5[%dma_wait3A_572, %dma_wait3A_573] : memref<32768x1024xf32, #tpu.memory_space<hbm>> -> memref<32768x1024xf32, #tpu.memory_space<hbm>>
    tpu.wait_indirect_dma semaphore(%arg14 : memref<!tpu.dma_semaphore, #tpu.memory_space<semaphore_mem>>) src(%arg12 : memref<32x1024xf32, #tpu.memory_space<vmem>>) dst(%dma_wait3A_574 : memref<32768x1024xf32, #tpu.memory_space<hbm>>)
    %dma_start3A_575 = arith.constant 4 : i32
    %dma_start3A_576 = arith.constant 0 : i32
    %dma_start3A_577 = tpu.memref_slice %arg9[%dma_start3A_575, %dma_start3A_576] : memref<8x32xi32, #tpu.memory_space<vmem>> -> memref<1x32xi32, #tpu.memory_space<vmem>>
    %dma_start3A_578 = tpu.memref_squeeze %dma_start3A_577 : memref<1x32xi32, #tpu.memory_space<vmem>> -> memref<32xi32, #tpu.memory_space<vmem>>
    %dma_start3A_579 = arith.constant 0 : i32
    %dma_start3A_580 = arith.constant 0 : i32
    %dma_start3A_581 = tpu.memref_slice %arg3[%dma_start3A_579, %dma_start3A_580] : memref<8192x1024xf32, #tpu.memory_space<hbm>> -> memref<8192x1024xf32, #tpu.memory_space<hbm>>
    tpu.enqueue_indirect_dma source(%dma_start3A_581 : memref<8192x1024xf32, #tpu.memory_space<hbm>>) target(%arg13 : memref<32x1024xf32, #tpu.memory_space<vmem>>) offsets(%dma_start3A_578 : memref<32xi32, #tpu.memory_space<vmem>>) semaphore(%arg15 : memref<!tpu.dma_semaphore, #tpu.memory_space<semaphore_mem>>)
    %dma_wait3A_582 = arith.constant 4 : i32
    %dma_wait3A_583 = arith.constant 0 : i32
    %dma_wait3A_584 = tpu.memref_slice %arg9[%dma_wait3A_582, %dma_wait3A_583] : memref<8x32xi32, #tpu.memory_space<vmem>> -> memref<1x32xi32, #tpu.memory_space<vmem>>
    %dma_wait3A_585 = tpu.memref_squeeze %dma_wait3A_584 : memref<1x32xi32, #tpu.memory_space<vmem>> -> memref<32xi32, #tpu.memory_space<vmem>>
    %dma_wait3A_586 = arith.constant 0 : i32
    %dma_wait3A_587 = arith.constant 0 : i32
    %dma_wait3A_588 = tpu.memref_slice %arg3[%dma_wait3A_586, %dma_wait3A_587] : memref<8192x1024xf32, #tpu.memory_space<hbm>> -> memref<8192x1024xf32, #tpu.memory_space<hbm>>
    tpu.wait_indirect_dma semaphore(%arg15 : memref<!tpu.dma_semaphore, #tpu.memory_space<semaphore_mem>>) src(%dma_wait3A_588 : memref<8192x1024xf32, #tpu.memory_space<hbm>>) dst(%arg13 : memref<32x1024xf32, #tpu.memory_space<vmem>>)
    %dma_start3A_589 = arith.constant 4 : i32
    %dma_start3A_590 = arith.constant 0 : i32
    %dma_start3A_591 = tpu.memref_slice %arg11[%dma_start3A_589, %dma_start3A_590] : memref<8x32xi32, #tpu.memory_space<vmem>> -> memref<1x32xi32, #tpu.memory_space<vmem>>
    %dma_start3A_592 = tpu.memref_squeeze %dma_start3A_591 : memref<1x32xi32, #tpu.memory_space<vmem>> -> memref<32xi32, #tpu.memory_space<vmem>>
    %dma_start3A_593 = arith.constant 0 : i32
    %dma_start3A_594 = arith.constant 0 : i32
    %dma_start3A_595 = tpu.memref_slice %arg5[%dma_start3A_593, %dma_start3A_594] : memref<32768x1024xf32, #tpu.memory_space<hbm>> -> memref<32768x1024xf32, #tpu.memory_space<hbm>>
    tpu.enqueue_indirect_dma source(%arg13 : memref<32x1024xf32, #tpu.memory_space<vmem>>) target(%dma_start3A_595 : memref<32768x1024xf32, #tpu.memory_space<hbm>>) offsets(%dma_start3A_592 : memref<32xi32, #tpu.memory_space<vmem>>) semaphore(%arg15 : memref<!tpu.dma_semaphore, #tpu.memory_space<semaphore_mem>>)
    %dma_wait3A_596 = arith.constant 4 : i32
    %dma_wait3A_597 = arith.constant 0 : i32
    %dma_wait3A_598 = tpu.memref_slice %arg11[%dma_wait3A_596, %dma_wait3A_597] : memref<8x32xi32, #tpu.memory_space<vmem>> -> memref<1x32xi32, #tpu.memory_space<vmem>>
    %dma_wait3A_599 = tpu.memref_squeeze %dma_wait3A_598 : memref<1x32xi32, #tpu.memory_space<vmem>> -> memref<32xi32, #tpu.memory_space<vmem>>
    %dma_wait3A_600 = arith.constant 0 : i32
    %dma_wait3A_601 = arith.constant 0 : i32
    %dma_wait3A_602 = tpu.memref_slice %arg5[%dma_wait3A_600, %dma_wait3A_601] : memref<32768x1024xf32, #tpu.memory_space<hbm>> -> memref<32768x1024xf32, #tpu.memory_space<hbm>>
    tpu.wait_indirect_dma semaphore(%arg15 : memref<!tpu.dma_semaphore, #tpu.memory_space<semaphore_mem>>) src(%arg13 : memref<32x1024xf32, #tpu.memory_space<vmem>>) dst(%dma_wait3A_602 : memref<32768x1024xf32, #tpu.memory_space<hbm>>)
    %dma_start3A_603 = arith.constant 5 : i32
    %dma_start3A_604 = arith.constant 0 : i32
    %dma_start3A_605 = tpu.memref_slice %arg9[%dma_start3A_603, %dma_start3A_604] : memref<8x32xi32, #tpu.memory_space<vmem>> -> memref<1x32xi32, #tpu.memory_space<vmem>>
    %dma_start3A_606 = tpu.memref_squeeze %dma_start3A_605 : memref<1x32xi32, #tpu.memory_space<vmem>> -> memref<32xi32, #tpu.memory_space<vmem>>
    %dma_start3A_607 = arith.constant 0 : i32
    %dma_start3A_608 = arith.constant 0 : i32
    %dma_start3A_609 = tpu.memref_slice %arg2[%dma_start3A_607, %dma_start3A_608] : memref<8192x1024xf32, #tpu.memory_space<hbm>> -> memref<8192x1024xf32, #tpu.memory_space<hbm>>
    tpu.enqueue_indirect_dma source(%dma_start3A_609 : memref<8192x1024xf32, #tpu.memory_space<hbm>>) target(%arg12 : memref<32x1024xf32, #tpu.memory_space<vmem>>) offsets(%dma_start3A_606 : memref<32xi32, #tpu.memory_space<vmem>>) semaphore(%arg14 : memref<!tpu.dma_semaphore, #tpu.memory_space<semaphore_mem>>)
    %dma_wait3A_610 = arith.constant 5 : i32
    %dma_wait3A_611 = arith.constant 0 : i32
    %dma_wait3A_612 = tpu.memref_slice %arg9[%dma_wait3A_610, %dma_wait3A_611] : memref<8x32xi32, #tpu.memory_space<vmem>> -> memref<1x32xi32, #tpu.memory_space<vmem>>
    %dma_wait3A_613 = tpu.memref_squeeze %dma_wait3A_612 : memref<1x32xi32, #tpu.memory_space<vmem>> -> memref<32xi32, #tpu.memory_space<vmem>>
    %dma_wait3A_614 = arith.constant 0 : i32
    %dma_wait3A_615 = arith.constant 0 : i32
    %dma_wait3A_616 = tpu.memref_slice %arg2[%dma_wait3A_614, %dma_wait3A_615] : memref<8192x1024xf32, #tpu.memory_space<hbm>> -> memref<8192x1024xf32, #tpu.memory_space<hbm>>
    tpu.wait_indirect_dma semaphore(%arg14 : memref<!tpu.dma_semaphore, #tpu.memory_space<semaphore_mem>>) src(%dma_wait3A_616 : memref<8192x1024xf32, #tpu.memory_space<hbm>>) dst(%arg12 : memref<32x1024xf32, #tpu.memory_space<vmem>>)
    %dma_start3A_617 = arith.constant 5 : i32
    %dma_start3A_618 = arith.constant 0 : i32
    %dma_start3A_619 = tpu.memref_slice %arg10[%dma_start3A_617, %dma_start3A_618] : memref<8x32xi32, #tpu.memory_space<vmem>> -> memref<1x32xi32, #tpu.memory_space<vmem>>
    %dma_start3A_620 = tpu.memref_squeeze %dma_start3A_619 : memref<1x32xi32, #tpu.memory_space<vmem>> -> memref<32xi32, #tpu.memory_space<vmem>>
    %dma_start3A_621 = arith.constant 0 : i32
    %dma_start3A_622 = arith.constant 0 : i32
    %dma_start3A_623 = tpu.memref_slice %arg5[%dma_start3A_621, %dma_start3A_622] : memref<32768x1024xf32, #tpu.memory_space<hbm>> -> memref<32768x1024xf32, #tpu.memory_space<hbm>>
    tpu.enqueue_indirect_dma source(%arg12 : memref<32x1024xf32, #tpu.memory_space<vmem>>) target(%dma_start3A_623 : memref<32768x1024xf32, #tpu.memory_space<hbm>>) offsets(%dma_start3A_620 : memref<32xi32, #tpu.memory_space<vmem>>) semaphore(%arg14 : memref<!tpu.dma_semaphore, #tpu.memory_space<semaphore_mem>>)
    %dma_wait3A_624 = arith.constant 5 : i32
    %dma_wait3A_625 = arith.constant 0 : i32
    %dma_wait3A_626 = tpu.memref_slice %arg10[%dma_wait3A_624, %dma_wait3A_625] : memref<8x32xi32, #tpu.memory_space<vmem>> -> memref<1x32xi32, #tpu.memory_space<vmem>>
    %dma_wait3A_627 = tpu.memref_squeeze %dma_wait3A_626 : memref<1x32xi32, #tpu.memory_space<vmem>> -> memref<32xi32, #tpu.memory_space<vmem>>
    %dma_wait3A_628 = arith.constant 0 : i32
    %dma_wait3A_629 = arith.constant 0 : i32
    %dma_wait3A_630 = tpu.memref_slice %arg5[%dma_wait3A_628, %dma_wait3A_629] : memref<32768x1024xf32, #tpu.memory_space<hbm>> -> memref<32768x1024xf32, #tpu.memory_space<hbm>>
    tpu.wait_indirect_dma semaphore(%arg14 : memref<!tpu.dma_semaphore, #tpu.memory_space<semaphore_mem>>) src(%arg12 : memref<32x1024xf32, #tpu.memory_space<vmem>>) dst(%dma_wait3A_630 : memref<32768x1024xf32, #tpu.memory_space<hbm>>)
    %dma_start3A_631 = arith.constant 5 : i32
    %dma_start3A_632 = arith.constant 0 : i32
    %dma_start3A_633 = tpu.memref_slice %arg9[%dma_start3A_631, %dma_start3A_632] : memref<8x32xi32, #tpu.memory_space<vmem>> -> memref<1x32xi32, #tpu.memory_space<vmem>>
    %dma_start3A_634 = tpu.memref_squeeze %dma_start3A_633 : memref<1x32xi32, #tpu.memory_space<vmem>> -> memref<32xi32, #tpu.memory_space<vmem>>
    %dma_start3A_635 = arith.constant 0 : i32
    %dma_start3A_636 = arith.constant 0 : i32
    %dma_start3A_637 = tpu.memref_slice %arg3[%dma_start3A_635, %dma_start3A_636] : memref<8192x1024xf32, #tpu.memory_space<hbm>> -> memref<8192x1024xf32, #tpu.memory_space<hbm>>
    tpu.enqueue_indirect_dma source(%dma_start3A_637 : memref<8192x1024xf32, #tpu.memory_space<hbm>>) target(%arg13 : memref<32x1024xf32, #tpu.memory_space<vmem>>) offsets(%dma_start3A_634 : memref<32xi32, #tpu.memory_space<vmem>>) semaphore(%arg15 : memref<!tpu.dma_semaphore, #tpu.memory_space<semaphore_mem>>)
    %dma_wait3A_638 = arith.constant 5 : i32
    %dma_wait3A_639 = arith.constant 0 : i32
    %dma_wait3A_640 = tpu.memref_slice %arg9[%dma_wait3A_638, %dma_wait3A_639] : memref<8x32xi32, #tpu.memory_space<vmem>> -> memref<1x32xi32, #tpu.memory_space<vmem>>
    %dma_wait3A_641 = tpu.memref_squeeze %dma_wait3A_640 : memref<1x32xi32, #tpu.memory_space<vmem>> -> memref<32xi32, #tpu.memory_space<vmem>>
    %dma_wait3A_642 = arith.constant 0 : i32
    %dma_wait3A_643 = arith.constant 0 : i32
    %dma_wait3A_644 = tpu.memref_slice %arg3[%dma_wait3A_642, %dma_wait3A_643] : memref<8192x1024xf32, #tpu.memory_space<hbm>> -> memref<8192x1024xf32, #tpu.memory_space<hbm>>
    tpu.wait_indirect_dma semaphore(%arg15 : memref<!tpu.dma_semaphore, #tpu.memory_space<semaphore_mem>>) src(%dma_wait3A_644 : memref<8192x1024xf32, #tpu.memory_space<hbm>>) dst(%arg13 : memref<32x1024xf32, #tpu.memory_space<vmem>>)
    %dma_start3A_645 = arith.constant 5 : i32
    %dma_start3A_646 = arith.constant 0 : i32
    %dma_start3A_647 = tpu.memref_slice %arg11[%dma_start3A_645, %dma_start3A_646] : memref<8x32xi32, #tpu.memory_space<vmem>> -> memref<1x32xi32, #tpu.memory_space<vmem>>
    %dma_start3A_648 = tpu.memref_squeeze %dma_start3A_647 : memref<1x32xi32, #tpu.memory_space<vmem>> -> memref<32xi32, #tpu.memory_space<vmem>>
    %dma_start3A_649 = arith.constant 0 : i32
    %dma_start3A_650 = arith.constant 0 : i32
    %dma_start3A_651 = tpu.memref_slice %arg5[%dma_start3A_649, %dma_start3A_650] : memref<32768x1024xf32, #tpu.memory_space<hbm>> -> memref<32768x1024xf32, #tpu.memory_space<hbm>>
    tpu.enqueue_indirect_dma source(%arg13 : memref<32x1024xf32, #tpu.memory_space<vmem>>) target(%dma_start3A_651 : memref<32768x1024xf32, #tpu.memory_space<hbm>>) offsets(%dma_start3A_648 : memref<32xi32, #tpu.memory_space<vmem>>) semaphore(%arg15 : memref<!tpu.dma_semaphore, #tpu.memory_space<semaphore_mem>>)
    %dma_wait3A_652 = arith.constant 5 : i32
    %dma_wait3A_653 = arith.constant 0 : i32
    %dma_wait3A_654 = tpu.memref_slice %arg11[%dma_wait3A_652, %dma_wait3A_653] : memref<8x32xi32, #tpu.memory_space<vmem>> -> memref<1x32xi32, #tpu.memory_space<vmem>>
    %dma_wait3A_655 = tpu.memref_squeeze %dma_wait3A_654 : memref<1x32xi32, #tpu.memory_space<vmem>> -> memref<32xi32, #tpu.memory_space<vmem>>
    %dma_wait3A_656 = arith.constant 0 : i32
    %dma_wait3A_657 = arith.constant 0 : i32
    %dma_wait3A_658 = tpu.memref_slice %arg5[%dma_wait3A_656, %dma_wait3A_657] : memref<32768x1024xf32, #tpu.memory_space<hbm>> -> memref<32768x1024xf32, #tpu.memory_space<hbm>>
    tpu.wait_indirect_dma semaphore(%arg15 : memref<!tpu.dma_semaphore, #tpu.memory_space<semaphore_mem>>) src(%arg13 : memref<32x1024xf32, #tpu.memory_space<vmem>>) dst(%dma_wait3A_658 : memref<32768x1024xf32, #tpu.memory_space<hbm>>)
    %dma_start3A_659 = arith.constant 6 : i32
    %dma_start3A_660 = arith.constant 0 : i32
    %dma_start3A_661 = tpu.memref_slice %arg9[%dma_start3A_659, %dma_start3A_660] : memref<8x32xi32, #tpu.memory_space<vmem>> -> memref<1x32xi32, #tpu.memory_space<vmem>>
    %dma_start3A_662 = tpu.memref_squeeze %dma_start3A_661 : memref<1x32xi32, #tpu.memory_space<vmem>> -> memref<32xi32, #tpu.memory_space<vmem>>
    %dma_start3A_663 = arith.constant 0 : i32
    %dma_start3A_664 = arith.constant 0 : i32
    %dma_start3A_665 = tpu.memref_slice %arg2[%dma_start3A_663, %dma_start3A_664] : memref<8192x1024xf32, #tpu.memory_space<hbm>> -> memref<8192x1024xf32, #tpu.memory_space<hbm>>
    tpu.enqueue_indirect_dma source(%dma_start3A_665 : memref<8192x1024xf32, #tpu.memory_space<hbm>>) target(%arg12 : memref<32x1024xf32, #tpu.memory_space<vmem>>) offsets(%dma_start3A_662 : memref<32xi32, #tpu.memory_space<vmem>>) semaphore(%arg14 : memref<!tpu.dma_semaphore, #tpu.memory_space<semaphore_mem>>)
    %dma_wait3A_666 = arith.constant 6 : i32
    %dma_wait3A_667 = arith.constant 0 : i32
    %dma_wait3A_668 = tpu.memref_slice %arg9[%dma_wait3A_666, %dma_wait3A_667] : memref<8x32xi32, #tpu.memory_space<vmem>> -> memref<1x32xi32, #tpu.memory_space<vmem>>
    %dma_wait3A_669 = tpu.memref_squeeze %dma_wait3A_668 : memref<1x32xi32, #tpu.memory_space<vmem>> -> memref<32xi32, #tpu.memory_space<vmem>>
    %dma_wait3A_670 = arith.constant 0 : i32
    %dma_wait3A_671 = arith.constant 0 : i32
    %dma_wait3A_672 = tpu.memref_slice %arg2[%dma_wait3A_670, %dma_wait3A_671] : memref<8192x1024xf32, #tpu.memory_space<hbm>> -> memref<8192x1024xf32, #tpu.memory_space<hbm>>
    tpu.wait_indirect_dma semaphore(%arg14 : memref<!tpu.dma_semaphore, #tpu.memory_space<semaphore_mem>>) src(%dma_wait3A_672 : memref<8192x1024xf32, #tpu.memory_space<hbm>>) dst(%arg12 : memref<32x1024xf32, #tpu.memory_space<vmem>>)
    %dma_start3A_673 = arith.constant 6 : i32
    %dma_start3A_674 = arith.constant 0 : i32
    %dma_start3A_675 = tpu.memref_slice %arg10[%dma_start3A_673, %dma_start3A_674] : memref<8x32xi32, #tpu.memory_space<vmem>> -> memref<1x32xi32, #tpu.memory_space<vmem>>
    %dma_start3A_676 = tpu.memref_squeeze %dma_start3A_675 : memref<1x32xi32, #tpu.memory_space<vmem>> -> memref<32xi32, #tpu.memory_space<vmem>>
    %dma_start3A_677 = arith.constant 0 : i32
    %dma_start3A_678 = arith.constant 0 : i32
    %dma_start3A_679 = tpu.memref_slice %arg5[%dma_start3A_677, %dma_start3A_678] : memref<32768x1024xf32, #tpu.memory_space<hbm>> -> memref<32768x1024xf32, #tpu.memory_space<hbm>>
    tpu.enqueue_indirect_dma source(%arg12 : memref<32x1024xf32, #tpu.memory_space<vmem>>) target(%dma_start3A_679 : memref<32768x1024xf32, #tpu.memory_space<hbm>>) offsets(%dma_start3A_676 : memref<32xi32, #tpu.memory_space<vmem>>) semaphore(%arg14 : memref<!tpu.dma_semaphore, #tpu.memory_space<semaphore_mem>>)
    %dma_wait3A_680 = arith.constant 6 : i32
    %dma_wait3A_681 = arith.constant 0 : i32
    %dma_wait3A_682 = tpu.memref_slice %arg10[%dma_wait3A_680, %dma_wait3A_681] : memref<8x32xi32, #tpu.memory_space<vmem>> -> memref<1x32xi32, #tpu.memory_space<vmem>>
    %dma_wait3A_683 = tpu.memref_squeeze %dma_wait3A_682 : memref<1x32xi32, #tpu.memory_space<vmem>> -> memref<32xi32, #tpu.memory_space<vmem>>
    %dma_wait3A_684 = arith.constant 0 : i32
    %dma_wait3A_685 = arith.constant 0 : i32
    %dma_wait3A_686 = tpu.memref_slice %arg5[%dma_wait3A_684, %dma_wait3A_685] : memref<32768x1024xf32, #tpu.memory_space<hbm>> -> memref<32768x1024xf32, #tpu.memory_space<hbm>>
    tpu.wait_indirect_dma semaphore(%arg14 : memref<!tpu.dma_semaphore, #tpu.memory_space<semaphore_mem>>) src(%arg12 : memref<32x1024xf32, #tpu.memory_space<vmem>>) dst(%dma_wait3A_686 : memref<32768x1024xf32, #tpu.memory_space<hbm>>)
    %dma_start3A_687 = arith.constant 6 : i32
    %dma_start3A_688 = arith.constant 0 : i32
    %dma_start3A_689 = tpu.memref_slice %arg9[%dma_start3A_687, %dma_start3A_688] : memref<8x32xi32, #tpu.memory_space<vmem>> -> memref<1x32xi32, #tpu.memory_space<vmem>>
    %dma_start3A_690 = tpu.memref_squeeze %dma_start3A_689 : memref<1x32xi32, #tpu.memory_space<vmem>> -> memref<32xi32, #tpu.memory_space<vmem>>
    %dma_start3A_691 = arith.constant 0 : i32
    %dma_start3A_692 = arith.constant 0 : i32
    %dma_start3A_693 = tpu.memref_slice %arg3[%dma_start3A_691, %dma_start3A_692] : memref<8192x1024xf32, #tpu.memory_space<hbm>> -> memref<8192x1024xf32, #tpu.memory_space<hbm>>
    tpu.enqueue_indirect_dma source(%dma_start3A_693 : memref<8192x1024xf32, #tpu.memory_space<hbm>>) target(%arg13 : memref<32x1024xf32, #tpu.memory_space<vmem>>) offsets(%dma_start3A_690 : memref<32xi32, #tpu.memory_space<vmem>>) semaphore(%arg15 : memref<!tpu.dma_semaphore, #tpu.memory_space<semaphore_mem>>)
    %dma_wait3A_694 = arith.constant 6 : i32
    %dma_wait3A_695 = arith.constant 0 : i32
    %dma_wait3A_696 = tpu.memref_slice %arg9[%dma_wait3A_694, %dma_wait3A_695] : memref<8x32xi32, #tpu.memory_space<vmem>> -> memref<1x32xi32, #tpu.memory_space<vmem>>
    %dma_wait3A_697 = tpu.memref_squeeze %dma_wait3A_696 : memref<1x32xi32, #tpu.memory_space<vmem>> -> memref<32xi32, #tpu.memory_space<vmem>>
    %dma_wait3A_698 = arith.constant 0 : i32
    %dma_wait3A_699 = arith.constant 0 : i32
    %dma_wait3A_700 = tpu.memref_slice %arg3[%dma_wait3A_698, %dma_wait3A_699] : memref<8192x1024xf32, #tpu.memory_space<hbm>> -> memref<8192x1024xf32, #tpu.memory_space<hbm>>
    tpu.wait_indirect_dma semaphore(%arg15 : memref<!tpu.dma_semaphore, #tpu.memory_space<semaphore_mem>>) src(%dma_wait3A_700 : memref<8192x1024xf32, #tpu.memory_space<hbm>>) dst(%arg13 : memref<32x1024xf32, #tpu.memory_space<vmem>>)
    %dma_start3A_701 = arith.constant 6 : i32
    %dma_start3A_702 = arith.constant 0 : i32
    %dma_start3A_703 = tpu.memref_slice %arg11[%dma_start3A_701, %dma_start3A_702] : memref<8x32xi32, #tpu.memory_space<vmem>> -> memref<1x32xi32, #tpu.memory_space<vmem>>
    %dma_start3A_704 = tpu.memref_squeeze %dma_start3A_703 : memref<1x32xi32, #tpu.memory_space<vmem>> -> memref<32xi32, #tpu.memory_space<vmem>>
    %dma_start3A_705 = arith.constant 0 : i32
    %dma_start3A_706 = arith.constant 0 : i32
    %dma_start3A_707 = tpu.memref_slice %arg5[%dma_start3A_705, %dma_start3A_706] : memref<32768x1024xf32, #tpu.memory_space<hbm>> -> memref<32768x1024xf32, #tpu.memory_space<hbm>>
    tpu.enqueue_indirect_dma source(%arg13 : memref<32x1024xf32, #tpu.memory_space<vmem>>) target(%dma_start3A_707 : memref<32768x1024xf32, #tpu.memory_space<hbm>>) offsets(%dma_start3A_704 : memref<32xi32, #tpu.memory_space<vmem>>) semaphore(%arg15 : memref<!tpu.dma_semaphore, #tpu.memory_space<semaphore_mem>>)
    %dma_wait3A_708 = arith.constant 6 : i32
    %dma_wait3A_709 = arith.constant 0 : i32
    %dma_wait3A_710 = tpu.memref_slice %arg11[%dma_wait3A_708, %dma_wait3A_709] : memref<8x32xi32, #tpu.memory_space<vmem>> -> memref<1x32xi32, #tpu.memory_space<vmem>>
    %dma_wait3A_711 = tpu.memref_squeeze %dma_wait3A_710 : memref<1x32xi32, #tpu.memory_space<vmem>> -> memref<32xi32, #tpu.memory_space<vmem>>
    %dma_wait3A_712 = arith.constant 0 : i32
    %dma_wait3A_713 = arith.constant 0 : i32
    %dma_wait3A_714 = tpu.memref_slice %arg5[%dma_wait3A_712, %dma_wait3A_713] : memref<32768x1024xf32, #tpu.memory_space<hbm>> -> memref<32768x1024xf32, #tpu.memory_space<hbm>>
    tpu.wait_indirect_dma semaphore(%arg15 : memref<!tpu.dma_semaphore, #tpu.memory_space<semaphore_mem>>) src(%arg13 : memref<32x1024xf32, #tpu.memory_space<vmem>>) dst(%dma_wait3A_714 : memref<32768x1024xf32, #tpu.memory_space<hbm>>)
    %dma_start3A_715 = arith.constant 7 : i32
    %dma_start3A_716 = arith.constant 0 : i32
    %dma_start3A_717 = tpu.memref_slice %arg9[%dma_start3A_715, %dma_start3A_716] : memref<8x32xi32, #tpu.memory_space<vmem>> -> memref<1x32xi32, #tpu.memory_space<vmem>>
    %dma_start3A_718 = tpu.memref_squeeze %dma_start3A_717 : memref<1x32xi32, #tpu.memory_space<vmem>> -> memref<32xi32, #tpu.memory_space<vmem>>
    %dma_start3A_719 = arith.constant 0 : i32
    %dma_start3A_720 = arith.constant 0 : i32
    %dma_start3A_721 = tpu.memref_slice %arg2[%dma_start3A_719, %dma_start3A_720] : memref<8192x1024xf32, #tpu.memory_space<hbm>> -> memref<8192x1024xf32, #tpu.memory_space<hbm>>
    tpu.enqueue_indirect_dma source(%dma_start3A_721 : memref<8192x1024xf32, #tpu.memory_space<hbm>>) target(%arg12 : memref<32x1024xf32, #tpu.memory_space<vmem>>) offsets(%dma_start3A_718 : memref<32xi32, #tpu.memory_space<vmem>>) semaphore(%arg14 : memref<!tpu.dma_semaphore, #tpu.memory_space<semaphore_mem>>)
    %dma_wait3A_722 = arith.constant 7 : i32
    %dma_wait3A_723 = arith.constant 0 : i32
    %dma_wait3A_724 = tpu.memref_slice %arg9[%dma_wait3A_722, %dma_wait3A_723] : memref<8x32xi32, #tpu.memory_space<vmem>> -> memref<1x32xi32, #tpu.memory_space<vmem>>
    %dma_wait3A_725 = tpu.memref_squeeze %dma_wait3A_724 : memref<1x32xi32, #tpu.memory_space<vmem>> -> memref<32xi32, #tpu.memory_space<vmem>>
    %dma_wait3A_726 = arith.constant 0 : i32
    %dma_wait3A_727 = arith.constant 0 : i32
    %dma_wait3A_728 = tpu.memref_slice %arg2[%dma_wait3A_726, %dma_wait3A_727] : memref<8192x1024xf32, #tpu.memory_space<hbm>> -> memref<8192x1024xf32, #tpu.memory_space<hbm>>
    tpu.wait_indirect_dma semaphore(%arg14 : memref<!tpu.dma_semaphore, #tpu.memory_space<semaphore_mem>>) src(%dma_wait3A_728 : memref<8192x1024xf32, #tpu.memory_space<hbm>>) dst(%arg12 : memref<32x1024xf32, #tpu.memory_space<vmem>>)
    %dma_start3A_729 = arith.constant 7 : i32
    %dma_start3A_730 = arith.constant 0 : i32
    %dma_start3A_731 = tpu.memref_slice %arg10[%dma_start3A_729, %dma_start3A_730] : memref<8x32xi32, #tpu.memory_space<vmem>> -> memref<1x32xi32, #tpu.memory_space<vmem>>
    %dma_start3A_732 = tpu.memref_squeeze %dma_start3A_731 : memref<1x32xi32, #tpu.memory_space<vmem>> -> memref<32xi32, #tpu.memory_space<vmem>>
    %dma_start3A_733 = arith.constant 0 : i32
    %dma_start3A_734 = arith.constant 0 : i32
    %dma_start3A_735 = tpu.memref_slice %arg5[%dma_start3A_733, %dma_start3A_734] : memref<32768x1024xf32, #tpu.memory_space<hbm>> -> memref<32768x1024xf32, #tpu.memory_space<hbm>>
    tpu.enqueue_indirect_dma source(%arg12 : memref<32x1024xf32, #tpu.memory_space<vmem>>) target(%dma_start3A_735 : memref<32768x1024xf32, #tpu.memory_space<hbm>>) offsets(%dma_start3A_732 : memref<32xi32, #tpu.memory_space<vmem>>) semaphore(%arg14 : memref<!tpu.dma_semaphore, #tpu.memory_space<semaphore_mem>>)
    %dma_wait3A_736 = arith.constant 7 : i32
    %dma_wait3A_737 = arith.constant 0 : i32
    %dma_wait3A_738 = tpu.memref_slice %arg10[%dma_wait3A_736, %dma_wait3A_737] : memref<8x32xi32, #tpu.memory_space<vmem>> -> memref<1x32xi32, #tpu.memory_space<vmem>>
    %dma_wait3A_739 = tpu.memref_squeeze %dma_wait3A_738 : memref<1x32xi32, #tpu.memory_space<vmem>> -> memref<32xi32, #tpu.memory_space<vmem>>
    %dma_wait3A_740 = arith.constant 0 : i32
    %dma_wait3A_741 = arith.constant 0 : i32
    %dma_wait3A_742 = tpu.memref_slice %arg5[%dma_wait3A_740, %dma_wait3A_741] : memref<32768x1024xf32, #tpu.memory_space<hbm>> -> memref<32768x1024xf32, #tpu.memory_space<hbm>>
    tpu.wait_indirect_dma semaphore(%arg14 : memref<!tpu.dma_semaphore, #tpu.memory_space<semaphore_mem>>) src(%arg12 : memref<32x1024xf32, #tpu.memory_space<vmem>>) dst(%dma_wait3A_742 : memref<32768x1024xf32, #tpu.memory_space<hbm>>)
    %dma_start3A_743 = arith.constant 7 : i32
    %dma_start3A_744 = arith.constant 0 : i32
    %dma_start3A_745 = tpu.memref_slice %arg9[%dma_start3A_743, %dma_start3A_744] : memref<8x32xi32, #tpu.memory_space<vmem>> -> memref<1x32xi32, #tpu.memory_space<vmem>>
    %dma_start3A_746 = tpu.memref_squeeze %dma_start3A_745 : memref<1x32xi32, #tpu.memory_space<vmem>> -> memref<32xi32, #tpu.memory_space<vmem>>
    %dma_start3A_747 = arith.constant 0 : i32
    %dma_start3A_748 = arith.constant 0 : i32
    %dma_start3A_749 = tpu.memref_slice %arg3[%dma_start3A_747, %dma_start3A_748] : memref<8192x1024xf32, #tpu.memory_space<hbm>> -> memref<8192x1024xf32, #tpu.memory_space<hbm>>
    tpu.enqueue_indirect_dma source(%dma_start3A_749 : memref<8192x1024xf32, #tpu.memory_space<hbm>>) target(%arg13 : memref<32x1024xf32, #tpu.memory_space<vmem>>) offsets(%dma_start3A_746 : memref<32xi32, #tpu.memory_space<vmem>>) semaphore(%arg15 : memref<!tpu.dma_semaphore, #tpu.memory_space<semaphore_mem>>)
    %dma_wait3A_750 = arith.constant 7 : i32
    %dma_wait3A_751 = arith.constant 0 : i32
    %dma_wait3A_752 = tpu.memref_slice %arg9[%dma_wait3A_750, %dma_wait3A_751] : memref<8x32xi32, #tpu.memory_space<vmem>> -> memref<1x32xi32, #tpu.memory_space<vmem>>
    %dma_wait3A_753 = tpu.memref_squeeze %dma_wait3A_752 : memref<1x32xi32, #tpu.memory_space<vmem>> -> memref<32xi32, #tpu.memory_space<vmem>>
    %dma_wait3A_754 = arith.constant 0 : i32
    %dma_wait3A_755 = arith.constant 0 : i32
    %dma_wait3A_756 = tpu.memref_slice %arg3[%dma_wait3A_754, %dma_wait3A_755] : memref<8192x1024xf32, #tpu.memory_space<hbm>> -> memref<8192x1024xf32, #tpu.memory_space<hbm>>
    tpu.wait_indirect_dma semaphore(%arg15 : memref<!tpu.dma_semaphore, #tpu.memory_space<semaphore_mem>>) src(%dma_wait3A_756 : memref<8192x1024xf32, #tpu.memory_space<hbm>>) dst(%arg13 : memref<32x1024xf32, #tpu.memory_space<vmem>>)
    %dma_start3A_757 = arith.constant 7 : i32
    %dma_start3A_758 = arith.constant 0 : i32
    %dma_start3A_759 = tpu.memref_slice %arg11[%dma_start3A_757, %dma_start3A_758] : memref<8x32xi32, #tpu.memory_space<vmem>> -> memref<1x32xi32, #tpu.memory_space<vmem>>
    %dma_start3A_760 = tpu.memref_squeeze %dma_start3A_759 : memref<1x32xi32, #tpu.memory_space<vmem>> -> memref<32xi32, #tpu.memory_space<vmem>>
    %dma_start3A_761 = arith.constant 0 : i32
    %dma_start3A_762 = arith.constant 0 : i32
    %dma_start3A_763 = tpu.memref_slice %arg5[%dma_start3A_761, %dma_start3A_762] : memref<32768x1024xf32, #tpu.memory_space<hbm>> -> memref<32768x1024xf32, #tpu.memory_space<hbm>>
    tpu.enqueue_indirect_dma source(%arg13 : memref<32x1024xf32, #tpu.memory_space<vmem>>) target(%dma_start3A_763 : memref<32768x1024xf32, #tpu.memory_space<hbm>>) offsets(%dma_start3A_760 : memref<32xi32, #tpu.memory_space<vmem>>) semaphore(%arg15 : memref<!tpu.dma_semaphore, #tpu.memory_space<semaphore_mem>>)
    %dma_wait3A_764 = arith.constant 7 : i32
    %dma_wait3A_765 = arith.constant 0 : i32
    %dma_wait3A_766 = tpu.memref_slice %arg11[%dma_wait3A_764, %dma_wait3A_765] : memref<8x32xi32, #tpu.memory_space<vmem>> -> memref<1x32xi32, #tpu.memory_space<vmem>>
    %dma_wait3A_767 = tpu.memref_squeeze %dma_wait3A_766 : memref<1x32xi32, #tpu.memory_space<vmem>> -> memref<32xi32, #tpu.memory_space<vmem>>
    %dma_wait3A_768 = arith.constant 0 : i32
    %dma_wait3A_769 = arith.constant 0 : i32
    %dma_wait3A_770 = tpu.memref_slice %arg5[%dma_wait3A_768, %dma_wait3A_769] : memref<32768x1024xf32, #tpu.memory_space<hbm>> -> memref<32768x1024xf32, #tpu.memory_space<hbm>>
    tpu.wait_indirect_dma semaphore(%arg15 : memref<!tpu.dma_semaphore, #tpu.memory_space<semaphore_mem>>) src(%arg13 : memref<32x1024xf32, #tpu.memory_space<vmem>>) dst(%dma_wait3A_770 : memref<32768x1024xf32, #tpu.memory_space<hbm>>)
    return
  }
}

module attributes {stable_mosaic.version = 14 : i64} {
  func.func @_tc_body(%arg0: i32, %arg1: memref<256x6144xf32, #tpu.memory_space<vmem>>, %arg2: memref<256x1xi32, #tpu.memory_space<vmem>>, %arg3: memref<1x128xf32, #tpu.memory_space<vmem>>, %arg4: memref<1x128xf32, #tpu.memory_space<vmem>>, %arg5: memref<256x4096xf32, #tpu.memory_space<vmem>>, %arg6: memref<256x1024xf32, #tpu.memory_space<vmem>>, %arg7: memref<256x1024xf32, #tpu.memory_space<vmem>>) attributes {dimension_semantics = [#tpu.dimension_semantics<arbitrary>], iteration_bounds = array<i64: 32>, scalar_prefetch = 0 : i64, scratch_operands = 0 : i64, tpu.core_type = #tpu.core_type<tc>, window_params = [{transform_indices = @transform_0, window_bounds = array<i64: 256, 6144>}, {transform_indices = @transform_1, window_bounds = array<i64: 256, 1>}, {pipeline_mode = #tpu.pipeline_mode<synchronous>, transform_indices = @transform_2, window_bounds = array<i64: 1, 128>}, {pipeline_mode = #tpu.pipeline_mode<synchronous>, transform_indices = @transform_3, window_bounds = array<i64: 1, 128>}, {transform_indices = @transform_4, window_bounds = array<i64: 256, 4096>}, {transform_indices = @transform_5, window_bounds = array<i64: 256, 1024>}, {transform_indices = @transform_6, window_bounds = array<i64: 256, 1024>}]} {
    %get3A = arith.constant 0 : index
    %get3A_0 = arith.constant 0 : index
    %get3A_1 = vector.load %arg2[%get3A, %get3A_0] : memref<256x1xi32, #tpu.memory_space<vmem>>, vector<256x1xi32>
    %convert_element_type3A = arith.sitofp %get3A_1 : vector<256x1xi32> to vector<256x1xf32>
    %iota3A = tpu.iota {dimensions = array<i32: 1>} : vector<1x64xi32>
    %convert_element_type3A_2 = arith.sitofp %iota3A : vector<1x64xi32> to vector<1x64xf32>
    %mul3A = arith.constant -0.14391157 : f32
    %mul3A_3 = vector.broadcast %mul3A : f32 to vector<1x64xf32>
    %mul3A_4 = arith.mulf %convert_element_type3A_2, %mul3A_3 : vector<1x64xf32>
    %exp3A = math.exp %mul3A_4 : vector<1x64xf32>
    %mul3A_5 = vector.broadcast %convert_element_type3A : vector<256x1xf32> to vector<256x64xf32>
    %mul3A_6 = vector.broadcast %exp3A : vector<1x64xf32> to vector<256x64xf32>
    %mul3A_7 = arith.mulf %mul3A_5, %mul3A_6 : vector<256x64xf32>
    %cos3A = math.cos %mul3A_7 : vector<256x64xf32>
    %sin3A = math.sin %mul3A_7 : vector<256x64xf32>
    %get3A_8 = arith.constant 0 : index
    %get3A_9 = arith.constant 0 : index
    %get3A_10 = vector.load %arg3[%get3A_8, %get3A_9] : memref<1x128xf32, #tpu.memory_space<vmem>>, vector<1x128xf32>
    %get3A_11 = arith.constant 0 : index
    %get3A_12 = arith.constant 0 : index
    %get3A_13 = vector.load %arg4[%get3A_11, %get3A_12] : memref<1x128xf32, #tpu.memory_space<vmem>>, vector<1x128xf32>
    %get3A_14 = arith.constant 0 : index
    %get3A_15 = arith.constant 0 : index
    %get3A_16 = vector.load %arg1[%get3A_14, %get3A_15] : memref<256x6144xf32, #tpu.memory_space<vmem>>, vector<256x128xf32>
    %mul3A_17 = arith.mulf %get3A_16, %get3A_16 : vector<256x128xf32>
    %reduce_sum3A = arith.constant dense<0.000000e+00> : vector<256xf32>
    %reduce_sum3A_18 = vector.multi_reduction <add>, %mul3A_17, %reduce_sum3A [1] : vector<256x128xf32> to vector<256xf32>
    %broadcast_in_dim3A = vector.shape_cast %reduce_sum3A_18 : vector<256xf32> to vector<256x1xf32>
    %div3A = arith.constant 1.280000e+02 : f32
    %div3A_19 = vector.broadcast %div3A : f32 to vector<256x1xf32>
    %div3A_20 = arith.divf %broadcast_in_dim3A, %div3A_19 : vector<256x1xf32>
    %add3A = arith.constant 9.99999997E-7 : f32
    %add3A_21 = vector.broadcast %add3A : f32 to vector<256x1xf32>
    %add3A_22 = arith.addf %div3A_20, %add3A_21 : vector<256x1xf32>
    %rsqrt3A = math.rsqrt %add3A_22 : vector<256x1xf32>
    %mul3A_23 = vector.broadcast %rsqrt3A : vector<256x1xf32> to vector<256x128xf32>
    %mul3A_24 = arith.mulf %get3A_16, %mul3A_23 : vector<256x128xf32>
    %mul3A_25 = vector.broadcast %get3A_10 : vector<1x128xf32> to vector<256x128xf32>
    %mul3A_26 = arith.mulf %mul3A_24, %mul3A_25 : vector<256x128xf32>
    %slice3A = vector.extract_strided_slice %mul3A_26 {offsets = [0, 0], sizes = [256, 64], strides = [1, 1]} : vector<256x128xf32> to vector<256x64xf32>
    %slice3A_27 = vector.extract_strided_slice %mul3A_26 {offsets = [0, 64], sizes = [256, 64], strides = [1, 1]} : vector<256x128xf32> to vector<256x64xf32>
    %mul3A_28 = arith.mulf %slice3A, %cos3A : vector<256x64xf32>
    %mul3A_29 = arith.mulf %slice3A_27, %sin3A : vector<256x64xf32>
    %sub3A = arith.subf %mul3A_28, %mul3A_29 : vector<256x64xf32>
    %mul3A_30 = arith.mulf %slice3A_27, %cos3A : vector<256x64xf32>
    %mul3A_31 = arith.mulf %slice3A, %sin3A : vector<256x64xf32>
    %add3A_32 = arith.addf %mul3A_30, %mul3A_31 : vector<256x64xf32>
    %concatenate3A = tpu.concatenate %sub3A, %add3A_32 in 1 : vector<256x64xf32>, vector<256x64xf32> -> vector<256x128xf32>
    %swap3A = arith.constant 0 : index
    %swap3A_33 = arith.constant 0 : index
    %swap3A_34 = vector.load %arg5[%swap3A, %swap3A_33] : memref<256x4096xf32, #tpu.memory_space<vmem>>, vector<256x128xf32>
    tpu.vector_store %arg5[%swap3A, %swap3A_33], %concatenate3A {strides = array<i32>} : memref<256x4096xf32, #tpu.memory_space<vmem>>, vector<256x128xf32>,
    %get3A_35 = arith.constant 0 : index
    %get3A_36 = arith.constant 128 : index
    %get3A_37 = vector.load %arg1[%get3A_35, %get3A_36] : memref<256x6144xf32, #tpu.memory_space<vmem>>, vector<256x128xf32>
    %mul3A_38 = arith.mulf %get3A_37, %get3A_37 : vector<256x128xf32>
    %reduce_sum3A_39 = arith.constant dense<0.000000e+00> : vector<256xf32>
    %reduce_sum3A_40 = vector.multi_reduction <add>, %mul3A_38, %reduce_sum3A_39 [1] : vector<256x128xf32> to vector<256xf32>
    %broadcast_in_dim3A_41 = vector.shape_cast %reduce_sum3A_40 : vector<256xf32> to vector<256x1xf32>
    %div3A_42 = arith.constant 1.280000e+02 : f32
    %div3A_43 = vector.broadcast %div3A_42 : f32 to vector<256x1xf32>
    %div3A_44 = arith.divf %broadcast_in_dim3A_41, %div3A_43 : vector<256x1xf32>
    %add3A_45 = arith.constant 9.99999997E-7 : f32
    %add3A_46 = vector.broadcast %add3A_45 : f32 to vector<256x1xf32>
    %add3A_47 = arith.addf %div3A_44, %add3A_46 : vector<256x1xf32>
    %rsqrt3A_48 = math.rsqrt %add3A_47 : vector<256x1xf32>
    %mul3A_49 = vector.broadcast %rsqrt3A_48 : vector<256x1xf32> to vector<256x128xf32>
    %mul3A_50 = arith.mulf %get3A_37, %mul3A_49 : vector<256x128xf32>
    %mul3A_51 = vector.broadcast %get3A_10 : vector<1x128xf32> to vector<256x128xf32>
    %mul3A_52 = arith.mulf %mul3A_50, %mul3A_51 : vector<256x128xf32>
    %slice3A_53 = vector.extract_strided_slice %mul3A_52 {offsets = [0, 0], sizes = [256, 64], strides = [1, 1]} : vector<256x128xf32> to vector<256x64xf32>
    %slice3A_54 = vector.extract_strided_slice %mul3A_52 {offsets = [0, 64], sizes = [256, 64], strides = [1, 1]} : vector<256x128xf32> to vector<256x64xf32>
    %mul3A_55 = arith.mulf %slice3A_53, %cos3A : vector<256x64xf32>
    %mul3A_56 = arith.mulf %slice3A_54, %sin3A : vector<256x64xf32>
    %sub3A_57 = arith.subf %mul3A_55, %mul3A_56 : vector<256x64xf32>
    %mul3A_58 = arith.mulf %slice3A_54, %cos3A : vector<256x64xf32>
    %mul3A_59 = arith.mulf %slice3A_53, %sin3A : vector<256x64xf32>
    %add3A_60 = arith.addf %mul3A_58, %mul3A_59 : vector<256x64xf32>
    %concatenate3A_61 = tpu.concatenate %sub3A_57, %add3A_60 in 1 : vector<256x64xf32>, vector<256x64xf32> -> vector<256x128xf32>
    %swap3A_62 = arith.constant 0 : index
    %swap3A_63 = arith.constant 128 : index
    %swap3A_64 = vector.load %arg5[%swap3A_62, %swap3A_63] : memref<256x4096xf32, #tpu.memory_space<vmem>>, vector<256x128xf32>
    tpu.vector_store %arg5[%swap3A_62, %swap3A_63], %concatenate3A_61 {strides = array<i32>} : memref<256x4096xf32, #tpu.memory_space<vmem>>, vector<256x128xf32>,
    %get3A_65 = arith.constant 0 : index
    %get3A_66 = arith.constant 256 : index
    %get3A_67 = vector.load %arg1[%get3A_65, %get3A_66] : memref<256x6144xf32, #tpu.memory_space<vmem>>, vector<256x128xf32>
    %mul3A_68 = arith.mulf %get3A_67, %get3A_67 : vector<256x128xf32>
    %reduce_sum3A_69 = arith.constant dense<0.000000e+00> : vector<256xf32>
    %reduce_sum3A_70 = vector.multi_reduction <add>, %mul3A_68, %reduce_sum3A_69 [1] : vector<256x128xf32> to vector<256xf32>
    %broadcast_in_dim3A_71 = vector.shape_cast %reduce_sum3A_70 : vector<256xf32> to vector<256x1xf32>
    %div3A_72 = arith.constant 1.280000e+02 : f32
    %div3A_73 = vector.broadcast %div3A_72 : f32 to vector<256x1xf32>
    %div3A_74 = arith.divf %broadcast_in_dim3A_71, %div3A_73 : vector<256x1xf32>
    %add3A_75 = arith.constant 9.99999997E-7 : f32
    %add3A_76 = vector.broadcast %add3A_75 : f32 to vector<256x1xf32>
    %add3A_77 = arith.addf %div3A_74, %add3A_76 : vector<256x1xf32>
    %rsqrt3A_78 = math.rsqrt %add3A_77 : vector<256x1xf32>
    %mul3A_79 = vector.broadcast %rsqrt3A_78 : vector<256x1xf32> to vector<256x128xf32>
    %mul3A_80 = arith.mulf %get3A_67, %mul3A_79 : vector<256x128xf32>
    %mul3A_81 = vector.broadcast %get3A_10 : vector<1x128xf32> to vector<256x128xf32>
    %mul3A_82 = arith.mulf %mul3A_80, %mul3A_81 : vector<256x128xf32>
    %slice3A_83 = vector.extract_strided_slice %mul3A_82 {offsets = [0, 0], sizes = [256, 64], strides = [1, 1]} : vector<256x128xf32> to vector<256x64xf32>
    %slice3A_84 = vector.extract_strided_slice %mul3A_82 {offsets = [0, 64], sizes = [256, 64], strides = [1, 1]} : vector<256x128xf32> to vector<256x64xf32>
    %mul3A_85 = arith.mulf %slice3A_83, %cos3A : vector<256x64xf32>
    %mul3A_86 = arith.mulf %slice3A_84, %sin3A : vector<256x64xf32>
    %sub3A_87 = arith.subf %mul3A_85, %mul3A_86 : vector<256x64xf32>
    %mul3A_88 = arith.mulf %slice3A_84, %cos3A : vector<256x64xf32>
    %mul3A_89 = arith.mulf %slice3A_83, %sin3A : vector<256x64xf32>
    %add3A_90 = arith.addf %mul3A_88, %mul3A_89 : vector<256x64xf32>
    %concatenate3A_91 = tpu.concatenate %sub3A_87, %add3A_90 in 1 : vector<256x64xf32>, vector<256x64xf32> -> vector<256x128xf32>
    %swap3A_92 = arith.constant 0 : index
    %swap3A_93 = arith.constant 256 : index
    %swap3A_94 = vector.load %arg5[%swap3A_92, %swap3A_93] : memref<256x4096xf32, #tpu.memory_space<vmem>>, vector<256x128xf32>
    tpu.vector_store %arg5[%swap3A_92, %swap3A_93], %concatenate3A_91 {strides = array<i32>} : memref<256x4096xf32, #tpu.memory_space<vmem>>, vector<256x128xf32>,
    %get3A_95 = arith.constant 0 : index
    %get3A_96 = arith.constant 384 : index
    %get3A_97 = vector.load %arg1[%get3A_95, %get3A_96] : memref<256x6144xf32, #tpu.memory_space<vmem>>, vector<256x128xf32>
    %mul3A_98 = arith.mulf %get3A_97, %get3A_97 : vector<256x128xf32>
    %reduce_sum3A_99 = arith.constant dense<0.000000e+00> : vector<256xf32>
    %reduce_sum3A_100 = vector.multi_reduction <add>, %mul3A_98, %reduce_sum3A_99 [1] : vector<256x128xf32> to vector<256xf32>
    %broadcast_in_dim3A_101 = vector.shape_cast %reduce_sum3A_100 : vector<256xf32> to vector<256x1xf32>
    %div3A_102 = arith.constant 1.280000e+02 : f32
    %div3A_103 = vector.broadcast %div3A_102 : f32 to vector<256x1xf32>
    %div3A_104 = arith.divf %broadcast_in_dim3A_101, %div3A_103 : vector<256x1xf32>
    %add3A_105 = arith.constant 9.99999997E-7 : f32
    %add3A_106 = vector.broadcast %add3A_105 : f32 to vector<256x1xf32>
    %add3A_107 = arith.addf %div3A_104, %add3A_106 : vector<256x1xf32>
    %rsqrt3A_108 = math.rsqrt %add3A_107 : vector<256x1xf32>
    %mul3A_109 = vector.broadcast %rsqrt3A_108 : vector<256x1xf32> to vector<256x128xf32>
    %mul3A_110 = arith.mulf %get3A_97, %mul3A_109 : vector<256x128xf32>
    %mul3A_111 = vector.broadcast %get3A_10 : vector<1x128xf32> to vector<256x128xf32>
    %mul3A_112 = arith.mulf %mul3A_110, %mul3A_111 : vector<256x128xf32>
    %slice3A_113 = vector.extract_strided_slice %mul3A_112 {offsets = [0, 0], sizes = [256, 64], strides = [1, 1]} : vector<256x128xf32> to vector<256x64xf32>
    %slice3A_114 = vector.extract_strided_slice %mul3A_112 {offsets = [0, 64], sizes = [256, 64], strides = [1, 1]} : vector<256x128xf32> to vector<256x64xf32>
    %mul3A_115 = arith.mulf %slice3A_113, %cos3A : vector<256x64xf32>
    %mul3A_116 = arith.mulf %slice3A_114, %sin3A : vector<256x64xf32>
    %sub3A_117 = arith.subf %mul3A_115, %mul3A_116 : vector<256x64xf32>
    %mul3A_118 = arith.mulf %slice3A_114, %cos3A : vector<256x64xf32>
    %mul3A_119 = arith.mulf %slice3A_113, %sin3A : vector<256x64xf32>
    %add3A_120 = arith.addf %mul3A_118, %mul3A_119 : vector<256x64xf32>
    %concatenate3A_121 = tpu.concatenate %sub3A_117, %add3A_120 in 1 : vector<256x64xf32>, vector<256x64xf32> -> vector<256x128xf32>
    %swap3A_122 = arith.constant 0 : index
    %swap3A_123 = arith.constant 384 : index
    %swap3A_124 = vector.load %arg5[%swap3A_122, %swap3A_123] : memref<256x4096xf32, #tpu.memory_space<vmem>>, vector<256x128xf32>
    tpu.vector_store %arg5[%swap3A_122, %swap3A_123], %concatenate3A_121 {strides = array<i32>} : memref<256x4096xf32, #tpu.memory_space<vmem>>, vector<256x128xf32>,
    %get3A_125 = arith.constant 0 : index
    %get3A_126 = arith.constant 512 : index
    %get3A_127 = vector.load %arg1[%get3A_125, %get3A_126] : memref<256x6144xf32, #tpu.memory_space<vmem>>, vector<256x128xf32>
    %mul3A_128 = arith.mulf %get3A_127, %get3A_127 : vector<256x128xf32>
    %reduce_sum3A_129 = arith.constant dense<0.000000e+00> : vector<256xf32>
    %reduce_sum3A_130 = vector.multi_reduction <add>, %mul3A_128, %reduce_sum3A_129 [1] : vector<256x128xf32> to vector<256xf32>
    %broadcast_in_dim3A_131 = vector.shape_cast %reduce_sum3A_130 : vector<256xf32> to vector<256x1xf32>
    %div3A_132 = arith.constant 1.280000e+02 : f32
    %div3A_133 = vector.broadcast %div3A_132 : f32 to vector<256x1xf32>
    %div3A_134 = arith.divf %broadcast_in_dim3A_131, %div3A_133 : vector<256x1xf32>
    %add3A_135 = arith.constant 9.99999997E-7 : f32
    %add3A_136 = vector.broadcast %add3A_135 : f32 to vector<256x1xf32>
    %add3A_137 = arith.addf %div3A_134, %add3A_136 : vector<256x1xf32>
    %rsqrt3A_138 = math.rsqrt %add3A_137 : vector<256x1xf32>
    %mul3A_139 = vector.broadcast %rsqrt3A_138 : vector<256x1xf32> to vector<256x128xf32>
    %mul3A_140 = arith.mulf %get3A_127, %mul3A_139 : vector<256x128xf32>
    %mul3A_141 = vector.broadcast %get3A_10 : vector<1x128xf32> to vector<256x128xf32>
    %mul3A_142 = arith.mulf %mul3A_140, %mul3A_141 : vector<256x128xf32>
    %slice3A_143 = vector.extract_strided_slice %mul3A_142 {offsets = [0, 0], sizes = [256, 64], strides = [1, 1]} : vector<256x128xf32> to vector<256x64xf32>
    %slice3A_144 = vector.extract_strided_slice %mul3A_142 {offsets = [0, 64], sizes = [256, 64], strides = [1, 1]} : vector<256x128xf32> to vector<256x64xf32>
    %mul3A_145 = arith.mulf %slice3A_143, %cos3A : vector<256x64xf32>
    %mul3A_146 = arith.mulf %slice3A_144, %sin3A : vector<256x64xf32>
    %sub3A_147 = arith.subf %mul3A_145, %mul3A_146 : vector<256x64xf32>
    %mul3A_148 = arith.mulf %slice3A_144, %cos3A : vector<256x64xf32>
    %mul3A_149 = arith.mulf %slice3A_143, %sin3A : vector<256x64xf32>
    %add3A_150 = arith.addf %mul3A_148, %mul3A_149 : vector<256x64xf32>
    %concatenate3A_151 = tpu.concatenate %sub3A_147, %add3A_150 in 1 : vector<256x64xf32>, vector<256x64xf32> -> vector<256x128xf32>
    %swap3A_152 = arith.constant 0 : index
    %swap3A_153 = arith.constant 512 : index
    %swap3A_154 = vector.load %arg5[%swap3A_152, %swap3A_153] : memref<256x4096xf32, #tpu.memory_space<vmem>>, vector<256x128xf32>
    tpu.vector_store %arg5[%swap3A_152, %swap3A_153], %concatenate3A_151 {strides = array<i32>} : memref<256x4096xf32, #tpu.memory_space<vmem>>, vector<256x128xf32>,
    %get3A_155 = arith.constant 0 : index
    %get3A_156 = arith.constant 640 : index
    %get3A_157 = vector.load %arg1[%get3A_155, %get3A_156] : memref<256x6144xf32, #tpu.memory_space<vmem>>, vector<256x128xf32>
    %mul3A_158 = arith.mulf %get3A_157, %get3A_157 : vector<256x128xf32>
    %reduce_sum3A_159 = arith.constant dense<0.000000e+00> : vector<256xf32>
    %reduce_sum3A_160 = vector.multi_reduction <add>, %mul3A_158, %reduce_sum3A_159 [1] : vector<256x128xf32> to vector<256xf32>
    %broadcast_in_dim3A_161 = vector.shape_cast %reduce_sum3A_160 : vector<256xf32> to vector<256x1xf32>
    %div3A_162 = arith.constant 1.280000e+02 : f32
    %div3A_163 = vector.broadcast %div3A_162 : f32 to vector<256x1xf32>
    %div3A_164 = arith.divf %broadcast_in_dim3A_161, %div3A_163 : vector<256x1xf32>
    %add3A_165 = arith.constant 9.99999997E-7 : f32
    %add3A_166 = vector.broadcast %add3A_165 : f32 to vector<256x1xf32>
    %add3A_167 = arith.addf %div3A_164, %add3A_166 : vector<256x1xf32>
    %rsqrt3A_168 = math.rsqrt %add3A_167 : vector<256x1xf32>
    %mul3A_169 = vector.broadcast %rsqrt3A_168 : vector<256x1xf32> to vector<256x128xf32>
    %mul3A_170 = arith.mulf %get3A_157, %mul3A_169 : vector<256x128xf32>
    %mul3A_171 = vector.broadcast %get3A_10 : vector<1x128xf32> to vector<256x128xf32>
    %mul3A_172 = arith.mulf %mul3A_170, %mul3A_171 : vector<256x128xf32>
    %slice3A_173 = vector.extract_strided_slice %mul3A_172 {offsets = [0, 0], sizes = [256, 64], strides = [1, 1]} : vector<256x128xf32> to vector<256x64xf32>
    %slice3A_174 = vector.extract_strided_slice %mul3A_172 {offsets = [0, 64], sizes = [256, 64], strides = [1, 1]} : vector<256x128xf32> to vector<256x64xf32>
    %mul3A_175 = arith.mulf %slice3A_173, %cos3A : vector<256x64xf32>
    %mul3A_176 = arith.mulf %slice3A_174, %sin3A : vector<256x64xf32>
    %sub3A_177 = arith.subf %mul3A_175, %mul3A_176 : vector<256x64xf32>
    %mul3A_178 = arith.mulf %slice3A_174, %cos3A : vector<256x64xf32>
    %mul3A_179 = arith.mulf %slice3A_173, %sin3A : vector<256x64xf32>
    %add3A_180 = arith.addf %mul3A_178, %mul3A_179 : vector<256x64xf32>
    %concatenate3A_181 = tpu.concatenate %sub3A_177, %add3A_180 in 1 : vector<256x64xf32>, vector<256x64xf32> -> vector<256x128xf32>
    %swap3A_182 = arith.constant 0 : index
    %swap3A_183 = arith.constant 640 : index
    %swap3A_184 = vector.load %arg5[%swap3A_182, %swap3A_183] : memref<256x4096xf32, #tpu.memory_space<vmem>>, vector<256x128xf32>
    tpu.vector_store %arg5[%swap3A_182, %swap3A_183], %concatenate3A_181 {strides = array<i32>} : memref<256x4096xf32, #tpu.memory_space<vmem>>, vector<256x128xf32>,
    %get3A_185 = arith.constant 0 : index
    %get3A_186 = arith.constant 768 : index
    %get3A_187 = vector.load %arg1[%get3A_185, %get3A_186] : memref<256x6144xf32, #tpu.memory_space<vmem>>, vector<256x128xf32>
    %mul3A_188 = arith.mulf %get3A_187, %get3A_187 : vector<256x128xf32>
    %reduce_sum3A_189 = arith.constant dense<0.000000e+00> : vector<256xf32>
    %reduce_sum3A_190 = vector.multi_reduction <add>, %mul3A_188, %reduce_sum3A_189 [1] : vector<256x128xf32> to vector<256xf32>
    %broadcast_in_dim3A_191 = vector.shape_cast %reduce_sum3A_190 : vector<256xf32> to vector<256x1xf32>
    %div3A_192 = arith.constant 1.280000e+02 : f32
    %div3A_193 = vector.broadcast %div3A_192 : f32 to vector<256x1xf32>
    %div3A_194 = arith.divf %broadcast_in_dim3A_191, %div3A_193 : vector<256x1xf32>
    %add3A_195 = arith.constant 9.99999997E-7 : f32
    %add3A_196 = vector.broadcast %add3A_195 : f32 to vector<256x1xf32>
    %add3A_197 = arith.addf %div3A_194, %add3A_196 : vector<256x1xf32>
    %rsqrt3A_198 = math.rsqrt %add3A_197 : vector<256x1xf32>
    %mul3A_199 = vector.broadcast %rsqrt3A_198 : vector<256x1xf32> to vector<256x128xf32>
    %mul3A_200 = arith.mulf %get3A_187, %mul3A_199 : vector<256x128xf32>
    %mul3A_201 = vector.broadcast %get3A_10 : vector<1x128xf32> to vector<256x128xf32>
    %mul3A_202 = arith.mulf %mul3A_200, %mul3A_201 : vector<256x128xf32>
    %slice3A_203 = vector.extract_strided_slice %mul3A_202 {offsets = [0, 0], sizes = [256, 64], strides = [1, 1]} : vector<256x128xf32> to vector<256x64xf32>
    %slice3A_204 = vector.extract_strided_slice %mul3A_202 {offsets = [0, 64], sizes = [256, 64], strides = [1, 1]} : vector<256x128xf32> to vector<256x64xf32>
    %mul3A_205 = arith.mulf %slice3A_203, %cos3A : vector<256x64xf32>
    %mul3A_206 = arith.mulf %slice3A_204, %sin3A : vector<256x64xf32>
    %sub3A_207 = arith.subf %mul3A_205, %mul3A_206 : vector<256x64xf32>
    %mul3A_208 = arith.mulf %slice3A_204, %cos3A : vector<256x64xf32>
    %mul3A_209 = arith.mulf %slice3A_203, %sin3A : vector<256x64xf32>
    %add3A_210 = arith.addf %mul3A_208, %mul3A_209 : vector<256x64xf32>
    %concatenate3A_211 = tpu.concatenate %sub3A_207, %add3A_210 in 1 : vector<256x64xf32>, vector<256x64xf32> -> vector<256x128xf32>
    %swap3A_212 = arith.constant 0 : index
    %swap3A_213 = arith.constant 768 : index
    %swap3A_214 = vector.load %arg5[%swap3A_212, %swap3A_213] : memref<256x4096xf32, #tpu.memory_space<vmem>>, vector<256x128xf32>
    tpu.vector_store %arg5[%swap3A_212, %swap3A_213], %concatenate3A_211 {strides = array<i32>} : memref<256x4096xf32, #tpu.memory_space<vmem>>, vector<256x128xf32>,
    %get3A_215 = arith.constant 0 : index
    %get3A_216 = arith.constant 896 : index
    %get3A_217 = vector.load %arg1[%get3A_215, %get3A_216] : memref<256x6144xf32, #tpu.memory_space<vmem>>, vector<256x128xf32>
    %mul3A_218 = arith.mulf %get3A_217, %get3A_217 : vector<256x128xf32>
    %reduce_sum3A_219 = arith.constant dense<0.000000e+00> : vector<256xf32>
    %reduce_sum3A_220 = vector.multi_reduction <add>, %mul3A_218, %reduce_sum3A_219 [1] : vector<256x128xf32> to vector<256xf32>
    %broadcast_in_dim3A_221 = vector.shape_cast %reduce_sum3A_220 : vector<256xf32> to vector<256x1xf32>
    %div3A_222 = arith.constant 1.280000e+02 : f32
    %div3A_223 = vector.broadcast %div3A_222 : f32 to vector<256x1xf32>
    %div3A_224 = arith.divf %broadcast_in_dim3A_221, %div3A_223 : vector<256x1xf32>
    %add3A_225 = arith.constant 9.99999997E-7 : f32
    %add3A_226 = vector.broadcast %add3A_225 : f32 to vector<256x1xf32>
    %add3A_227 = arith.addf %div3A_224, %add3A_226 : vector<256x1xf32>
    %rsqrt3A_228 = math.rsqrt %add3A_227 : vector<256x1xf32>
    %mul3A_229 = vector.broadcast %rsqrt3A_228 : vector<256x1xf32> to vector<256x128xf32>
    %mul3A_230 = arith.mulf %get3A_217, %mul3A_229 : vector<256x128xf32>
    %mul3A_231 = vector.broadcast %get3A_10 : vector<1x128xf32> to vector<256x128xf32>
    %mul3A_232 = arith.mulf %mul3A_230, %mul3A_231 : vector<256x128xf32>
    %slice3A_233 = vector.extract_strided_slice %mul3A_232 {offsets = [0, 0], sizes = [256, 64], strides = [1, 1]} : vector<256x128xf32> to vector<256x64xf32>
    %slice3A_234 = vector.extract_strided_slice %mul3A_232 {offsets = [0, 64], sizes = [256, 64], strides = [1, 1]} : vector<256x128xf32> to vector<256x64xf32>
    %mul3A_235 = arith.mulf %slice3A_233, %cos3A : vector<256x64xf32>
    %mul3A_236 = arith.mulf %slice3A_234, %sin3A : vector<256x64xf32>
    %sub3A_237 = arith.subf %mul3A_235, %mul3A_236 : vector<256x64xf32>
    %mul3A_238 = arith.mulf %slice3A_234, %cos3A : vector<256x64xf32>
    %mul3A_239 = arith.mulf %slice3A_233, %sin3A : vector<256x64xf32>
    %add3A_240 = arith.addf %mul3A_238, %mul3A_239 : vector<256x64xf32>
    %concatenate3A_241 = tpu.concatenate %sub3A_237, %add3A_240 in 1 : vector<256x64xf32>, vector<256x64xf32> -> vector<256x128xf32>
    %swap3A_242 = arith.constant 0 : index
    %swap3A_243 = arith.constant 896 : index
    %swap3A_244 = vector.load %arg5[%swap3A_242, %swap3A_243] : memref<256x4096xf32, #tpu.memory_space<vmem>>, vector<256x128xf32>
    tpu.vector_store %arg5[%swap3A_242, %swap3A_243], %concatenate3A_241 {strides = array<i32>} : memref<256x4096xf32, #tpu.memory_space<vmem>>, vector<256x128xf32>,
    %get3A_245 = arith.constant 0 : index
    %get3A_246 = arith.constant 1024 : index
    %get3A_247 = vector.load %arg1[%get3A_245, %get3A_246] : memref<256x6144xf32, #tpu.memory_space<vmem>>, vector<256x128xf32>
    %mul3A_248 = arith.mulf %get3A_247, %get3A_247 : vector<256x128xf32>
    %reduce_sum3A_249 = arith.constant dense<0.000000e+00> : vector<256xf32>
    %reduce_sum3A_250 = vector.multi_reduction <add>, %mul3A_248, %reduce_sum3A_249 [1] : vector<256x128xf32> to vector<256xf32>
    %broadcast_in_dim3A_251 = vector.shape_cast %reduce_sum3A_250 : vector<256xf32> to vector<256x1xf32>
    %div3A_252 = arith.constant 1.280000e+02 : f32
    %div3A_253 = vector.broadcast %div3A_252 : f32 to vector<256x1xf32>
    %div3A_254 = arith.divf %broadcast_in_dim3A_251, %div3A_253 : vector<256x1xf32>
    %add3A_255 = arith.constant 9.99999997E-7 : f32
    %add3A_256 = vector.broadcast %add3A_255 : f32 to vector<256x1xf32>
    %add3A_257 = arith.addf %div3A_254, %add3A_256 : vector<256x1xf32>
    %rsqrt3A_258 = math.rsqrt %add3A_257 : vector<256x1xf32>
    %mul3A_259 = vector.broadcast %rsqrt3A_258 : vector<256x1xf32> to vector<256x128xf32>
    %mul3A_260 = arith.mulf %get3A_247, %mul3A_259 : vector<256x128xf32>
    %mul3A_261 = vector.broadcast %get3A_10 : vector<1x128xf32> to vector<256x128xf32>
    %mul3A_262 = arith.mulf %mul3A_260, %mul3A_261 : vector<256x128xf32>
    %slice3A_263 = vector.extract_strided_slice %mul3A_262 {offsets = [0, 0], sizes = [256, 64], strides = [1, 1]} : vector<256x128xf32> to vector<256x64xf32>
    %slice3A_264 = vector.extract_strided_slice %mul3A_262 {offsets = [0, 64], sizes = [256, 64], strides = [1, 1]} : vector<256x128xf32> to vector<256x64xf32>
    %mul3A_265 = arith.mulf %slice3A_263, %cos3A : vector<256x64xf32>
    %mul3A_266 = arith.mulf %slice3A_264, %sin3A : vector<256x64xf32>
    %sub3A_267 = arith.subf %mul3A_265, %mul3A_266 : vector<256x64xf32>
    %mul3A_268 = arith.mulf %slice3A_264, %cos3A : vector<256x64xf32>
    %mul3A_269 = arith.mulf %slice3A_263, %sin3A : vector<256x64xf32>
    %add3A_270 = arith.addf %mul3A_268, %mul3A_269 : vector<256x64xf32>
    %concatenate3A_271 = tpu.concatenate %sub3A_267, %add3A_270 in 1 : vector<256x64xf32>, vector<256x64xf32> -> vector<256x128xf32>
    %swap3A_272 = arith.constant 0 : index
    %swap3A_273 = arith.constant 1024 : index
    %swap3A_274 = vector.load %arg5[%swap3A_272, %swap3A_273] : memref<256x4096xf32, #tpu.memory_space<vmem>>, vector<256x128xf32>
    tpu.vector_store %arg5[%swap3A_272, %swap3A_273], %concatenate3A_271 {strides = array<i32>} : memref<256x4096xf32, #tpu.memory_space<vmem>>, vector<256x128xf32>,
    %get3A_275 = arith.constant 0 : index
    %get3A_276 = arith.constant 1152 : index
    %get3A_277 = vector.load %arg1[%get3A_275, %get3A_276] : memref<256x6144xf32, #tpu.memory_space<vmem>>, vector<256x128xf32>
    %mul3A_278 = arith.mulf %get3A_277, %get3A_277 : vector<256x128xf32>
    %reduce_sum3A_279 = arith.constant dense<0.000000e+00> : vector<256xf32>
    %reduce_sum3A_280 = vector.multi_reduction <add>, %mul3A_278, %reduce_sum3A_279 [1] : vector<256x128xf32> to vector<256xf32>
    %broadcast_in_dim3A_281 = vector.shape_cast %reduce_sum3A_280 : vector<256xf32> to vector<256x1xf32>
    %div3A_282 = arith.constant 1.280000e+02 : f32
    %div3A_283 = vector.broadcast %div3A_282 : f32 to vector<256x1xf32>
    %div3A_284 = arith.divf %broadcast_in_dim3A_281, %div3A_283 : vector<256x1xf32>
    %add3A_285 = arith.constant 9.99999997E-7 : f32
    %add3A_286 = vector.broadcast %add3A_285 : f32 to vector<256x1xf32>
    %add3A_287 = arith.addf %div3A_284, %add3A_286 : vector<256x1xf32>
    %rsqrt3A_288 = math.rsqrt %add3A_287 : vector<256x1xf32>
    %mul3A_289 = vector.broadcast %rsqrt3A_288 : vector<256x1xf32> to vector<256x128xf32>
    %mul3A_290 = arith.mulf %get3A_277, %mul3A_289 : vector<256x128xf32>
    %mul3A_291 = vector.broadcast %get3A_10 : vector<1x128xf32> to vector<256x128xf32>
    %mul3A_292 = arith.mulf %mul3A_290, %mul3A_291 : vector<256x128xf32>
    %slice3A_293 = vector.extract_strided_slice %mul3A_292 {offsets = [0, 0], sizes = [256, 64], strides = [1, 1]} : vector<256x128xf32> to vector<256x64xf32>
    %slice3A_294 = vector.extract_strided_slice %mul3A_292 {offsets = [0, 64], sizes = [256, 64], strides = [1, 1]} : vector<256x128xf32> to vector<256x64xf32>
    %mul3A_295 = arith.mulf %slice3A_293, %cos3A : vector<256x64xf32>
    %mul3A_296 = arith.mulf %slice3A_294, %sin3A : vector<256x64xf32>
    %sub3A_297 = arith.subf %mul3A_295, %mul3A_296 : vector<256x64xf32>
    %mul3A_298 = arith.mulf %slice3A_294, %cos3A : vector<256x64xf32>
    %mul3A_299 = arith.mulf %slice3A_293, %sin3A : vector<256x64xf32>
    %add3A_300 = arith.addf %mul3A_298, %mul3A_299 : vector<256x64xf32>
    %concatenate3A_301 = tpu.concatenate %sub3A_297, %add3A_300 in 1 : vector<256x64xf32>, vector<256x64xf32> -> vector<256x128xf32>
    %swap3A_302 = arith.constant 0 : index
    %swap3A_303 = arith.constant 1152 : index
    %swap3A_304 = vector.load %arg5[%swap3A_302, %swap3A_303] : memref<256x4096xf32, #tpu.memory_space<vmem>>, vector<256x128xf32>
    tpu.vector_store %arg5[%swap3A_302, %swap3A_303], %concatenate3A_301 {strides = array<i32>} : memref<256x4096xf32, #tpu.memory_space<vmem>>, vector<256x128xf32>,
    %get3A_305 = arith.constant 0 : index
    %get3A_306 = arith.constant 1280 : index
    %get3A_307 = vector.load %arg1[%get3A_305, %get3A_306] : memref<256x6144xf32, #tpu.memory_space<vmem>>, vector<256x128xf32>
    %mul3A_308 = arith.mulf %get3A_307, %get3A_307 : vector<256x128xf32>
    %reduce_sum3A_309 = arith.constant dense<0.000000e+00> : vector<256xf32>
    %reduce_sum3A_310 = vector.multi_reduction <add>, %mul3A_308, %reduce_sum3A_309 [1] : vector<256x128xf32> to vector<256xf32>
    %broadcast_in_dim3A_311 = vector.shape_cast %reduce_sum3A_310 : vector<256xf32> to vector<256x1xf32>
    %div3A_312 = arith.constant 1.280000e+02 : f32
    %div3A_313 = vector.broadcast %div3A_312 : f32 to vector<256x1xf32>
    %div3A_314 = arith.divf %broadcast_in_dim3A_311, %div3A_313 : vector<256x1xf32>
    %add3A_315 = arith.constant 9.99999997E-7 : f32
    %add3A_316 = vector.broadcast %add3A_315 : f32 to vector<256x1xf32>
    %add3A_317 = arith.addf %div3A_314, %add3A_316 : vector<256x1xf32>
    %rsqrt3A_318 = math.rsqrt %add3A_317 : vector<256x1xf32>
    %mul3A_319 = vector.broadcast %rsqrt3A_318 : vector<256x1xf32> to vector<256x128xf32>
    %mul3A_320 = arith.mulf %get3A_307, %mul3A_319 : vector<256x128xf32>
    %mul3A_321 = vector.broadcast %get3A_10 : vector<1x128xf32> to vector<256x128xf32>
    %mul3A_322 = arith.mulf %mul3A_320, %mul3A_321 : vector<256x128xf32>
    %slice3A_323 = vector.extract_strided_slice %mul3A_322 {offsets = [0, 0], sizes = [256, 64], strides = [1, 1]} : vector<256x128xf32> to vector<256x64xf32>
    %slice3A_324 = vector.extract_strided_slice %mul3A_322 {offsets = [0, 64], sizes = [256, 64], strides = [1, 1]} : vector<256x128xf32> to vector<256x64xf32>
    %mul3A_325 = arith.mulf %slice3A_323, %cos3A : vector<256x64xf32>
    %mul3A_326 = arith.mulf %slice3A_324, %sin3A : vector<256x64xf32>
    %sub3A_327 = arith.subf %mul3A_325, %mul3A_326 : vector<256x64xf32>
    %mul3A_328 = arith.mulf %slice3A_324, %cos3A : vector<256x64xf32>
    %mul3A_329 = arith.mulf %slice3A_323, %sin3A : vector<256x64xf32>
    %add3A_330 = arith.addf %mul3A_328, %mul3A_329 : vector<256x64xf32>
    %concatenate3A_331 = tpu.concatenate %sub3A_327, %add3A_330 in 1 : vector<256x64xf32>, vector<256x64xf32> -> vector<256x128xf32>
    %swap3A_332 = arith.constant 0 : index
    %swap3A_333 = arith.constant 1280 : index
    %swap3A_334 = vector.load %arg5[%swap3A_332, %swap3A_333] : memref<256x4096xf32, #tpu.memory_space<vmem>>, vector<256x128xf32>
    tpu.vector_store %arg5[%swap3A_332, %swap3A_333], %concatenate3A_331 {strides = array<i32>} : memref<256x4096xf32, #tpu.memory_space<vmem>>, vector<256x128xf32>,
    %get3A_335 = arith.constant 0 : index
    %get3A_336 = arith.constant 1408 : index
    %get3A_337 = vector.load %arg1[%get3A_335, %get3A_336] : memref<256x6144xf32, #tpu.memory_space<vmem>>, vector<256x128xf32>
    %mul3A_338 = arith.mulf %get3A_337, %get3A_337 : vector<256x128xf32>
    %reduce_sum3A_339 = arith.constant dense<0.000000e+00> : vector<256xf32>
    %reduce_sum3A_340 = vector.multi_reduction <add>, %mul3A_338, %reduce_sum3A_339 [1] : vector<256x128xf32> to vector<256xf32>
    %broadcast_in_dim3A_341 = vector.shape_cast %reduce_sum3A_340 : vector<256xf32> to vector<256x1xf32>
    %div3A_342 = arith.constant 1.280000e+02 : f32
    %div3A_343 = vector.broadcast %div3A_342 : f32 to vector<256x1xf32>
    %div3A_344 = arith.divf %broadcast_in_dim3A_341, %div3A_343 : vector<256x1xf32>
    %add3A_345 = arith.constant 9.99999997E-7 : f32
    %add3A_346 = vector.broadcast %add3A_345 : f32 to vector<256x1xf32>
    %add3A_347 = arith.addf %div3A_344, %add3A_346 : vector<256x1xf32>
    %rsqrt3A_348 = math.rsqrt %add3A_347 : vector<256x1xf32>
    %mul3A_349 = vector.broadcast %rsqrt3A_348 : vector<256x1xf32> to vector<256x128xf32>
    %mul3A_350 = arith.mulf %get3A_337, %mul3A_349 : vector<256x128xf32>
    %mul3A_351 = vector.broadcast %get3A_10 : vector<1x128xf32> to vector<256x128xf32>
    %mul3A_352 = arith.mulf %mul3A_350, %mul3A_351 : vector<256x128xf32>
    %slice3A_353 = vector.extract_strided_slice %mul3A_352 {offsets = [0, 0], sizes = [256, 64], strides = [1, 1]} : vector<256x128xf32> to vector<256x64xf32>
    %slice3A_354 = vector.extract_strided_slice %mul3A_352 {offsets = [0, 64], sizes = [256, 64], strides = [1, 1]} : vector<256x128xf32> to vector<256x64xf32>
    %mul3A_355 = arith.mulf %slice3A_353, %cos3A : vector<256x64xf32>
    %mul3A_356 = arith.mulf %slice3A_354, %sin3A : vector<256x64xf32>
    %sub3A_357 = arith.subf %mul3A_355, %mul3A_356 : vector<256x64xf32>
    %mul3A_358 = arith.mulf %slice3A_354, %cos3A : vector<256x64xf32>
    %mul3A_359 = arith.mulf %slice3A_353, %sin3A : vector<256x64xf32>
    %add3A_360 = arith.addf %mul3A_358, %mul3A_359 : vector<256x64xf32>
    %concatenate3A_361 = tpu.concatenate %sub3A_357, %add3A_360 in 1 : vector<256x64xf32>, vector<256x64xf32> -> vector<256x128xf32>
    %swap3A_362 = arith.constant 0 : index
    %swap3A_363 = arith.constant 1408 : index
    %swap3A_364 = vector.load %arg5[%swap3A_362, %swap3A_363] : memref<256x4096xf32, #tpu.memory_space<vmem>>, vector<256x128xf32>
    tpu.vector_store %arg5[%swap3A_362, %swap3A_363], %concatenate3A_361 {strides = array<i32>} : memref<256x4096xf32, #tpu.memory_space<vmem>>, vector<256x128xf32>,
    %get3A_365 = arith.constant 0 : index
    %get3A_366 = arith.constant 1536 : index
    %get3A_367 = vector.load %arg1[%get3A_365, %get3A_366] : memref<256x6144xf32, #tpu.memory_space<vmem>>, vector<256x128xf32>
    %mul3A_368 = arith.mulf %get3A_367, %get3A_367 : vector<256x128xf32>
    %reduce_sum3A_369 = arith.constant dense<0.000000e+00> : vector<256xf32>
    %reduce_sum3A_370 = vector.multi_reduction <add>, %mul3A_368, %reduce_sum3A_369 [1] : vector<256x128xf32> to vector<256xf32>
    %broadcast_in_dim3A_371 = vector.shape_cast %reduce_sum3A_370 : vector<256xf32> to vector<256x1xf32>
    %div3A_372 = arith.constant 1.280000e+02 : f32
    %div3A_373 = vector.broadcast %div3A_372 : f32 to vector<256x1xf32>
    %div3A_374 = arith.divf %broadcast_in_dim3A_371, %div3A_373 : vector<256x1xf32>
    %add3A_375 = arith.constant 9.99999997E-7 : f32
    %add3A_376 = vector.broadcast %add3A_375 : f32 to vector<256x1xf32>
    %add3A_377 = arith.addf %div3A_374, %add3A_376 : vector<256x1xf32>
    %rsqrt3A_378 = math.rsqrt %add3A_377 : vector<256x1xf32>
    %mul3A_379 = vector.broadcast %rsqrt3A_378 : vector<256x1xf32> to vector<256x128xf32>
    %mul3A_380 = arith.mulf %get3A_367, %mul3A_379 : vector<256x128xf32>
    %mul3A_381 = vector.broadcast %get3A_10 : vector<1x128xf32> to vector<256x128xf32>
    %mul3A_382 = arith.mulf %mul3A_380, %mul3A_381 : vector<256x128xf32>
    %slice3A_383 = vector.extract_strided_slice %mul3A_382 {offsets = [0, 0], sizes = [256, 64], strides = [1, 1]} : vector<256x128xf32> to vector<256x64xf32>
    %slice3A_384 = vector.extract_strided_slice %mul3A_382 {offsets = [0, 64], sizes = [256, 64], strides = [1, 1]} : vector<256x128xf32> to vector<256x64xf32>
    %mul3A_385 = arith.mulf %slice3A_383, %cos3A : vector<256x64xf32>
    %mul3A_386 = arith.mulf %slice3A_384, %sin3A : vector<256x64xf32>
    %sub3A_387 = arith.subf %mul3A_385, %mul3A_386 : vector<256x64xf32>
    %mul3A_388 = arith.mulf %slice3A_384, %cos3A : vector<256x64xf32>
    %mul3A_389 = arith.mulf %slice3A_383, %sin3A : vector<256x64xf32>
    %add3A_390 = arith.addf %mul3A_388, %mul3A_389 : vector<256x64xf32>
    %concatenate3A_391 = tpu.concatenate %sub3A_387, %add3A_390 in 1 : vector<256x64xf32>, vector<256x64xf32> -> vector<256x128xf32>
    %swap3A_392 = arith.constant 0 : index
    %swap3A_393 = arith.constant 1536 : index
    %swap3A_394 = vector.load %arg5[%swap3A_392, %swap3A_393] : memref<256x4096xf32, #tpu.memory_space<vmem>>, vector<256x128xf32>
    tpu.vector_store %arg5[%swap3A_392, %swap3A_393], %concatenate3A_391 {strides = array<i32>} : memref<256x4096xf32, #tpu.memory_space<vmem>>, vector<256x128xf32>,
    %get3A_395 = arith.constant 0 : index
    %get3A_396 = arith.constant 1664 : index
    %get3A_397 = vector.load %arg1[%get3A_395, %get3A_396] : memref<256x6144xf32, #tpu.memory_space<vmem>>, vector<256x128xf32>
    %mul3A_398 = arith.mulf %get3A_397, %get3A_397 : vector<256x128xf32>
    %reduce_sum3A_399 = arith.constant dense<0.000000e+00> : vector<256xf32>
    %reduce_sum3A_400 = vector.multi_reduction <add>, %mul3A_398, %reduce_sum3A_399 [1] : vector<256x128xf32> to vector<256xf32>
    %broadcast_in_dim3A_401 = vector.shape_cast %reduce_sum3A_400 : vector<256xf32> to vector<256x1xf32>
    %div3A_402 = arith.constant 1.280000e+02 : f32
    %div3A_403 = vector.broadcast %div3A_402 : f32 to vector<256x1xf32>
    %div3A_404 = arith.divf %broadcast_in_dim3A_401, %div3A_403 : vector<256x1xf32>
    %add3A_405 = arith.constant 9.99999997E-7 : f32
    %add3A_406 = vector.broadcast %add3A_405 : f32 to vector<256x1xf32>
    %add3A_407 = arith.addf %div3A_404, %add3A_406 : vector<256x1xf32>
    %rsqrt3A_408 = math.rsqrt %add3A_407 : vector<256x1xf32>
    %mul3A_409 = vector.broadcast %rsqrt3A_408 : vector<256x1xf32> to vector<256x128xf32>
    %mul3A_410 = arith.mulf %get3A_397, %mul3A_409 : vector<256x128xf32>
    %mul3A_411 = vector.broadcast %get3A_10 : vector<1x128xf32> to vector<256x128xf32>
    %mul3A_412 = arith.mulf %mul3A_410, %mul3A_411 : vector<256x128xf32>
    %slice3A_413 = vector.extract_strided_slice %mul3A_412 {offsets = [0, 0], sizes = [256, 64], strides = [1, 1]} : vector<256x128xf32> to vector<256x64xf32>
    %slice3A_414 = vector.extract_strided_slice %mul3A_412 {offsets = [0, 64], sizes = [256, 64], strides = [1, 1]} : vector<256x128xf32> to vector<256x64xf32>
    %mul3A_415 = arith.mulf %slice3A_413, %cos3A : vector<256x64xf32>
    %mul3A_416 = arith.mulf %slice3A_414, %sin3A : vector<256x64xf32>
    %sub3A_417 = arith.subf %mul3A_415, %mul3A_416 : vector<256x64xf32>
    %mul3A_418 = arith.mulf %slice3A_414, %cos3A : vector<256x64xf32>
    %mul3A_419 = arith.mulf %slice3A_413, %sin3A : vector<256x64xf32>
    %add3A_420 = arith.addf %mul3A_418, %mul3A_419 : vector<256x64xf32>
    %concatenate3A_421 = tpu.concatenate %sub3A_417, %add3A_420 in 1 : vector<256x64xf32>, vector<256x64xf32> -> vector<256x128xf32>
    %swap3A_422 = arith.constant 0 : index
    %swap3A_423 = arith.constant 1664 : index
    %swap3A_424 = vector.load %arg5[%swap3A_422, %swap3A_423] : memref<256x4096xf32, #tpu.memory_space<vmem>>, vector<256x128xf32>
    tpu.vector_store %arg5[%swap3A_422, %swap3A_423], %concatenate3A_421 {strides = array<i32>} : memref<256x4096xf32, #tpu.memory_space<vmem>>, vector<256x128xf32>,
    %get3A_425 = arith.constant 0 : index
    %get3A_426 = arith.constant 1792 : index
    %get3A_427 = vector.load %arg1[%get3A_425, %get3A_426] : memref<256x6144xf32, #tpu.memory_space<vmem>>, vector<256x128xf32>
    %mul3A_428 = arith.mulf %get3A_427, %get3A_427 : vector<256x128xf32>
    %reduce_sum3A_429 = arith.constant dense<0.000000e+00> : vector<256xf32>
    %reduce_sum3A_430 = vector.multi_reduction <add>, %mul3A_428, %reduce_sum3A_429 [1] : vector<256x128xf32> to vector<256xf32>
    %broadcast_in_dim3A_431 = vector.shape_cast %reduce_sum3A_430 : vector<256xf32> to vector<256x1xf32>
    %div3A_432 = arith.constant 1.280000e+02 : f32
    %div3A_433 = vector.broadcast %div3A_432 : f32 to vector<256x1xf32>
    %div3A_434 = arith.divf %broadcast_in_dim3A_431, %div3A_433 : vector<256x1xf32>
    %add3A_435 = arith.constant 9.99999997E-7 : f32
    %add3A_436 = vector.broadcast %add3A_435 : f32 to vector<256x1xf32>
    %add3A_437 = arith.addf %div3A_434, %add3A_436 : vector<256x1xf32>
    %rsqrt3A_438 = math.rsqrt %add3A_437 : vector<256x1xf32>
    %mul3A_439 = vector.broadcast %rsqrt3A_438 : vector<256x1xf32> to vector<256x128xf32>
    %mul3A_440 = arith.mulf %get3A_427, %mul3A_439 : vector<256x128xf32>
    %mul3A_441 = vector.broadcast %get3A_10 : vector<1x128xf32> to vector<256x128xf32>
    %mul3A_442 = arith.mulf %mul3A_440, %mul3A_441 : vector<256x128xf32>
    %slice3A_443 = vector.extract_strided_slice %mul3A_442 {offsets = [0, 0], sizes = [256, 64], strides = [1, 1]} : vector<256x128xf32> to vector<256x64xf32>
    %slice3A_444 = vector.extract_strided_slice %mul3A_442 {offsets = [0, 64], sizes = [256, 64], strides = [1, 1]} : vector<256x128xf32> to vector<256x64xf32>
    %mul3A_445 = arith.mulf %slice3A_443, %cos3A : vector<256x64xf32>
    %mul3A_446 = arith.mulf %slice3A_444, %sin3A : vector<256x64xf32>
    %sub3A_447 = arith.subf %mul3A_445, %mul3A_446 : vector<256x64xf32>
    %mul3A_448 = arith.mulf %slice3A_444, %cos3A : vector<256x64xf32>
    %mul3A_449 = arith.mulf %slice3A_443, %sin3A : vector<256x64xf32>
    %add3A_450 = arith.addf %mul3A_448, %mul3A_449 : vector<256x64xf32>
    %concatenate3A_451 = tpu.concatenate %sub3A_447, %add3A_450 in 1 : vector<256x64xf32>, vector<256x64xf32> -> vector<256x128xf32>
    %swap3A_452 = arith.constant 0 : index
    %swap3A_453 = arith.constant 1792 : index
    %swap3A_454 = vector.load %arg5[%swap3A_452, %swap3A_453] : memref<256x4096xf32, #tpu.memory_space<vmem>>, vector<256x128xf32>
    tpu.vector_store %arg5[%swap3A_452, %swap3A_453], %concatenate3A_451 {strides = array<i32>} : memref<256x4096xf32, #tpu.memory_space<vmem>>, vector<256x128xf32>,
    %get3A_455 = arith.constant 0 : index
    %get3A_456 = arith.constant 1920 : index
    %get3A_457 = vector.load %arg1[%get3A_455, %get3A_456] : memref<256x6144xf32, #tpu.memory_space<vmem>>, vector<256x128xf32>
    %mul3A_458 = arith.mulf %get3A_457, %get3A_457 : vector<256x128xf32>
    %reduce_sum3A_459 = arith.constant dense<0.000000e+00> : vector<256xf32>
    %reduce_sum3A_460 = vector.multi_reduction <add>, %mul3A_458, %reduce_sum3A_459 [1] : vector<256x128xf32> to vector<256xf32>
    %broadcast_in_dim3A_461 = vector.shape_cast %reduce_sum3A_460 : vector<256xf32> to vector<256x1xf32>
    %div3A_462 = arith.constant 1.280000e+02 : f32
    %div3A_463 = vector.broadcast %div3A_462 : f32 to vector<256x1xf32>
    %div3A_464 = arith.divf %broadcast_in_dim3A_461, %div3A_463 : vector<256x1xf32>
    %add3A_465 = arith.constant 9.99999997E-7 : f32
    %add3A_466 = vector.broadcast %add3A_465 : f32 to vector<256x1xf32>
    %add3A_467 = arith.addf %div3A_464, %add3A_466 : vector<256x1xf32>
    %rsqrt3A_468 = math.rsqrt %add3A_467 : vector<256x1xf32>
    %mul3A_469 = vector.broadcast %rsqrt3A_468 : vector<256x1xf32> to vector<256x128xf32>
    %mul3A_470 = arith.mulf %get3A_457, %mul3A_469 : vector<256x128xf32>
    %mul3A_471 = vector.broadcast %get3A_10 : vector<1x128xf32> to vector<256x128xf32>
    %mul3A_472 = arith.mulf %mul3A_470, %mul3A_471 : vector<256x128xf32>
    %slice3A_473 = vector.extract_strided_slice %mul3A_472 {offsets = [0, 0], sizes = [256, 64], strides = [1, 1]} : vector<256x128xf32> to vector<256x64xf32>
    %slice3A_474 = vector.extract_strided_slice %mul3A_472 {offsets = [0, 64], sizes = [256, 64], strides = [1, 1]} : vector<256x128xf32> to vector<256x64xf32>
    %mul3A_475 = arith.mulf %slice3A_473, %cos3A : vector<256x64xf32>
    %mul3A_476 = arith.mulf %slice3A_474, %sin3A : vector<256x64xf32>
    %sub3A_477 = arith.subf %mul3A_475, %mul3A_476 : vector<256x64xf32>
    %mul3A_478 = arith.mulf %slice3A_474, %cos3A : vector<256x64xf32>
    %mul3A_479 = arith.mulf %slice3A_473, %sin3A : vector<256x64xf32>
    %add3A_480 = arith.addf %mul3A_478, %mul3A_479 : vector<256x64xf32>
    %concatenate3A_481 = tpu.concatenate %sub3A_477, %add3A_480 in 1 : vector<256x64xf32>, vector<256x64xf32> -> vector<256x128xf32>
    %swap3A_482 = arith.constant 0 : index
    %swap3A_483 = arith.constant 1920 : index
    %swap3A_484 = vector.load %arg5[%swap3A_482, %swap3A_483] : memref<256x4096xf32, #tpu.memory_space<vmem>>, vector<256x128xf32>
    tpu.vector_store %arg5[%swap3A_482, %swap3A_483], %concatenate3A_481 {strides = array<i32>} : memref<256x4096xf32, #tpu.memory_space<vmem>>, vector<256x128xf32>,
    %get3A_485 = arith.constant 0 : index
    %get3A_486 = arith.constant 2048 : index
    %get3A_487 = vector.load %arg1[%get3A_485, %get3A_486] : memref<256x6144xf32, #tpu.memory_space<vmem>>, vector<256x128xf32>
    %mul3A_488 = arith.mulf %get3A_487, %get3A_487 : vector<256x128xf32>
    %reduce_sum3A_489 = arith.constant dense<0.000000e+00> : vector<256xf32>
    %reduce_sum3A_490 = vector.multi_reduction <add>, %mul3A_488, %reduce_sum3A_489 [1] : vector<256x128xf32> to vector<256xf32>
    %broadcast_in_dim3A_491 = vector.shape_cast %reduce_sum3A_490 : vector<256xf32> to vector<256x1xf32>
    %div3A_492 = arith.constant 1.280000e+02 : f32
    %div3A_493 = vector.broadcast %div3A_492 : f32 to vector<256x1xf32>
    %div3A_494 = arith.divf %broadcast_in_dim3A_491, %div3A_493 : vector<256x1xf32>
    %add3A_495 = arith.constant 9.99999997E-7 : f32
    %add3A_496 = vector.broadcast %add3A_495 : f32 to vector<256x1xf32>
    %add3A_497 = arith.addf %div3A_494, %add3A_496 : vector<256x1xf32>
    %rsqrt3A_498 = math.rsqrt %add3A_497 : vector<256x1xf32>
    %mul3A_499 = vector.broadcast %rsqrt3A_498 : vector<256x1xf32> to vector<256x128xf32>
    %mul3A_500 = arith.mulf %get3A_487, %mul3A_499 : vector<256x128xf32>
    %mul3A_501 = vector.broadcast %get3A_10 : vector<1x128xf32> to vector<256x128xf32>
    %mul3A_502 = arith.mulf %mul3A_500, %mul3A_501 : vector<256x128xf32>
    %slice3A_503 = vector.extract_strided_slice %mul3A_502 {offsets = [0, 0], sizes = [256, 64], strides = [1, 1]} : vector<256x128xf32> to vector<256x64xf32>
    %slice3A_504 = vector.extract_strided_slice %mul3A_502 {offsets = [0, 64], sizes = [256, 64], strides = [1, 1]} : vector<256x128xf32> to vector<256x64xf32>
    %mul3A_505 = arith.mulf %slice3A_503, %cos3A : vector<256x64xf32>
    %mul3A_506 = arith.mulf %slice3A_504, %sin3A : vector<256x64xf32>
    %sub3A_507 = arith.subf %mul3A_505, %mul3A_506 : vector<256x64xf32>
    %mul3A_508 = arith.mulf %slice3A_504, %cos3A : vector<256x64xf32>
    %mul3A_509 = arith.mulf %slice3A_503, %sin3A : vector<256x64xf32>
    %add3A_510 = arith.addf %mul3A_508, %mul3A_509 : vector<256x64xf32>
    %concatenate3A_511 = tpu.concatenate %sub3A_507, %add3A_510 in 1 : vector<256x64xf32>, vector<256x64xf32> -> vector<256x128xf32>
    %swap3A_512 = arith.constant 0 : index
    %swap3A_513 = arith.constant 2048 : index
    %swap3A_514 = vector.load %arg5[%swap3A_512, %swap3A_513] : memref<256x4096xf32, #tpu.memory_space<vmem>>, vector<256x128xf32>
    tpu.vector_store %arg5[%swap3A_512, %swap3A_513], %concatenate3A_511 {strides = array<i32>} : memref<256x4096xf32, #tpu.memory_space<vmem>>, vector<256x128xf32>,
    %get3A_515 = arith.constant 0 : index
    %get3A_516 = arith.constant 2176 : index
    %get3A_517 = vector.load %arg1[%get3A_515, %get3A_516] : memref<256x6144xf32, #tpu.memory_space<vmem>>, vector<256x128xf32>
    %mul3A_518 = arith.mulf %get3A_517, %get3A_517 : vector<256x128xf32>
    %reduce_sum3A_519 = arith.constant dense<0.000000e+00> : vector<256xf32>
    %reduce_sum3A_520 = vector.multi_reduction <add>, %mul3A_518, %reduce_sum3A_519 [1] : vector<256x128xf32> to vector<256xf32>
    %broadcast_in_dim3A_521 = vector.shape_cast %reduce_sum3A_520 : vector<256xf32> to vector<256x1xf32>
    %div3A_522 = arith.constant 1.280000e+02 : f32
    %div3A_523 = vector.broadcast %div3A_522 : f32 to vector<256x1xf32>
    %div3A_524 = arith.divf %broadcast_in_dim3A_521, %div3A_523 : vector<256x1xf32>
    %add3A_525 = arith.constant 9.99999997E-7 : f32
    %add3A_526 = vector.broadcast %add3A_525 : f32 to vector<256x1xf32>
    %add3A_527 = arith.addf %div3A_524, %add3A_526 : vector<256x1xf32>
    %rsqrt3A_528 = math.rsqrt %add3A_527 : vector<256x1xf32>
    %mul3A_529 = vector.broadcast %rsqrt3A_528 : vector<256x1xf32> to vector<256x128xf32>
    %mul3A_530 = arith.mulf %get3A_517, %mul3A_529 : vector<256x128xf32>
    %mul3A_531 = vector.broadcast %get3A_10 : vector<1x128xf32> to vector<256x128xf32>
    %mul3A_532 = arith.mulf %mul3A_530, %mul3A_531 : vector<256x128xf32>
    %slice3A_533 = vector.extract_strided_slice %mul3A_532 {offsets = [0, 0], sizes = [256, 64], strides = [1, 1]} : vector<256x128xf32> to vector<256x64xf32>
    %slice3A_534 = vector.extract_strided_slice %mul3A_532 {offsets = [0, 64], sizes = [256, 64], strides = [1, 1]} : vector<256x128xf32> to vector<256x64xf32>
    %mul3A_535 = arith.mulf %slice3A_533, %cos3A : vector<256x64xf32>
    %mul3A_536 = arith.mulf %slice3A_534, %sin3A : vector<256x64xf32>
    %sub3A_537 = arith.subf %mul3A_535, %mul3A_536 : vector<256x64xf32>
    %mul3A_538 = arith.mulf %slice3A_534, %cos3A : vector<256x64xf32>
    %mul3A_539 = arith.mulf %slice3A_533, %sin3A : vector<256x64xf32>
    %add3A_540 = arith.addf %mul3A_538, %mul3A_539 : vector<256x64xf32>
    %concatenate3A_541 = tpu.concatenate %sub3A_537, %add3A_540 in 1 : vector<256x64xf32>, vector<256x64xf32> -> vector<256x128xf32>
    %swap3A_542 = arith.constant 0 : index
    %swap3A_543 = arith.constant 2176 : index
    %swap3A_544 = vector.load %arg5[%swap3A_542, %swap3A_543] : memref<256x4096xf32, #tpu.memory_space<vmem>>, vector<256x128xf32>
    tpu.vector_store %arg5[%swap3A_542, %swap3A_543], %concatenate3A_541 {strides = array<i32>} : memref<256x4096xf32, #tpu.memory_space<vmem>>, vector<256x128xf32>,
    %get3A_545 = arith.constant 0 : index
    %get3A_546 = arith.constant 2304 : index
    %get3A_547 = vector.load %arg1[%get3A_545, %get3A_546] : memref<256x6144xf32, #tpu.memory_space<vmem>>, vector<256x128xf32>
    %mul3A_548 = arith.mulf %get3A_547, %get3A_547 : vector<256x128xf32>
    %reduce_sum3A_549 = arith.constant dense<0.000000e+00> : vector<256xf32>
    %reduce_sum3A_550 = vector.multi_reduction <add>, %mul3A_548, %reduce_sum3A_549 [1] : vector<256x128xf32> to vector<256xf32>
    %broadcast_in_dim3A_551 = vector.shape_cast %reduce_sum3A_550 : vector<256xf32> to vector<256x1xf32>
    %div3A_552 = arith.constant 1.280000e+02 : f32
    %div3A_553 = vector.broadcast %div3A_552 : f32 to vector<256x1xf32>
    %div3A_554 = arith.divf %broadcast_in_dim3A_551, %div3A_553 : vector<256x1xf32>
    %add3A_555 = arith.constant 9.99999997E-7 : f32
    %add3A_556 = vector.broadcast %add3A_555 : f32 to vector<256x1xf32>
    %add3A_557 = arith.addf %div3A_554, %add3A_556 : vector<256x1xf32>
    %rsqrt3A_558 = math.rsqrt %add3A_557 : vector<256x1xf32>
    %mul3A_559 = vector.broadcast %rsqrt3A_558 : vector<256x1xf32> to vector<256x128xf32>
    %mul3A_560 = arith.mulf %get3A_547, %mul3A_559 : vector<256x128xf32>
    %mul3A_561 = vector.broadcast %get3A_10 : vector<1x128xf32> to vector<256x128xf32>
    %mul3A_562 = arith.mulf %mul3A_560, %mul3A_561 : vector<256x128xf32>
    %slice3A_563 = vector.extract_strided_slice %mul3A_562 {offsets = [0, 0], sizes = [256, 64], strides = [1, 1]} : vector<256x128xf32> to vector<256x64xf32>
    %slice3A_564 = vector.extract_strided_slice %mul3A_562 {offsets = [0, 64], sizes = [256, 64], strides = [1, 1]} : vector<256x128xf32> to vector<256x64xf32>
    %mul3A_565 = arith.mulf %slice3A_563, %cos3A : vector<256x64xf32>
    %mul3A_566 = arith.mulf %slice3A_564, %sin3A : vector<256x64xf32>
    %sub3A_567 = arith.subf %mul3A_565, %mul3A_566 : vector<256x64xf32>
    %mul3A_568 = arith.mulf %slice3A_564, %cos3A : vector<256x64xf32>
    %mul3A_569 = arith.mulf %slice3A_563, %sin3A : vector<256x64xf32>
    %add3A_570 = arith.addf %mul3A_568, %mul3A_569 : vector<256x64xf32>
    %concatenate3A_571 = tpu.concatenate %sub3A_567, %add3A_570 in 1 : vector<256x64xf32>, vector<256x64xf32> -> vector<256x128xf32>
    %swap3A_572 = arith.constant 0 : index
    %swap3A_573 = arith.constant 2304 : index
    %swap3A_574 = vector.load %arg5[%swap3A_572, %swap3A_573] : memref<256x4096xf32, #tpu.memory_space<vmem>>, vector<256x128xf32>
    tpu.vector_store %arg5[%swap3A_572, %swap3A_573], %concatenate3A_571 {strides = array<i32>} : memref<256x4096xf32, #tpu.memory_space<vmem>>, vector<256x128xf32>,
    %get3A_575 = arith.constant 0 : index
    %get3A_576 = arith.constant 2432 : index
    %get3A_577 = vector.load %arg1[%get3A_575, %get3A_576] : memref<256x6144xf32, #tpu.memory_space<vmem>>, vector<256x128xf32>
    %mul3A_578 = arith.mulf %get3A_577, %get3A_577 : vector<256x128xf32>
    %reduce_sum3A_579 = arith.constant dense<0.000000e+00> : vector<256xf32>
    %reduce_sum3A_580 = vector.multi_reduction <add>, %mul3A_578, %reduce_sum3A_579 [1] : vector<256x128xf32> to vector<256xf32>
    %broadcast_in_dim3A_581 = vector.shape_cast %reduce_sum3A_580 : vector<256xf32> to vector<256x1xf32>
    %div3A_582 = arith.constant 1.280000e+02 : f32
    %div3A_583 = vector.broadcast %div3A_582 : f32 to vector<256x1xf32>
    %div3A_584 = arith.divf %broadcast_in_dim3A_581, %div3A_583 : vector<256x1xf32>
    %add3A_585 = arith.constant 9.99999997E-7 : f32
    %add3A_586 = vector.broadcast %add3A_585 : f32 to vector<256x1xf32>
    %add3A_587 = arith.addf %div3A_584, %add3A_586 : vector<256x1xf32>
    %rsqrt3A_588 = math.rsqrt %add3A_587 : vector<256x1xf32>
    %mul3A_589 = vector.broadcast %rsqrt3A_588 : vector<256x1xf32> to vector<256x128xf32>
    %mul3A_590 = arith.mulf %get3A_577, %mul3A_589 : vector<256x128xf32>
    %mul3A_591 = vector.broadcast %get3A_10 : vector<1x128xf32> to vector<256x128xf32>
    %mul3A_592 = arith.mulf %mul3A_590, %mul3A_591 : vector<256x128xf32>
    %slice3A_593 = vector.extract_strided_slice %mul3A_592 {offsets = [0, 0], sizes = [256, 64], strides = [1, 1]} : vector<256x128xf32> to vector<256x64xf32>
    %slice3A_594 = vector.extract_strided_slice %mul3A_592 {offsets = [0, 64], sizes = [256, 64], strides = [1, 1]} : vector<256x128xf32> to vector<256x64xf32>
    %mul3A_595 = arith.mulf %slice3A_593, %cos3A : vector<256x64xf32>
    %mul3A_596 = arith.mulf %slice3A_594, %sin3A : vector<256x64xf32>
    %sub3A_597 = arith.subf %mul3A_595, %mul3A_596 : vector<256x64xf32>
    %mul3A_598 = arith.mulf %slice3A_594, %cos3A : vector<256x64xf32>
    %mul3A_599 = arith.mulf %slice3A_593, %sin3A : vector<256x64xf32>
    %add3A_600 = arith.addf %mul3A_598, %mul3A_599 : vector<256x64xf32>
    %concatenate3A_601 = tpu.concatenate %sub3A_597, %add3A_600 in 1 : vector<256x64xf32>, vector<256x64xf32> -> vector<256x128xf32>
    %swap3A_602 = arith.constant 0 : index
    %swap3A_603 = arith.constant 2432 : index
    %swap3A_604 = vector.load %arg5[%swap3A_602, %swap3A_603] : memref<256x4096xf32, #tpu.memory_space<vmem>>, vector<256x128xf32>
    tpu.vector_store %arg5[%swap3A_602, %swap3A_603], %concatenate3A_601 {strides = array<i32>} : memref<256x4096xf32, #tpu.memory_space<vmem>>, vector<256x128xf32>,
    %get3A_605 = arith.constant 0 : index
    %get3A_606 = arith.constant 2560 : index
    %get3A_607 = vector.load %arg1[%get3A_605, %get3A_606] : memref<256x6144xf32, #tpu.memory_space<vmem>>, vector<256x128xf32>
    %mul3A_608 = arith.mulf %get3A_607, %get3A_607 : vector<256x128xf32>
    %reduce_sum3A_609 = arith.constant dense<0.000000e+00> : vector<256xf32>
    %reduce_sum3A_610 = vector.multi_reduction <add>, %mul3A_608, %reduce_sum3A_609 [1] : vector<256x128xf32> to vector<256xf32>
    %broadcast_in_dim3A_611 = vector.shape_cast %reduce_sum3A_610 : vector<256xf32> to vector<256x1xf32>
    %div3A_612 = arith.constant 1.280000e+02 : f32
    %div3A_613 = vector.broadcast %div3A_612 : f32 to vector<256x1xf32>
    %div3A_614 = arith.divf %broadcast_in_dim3A_611, %div3A_613 : vector<256x1xf32>
    %add3A_615 = arith.constant 9.99999997E-7 : f32
    %add3A_616 = vector.broadcast %add3A_615 : f32 to vector<256x1xf32>
    %add3A_617 = arith.addf %div3A_614, %add3A_616 : vector<256x1xf32>
    %rsqrt3A_618 = math.rsqrt %add3A_617 : vector<256x1xf32>
    %mul3A_619 = vector.broadcast %rsqrt3A_618 : vector<256x1xf32> to vector<256x128xf32>
    %mul3A_620 = arith.mulf %get3A_607, %mul3A_619 : vector<256x128xf32>
    %mul3A_621 = vector.broadcast %get3A_10 : vector<1x128xf32> to vector<256x128xf32>
    %mul3A_622 = arith.mulf %mul3A_620, %mul3A_621 : vector<256x128xf32>
    %slice3A_623 = vector.extract_strided_slice %mul3A_622 {offsets = [0, 0], sizes = [256, 64], strides = [1, 1]} : vector<256x128xf32> to vector<256x64xf32>
    %slice3A_624 = vector.extract_strided_slice %mul3A_622 {offsets = [0, 64], sizes = [256, 64], strides = [1, 1]} : vector<256x128xf32> to vector<256x64xf32>
    %mul3A_625 = arith.mulf %slice3A_623, %cos3A : vector<256x64xf32>
    %mul3A_626 = arith.mulf %slice3A_624, %sin3A : vector<256x64xf32>
    %sub3A_627 = arith.subf %mul3A_625, %mul3A_626 : vector<256x64xf32>
    %mul3A_628 = arith.mulf %slice3A_624, %cos3A : vector<256x64xf32>
    %mul3A_629 = arith.mulf %slice3A_623, %sin3A : vector<256x64xf32>
    %add3A_630 = arith.addf %mul3A_628, %mul3A_629 : vector<256x64xf32>
    %concatenate3A_631 = tpu.concatenate %sub3A_627, %add3A_630 in 1 : vector<256x64xf32>, vector<256x64xf32> -> vector<256x128xf32>
    %swap3A_632 = arith.constant 0 : index
    %swap3A_633 = arith.constant 2560 : index
    %swap3A_634 = vector.load %arg5[%swap3A_632, %swap3A_633] : memref<256x4096xf32, #tpu.memory_space<vmem>>, vector<256x128xf32>
    tpu.vector_store %arg5[%swap3A_632, %swap3A_633], %concatenate3A_631 {strides = array<i32>} : memref<256x4096xf32, #tpu.memory_space<vmem>>, vector<256x128xf32>,
    %get3A_635 = arith.constant 0 : index
    %get3A_636 = arith.constant 2688 : index
    %get3A_637 = vector.load %arg1[%get3A_635, %get3A_636] : memref<256x6144xf32, #tpu.memory_space<vmem>>, vector<256x128xf32>
    %mul3A_638 = arith.mulf %get3A_637, %get3A_637 : vector<256x128xf32>
    %reduce_sum3A_639 = arith.constant dense<0.000000e+00> : vector<256xf32>
    %reduce_sum3A_640 = vector.multi_reduction <add>, %mul3A_638, %reduce_sum3A_639 [1] : vector<256x128xf32> to vector<256xf32>
    %broadcast_in_dim3A_641 = vector.shape_cast %reduce_sum3A_640 : vector<256xf32> to vector<256x1xf32>
    %div3A_642 = arith.constant 1.280000e+02 : f32
    %div3A_643 = vector.broadcast %div3A_642 : f32 to vector<256x1xf32>
    %div3A_644 = arith.divf %broadcast_in_dim3A_641, %div3A_643 : vector<256x1xf32>
    %add3A_645 = arith.constant 9.99999997E-7 : f32
    %add3A_646 = vector.broadcast %add3A_645 : f32 to vector<256x1xf32>
    %add3A_647 = arith.addf %div3A_644, %add3A_646 : vector<256x1xf32>
    %rsqrt3A_648 = math.rsqrt %add3A_647 : vector<256x1xf32>
    %mul3A_649 = vector.broadcast %rsqrt3A_648 : vector<256x1xf32> to vector<256x128xf32>
    %mul3A_650 = arith.mulf %get3A_637, %mul3A_649 : vector<256x128xf32>
    %mul3A_651 = vector.broadcast %get3A_10 : vector<1x128xf32> to vector<256x128xf32>
    %mul3A_652 = arith.mulf %mul3A_650, %mul3A_651 : vector<256x128xf32>
    %slice3A_653 = vector.extract_strided_slice %mul3A_652 {offsets = [0, 0], sizes = [256, 64], strides = [1, 1]} : vector<256x128xf32> to vector<256x64xf32>
    %slice3A_654 = vector.extract_strided_slice %mul3A_652 {offsets = [0, 64], sizes = [256, 64], strides = [1, 1]} : vector<256x128xf32> to vector<256x64xf32>
    %mul3A_655 = arith.mulf %slice3A_653, %cos3A : vector<256x64xf32>
    %mul3A_656 = arith.mulf %slice3A_654, %sin3A : vector<256x64xf32>
    %sub3A_657 = arith.subf %mul3A_655, %mul3A_656 : vector<256x64xf32>
    %mul3A_658 = arith.mulf %slice3A_654, %cos3A : vector<256x64xf32>
    %mul3A_659 = arith.mulf %slice3A_653, %sin3A : vector<256x64xf32>
    %add3A_660 = arith.addf %mul3A_658, %mul3A_659 : vector<256x64xf32>
    %concatenate3A_661 = tpu.concatenate %sub3A_657, %add3A_660 in 1 : vector<256x64xf32>, vector<256x64xf32> -> vector<256x128xf32>
    %swap3A_662 = arith.constant 0 : index
    %swap3A_663 = arith.constant 2688 : index
    %swap3A_664 = vector.load %arg5[%swap3A_662, %swap3A_663] : memref<256x4096xf32, #tpu.memory_space<vmem>>, vector<256x128xf32>
    tpu.vector_store %arg5[%swap3A_662, %swap3A_663], %concatenate3A_661 {strides = array<i32>} : memref<256x4096xf32, #tpu.memory_space<vmem>>, vector<256x128xf32>,
    %get3A_665 = arith.constant 0 : index
    %get3A_666 = arith.constant 2816 : index
    %get3A_667 = vector.load %arg1[%get3A_665, %get3A_666] : memref<256x6144xf32, #tpu.memory_space<vmem>>, vector<256x128xf32>
    %mul3A_668 = arith.mulf %get3A_667, %get3A_667 : vector<256x128xf32>
    %reduce_sum3A_669 = arith.constant dense<0.000000e+00> : vector<256xf32>
    %reduce_sum3A_670 = vector.multi_reduction <add>, %mul3A_668, %reduce_sum3A_669 [1] : vector<256x128xf32> to vector<256xf32>
    %broadcast_in_dim3A_671 = vector.shape_cast %reduce_sum3A_670 : vector<256xf32> to vector<256x1xf32>
    %div3A_672 = arith.constant 1.280000e+02 : f32
    %div3A_673 = vector.broadcast %div3A_672 : f32 to vector<256x1xf32>
    %div3A_674 = arith.divf %broadcast_in_dim3A_671, %div3A_673 : vector<256x1xf32>
    %add3A_675 = arith.constant 9.99999997E-7 : f32
    %add3A_676 = vector.broadcast %add3A_675 : f32 to vector<256x1xf32>
    %add3A_677 = arith.addf %div3A_674, %add3A_676 : vector<256x1xf32>
    %rsqrt3A_678 = math.rsqrt %add3A_677 : vector<256x1xf32>
    %mul3A_679 = vector.broadcast %rsqrt3A_678 : vector<256x1xf32> to vector<256x128xf32>
    %mul3A_680 = arith.mulf %get3A_667, %mul3A_679 : vector<256x128xf32>
    %mul3A_681 = vector.broadcast %get3A_10 : vector<1x128xf32> to vector<256x128xf32>
    %mul3A_682 = arith.mulf %mul3A_680, %mul3A_681 : vector<256x128xf32>
    %slice3A_683 = vector.extract_strided_slice %mul3A_682 {offsets = [0, 0], sizes = [256, 64], strides = [1, 1]} : vector<256x128xf32> to vector<256x64xf32>
    %slice3A_684 = vector.extract_strided_slice %mul3A_682 {offsets = [0, 64], sizes = [256, 64], strides = [1, 1]} : vector<256x128xf32> to vector<256x64xf32>
    %mul3A_685 = arith.mulf %slice3A_683, %cos3A : vector<256x64xf32>
    %mul3A_686 = arith.mulf %slice3A_684, %sin3A : vector<256x64xf32>
    %sub3A_687 = arith.subf %mul3A_685, %mul3A_686 : vector<256x64xf32>
    %mul3A_688 = arith.mulf %slice3A_684, %cos3A : vector<256x64xf32>
    %mul3A_689 = arith.mulf %slice3A_683, %sin3A : vector<256x64xf32>
    %add3A_690 = arith.addf %mul3A_688, %mul3A_689 : vector<256x64xf32>
    %concatenate3A_691 = tpu.concatenate %sub3A_687, %add3A_690 in 1 : vector<256x64xf32>, vector<256x64xf32> -> vector<256x128xf32>
    %swap3A_692 = arith.constant 0 : index
    %swap3A_693 = arith.constant 2816 : index
    %swap3A_694 = vector.load %arg5[%swap3A_692, %swap3A_693] : memref<256x4096xf32, #tpu.memory_space<vmem>>, vector<256x128xf32>
    tpu.vector_store %arg5[%swap3A_692, %swap3A_693], %concatenate3A_691 {strides = array<i32>} : memref<256x4096xf32, #tpu.memory_space<vmem>>, vector<256x128xf32>,
    %get3A_695 = arith.constant 0 : index
    %get3A_696 = arith.constant 2944 : index
    %get3A_697 = vector.load %arg1[%get3A_695, %get3A_696] : memref<256x6144xf32, #tpu.memory_space<vmem>>, vector<256x128xf32>
    %mul3A_698 = arith.mulf %get3A_697, %get3A_697 : vector<256x128xf32>
    %reduce_sum3A_699 = arith.constant dense<0.000000e+00> : vector<256xf32>
    %reduce_sum3A_700 = vector.multi_reduction <add>, %mul3A_698, %reduce_sum3A_699 [1] : vector<256x128xf32> to vector<256xf32>
    %broadcast_in_dim3A_701 = vector.shape_cast %reduce_sum3A_700 : vector<256xf32> to vector<256x1xf32>
    %div3A_702 = arith.constant 1.280000e+02 : f32
    %div3A_703 = vector.broadcast %div3A_702 : f32 to vector<256x1xf32>
    %div3A_704 = arith.divf %broadcast_in_dim3A_701, %div3A_703 : vector<256x1xf32>
    %add3A_705 = arith.constant 9.99999997E-7 : f32
    %add3A_706 = vector.broadcast %add3A_705 : f32 to vector<256x1xf32>
    %add3A_707 = arith.addf %div3A_704, %add3A_706 : vector<256x1xf32>
    %rsqrt3A_708 = math.rsqrt %add3A_707 : vector<256x1xf32>
    %mul3A_709 = vector.broadcast %rsqrt3A_708 : vector<256x1xf32> to vector<256x128xf32>
    %mul3A_710 = arith.mulf %get3A_697, %mul3A_709 : vector<256x128xf32>
    %mul3A_711 = vector.broadcast %get3A_10 : vector<1x128xf32> to vector<256x128xf32>
    %mul3A_712 = arith.mulf %mul3A_710, %mul3A_711 : vector<256x128xf32>
    %slice3A_713 = vector.extract_strided_slice %mul3A_712 {offsets = [0, 0], sizes = [256, 64], strides = [1, 1]} : vector<256x128xf32> to vector<256x64xf32>
    %slice3A_714 = vector.extract_strided_slice %mul3A_712 {offsets = [0, 64], sizes = [256, 64], strides = [1, 1]} : vector<256x128xf32> to vector<256x64xf32>
    %mul3A_715 = arith.mulf %slice3A_713, %cos3A : vector<256x64xf32>
    %mul3A_716 = arith.mulf %slice3A_714, %sin3A : vector<256x64xf32>
    %sub3A_717 = arith.subf %mul3A_715, %mul3A_716 : vector<256x64xf32>
    %mul3A_718 = arith.mulf %slice3A_714, %cos3A : vector<256x64xf32>
    %mul3A_719 = arith.mulf %slice3A_713, %sin3A : vector<256x64xf32>
    %add3A_720 = arith.addf %mul3A_718, %mul3A_719 : vector<256x64xf32>
    %concatenate3A_721 = tpu.concatenate %sub3A_717, %add3A_720 in 1 : vector<256x64xf32>, vector<256x64xf32> -> vector<256x128xf32>
    %swap3A_722 = arith.constant 0 : index
    %swap3A_723 = arith.constant 2944 : index
    %swap3A_724 = vector.load %arg5[%swap3A_722, %swap3A_723] : memref<256x4096xf32, #tpu.memory_space<vmem>>, vector<256x128xf32>
    tpu.vector_store %arg5[%swap3A_722, %swap3A_723], %concatenate3A_721 {strides = array<i32>} : memref<256x4096xf32, #tpu.memory_space<vmem>>, vector<256x128xf32>,
    %get3A_725 = arith.constant 0 : index
    %get3A_726 = arith.constant 3072 : index
    %get3A_727 = vector.load %arg1[%get3A_725, %get3A_726] : memref<256x6144xf32, #tpu.memory_space<vmem>>, vector<256x128xf32>
    %mul3A_728 = arith.mulf %get3A_727, %get3A_727 : vector<256x128xf32>
    %reduce_sum3A_729 = arith.constant dense<0.000000e+00> : vector<256xf32>
    %reduce_sum3A_730 = vector.multi_reduction <add>, %mul3A_728, %reduce_sum3A_729 [1] : vector<256x128xf32> to vector<256xf32>
    %broadcast_in_dim3A_731 = vector.shape_cast %reduce_sum3A_730 : vector<256xf32> to vector<256x1xf32>
    %div3A_732 = arith.constant 1.280000e+02 : f32
    %div3A_733 = vector.broadcast %div3A_732 : f32 to vector<256x1xf32>
    %div3A_734 = arith.divf %broadcast_in_dim3A_731, %div3A_733 : vector<256x1xf32>
    %add3A_735 = arith.constant 9.99999997E-7 : f32
    %add3A_736 = vector.broadcast %add3A_735 : f32 to vector<256x1xf32>
    %add3A_737 = arith.addf %div3A_734, %add3A_736 : vector<256x1xf32>
    %rsqrt3A_738 = math.rsqrt %add3A_737 : vector<256x1xf32>
    %mul3A_739 = vector.broadcast %rsqrt3A_738 : vector<256x1xf32> to vector<256x128xf32>
    %mul3A_740 = arith.mulf %get3A_727, %mul3A_739 : vector<256x128xf32>
    %mul3A_741 = vector.broadcast %get3A_10 : vector<1x128xf32> to vector<256x128xf32>
    %mul3A_742 = arith.mulf %mul3A_740, %mul3A_741 : vector<256x128xf32>
    %slice3A_743 = vector.extract_strided_slice %mul3A_742 {offsets = [0, 0], sizes = [256, 64], strides = [1, 1]} : vector<256x128xf32> to vector<256x64xf32>
    %slice3A_744 = vector.extract_strided_slice %mul3A_742 {offsets = [0, 64], sizes = [256, 64], strides = [1, 1]} : vector<256x128xf32> to vector<256x64xf32>
    %mul3A_745 = arith.mulf %slice3A_743, %cos3A : vector<256x64xf32>
    %mul3A_746 = arith.mulf %slice3A_744, %sin3A : vector<256x64xf32>
    %sub3A_747 = arith.subf %mul3A_745, %mul3A_746 : vector<256x64xf32>
    %mul3A_748 = arith.mulf %slice3A_744, %cos3A : vector<256x64xf32>
    %mul3A_749 = arith.mulf %slice3A_743, %sin3A : vector<256x64xf32>
    %add3A_750 = arith.addf %mul3A_748, %mul3A_749 : vector<256x64xf32>
    %concatenate3A_751 = tpu.concatenate %sub3A_747, %add3A_750 in 1 : vector<256x64xf32>, vector<256x64xf32> -> vector<256x128xf32>
    %swap3A_752 = arith.constant 0 : index
    %swap3A_753 = arith.constant 3072 : index
    %swap3A_754 = vector.load %arg5[%swap3A_752, %swap3A_753] : memref<256x4096xf32, #tpu.memory_space<vmem>>, vector<256x128xf32>
    tpu.vector_store %arg5[%swap3A_752, %swap3A_753], %concatenate3A_751 {strides = array<i32>} : memref<256x4096xf32, #tpu.memory_space<vmem>>, vector<256x128xf32>,
    %get3A_755 = arith.constant 0 : index
    %get3A_756 = arith.constant 3200 : index
    %get3A_757 = vector.load %arg1[%get3A_755, %get3A_756] : memref<256x6144xf32, #tpu.memory_space<vmem>>, vector<256x128xf32>
    %mul3A_758 = arith.mulf %get3A_757, %get3A_757 : vector<256x128xf32>
    %reduce_sum3A_759 = arith.constant dense<0.000000e+00> : vector<256xf32>
    %reduce_sum3A_760 = vector.multi_reduction <add>, %mul3A_758, %reduce_sum3A_759 [1] : vector<256x128xf32> to vector<256xf32>
    %broadcast_in_dim3A_761 = vector.shape_cast %reduce_sum3A_760 : vector<256xf32> to vector<256x1xf32>
    %div3A_762 = arith.constant 1.280000e+02 : f32
    %div3A_763 = vector.broadcast %div3A_762 : f32 to vector<256x1xf32>
    %div3A_764 = arith.divf %broadcast_in_dim3A_761, %div3A_763 : vector<256x1xf32>
    %add3A_765 = arith.constant 9.99999997E-7 : f32
    %add3A_766 = vector.broadcast %add3A_765 : f32 to vector<256x1xf32>
    %add3A_767 = arith.addf %div3A_764, %add3A_766 : vector<256x1xf32>
    %rsqrt3A_768 = math.rsqrt %add3A_767 : vector<256x1xf32>
    %mul3A_769 = vector.broadcast %rsqrt3A_768 : vector<256x1xf32> to vector<256x128xf32>
    %mul3A_770 = arith.mulf %get3A_757, %mul3A_769 : vector<256x128xf32>
    %mul3A_771 = vector.broadcast %get3A_10 : vector<1x128xf32> to vector<256x128xf32>
    %mul3A_772 = arith.mulf %mul3A_770, %mul3A_771 : vector<256x128xf32>
    %slice3A_773 = vector.extract_strided_slice %mul3A_772 {offsets = [0, 0], sizes = [256, 64], strides = [1, 1]} : vector<256x128xf32> to vector<256x64xf32>
    %slice3A_774 = vector.extract_strided_slice %mul3A_772 {offsets = [0, 64], sizes = [256, 64], strides = [1, 1]} : vector<256x128xf32> to vector<256x64xf32>
    %mul3A_775 = arith.mulf %slice3A_773, %cos3A : vector<256x64xf32>
    %mul3A_776 = arith.mulf %slice3A_774, %sin3A : vector<256x64xf32>
    %sub3A_777 = arith.subf %mul3A_775, %mul3A_776 : vector<256x64xf32>
    %mul3A_778 = arith.mulf %slice3A_774, %cos3A : vector<256x64xf32>
    %mul3A_779 = arith.mulf %slice3A_773, %sin3A : vector<256x64xf32>
    %add3A_780 = arith.addf %mul3A_778, %mul3A_779 : vector<256x64xf32>
    %concatenate3A_781 = tpu.concatenate %sub3A_777, %add3A_780 in 1 : vector<256x64xf32>, vector<256x64xf32> -> vector<256x128xf32>
    %swap3A_782 = arith.constant 0 : index
    %swap3A_783 = arith.constant 3200 : index
    %swap3A_784 = vector.load %arg5[%swap3A_782, %swap3A_783] : memref<256x4096xf32, #tpu.memory_space<vmem>>, vector<256x128xf32>
    tpu.vector_store %arg5[%swap3A_782, %swap3A_783], %concatenate3A_781 {strides = array<i32>} : memref<256x4096xf32, #tpu.memory_space<vmem>>, vector<256x128xf32>,
    %get3A_785 = arith.constant 0 : index
    %get3A_786 = arith.constant 3328 : index
    %get3A_787 = vector.load %arg1[%get3A_785, %get3A_786] : memref<256x6144xf32, #tpu.memory_space<vmem>>, vector<256x128xf32>
    %mul3A_788 = arith.mulf %get3A_787, %get3A_787 : vector<256x128xf32>
    %reduce_sum3A_789 = arith.constant dense<0.000000e+00> : vector<256xf32>
    %reduce_sum3A_790 = vector.multi_reduction <add>, %mul3A_788, %reduce_sum3A_789 [1] : vector<256x128xf32> to vector<256xf32>
    %broadcast_in_dim3A_791 = vector.shape_cast %reduce_sum3A_790 : vector<256xf32> to vector<256x1xf32>
    %div3A_792 = arith.constant 1.280000e+02 : f32
    %div3A_793 = vector.broadcast %div3A_792 : f32 to vector<256x1xf32>
    %div3A_794 = arith.divf %broadcast_in_dim3A_791, %div3A_793 : vector<256x1xf32>
    %add3A_795 = arith.constant 9.99999997E-7 : f32
    %add3A_796 = vector.broadcast %add3A_795 : f32 to vector<256x1xf32>
    %add3A_797 = arith.addf %div3A_794, %add3A_796 : vector<256x1xf32>
    %rsqrt3A_798 = math.rsqrt %add3A_797 : vector<256x1xf32>
    %mul3A_799 = vector.broadcast %rsqrt3A_798 : vector<256x1xf32> to vector<256x128xf32>
    %mul3A_800 = arith.mulf %get3A_787, %mul3A_799 : vector<256x128xf32>
    %mul3A_801 = vector.broadcast %get3A_10 : vector<1x128xf32> to vector<256x128xf32>
    %mul3A_802 = arith.mulf %mul3A_800, %mul3A_801 : vector<256x128xf32>
    %slice3A_803 = vector.extract_strided_slice %mul3A_802 {offsets = [0, 0], sizes = [256, 64], strides = [1, 1]} : vector<256x128xf32> to vector<256x64xf32>
    %slice3A_804 = vector.extract_strided_slice %mul3A_802 {offsets = [0, 64], sizes = [256, 64], strides = [1, 1]} : vector<256x128xf32> to vector<256x64xf32>
    %mul3A_805 = arith.mulf %slice3A_803, %cos3A : vector<256x64xf32>
    %mul3A_806 = arith.mulf %slice3A_804, %sin3A : vector<256x64xf32>
    %sub3A_807 = arith.subf %mul3A_805, %mul3A_806 : vector<256x64xf32>
    %mul3A_808 = arith.mulf %slice3A_804, %cos3A : vector<256x64xf32>
    %mul3A_809 = arith.mulf %slice3A_803, %sin3A : vector<256x64xf32>
    %add3A_810 = arith.addf %mul3A_808, %mul3A_809 : vector<256x64xf32>
    %concatenate3A_811 = tpu.concatenate %sub3A_807, %add3A_810 in 1 : vector<256x64xf32>, vector<256x64xf32> -> vector<256x128xf32>
    %swap3A_812 = arith.constant 0 : index
    %swap3A_813 = arith.constant 3328 : index
    %swap3A_814 = vector.load %arg5[%swap3A_812, %swap3A_813] : memref<256x4096xf32, #tpu.memory_space<vmem>>, vector<256x128xf32>
    tpu.vector_store %arg5[%swap3A_812, %swap3A_813], %concatenate3A_811 {strides = array<i32>} : memref<256x4096xf32, #tpu.memory_space<vmem>>, vector<256x128xf32>,
    %get3A_815 = arith.constant 0 : index
    %get3A_816 = arith.constant 3456 : index
    %get3A_817 = vector.load %arg1[%get3A_815, %get3A_816] : memref<256x6144xf32, #tpu.memory_space<vmem>>, vector<256x128xf32>
    %mul3A_818 = arith.mulf %get3A_817, %get3A_817 : vector<256x128xf32>
    %reduce_sum3A_819 = arith.constant dense<0.000000e+00> : vector<256xf32>
    %reduce_sum3A_820 = vector.multi_reduction <add>, %mul3A_818, %reduce_sum3A_819 [1] : vector<256x128xf32> to vector<256xf32>
    %broadcast_in_dim3A_821 = vector.shape_cast %reduce_sum3A_820 : vector<256xf32> to vector<256x1xf32>
    %div3A_822 = arith.constant 1.280000e+02 : f32
    %div3A_823 = vector.broadcast %div3A_822 : f32 to vector<256x1xf32>
    %div3A_824 = arith.divf %broadcast_in_dim3A_821, %div3A_823 : vector<256x1xf32>
    %add3A_825 = arith.constant 9.99999997E-7 : f32
    %add3A_826 = vector.broadcast %add3A_825 : f32 to vector<256x1xf32>
    %add3A_827 = arith.addf %div3A_824, %add3A_826 : vector<256x1xf32>
    %rsqrt3A_828 = math.rsqrt %add3A_827 : vector<256x1xf32>
    %mul3A_829 = vector.broadcast %rsqrt3A_828 : vector<256x1xf32> to vector<256x128xf32>
    %mul3A_830 = arith.mulf %get3A_817, %mul3A_829 : vector<256x128xf32>
    %mul3A_831 = vector.broadcast %get3A_10 : vector<1x128xf32> to vector<256x128xf32>
    %mul3A_832 = arith.mulf %mul3A_830, %mul3A_831 : vector<256x128xf32>
    %slice3A_833 = vector.extract_strided_slice %mul3A_832 {offsets = [0, 0], sizes = [256, 64], strides = [1, 1]} : vector<256x128xf32> to vector<256x64xf32>
    %slice3A_834 = vector.extract_strided_slice %mul3A_832 {offsets = [0, 64], sizes = [256, 64], strides = [1, 1]} : vector<256x128xf32> to vector<256x64xf32>
    %mul3A_835 = arith.mulf %slice3A_833, %cos3A : vector<256x64xf32>
    %mul3A_836 = arith.mulf %slice3A_834, %sin3A : vector<256x64xf32>
    %sub3A_837 = arith.subf %mul3A_835, %mul3A_836 : vector<256x64xf32>
    %mul3A_838 = arith.mulf %slice3A_834, %cos3A : vector<256x64xf32>
    %mul3A_839 = arith.mulf %slice3A_833, %sin3A : vector<256x64xf32>
    %add3A_840 = arith.addf %mul3A_838, %mul3A_839 : vector<256x64xf32>
    %concatenate3A_841 = tpu.concatenate %sub3A_837, %add3A_840 in 1 : vector<256x64xf32>, vector<256x64xf32> -> vector<256x128xf32>
    %swap3A_842 = arith.constant 0 : index
    %swap3A_843 = arith.constant 3456 : index
    %swap3A_844 = vector.load %arg5[%swap3A_842, %swap3A_843] : memref<256x4096xf32, #tpu.memory_space<vmem>>, vector<256x128xf32>
    tpu.vector_store %arg5[%swap3A_842, %swap3A_843], %concatenate3A_841 {strides = array<i32>} : memref<256x4096xf32, #tpu.memory_space<vmem>>, vector<256x128xf32>,
    %get3A_845 = arith.constant 0 : index
    %get3A_846 = arith.constant 3584 : index
    %get3A_847 = vector.load %arg1[%get3A_845, %get3A_846] : memref<256x6144xf32, #tpu.memory_space<vmem>>, vector<256x128xf32>
    %mul3A_848 = arith.mulf %get3A_847, %get3A_847 : vector<256x128xf32>
    %reduce_sum3A_849 = arith.constant dense<0.000000e+00> : vector<256xf32>
    %reduce_sum3A_850 = vector.multi_reduction <add>, %mul3A_848, %reduce_sum3A_849 [1] : vector<256x128xf32> to vector<256xf32>
    %broadcast_in_dim3A_851 = vector.shape_cast %reduce_sum3A_850 : vector<256xf32> to vector<256x1xf32>
    %div3A_852 = arith.constant 1.280000e+02 : f32
    %div3A_853 = vector.broadcast %div3A_852 : f32 to vector<256x1xf32>
    %div3A_854 = arith.divf %broadcast_in_dim3A_851, %div3A_853 : vector<256x1xf32>
    %add3A_855 = arith.constant 9.99999997E-7 : f32
    %add3A_856 = vector.broadcast %add3A_855 : f32 to vector<256x1xf32>
    %add3A_857 = arith.addf %div3A_854, %add3A_856 : vector<256x1xf32>
    %rsqrt3A_858 = math.rsqrt %add3A_857 : vector<256x1xf32>
    %mul3A_859 = vector.broadcast %rsqrt3A_858 : vector<256x1xf32> to vector<256x128xf32>
    %mul3A_860 = arith.mulf %get3A_847, %mul3A_859 : vector<256x128xf32>
    %mul3A_861 = vector.broadcast %get3A_10 : vector<1x128xf32> to vector<256x128xf32>
    %mul3A_862 = arith.mulf %mul3A_860, %mul3A_861 : vector<256x128xf32>
    %slice3A_863 = vector.extract_strided_slice %mul3A_862 {offsets = [0, 0], sizes = [256, 64], strides = [1, 1]} : vector<256x128xf32> to vector<256x64xf32>
    %slice3A_864 = vector.extract_strided_slice %mul3A_862 {offsets = [0, 64], sizes = [256, 64], strides = [1, 1]} : vector<256x128xf32> to vector<256x64xf32>
    %mul3A_865 = arith.mulf %slice3A_863, %cos3A : vector<256x64xf32>
    %mul3A_866 = arith.mulf %slice3A_864, %sin3A : vector<256x64xf32>
    %sub3A_867 = arith.subf %mul3A_865, %mul3A_866 : vector<256x64xf32>
    %mul3A_868 = arith.mulf %slice3A_864, %cos3A : vector<256x64xf32>
    %mul3A_869 = arith.mulf %slice3A_863, %sin3A : vector<256x64xf32>
    %add3A_870 = arith.addf %mul3A_868, %mul3A_869 : vector<256x64xf32>
    %concatenate3A_871 = tpu.concatenate %sub3A_867, %add3A_870 in 1 : vector<256x64xf32>, vector<256x64xf32> -> vector<256x128xf32>
    %swap3A_872 = arith.constant 0 : index
    %swap3A_873 = arith.constant 3584 : index
    %swap3A_874 = vector.load %arg5[%swap3A_872, %swap3A_873] : memref<256x4096xf32, #tpu.memory_space<vmem>>, vector<256x128xf32>
    tpu.vector_store %arg5[%swap3A_872, %swap3A_873], %concatenate3A_871 {strides = array<i32>} : memref<256x4096xf32, #tpu.memory_space<vmem>>, vector<256x128xf32>,
    %get3A_875 = arith.constant 0 : index
    %get3A_876 = arith.constant 3712 : index
    %get3A_877 = vector.load %arg1[%get3A_875, %get3A_876] : memref<256x6144xf32, #tpu.memory_space<vmem>>, vector<256x128xf32>
    %mul3A_878 = arith.mulf %get3A_877, %get3A_877 : vector<256x128xf32>
    %reduce_sum3A_879 = arith.constant dense<0.000000e+00> : vector<256xf32>
    %reduce_sum3A_880 = vector.multi_reduction <add>, %mul3A_878, %reduce_sum3A_879 [1] : vector<256x128xf32> to vector<256xf32>
    %broadcast_in_dim3A_881 = vector.shape_cast %reduce_sum3A_880 : vector<256xf32> to vector<256x1xf32>
    %div3A_882 = arith.constant 1.280000e+02 : f32
    %div3A_883 = vector.broadcast %div3A_882 : f32 to vector<256x1xf32>
    %div3A_884 = arith.divf %broadcast_in_dim3A_881, %div3A_883 : vector<256x1xf32>
    %add3A_885 = arith.constant 9.99999997E-7 : f32
    %add3A_886 = vector.broadcast %add3A_885 : f32 to vector<256x1xf32>
    %add3A_887 = arith.addf %div3A_884, %add3A_886 : vector<256x1xf32>
    %rsqrt3A_888 = math.rsqrt %add3A_887 : vector<256x1xf32>
    %mul3A_889 = vector.broadcast %rsqrt3A_888 : vector<256x1xf32> to vector<256x128xf32>
    %mul3A_890 = arith.mulf %get3A_877, %mul3A_889 : vector<256x128xf32>
    %mul3A_891 = vector.broadcast %get3A_10 : vector<1x128xf32> to vector<256x128xf32>
    %mul3A_892 = arith.mulf %mul3A_890, %mul3A_891 : vector<256x128xf32>
    %slice3A_893 = vector.extract_strided_slice %mul3A_892 {offsets = [0, 0], sizes = [256, 64], strides = [1, 1]} : vector<256x128xf32> to vector<256x64xf32>
    %slice3A_894 = vector.extract_strided_slice %mul3A_892 {offsets = [0, 64], sizes = [256, 64], strides = [1, 1]} : vector<256x128xf32> to vector<256x64xf32>
    %mul3A_895 = arith.mulf %slice3A_893, %cos3A : vector<256x64xf32>
    %mul3A_896 = arith.mulf %slice3A_894, %sin3A : vector<256x64xf32>
    %sub3A_897 = arith.subf %mul3A_895, %mul3A_896 : vector<256x64xf32>
    %mul3A_898 = arith.mulf %slice3A_894, %cos3A : vector<256x64xf32>
    %mul3A_899 = arith.mulf %slice3A_893, %sin3A : vector<256x64xf32>
    %add3A_900 = arith.addf %mul3A_898, %mul3A_899 : vector<256x64xf32>
    %concatenate3A_901 = tpu.concatenate %sub3A_897, %add3A_900 in 1 : vector<256x64xf32>, vector<256x64xf32> -> vector<256x128xf32>
    %swap3A_902 = arith.constant 0 : index
    %swap3A_903 = arith.constant 3712 : index
    %swap3A_904 = vector.load %arg5[%swap3A_902, %swap3A_903] : memref<256x4096xf32, #tpu.memory_space<vmem>>, vector<256x128xf32>
    tpu.vector_store %arg5[%swap3A_902, %swap3A_903], %concatenate3A_901 {strides = array<i32>} : memref<256x4096xf32, #tpu.memory_space<vmem>>, vector<256x128xf32>,
    %get3A_905 = arith.constant 0 : index
    %get3A_906 = arith.constant 3840 : index
    %get3A_907 = vector.load %arg1[%get3A_905, %get3A_906] : memref<256x6144xf32, #tpu.memory_space<vmem>>, vector<256x128xf32>
    %mul3A_908 = arith.mulf %get3A_907, %get3A_907 : vector<256x128xf32>
    %reduce_sum3A_909 = arith.constant dense<0.000000e+00> : vector<256xf32>
    %reduce_sum3A_910 = vector.multi_reduction <add>, %mul3A_908, %reduce_sum3A_909 [1] : vector<256x128xf32> to vector<256xf32>
    %broadcast_in_dim3A_911 = vector.shape_cast %reduce_sum3A_910 : vector<256xf32> to vector<256x1xf32>
    %div3A_912 = arith.constant 1.280000e+02 : f32
    %div3A_913 = vector.broadcast %div3A_912 : f32 to vector<256x1xf32>
    %div3A_914 = arith.divf %broadcast_in_dim3A_911, %div3A_913 : vector<256x1xf32>
    %add3A_915 = arith.constant 9.99999997E-7 : f32
    %add3A_916 = vector.broadcast %add3A_915 : f32 to vector<256x1xf32>
    %add3A_917 = arith.addf %div3A_914, %add3A_916 : vector<256x1xf32>
    %rsqrt3A_918 = math.rsqrt %add3A_917 : vector<256x1xf32>
    %mul3A_919 = vector.broadcast %rsqrt3A_918 : vector<256x1xf32> to vector<256x128xf32>
    %mul3A_920 = arith.mulf %get3A_907, %mul3A_919 : vector<256x128xf32>
    %mul3A_921 = vector.broadcast %get3A_10 : vector<1x128xf32> to vector<256x128xf32>
    %mul3A_922 = arith.mulf %mul3A_920, %mul3A_921 : vector<256x128xf32>
    %slice3A_923 = vector.extract_strided_slice %mul3A_922 {offsets = [0, 0], sizes = [256, 64], strides = [1, 1]} : vector<256x128xf32> to vector<256x64xf32>
    %slice3A_924 = vector.extract_strided_slice %mul3A_922 {offsets = [0, 64], sizes = [256, 64], strides = [1, 1]} : vector<256x128xf32> to vector<256x64xf32>
    %mul3A_925 = arith.mulf %slice3A_923, %cos3A : vector<256x64xf32>
    %mul3A_926 = arith.mulf %slice3A_924, %sin3A : vector<256x64xf32>
    %sub3A_927 = arith.subf %mul3A_925, %mul3A_926 : vector<256x64xf32>
    %mul3A_928 = arith.mulf %slice3A_924, %cos3A : vector<256x64xf32>
    %mul3A_929 = arith.mulf %slice3A_923, %sin3A : vector<256x64xf32>
    %add3A_930 = arith.addf %mul3A_928, %mul3A_929 : vector<256x64xf32>
    %concatenate3A_931 = tpu.concatenate %sub3A_927, %add3A_930 in 1 : vector<256x64xf32>, vector<256x64xf32> -> vector<256x128xf32>
    %swap3A_932 = arith.constant 0 : index
    %swap3A_933 = arith.constant 3840 : index
    %swap3A_934 = vector.load %arg5[%swap3A_932, %swap3A_933] : memref<256x4096xf32, #tpu.memory_space<vmem>>, vector<256x128xf32>
    tpu.vector_store %arg5[%swap3A_932, %swap3A_933], %concatenate3A_931 {strides = array<i32>} : memref<256x4096xf32, #tpu.memory_space<vmem>>, vector<256x128xf32>,
    %get3A_935 = arith.constant 0 : index
    %get3A_936 = arith.constant 3968 : index
    %get3A_937 = vector.load %arg1[%get3A_935, %get3A_936] : memref<256x6144xf32, #tpu.memory_space<vmem>>, vector<256x128xf32>
    %mul3A_938 = arith.mulf %get3A_937, %get3A_937 : vector<256x128xf32>
    %reduce_sum3A_939 = arith.constant dense<0.000000e+00> : vector<256xf32>
    %reduce_sum3A_940 = vector.multi_reduction <add>, %mul3A_938, %reduce_sum3A_939 [1] : vector<256x128xf32> to vector<256xf32>
    %broadcast_in_dim3A_941 = vector.shape_cast %reduce_sum3A_940 : vector<256xf32> to vector<256x1xf32>
    %div3A_942 = arith.constant 1.280000e+02 : f32
    %div3A_943 = vector.broadcast %div3A_942 : f32 to vector<256x1xf32>
    %div3A_944 = arith.divf %broadcast_in_dim3A_941, %div3A_943 : vector<256x1xf32>
    %add3A_945 = arith.constant 9.99999997E-7 : f32
    %add3A_946 = vector.broadcast %add3A_945 : f32 to vector<256x1xf32>
    %add3A_947 = arith.addf %div3A_944, %add3A_946 : vector<256x1xf32>
    %rsqrt3A_948 = math.rsqrt %add3A_947 : vector<256x1xf32>
    %mul3A_949 = vector.broadcast %rsqrt3A_948 : vector<256x1xf32> to vector<256x128xf32>
    %mul3A_950 = arith.mulf %get3A_937, %mul3A_949 : vector<256x128xf32>
    %mul3A_951 = vector.broadcast %get3A_10 : vector<1x128xf32> to vector<256x128xf32>
    %mul3A_952 = arith.mulf %mul3A_950, %mul3A_951 : vector<256x128xf32>
    %slice3A_953 = vector.extract_strided_slice %mul3A_952 {offsets = [0, 0], sizes = [256, 64], strides = [1, 1]} : vector<256x128xf32> to vector<256x64xf32>
    %slice3A_954 = vector.extract_strided_slice %mul3A_952 {offsets = [0, 64], sizes = [256, 64], strides = [1, 1]} : vector<256x128xf32> to vector<256x64xf32>
    %mul3A_955 = arith.mulf %slice3A_953, %cos3A : vector<256x64xf32>
    %mul3A_956 = arith.mulf %slice3A_954, %sin3A : vector<256x64xf32>
    %sub3A_957 = arith.subf %mul3A_955, %mul3A_956 : vector<256x64xf32>
    %mul3A_958 = arith.mulf %slice3A_954, %cos3A : vector<256x64xf32>
    %mul3A_959 = arith.mulf %slice3A_953, %sin3A : vector<256x64xf32>
    %add3A_960 = arith.addf %mul3A_958, %mul3A_959 : vector<256x64xf32>
    %concatenate3A_961 = tpu.concatenate %sub3A_957, %add3A_960 in 1 : vector<256x64xf32>, vector<256x64xf32> -> vector<256x128xf32>
    %swap3A_962 = arith.constant 0 : index
    %swap3A_963 = arith.constant 3968 : index
    %swap3A_964 = vector.load %arg5[%swap3A_962, %swap3A_963] : memref<256x4096xf32, #tpu.memory_space<vmem>>, vector<256x128xf32>
    tpu.vector_store %arg5[%swap3A_962, %swap3A_963], %concatenate3A_961 {strides = array<i32>} : memref<256x4096xf32, #tpu.memory_space<vmem>>, vector<256x128xf32>,
    %get3A_965 = arith.constant 0 : index
    %get3A_966 = arith.constant 4096 : index
    %get3A_967 = vector.load %arg1[%get3A_965, %get3A_966] : memref<256x6144xf32, #tpu.memory_space<vmem>>, vector<256x128xf32>
    %mul3A_968 = arith.mulf %get3A_967, %get3A_967 : vector<256x128xf32>
    %reduce_sum3A_969 = arith.constant dense<0.000000e+00> : vector<256xf32>
    %reduce_sum3A_970 = vector.multi_reduction <add>, %mul3A_968, %reduce_sum3A_969 [1] : vector<256x128xf32> to vector<256xf32>
    %broadcast_in_dim3A_971 = vector.shape_cast %reduce_sum3A_970 : vector<256xf32> to vector<256x1xf32>
    %div3A_972 = arith.constant 1.280000e+02 : f32
    %div3A_973 = vector.broadcast %div3A_972 : f32 to vector<256x1xf32>
    %div3A_974 = arith.divf %broadcast_in_dim3A_971, %div3A_973 : vector<256x1xf32>
    %add3A_975 = arith.constant 9.99999997E-7 : f32
    %add3A_976 = vector.broadcast %add3A_975 : f32 to vector<256x1xf32>
    %add3A_977 = arith.addf %div3A_974, %add3A_976 : vector<256x1xf32>
    %rsqrt3A_978 = math.rsqrt %add3A_977 : vector<256x1xf32>
    %mul3A_979 = vector.broadcast %rsqrt3A_978 : vector<256x1xf32> to vector<256x128xf32>
    %mul3A_980 = arith.mulf %get3A_967, %mul3A_979 : vector<256x128xf32>
    %mul3A_981 = vector.broadcast %get3A_13 : vector<1x128xf32> to vector<256x128xf32>
    %mul3A_982 = arith.mulf %mul3A_980, %mul3A_981 : vector<256x128xf32>
    %slice3A_983 = vector.extract_strided_slice %mul3A_982 {offsets = [0, 0], sizes = [256, 64], strides = [1, 1]} : vector<256x128xf32> to vector<256x64xf32>
    %slice3A_984 = vector.extract_strided_slice %mul3A_982 {offsets = [0, 64], sizes = [256, 64], strides = [1, 1]} : vector<256x128xf32> to vector<256x64xf32>
    %mul3A_985 = arith.mulf %slice3A_983, %cos3A : vector<256x64xf32>
    %mul3A_986 = arith.mulf %slice3A_984, %sin3A : vector<256x64xf32>
    %sub3A_987 = arith.subf %mul3A_985, %mul3A_986 : vector<256x64xf32>
    %mul3A_988 = arith.mulf %slice3A_984, %cos3A : vector<256x64xf32>
    %mul3A_989 = arith.mulf %slice3A_983, %sin3A : vector<256x64xf32>
    %add3A_990 = arith.addf %mul3A_988, %mul3A_989 : vector<256x64xf32>
    %concatenate3A_991 = tpu.concatenate %sub3A_987, %add3A_990 in 1 : vector<256x64xf32>, vector<256x64xf32> -> vector<256x128xf32>
    %swap3A_992 = arith.constant 0 : index
    %swap3A_993 = arith.constant 0 : index
    %swap3A_994 = vector.load %arg6[%swap3A_992, %swap3A_993] : memref<256x1024xf32, #tpu.memory_space<vmem>>, vector<256x128xf32>
    tpu.vector_store %arg6[%swap3A_992, %swap3A_993], %concatenate3A_991 {strides = array<i32>} : memref<256x1024xf32, #tpu.memory_space<vmem>>, vector<256x128xf32>,
    %get3A_995 = arith.constant 0 : index
    %get3A_996 = arith.constant 4224 : index
    %get3A_997 = vector.load %arg1[%get3A_995, %get3A_996] : memref<256x6144xf32, #tpu.memory_space<vmem>>, vector<256x128xf32>
    %mul3A_998 = arith.mulf %get3A_997, %get3A_997 : vector<256x128xf32>
    %reduce_sum3A_999 = arith.constant dense<0.000000e+00> : vector<256xf32>
    %reduce_sum3A_1000 = vector.multi_reduction <add>, %mul3A_998, %reduce_sum3A_999 [1] : vector<256x128xf32> to vector<256xf32>
    %broadcast_in_dim3A_1001 = vector.shape_cast %reduce_sum3A_1000 : vector<256xf32> to vector<256x1xf32>
    %div3A_1002 = arith.constant 1.280000e+02 : f32
    %div3A_1003 = vector.broadcast %div3A_1002 : f32 to vector<256x1xf32>
    %div3A_1004 = arith.divf %broadcast_in_dim3A_1001, %div3A_1003 : vector<256x1xf32>
    %add3A_1005 = arith.constant 9.99999997E-7 : f32
    %add3A_1006 = vector.broadcast %add3A_1005 : f32 to vector<256x1xf32>
    %add3A_1007 = arith.addf %div3A_1004, %add3A_1006 : vector<256x1xf32>
    %rsqrt3A_1008 = math.rsqrt %add3A_1007 : vector<256x1xf32>
    %mul3A_1009 = vector.broadcast %rsqrt3A_1008 : vector<256x1xf32> to vector<256x128xf32>
    %mul3A_1010 = arith.mulf %get3A_997, %mul3A_1009 : vector<256x128xf32>
    %mul3A_1011 = vector.broadcast %get3A_13 : vector<1x128xf32> to vector<256x128xf32>
    %mul3A_1012 = arith.mulf %mul3A_1010, %mul3A_1011 : vector<256x128xf32>
    %slice3A_1013 = vector.extract_strided_slice %mul3A_1012 {offsets = [0, 0], sizes = [256, 64], strides = [1, 1]} : vector<256x128xf32> to vector<256x64xf32>
    %slice3A_1014 = vector.extract_strided_slice %mul3A_1012 {offsets = [0, 64], sizes = [256, 64], strides = [1, 1]} : vector<256x128xf32> to vector<256x64xf32>
    %mul3A_1015 = arith.mulf %slice3A_1013, %cos3A : vector<256x64xf32>
    %mul3A_1016 = arith.mulf %slice3A_1014, %sin3A : vector<256x64xf32>
    %sub3A_1017 = arith.subf %mul3A_1015, %mul3A_1016 : vector<256x64xf32>
    %mul3A_1018 = arith.mulf %slice3A_1014, %cos3A : vector<256x64xf32>
    %mul3A_1019 = arith.mulf %slice3A_1013, %sin3A : vector<256x64xf32>
    %add3A_1020 = arith.addf %mul3A_1018, %mul3A_1019 : vector<256x64xf32>
    %concatenate3A_1021 = tpu.concatenate %sub3A_1017, %add3A_1020 in 1 : vector<256x64xf32>, vector<256x64xf32> -> vector<256x128xf32>
    %swap3A_1022 = arith.constant 0 : index
    %swap3A_1023 = arith.constant 128 : index
    %swap3A_1024 = vector.load %arg6[%swap3A_1022, %swap3A_1023] : memref<256x1024xf32, #tpu.memory_space<vmem>>, vector<256x128xf32>
    tpu.vector_store %arg6[%swap3A_1022, %swap3A_1023], %concatenate3A_1021 {strides = array<i32>} : memref<256x1024xf32, #tpu.memory_space<vmem>>, vector<256x128xf32>,
    %get3A_1025 = arith.constant 0 : index
    %get3A_1026 = arith.constant 4352 : index
    %get3A_1027 = vector.load %arg1[%get3A_1025, %get3A_1026] : memref<256x6144xf32, #tpu.memory_space<vmem>>, vector<256x128xf32>
    %mul3A_1028 = arith.mulf %get3A_1027, %get3A_1027 : vector<256x128xf32>
    %reduce_sum3A_1029 = arith.constant dense<0.000000e+00> : vector<256xf32>
    %reduce_sum3A_1030 = vector.multi_reduction <add>, %mul3A_1028, %reduce_sum3A_1029 [1] : vector<256x128xf32> to vector<256xf32>
    %broadcast_in_dim3A_1031 = vector.shape_cast %reduce_sum3A_1030 : vector<256xf32> to vector<256x1xf32>
    %div3A_1032 = arith.constant 1.280000e+02 : f32
    %div3A_1033 = vector.broadcast %div3A_1032 : f32 to vector<256x1xf32>
    %div3A_1034 = arith.divf %broadcast_in_dim3A_1031, %div3A_1033 : vector<256x1xf32>
    %add3A_1035 = arith.constant 9.99999997E-7 : f32
    %add3A_1036 = vector.broadcast %add3A_1035 : f32 to vector<256x1xf32>
    %add3A_1037 = arith.addf %div3A_1034, %add3A_1036 : vector<256x1xf32>
    %rsqrt3A_1038 = math.rsqrt %add3A_1037 : vector<256x1xf32>
    %mul3A_1039 = vector.broadcast %rsqrt3A_1038 : vector<256x1xf32> to vector<256x128xf32>
    %mul3A_1040 = arith.mulf %get3A_1027, %mul3A_1039 : vector<256x128xf32>
    %mul3A_1041 = vector.broadcast %get3A_13 : vector<1x128xf32> to vector<256x128xf32>
    %mul3A_1042 = arith.mulf %mul3A_1040, %mul3A_1041 : vector<256x128xf32>
    %slice3A_1043 = vector.extract_strided_slice %mul3A_1042 {offsets = [0, 0], sizes = [256, 64], strides = [1, 1]} : vector<256x128xf32> to vector<256x64xf32>
    %slice3A_1044 = vector.extract_strided_slice %mul3A_1042 {offsets = [0, 64], sizes = [256, 64], strides = [1, 1]} : vector<256x128xf32> to vector<256x64xf32>
    %mul3A_1045 = arith.mulf %slice3A_1043, %cos3A : vector<256x64xf32>
    %mul3A_1046 = arith.mulf %slice3A_1044, %sin3A : vector<256x64xf32>
    %sub3A_1047 = arith.subf %mul3A_1045, %mul3A_1046 : vector<256x64xf32>
    %mul3A_1048 = arith.mulf %slice3A_1044, %cos3A : vector<256x64xf32>
    %mul3A_1049 = arith.mulf %slice3A_1043, %sin3A : vector<256x64xf32>
    %add3A_1050 = arith.addf %mul3A_1048, %mul3A_1049 : vector<256x64xf32>
    %concatenate3A_1051 = tpu.concatenate %sub3A_1047, %add3A_1050 in 1 : vector<256x64xf32>, vector<256x64xf32> -> vector<256x128xf32>
    %swap3A_1052 = arith.constant 0 : index
    %swap3A_1053 = arith.constant 256 : index
    %swap3A_1054 = vector.load %arg6[%swap3A_1052, %swap3A_1053] : memref<256x1024xf32, #tpu.memory_space<vmem>>, vector<256x128xf32>
    tpu.vector_store %arg6[%swap3A_1052, %swap3A_1053], %concatenate3A_1051 {strides = array<i32>} : memref<256x1024xf32, #tpu.memory_space<vmem>>, vector<256x128xf32>,
    %get3A_1055 = arith.constant 0 : index
    %get3A_1056 = arith.constant 4480 : index
    %get3A_1057 = vector.load %arg1[%get3A_1055, %get3A_1056] : memref<256x6144xf32, #tpu.memory_space<vmem>>, vector<256x128xf32>
    %mul3A_1058 = arith.mulf %get3A_1057, %get3A_1057 : vector<256x128xf32>
    %reduce_sum3A_1059 = arith.constant dense<0.000000e+00> : vector<256xf32>
    %reduce_sum3A_1060 = vector.multi_reduction <add>, %mul3A_1058, %reduce_sum3A_1059 [1] : vector<256x128xf32> to vector<256xf32>
    %broadcast_in_dim3A_1061 = vector.shape_cast %reduce_sum3A_1060 : vector<256xf32> to vector<256x1xf32>
    %div3A_1062 = arith.constant 1.280000e+02 : f32
    %div3A_1063 = vector.broadcast %div3A_1062 : f32 to vector<256x1xf32>
    %div3A_1064 = arith.divf %broadcast_in_dim3A_1061, %div3A_1063 : vector<256x1xf32>
    %add3A_1065 = arith.constant 9.99999997E-7 : f32
    %add3A_1066 = vector.broadcast %add3A_1065 : f32 to vector<256x1xf32>
    %add3A_1067 = arith.addf %div3A_1064, %add3A_1066 : vector<256x1xf32>
    %rsqrt3A_1068 = math.rsqrt %add3A_1067 : vector<256x1xf32>
    %mul3A_1069 = vector.broadcast %rsqrt3A_1068 : vector<256x1xf32> to vector<256x128xf32>
    %mul3A_1070 = arith.mulf %get3A_1057, %mul3A_1069 : vector<256x128xf32>
    %mul3A_1071 = vector.broadcast %get3A_13 : vector<1x128xf32> to vector<256x128xf32>
    %mul3A_1072 = arith.mulf %mul3A_1070, %mul3A_1071 : vector<256x128xf32>
    %slice3A_1073 = vector.extract_strided_slice %mul3A_1072 {offsets = [0, 0], sizes = [256, 64], strides = [1, 1]} : vector<256x128xf32> to vector<256x64xf32>
    %slice3A_1074 = vector.extract_strided_slice %mul3A_1072 {offsets = [0, 64], sizes = [256, 64], strides = [1, 1]} : vector<256x128xf32> to vector<256x64xf32>
    %mul3A_1075 = arith.mulf %slice3A_1073, %cos3A : vector<256x64xf32>
    %mul3A_1076 = arith.mulf %slice3A_1074, %sin3A : vector<256x64xf32>
    %sub3A_1077 = arith.subf %mul3A_1075, %mul3A_1076 : vector<256x64xf32>
    %mul3A_1078 = arith.mulf %slice3A_1074, %cos3A : vector<256x64xf32>
    %mul3A_1079 = arith.mulf %slice3A_1073, %sin3A : vector<256x64xf32>
    %add3A_1080 = arith.addf %mul3A_1078, %mul3A_1079 : vector<256x64xf32>
    %concatenate3A_1081 = tpu.concatenate %sub3A_1077, %add3A_1080 in 1 : vector<256x64xf32>, vector<256x64xf32> -> vector<256x128xf32>
    %swap3A_1082 = arith.constant 0 : index
    %swap3A_1083 = arith.constant 384 : index
    %swap3A_1084 = vector.load %arg6[%swap3A_1082, %swap3A_1083] : memref<256x1024xf32, #tpu.memory_space<vmem>>, vector<256x128xf32>
    tpu.vector_store %arg6[%swap3A_1082, %swap3A_1083], %concatenate3A_1081 {strides = array<i32>} : memref<256x1024xf32, #tpu.memory_space<vmem>>, vector<256x128xf32>,
    %get3A_1085 = arith.constant 0 : index
    %get3A_1086 = arith.constant 4608 : index
    %get3A_1087 = vector.load %arg1[%get3A_1085, %get3A_1086] : memref<256x6144xf32, #tpu.memory_space<vmem>>, vector<256x128xf32>
    %mul3A_1088 = arith.mulf %get3A_1087, %get3A_1087 : vector<256x128xf32>
    %reduce_sum3A_1089 = arith.constant dense<0.000000e+00> : vector<256xf32>
    %reduce_sum3A_1090 = vector.multi_reduction <add>, %mul3A_1088, %reduce_sum3A_1089 [1] : vector<256x128xf32> to vector<256xf32>
    %broadcast_in_dim3A_1091 = vector.shape_cast %reduce_sum3A_1090 : vector<256xf32> to vector<256x1xf32>
    %div3A_1092 = arith.constant 1.280000e+02 : f32
    %div3A_1093 = vector.broadcast %div3A_1092 : f32 to vector<256x1xf32>
    %div3A_1094 = arith.divf %broadcast_in_dim3A_1091, %div3A_1093 : vector<256x1xf32>
    %add3A_1095 = arith.constant 9.99999997E-7 : f32
    %add3A_1096 = vector.broadcast %add3A_1095 : f32 to vector<256x1xf32>
    %add3A_1097 = arith.addf %div3A_1094, %add3A_1096 : vector<256x1xf32>
    %rsqrt3A_1098 = math.rsqrt %add3A_1097 : vector<256x1xf32>
    %mul3A_1099 = vector.broadcast %rsqrt3A_1098 : vector<256x1xf32> to vector<256x128xf32>
    %mul3A_1100 = arith.mulf %get3A_1087, %mul3A_1099 : vector<256x128xf32>
    %mul3A_1101 = vector.broadcast %get3A_13 : vector<1x128xf32> to vector<256x128xf32>
    %mul3A_1102 = arith.mulf %mul3A_1100, %mul3A_1101 : vector<256x128xf32>
    %slice3A_1103 = vector.extract_strided_slice %mul3A_1102 {offsets = [0, 0], sizes = [256, 64], strides = [1, 1]} : vector<256x128xf32> to vector<256x64xf32>
    %slice3A_1104 = vector.extract_strided_slice %mul3A_1102 {offsets = [0, 64], sizes = [256, 64], strides = [1, 1]} : vector<256x128xf32> to vector<256x64xf32>
    %mul3A_1105 = arith.mulf %slice3A_1103, %cos3A : vector<256x64xf32>
    %mul3A_1106 = arith.mulf %slice3A_1104, %sin3A : vector<256x64xf32>
    %sub3A_1107 = arith.subf %mul3A_1105, %mul3A_1106 : vector<256x64xf32>
    %mul3A_1108 = arith.mulf %slice3A_1104, %cos3A : vector<256x64xf32>
    %mul3A_1109 = arith.mulf %slice3A_1103, %sin3A : vector<256x64xf32>
    %add3A_1110 = arith.addf %mul3A_1108, %mul3A_1109 : vector<256x64xf32>
    %concatenate3A_1111 = tpu.concatenate %sub3A_1107, %add3A_1110 in 1 : vector<256x64xf32>, vector<256x64xf32> -> vector<256x128xf32>
    %swap3A_1112 = arith.constant 0 : index
    %swap3A_1113 = arith.constant 512 : index
    %swap3A_1114 = vector.load %arg6[%swap3A_1112, %swap3A_1113] : memref<256x1024xf32, #tpu.memory_space<vmem>>, vector<256x128xf32>
    tpu.vector_store %arg6[%swap3A_1112, %swap3A_1113], %concatenate3A_1111 {strides = array<i32>} : memref<256x1024xf32, #tpu.memory_space<vmem>>, vector<256x128xf32>,
    %get3A_1115 = arith.constant 0 : index
    %get3A_1116 = arith.constant 4736 : index
    %get3A_1117 = vector.load %arg1[%get3A_1115, %get3A_1116] : memref<256x6144xf32, #tpu.memory_space<vmem>>, vector<256x128xf32>
    %mul3A_1118 = arith.mulf %get3A_1117, %get3A_1117 : vector<256x128xf32>
    %reduce_sum3A_1119 = arith.constant dense<0.000000e+00> : vector<256xf32>
    %reduce_sum3A_1120 = vector.multi_reduction <add>, %mul3A_1118, %reduce_sum3A_1119 [1] : vector<256x128xf32> to vector<256xf32>
    %broadcast_in_dim3A_1121 = vector.shape_cast %reduce_sum3A_1120 : vector<256xf32> to vector<256x1xf32>
    %div3A_1122 = arith.constant 1.280000e+02 : f32
    %div3A_1123 = vector.broadcast %div3A_1122 : f32 to vector<256x1xf32>
    %div3A_1124 = arith.divf %broadcast_in_dim3A_1121, %div3A_1123 : vector<256x1xf32>
    %add3A_1125 = arith.constant 9.99999997E-7 : f32
    %add3A_1126 = vector.broadcast %add3A_1125 : f32 to vector<256x1xf32>
    %add3A_1127 = arith.addf %div3A_1124, %add3A_1126 : vector<256x1xf32>
    %rsqrt3A_1128 = math.rsqrt %add3A_1127 : vector<256x1xf32>
    %mul3A_1129 = vector.broadcast %rsqrt3A_1128 : vector<256x1xf32> to vector<256x128xf32>
    %mul3A_1130 = arith.mulf %get3A_1117, %mul3A_1129 : vector<256x128xf32>
    %mul3A_1131 = vector.broadcast %get3A_13 : vector<1x128xf32> to vector<256x128xf32>
    %mul3A_1132 = arith.mulf %mul3A_1130, %mul3A_1131 : vector<256x128xf32>
    %slice3A_1133 = vector.extract_strided_slice %mul3A_1132 {offsets = [0, 0], sizes = [256, 64], strides = [1, 1]} : vector<256x128xf32> to vector<256x64xf32>
    %slice3A_1134 = vector.extract_strided_slice %mul3A_1132 {offsets = [0, 64], sizes = [256, 64], strides = [1, 1]} : vector<256x128xf32> to vector<256x64xf32>
    %mul3A_1135 = arith.mulf %slice3A_1133, %cos3A : vector<256x64xf32>
    %mul3A_1136 = arith.mulf %slice3A_1134, %sin3A : vector<256x64xf32>
    %sub3A_1137 = arith.subf %mul3A_1135, %mul3A_1136 : vector<256x64xf32>
    %mul3A_1138 = arith.mulf %slice3A_1134, %cos3A : vector<256x64xf32>
    %mul3A_1139 = arith.mulf %slice3A_1133, %sin3A : vector<256x64xf32>
    %add3A_1140 = arith.addf %mul3A_1138, %mul3A_1139 : vector<256x64xf32>
    %concatenate3A_1141 = tpu.concatenate %sub3A_1137, %add3A_1140 in 1 : vector<256x64xf32>, vector<256x64xf32> -> vector<256x128xf32>
    %swap3A_1142 = arith.constant 0 : index
    %swap3A_1143 = arith.constant 640 : index
    %swap3A_1144 = vector.load %arg6[%swap3A_1142, %swap3A_1143] : memref<256x1024xf32, #tpu.memory_space<vmem>>, vector<256x128xf32>
    tpu.vector_store %arg6[%swap3A_1142, %swap3A_1143], %concatenate3A_1141 {strides = array<i32>} : memref<256x1024xf32, #tpu.memory_space<vmem>>, vector<256x128xf32>,
    %get3A_1145 = arith.constant 0 : index
    %get3A_1146 = arith.constant 4864 : index
    %get3A_1147 = vector.load %arg1[%get3A_1145, %get3A_1146] : memref<256x6144xf32, #tpu.memory_space<vmem>>, vector<256x128xf32>
    %mul3A_1148 = arith.mulf %get3A_1147, %get3A_1147 : vector<256x128xf32>
    %reduce_sum3A_1149 = arith.constant dense<0.000000e+00> : vector<256xf32>
    %reduce_sum3A_1150 = vector.multi_reduction <add>, %mul3A_1148, %reduce_sum3A_1149 [1] : vector<256x128xf32> to vector<256xf32>
    %broadcast_in_dim3A_1151 = vector.shape_cast %reduce_sum3A_1150 : vector<256xf32> to vector<256x1xf32>
    %div3A_1152 = arith.constant 1.280000e+02 : f32
    %div3A_1153 = vector.broadcast %div3A_1152 : f32 to vector<256x1xf32>
    %div3A_1154 = arith.divf %broadcast_in_dim3A_1151, %div3A_1153 : vector<256x1xf32>
    %add3A_1155 = arith.constant 9.99999997E-7 : f32
    %add3A_1156 = vector.broadcast %add3A_1155 : f32 to vector<256x1xf32>
    %add3A_1157 = arith.addf %div3A_1154, %add3A_1156 : vector<256x1xf32>
    %rsqrt3A_1158 = math.rsqrt %add3A_1157 : vector<256x1xf32>
    %mul3A_1159 = vector.broadcast %rsqrt3A_1158 : vector<256x1xf32> to vector<256x128xf32>
    %mul3A_1160 = arith.mulf %get3A_1147, %mul3A_1159 : vector<256x128xf32>
    %mul3A_1161 = vector.broadcast %get3A_13 : vector<1x128xf32> to vector<256x128xf32>
    %mul3A_1162 = arith.mulf %mul3A_1160, %mul3A_1161 : vector<256x128xf32>
    %slice3A_1163 = vector.extract_strided_slice %mul3A_1162 {offsets = [0, 0], sizes = [256, 64], strides = [1, 1]} : vector<256x128xf32> to vector<256x64xf32>
    %slice3A_1164 = vector.extract_strided_slice %mul3A_1162 {offsets = [0, 64], sizes = [256, 64], strides = [1, 1]} : vector<256x128xf32> to vector<256x64xf32>
    %mul3A_1165 = arith.mulf %slice3A_1163, %cos3A : vector<256x64xf32>
    %mul3A_1166 = arith.mulf %slice3A_1164, %sin3A : vector<256x64xf32>
    %sub3A_1167 = arith.subf %mul3A_1165, %mul3A_1166 : vector<256x64xf32>
    %mul3A_1168 = arith.mulf %slice3A_1164, %cos3A : vector<256x64xf32>
    %mul3A_1169 = arith.mulf %slice3A_1163, %sin3A : vector<256x64xf32>
    %add3A_1170 = arith.addf %mul3A_1168, %mul3A_1169 : vector<256x64xf32>
    %concatenate3A_1171 = tpu.concatenate %sub3A_1167, %add3A_1170 in 1 : vector<256x64xf32>, vector<256x64xf32> -> vector<256x128xf32>
    %swap3A_1172 = arith.constant 0 : index
    %swap3A_1173 = arith.constant 768 : index
    %swap3A_1174 = vector.load %arg6[%swap3A_1172, %swap3A_1173] : memref<256x1024xf32, #tpu.memory_space<vmem>>, vector<256x128xf32>
    tpu.vector_store %arg6[%swap3A_1172, %swap3A_1173], %concatenate3A_1171 {strides = array<i32>} : memref<256x1024xf32, #tpu.memory_space<vmem>>, vector<256x128xf32>,
    %get3A_1175 = arith.constant 0 : index
    %get3A_1176 = arith.constant 4992 : index
    %get3A_1177 = vector.load %arg1[%get3A_1175, %get3A_1176] : memref<256x6144xf32, #tpu.memory_space<vmem>>, vector<256x128xf32>
    %mul3A_1178 = arith.mulf %get3A_1177, %get3A_1177 : vector<256x128xf32>
    %reduce_sum3A_1179 = arith.constant dense<0.000000e+00> : vector<256xf32>
    %reduce_sum3A_1180 = vector.multi_reduction <add>, %mul3A_1178, %reduce_sum3A_1179 [1] : vector<256x128xf32> to vector<256xf32>
    %broadcast_in_dim3A_1181 = vector.shape_cast %reduce_sum3A_1180 : vector<256xf32> to vector<256x1xf32>
    %div3A_1182 = arith.constant 1.280000e+02 : f32
    %div3A_1183 = vector.broadcast %div3A_1182 : f32 to vector<256x1xf32>
    %div3A_1184 = arith.divf %broadcast_in_dim3A_1181, %div3A_1183 : vector<256x1xf32>
    %add3A_1185 = arith.constant 9.99999997E-7 : f32
    %add3A_1186 = vector.broadcast %add3A_1185 : f32 to vector<256x1xf32>
    %add3A_1187 = arith.addf %div3A_1184, %add3A_1186 : vector<256x1xf32>
    %rsqrt3A_1188 = math.rsqrt %add3A_1187 : vector<256x1xf32>
    %mul3A_1189 = vector.broadcast %rsqrt3A_1188 : vector<256x1xf32> to vector<256x128xf32>
    %mul3A_1190 = arith.mulf %get3A_1177, %mul3A_1189 : vector<256x128xf32>
    %mul3A_1191 = vector.broadcast %get3A_13 : vector<1x128xf32> to vector<256x128xf32>
    %mul3A_1192 = arith.mulf %mul3A_1190, %mul3A_1191 : vector<256x128xf32>
    %slice3A_1193 = vector.extract_strided_slice %mul3A_1192 {offsets = [0, 0], sizes = [256, 64], strides = [1, 1]} : vector<256x128xf32> to vector<256x64xf32>
    %slice3A_1194 = vector.extract_strided_slice %mul3A_1192 {offsets = [0, 64], sizes = [256, 64], strides = [1, 1]} : vector<256x128xf32> to vector<256x64xf32>
    %mul3A_1195 = arith.mulf %slice3A_1193, %cos3A : vector<256x64xf32>
    %mul3A_1196 = arith.mulf %slice3A_1194, %sin3A : vector<256x64xf32>
    %sub3A_1197 = arith.subf %mul3A_1195, %mul3A_1196 : vector<256x64xf32>
    %mul3A_1198 = arith.mulf %slice3A_1194, %cos3A : vector<256x64xf32>
    %mul3A_1199 = arith.mulf %slice3A_1193, %sin3A : vector<256x64xf32>
    %add3A_1200 = arith.addf %mul3A_1198, %mul3A_1199 : vector<256x64xf32>
    %concatenate3A_1201 = tpu.concatenate %sub3A_1197, %add3A_1200 in 1 : vector<256x64xf32>, vector<256x64xf32> -> vector<256x128xf32>
    %swap3A_1202 = arith.constant 0 : index
    %swap3A_1203 = arith.constant 896 : index
    %swap3A_1204 = vector.load %arg6[%swap3A_1202, %swap3A_1203] : memref<256x1024xf32, #tpu.memory_space<vmem>>, vector<256x128xf32>
    tpu.vector_store %arg6[%swap3A_1202, %swap3A_1203], %concatenate3A_1201 {strides = array<i32>} : memref<256x1024xf32, #tpu.memory_space<vmem>>, vector<256x128xf32>,
    %get3A_1205 = arith.constant 0 : index
    %get3A_1206 = arith.constant 5120 : index
    %get3A_1207 = vector.load %arg1[%get3A_1205, %get3A_1206] : memref<256x6144xf32, #tpu.memory_space<vmem>>, vector<256x1024xf32>
    %swap3A_1208 = arith.constant 0 : index
    %swap3A_1209 = arith.constant 0 : index
    %swap3A_1210 = vector.load %arg7[%swap3A_1208, %swap3A_1209] : memref<256x1024xf32, #tpu.memory_space<vmem>>, vector<256x1024xf32>
    tpu.vector_store %arg7[%swap3A_1208, %swap3A_1209], %get3A_1207 {strides = array<i32>} : memref<256x1024xf32, #tpu.memory_space<vmem>>, vector<256x1024xf32>,
    return
  }
  func.func @transform_0(%arg0: i32) -> (i32, i32) {
    %c0_i32 = arith.constant 0 : i32
    %c0_i32_0 = arith.constant 0 : i32
    return %arg0, %c0_i32 : i32, i32
  }
  func.func @transform_1(%arg0: i32) -> (i32, i32) {
    %c0_i32 = arith.constant 0 : i32
    %c0_i32_0 = arith.constant 0 : i32
    return %arg0, %c0_i32 : i32, i32
  }
  func.func @transform_2(%arg0: i32) -> (i32, i32) {
    %c0_i32 = arith.constant 0 : i32
    %c0_i32_0 = arith.constant 0 : i32
    %c0_i32_1 = arith.constant 0 : i32
    return %c0_i32, %c0_i32_0 : i32, i32
  }
  func.func @transform_3(%arg0: i32) -> (i32, i32) {
    %c0_i32 = arith.constant 0 : i32
    %c0_i32_0 = arith.constant 0 : i32
    %c0_i32_1 = arith.constant 0 : i32
    return %c0_i32, %c0_i32_0 : i32, i32
  }
  func.func @transform_4(%arg0: i32) -> (i32, i32) {
    %c0_i32 = arith.constant 0 : i32
    %c0_i32_0 = arith.constant 0 : i32
    return %arg0, %c0_i32 : i32, i32
  }
  func.func @transform_5(%arg0: i32) -> (i32, i32) {
    %c0_i32 = arith.constant 0 : i32
    %c0_i32_0 = arith.constant 0 : i32
    return %arg0, %c0_i32 : i32, i32
  }
  func.func @transform_6(%arg0: i32) -> (i32, i32) {
    %c0_i32 = arith.constant 0 : i32
    %c0_i32_0 = arith.constant 0 : i32
    return %arg0, %c0_i32 : i32, i32
  }
}

</mosaic_0001>

<sc_bundles>
// kernel: kernel.4.cloned.1.call-start
scs
__scs_entry_jumppad:
0x0: {  	(pc) =	sbr.rel $0x88, $3  }
0x1: {  	(tag) =	ssettag $0x0;
	lr =	simm.s32 $0x1  }
0x2: {  	[smem:$0x3F9B] =	sst lr;
	_ =	strace $0xD0000000  }
0x3: {  	_ = 	snop  }
0x4: {  	_ = 	snop  }
0x5: {  	_ = 	snop  }
0x6: {  	_ = 	snop  }
0x7: {  	_ = 	snop  }
__scs_overlays_trampoline_lowered:
0x8: {  	[smem:$0x3FAA] =	sst s0  }
0x9: {  	[smem:$0x3FAB] =	sst s1  }
0xa: {  	[smem:$0x3FAC] =	sst s2  }
0xb: {  	[smem:$0x3FAD] =	sst s3  }
0xc: {  	[smem:$0x3FAE] =	sst s4  }
0xd: {  	[smem:$0x3FAF] =	sst s5  }
0xe: {  	[smem:$0x3FB0] =	sst s6  }
0xf: {  	[smem:$0x3FB1] =	sst s7  }
0x10: {  	[smem:$0x3FB2] =	sst s8  }
0x11: {  	[smem:$0x3FB3] =	sst s9;
	s0 =	simm.s32 @!p0 $0x0  }
0x12: {  	s1 =	sld [smem:$0x3F99];
	s0 =	simm.s32 @p0 $0x1  }
0x13: {  	[smem:$0x3FB4] =	sst s0;
	s0 =	simm.s32 @!p1 $0x0  }
0x14: {  	s2 =	sld [smem:$0x3F98];
	s0 =	simm.s32 @p1 $0x1  }
0x15: {  	[smem:$0x3FB5] =	sst s0;
	s0 =	simm.s32 @!p2 $0x0  }
0x16: {  	s3 =	sld [smem:$0x3FDB];
	s0 =	simm.s32 @p2 $0x1  }
0x17: {  	s4 =	simm.s32 $0x1BF5;
	[smem:$0x3FB7] =	sst s0  }
0x18: {  	s0 =	sld [smem:$0x3F9A];
	_ =	swait.ge [sflag:s4], $0x0  }
0x19: {  	s7 =	sld [smem:$0x3F9B]  }
0x1a: {  	s8 =	sadd.s32 $0xFFFFE003, lr  }
0x1b: {  	s9 =	sadd.s32 $0xFFFFFEF7, lr;
	s5 =	simm.s32 $0xFFFFFFFF;
	p2 =	slt.u32 s8, $0xFFFFF086  }
0x1c: {  	p1 =	slt.u32 s9, $0xF7A;
	s5 =	simm.s32 @!p2 $0x0  }
0x1d: {  	s5 =	simm.s32 @p1 $0x1;
	p0 =	seq.s32 s7, s2  }
0x1e: {  	s7 =	smul.u32 @!p0 $0xF7A, s2;
	p2 =	seq.s32 @!p0 s5, $0x0  }
0x1f: {  	s9 =	smul.u32 $0xF7A, s1;
	s8 =	simm.s32 @!p0 $0x1BF5;
	p2 =	por !p2, p0  }
0x20: {  	[sflag:s8] =	ssyncset.s32 @!p0 $0xFFFFF086;
	s6 =	sadd.s32 @!p0 s3, s7;
	s7 =	simm.s32 @!p0 $0x108  }
0x21: {  	s3 =	sadd.s32 s3, s9;
	s6 =	sadd.s32 @!p0 $0x88, s6;
	s7 =	simm.s32 @p2 $0x1082  }
0x22: {  	[simem:s7], [sflag:s8] =	dma.local @!p0 [hbm:s6], $0xF7A  }
0x23: {  	s9 =	sor.u32 $0xD0000000, s2;
	s6 =	simm.s32 $0x108;
	_ =	swait.ge @!p0 [sflag:s8], $0x0  }
0x24: {  	s3 =	sadd.s32 $0x88, s3;
	s6 =	simm.s32 @!p1 $0x1082;
	[sflag:s4] =	ssyncset.s32 $0xFFFFF086  }
0x25: {  	[simem:s6], [sflag:s4] =	dma.local [hbm:s3], $0xF7A  }
0x26: {  	[smem:$0x3F9B] =	sst s1;
	(tag) =	ssettag s2;
	_ =	strace s9  }
0x27: {  	s1 =	sld [smem:$0x3FAB]  }
0x28: {  	s2 =	sld [smem:$0x3FAC]  }
0x29: {  	s4 =	sld [smem:$0x3FAE]  }
0x2a: {  	p0 =	seq.s32 s5, $0x0;
	s5 =	sld [smem:$0x3FAF]  }
0x2b: {  	s6 =	sld [smem:$0x3FB0]  }
0x2c: {  	s7 =	sld [smem:$0x3FB1]  }
0x2d: {  	s3 =	simm.s32 $0x108;
	s8 =	sld [smem:$0x3FB2]  }
0x2e: {  	s3 =	simm.s32 @!p0 $0x1082;
	s9 =	sld [smem:$0x3FB3]  }
0x2f: {  	lr =	sadd.s32 s0, s3;
	s0 =	sld [smem:$0x3FAA]  }
0x30: {  	s3 =	sld [smem:$0x3FAD]  }
0x31: {  	[smem:$0x3FB6] =	sst s10  }
0x32: {  	s10 =	sld [smem:$0x3FB4];
	_ =	sdelay $0x3  }
0x33: {  	p0 =	seq.s32 s10, $0x1;
	s10 =	sld [smem:$0x3FB6];
	_ =	sdelay $0x3  }
0x34: {  	[smem:$0x3FB6] =	sst s10  }
0x35: {  	s10 =	sld [smem:$0x3FB5];
	_ =	sdelay $0x3  }
0x36: {  	p1 =	seq.s32 s10, $0x1;
	s10 =	sld [smem:$0x3FB6];
	_ =	sdelay $0x3  }
0x37: {  	[smem:$0x3FB6] =	sst s10  }
0x38: {  	s10 =	sld [smem:$0x3FB7]  }
0x39: {  	_ = 	snop;
	(pc) =	sbr.ind lr, $3  }
0x3a: {  	_ = 	snop  }
0x3b: {  	_ = 	snop  }
0x3c: {  	p2 =	seq.s32 s10, $0x1;
	s10 =	sld [smem:$0x3FB6]  }
0x3d: {  	_ =	shalt  }
0x3e: {  	_ =	shalt  }
0x3f: {  	_ =	shalt  }
0x40: {  	_ =	shalt  }
0x41: {  	_ =	shalt  }
0x42: {  	_ =	shalt  }
0x43: {  	_ =	shalt  }
0x44: {  	_ =	shalt  }
0x45: {  	_ =	shalt  }
0x46: {  	_ =	shalt  }
0x47: {  	_ =	shalt  }
0x48: {  	_ =	shalt  }
0x49: {  	_ =	shalt  }
0x4a: {  	_ =	shalt  }
0x4b: {  	_ =	shalt  }
0x4c: {  	_ =	shalt  }
0x4d: {  	_ =	shalt  }
0x4e: {  	_ =	shalt  }
0x4f: {  	_ =	shalt  }
0x50: {  	_ =	shalt  }
0x51: {  	_ =	shalt  }
0x52: {  	_ =	shalt  }
0x53: {  	_ =	shalt  }
0x54: {  	_ =	shalt  }
0x55: {  	_ =	shalt  }
0x56: {  	_ =	shalt  }
0x57: {  	_ =	shalt  }
0x58: {  	_ =	shalt  }
0x59: {  	_ =	shalt  }
0x5a: {  	_ =	shalt  }
0x5b: {  	_ =	shalt  }
0x5c: {  	_ =	shalt  }
0x5d: {  	_ =	shalt  }
0x5e: {  	_ =	shalt  }
0x5f: {  	_ =	shalt  }
0x60: {  	_ =	shalt  }
0x61: {  	_ =	shalt  }
0x62: {  	_ =	shalt  }
0x63: {  	_ =	shalt  }
0x64: {  	_ =	shalt  }
0x65: {  	_ =	shalt  }
0x66: {  	_ =	shalt  }
0x67: {  	_ =	shalt  }
0x68: {  	_ =	shalt  }
0x69: {  	_ =	shalt  }
0x6a: {  	_ =	shalt  }
0x6b: {  	_ =	shalt  }
0x6c: {  	_ =	shalt  }
0x6d: {  	_ =	shalt  }
0x6e: {  	_ =	shalt  }
0x6f: {  	_ =	shalt  }
0x70: {  	_ =	shalt  }
0x71: {  	_ =	shalt  }
0x72: {  	_ =	shalt  }
0x73: {  	_ =	shalt  }
0x74: {  	_ =	shalt  }
0x75: {  	_ =	shalt  }
0x76: {  	_ =	shalt  }
0x77: {  	_ =	shalt  }
0x78: {  	_ =	shalt  }
0x79: {  	_ =	shalt  }
0x7a: {  	_ =	shalt  }
0x7b: {  	_ =	shalt  }
0x7c: {  	_ =	shalt  }
0x7d: {  	_ =	shalt  }
0x7e: {  	_ =	shalt  }
0x7f: {  	_ =	shalt  }
0x80: {  	_ =	shalt  }
0x81: {  	_ =	shalt  }
0x82: {  	_ =	shalt  }
0x83: {  	_ =	shalt  }
0x84: {  	_ =	shalt  }
0x85: {  	_ =	shalt  }
0x86: {  	_ =	shalt  }
0x87: {  	_ =	shalt  }
.Lfunc_end0:
.L_simem_size_0:
called_computation.5_lowered:
.L_overlay_start_0:
0x88: {  	s2 =	sld [smem:$0x3FD9]  }
0x89: {  	s3 =	sld [smem:$0x3FFE];
	_ =	sdelay $0x1  }
0x8a: {  	s1 =	srdreg.scid  }
0x8b: {  	s0 =	sand.u32 $0x1, s1  }
0x8c: {  	s17 =	sshll.u32 s0, $0xA;
	s2 =	sadd.s32 s3, s2  }
0x8d: {  	s2 =	sadd.s32 s2, s17  }
0x8e: {  	[smem:$0x3FC2] =	sst s2  }
0x8f: {  	_ = 	snop  }
0x90: {  	s2 =	sld [smem:$0x3FC6];
	(tm) =	ssettm $0x1  }
0x91: {  	s18 =	sld [smem:$0x3FFB];
	_ =	sdelay $0x3  }
0x92: {  	_ =	strace s18  }
0x93: {  	s3 =	sld [smem:$0x3FFC];
	_ =	sdelay $0x3  }
0x94: {  	_ =	strace s3  }
0x95: {  	s3 =	sld [smem:$0x3FFD];
	_ =	sdelay $0x3  }
0x96: {  	_ =	strace s3  }
0x97: {  	_ =	strace $0x8FFFFFFF  }
0x98: {  	s19 =	sld [smem:$0x3FDB];
	_ =	sdelay $0x1  }
0x99: {  	s4 =	simm.s32 $_scs_section_size  }
0x9a: {  	s5 =	simm.s32 $_size__tile_overlayer_lowered;
	s6 =	simm.s32 $_tile_overlayer_lowered  }
0x9b: {  	s22 =	simm.s32 $0x1BFF;
	s21 =	sshll.u32 s6, $0x1;
	s3 =	sadd.s32 s4, s19  }
0x9c: {  	s7 =	simm.s32 $0x0;
	s20 =	sshll.u32 s5, $0x1;
	s5 =	sadd.s32 s21, s3  }
0x9d: {  	[timem:s7], [sflag:s22] =	dma.local [hbm:s5], s20  }
0x9e: {  	_ =	swait.ge [sflag:s22], s20  }
0x9f: {  	s4 =	ssub.s32 $0x0, s20;
	[sflag:s22] =	ssyncset.done $0x0  }
0xa0: {  	[sflag:s22] =	ssyncadd.s32 s4;
	_ =	sdelay $0x1  }
0xa1: {  	s23 =	simm.s32 $0x1B8B  }
0xa2: {  	_ =	swait.ge [sflag:s23], $0x1  }
0xa3: {  	[sflag:s23] =	ssyncset.done $0x0  }
0xa4: {  	s25 =	simm.s32 $0x1B8E;
	s24 =	sld [smem:$0x3FFE];
	[sflag:s23] =	ssyncadd.s32 $0xFFFFFFFF  }
0xa5: {  	s26 =	simm.s32 $execute0_lowered;
	[smem:$0x3FD2] =	sst s25  }
0xa6: {  	s5 =	sshll.u32 s26, $0x1;
	_ =	strace $0x80000049;
	[dreg:$0x1] =	wrdreg $0xFFFFFFFF  }
0xa7: {  	s28 =	simm.s32 $_size_execute0_lowered;
	s3 =	sadd.s32 s3, s5;
	[dreg:$0x0] =	wrdreg $0x0  }
0xa8: {  	s5 =	sshll.u32 s28, $0x1;
	[dreg:$0x2] =	wrdreg s3  }
0xa9: {  	[dreg:$0x3] =	wrdreg s5  }
0xaa: {  	[dreg:$0x4] =	wrdreg $0xC0  }
0xab: {  	_ =	task [dreg:s7], $0x5FFFF  }
0xac: {  	[dreg:$0x1] =	wrdreg $0xFFFFFFFF  }
0xad: {  	[dreg:$0x0] =	wrdreg $0x60  }
0xae: {  	[dreg:$0x2] =	wrdreg s24  }
0xaf: {  	[dreg:$0x3] =	wrdreg s2  }
0xb0: {  	[dreg:$0x4] =	wrdreg $0xC  }
0xb1: {  	_ =	task.clear_ibuf [dreg:s7], $0x5FFFF;
	_ =	strace $0x90000049  }
0xb2: {  	s29 =	simm.s32 $0xC;
	_ =	strace $0x8000004B  }
0xb3: {  	_ =	swait.ge [sflag:s29], $0x1  }
0xb4: {  	[sflag:s29] =	ssyncadd.s32 $0xFFFFFFFF  }
0xb5: {  	_ =	strace $0x9000004B  }
0xb6: {  	_ =	sfence  }
0xb7: {  	s30 =	sld [smem:$0x0];
	_ =	sdelay $0x2  }
0xb8: {  	s31 =	sshll.u32 s1, $0xD;
	s1 =	sshrl.u32 s1, $0x2  }
0xb9: {  	s3 =	sand.u32 $0x4000, s31;
	s1 =	sadd.s32 s1, s30  }
0xba: {  	s0 =	sor.u32 s3, s0;
	s1 =	sshll.u32 s1, $0x11  }
0xbb: {  	s0 =	sor.u32 s1, s0  }
0xbc: {  	s0 =	sadd.s32 $0x8F2B, s0  }
0xbd: {  	[sflag:s0] =	ssyncadd.remote.s32 $0x1  }
0xbe: {  	_ =	sfence.sel $0xFFFF  }
0xbf: {  	[dreg:$0x0] =	wrdreg $0xFFFFFFFF;
	(pc) =	sbr.abs _section_cstart, $3  }
0xc0: {  	[dreg:$0x1] =	wrdreg $0xFFFFFFFF  }
0xc1: {  	_ =	task.clear_ibuf [dreg:s7], $0x2FFFF;
	_ =	strace $0x9FFFFFFF  }
0xc2: {  	(tm) =	ssettm $0x7FFFFFFF  }
0xc3: {  	_ =	shalt  }
tec
execute0_lowered:
.L_overlay_start_1:
0x0: {  	(tag) =	ssettag $0x1  }
0x1: {  	s0 =	rddreg [dreg:$0x0]  }
0x2: {  	s1 =	srdreg.scid;
	_ =	strace $0x8000004A;
	s7 =	stileid.u32  }
0x3: {  	s1 =	sand.u32 $0x1, s1;
	s3 =	sadd.s32 $0x402000, s0;
	s24 =	sadd.s32 $0x502000, s0  }
0x4: {  	s5 =	sadd.s32 $0x2000, s0;
	s7 =	sshll.u32 s7, $0x9;
	[dreg:$0x6] =	wrdreg s3  }
0x5: {  	s25 =	sadd.s32 $0x402100, s0;
	s26 =	sadd.s32 $0x402200, s0;
	[dreg:$0x7] =	wrdreg s24  }
0x6: {  	s28 =	sadd.s32 $0x402300, s0;
	s10 =	sadd.s32 $0x2100, s0;
	[dreg:$0x8] =	wrdreg s25  }
0x7: {  	s11 =	sadd.s32 $0x2200, s0;
	s29 =	sadd.s32 $0x502100, s0;
	[dreg:$0x9] =	wrdreg s26  }
0x8: {  	s13 =	sadd.s32 $0x2300, s0;
	s30 =	sadd.s32 $0x502200, s0;
	[dreg:$0xa] =	wrdreg s28  }
0x9: {  	s0 =	sadd.s32 $0x502300, s0;
	s2 =	ssub.s32 $0x2, s1;
	[dreg:$0xb] =	wrdreg s29  }
0xa: {  	s1 =	sshll.u32 s1, $0x8;
	[dreg:$0xc] =	wrdreg s30;
	s6 =	sshrl.u32 s2, $0x1  }
0xb: {  	v0 =	vlaneseq.u32;
	[dreg:$0xd] =	wrdreg s0;
	s1 =	sor.u32 s1, s7;
	s2 =	ssub.s32 s2, s6  }
0xc: {  	s17 =	simm.s32 $0x0;
	vm0 =	vmmov $0xffff;
	v2 =	vshrl.u32 v0, $0x3;
	[dreg:$0x5] =	wrdreg s1;
	s31 =	smax.u32 s2, $0x1  }
0xd: {  	s19 =	simm.s32 $0x2000;
	v1 =	vand.u32 $0x7, v0;
	v3 =	vor.u32 $0x8, v0;
	v2 =	vmul.u32 $0x8, v2;
	s0 =	simm.s32 $0x0;
	[dreg:$0x3] =	wrdreg s31  }
.LBB2_1:
0xe: {  	[dreg:$0x4] =	wrdreg s0  }
0xf: {  	s23 =	rddreg [dreg:$0x1];
	s31 =	simm.s32 $0x3  }
0x10: {  	[tilespmem:s17], [sflag:$0x3] =	stream.linear.gather [hbm4b:s23+s17], $0x2000, $0x38;
	[tilespmem:$0x16C00] =	vst v63  }
0x11: {  	_ =	swait.ge [sflag:s31], $0x2000  }
0x12: {  	[sflag:s31] =	ssyncset.done $0x0  }
0x13: {  	[sflag:s31] =	ssyncadd.s32 $0xFFFFE000  }
0x14: {  	s24 =	simm.s32 $0x10;
	s25 =	simm.s32 $0x0;
	s23 =	simm.s32 $0x0;
	v4 =	vld [tilespmem:s17+$0x0]  }
.LBB2_2:
0x15: {  	p0 =	sne.s32 s24, $0x1FF0;
	_ =	sdelay $0x3  }
0x16: {  	(xrf1) =	vunique.msk.u32 $0xffff, v4;
	_ =	sdelay $0xd  }
0x17: {  	_, v5, vm1 =	vpop (xrf1);
	_ =	sdelay $0x2  }
.Ltmp0:
0x18: {  	(pc) =	sbr.rel @p0 .LBB2_2-.Ltmp0, $4  }
0x19: {  	_ = 	snop  }
0x1a: {  	v5 =	vor.u32 s23, v0;
	s23 =	smov.u32 s24  }
0x1b: {  	s25 =	sadd.s32 $0x10, s25;
	[tilespmem:v4+s19+$0x0] =	vst.idx.msk vm1, v5  }
0x1c: {  	s24 =	sadd.s32 $0x10, s24;
	v4 =	vld [tilespmem:s25+$0x0]  }
0x1d: {  	_ =	sdelay $0x3  }
0x1e: {  	(xrf1) =	vunique.msk.u32 $0xffff, v4;
	_ =	sdelay $0xd  }
0x1f: {  	_, v5, vm1 =	vpop (xrf1);
	_ =	sdelay $0x4  }
0x20: {  	v5 =	vor.u32 s23, v0  }
0x21: {  	s0 =	rddreg [dreg:$0x5];
	[tilespmem:v4+s19+$0x0] =	vst.idx.msk vm1, v5  }
0x22: {  	v4 =	vld [tilespmem:s0+$0x0];
	_ =	sdelay $0x7  }
0x23: {  	v5 =	vld.idx.msk [tilespmem:v4+s19+$0x0], $0xffff;
	_ =	sdelay $0x2  }
0x24: {  	[tilespmem:$0x6400] =	vst v4;
	v4 =	vadd.s32 $0x4000, v4  }
0x25: {  	[tilespmem:$0x6800] =	vst v4  }
0x26: {  	[tilespmem:$0x6000] =	vst v5  }
0x27: {  	v4 =	vld [tilespmem:s0+$0x10];
	_ =	sdelay $0x7  }
0x28: {  	v5 =	vld.idx.msk [tilespmem:v4+s19+$0x0], $0xffff;
	_ =	sdelay $0x2  }
0x29: {  	[tilespmem:$0x6410] =	vst v4;
	v4 =	vadd.s32 $0x4000, v4  }
0x2a: {  	[tilespmem:$0x6810] =	vst v4  }
0x2b: {  	[tilespmem:$0x6010] =	vst v5  }
0x2c: {  	v4 =	vld [tilespmem:s0+$0x20];
	_ =	sdelay $0x7  }
0x2d: {  	v5 =	vld.idx.msk [tilespmem:v4+s19+$0x0], $0xffff;
	_ =	sdelay $0x2  }
0x2e: {  	[tilespmem:$0x6480] =	vst v4;
	v4 =	vadd.s32 $0x4000, v4  }
0x2f: {  	[tilespmem:$0x6880] =	vst v4  }
0x30: {  	[tilespmem:$0x6080] =	vst v5  }
0x31: {  	v4 =	vld [tilespmem:s0+$0x30];
	_ =	sdelay $0x7  }
0x32: {  	v5 =	vld.idx.msk [tilespmem:v4+s19+$0x0], $0xffff;
	_ =	sdelay $0x2  }
0x33: {  	[tilespmem:$0x6490] =	vst v4;
	v4 =	vadd.s32 $0x4000, v4  }
0x34: {  	[tilespmem:$0x6890] =	vst v4  }
0x35: {  	[tilespmem:$0x6090] =	vst v5  }
0x36: {  	v4 =	vld [tilespmem:s0+$0x40];
	_ =	sdelay $0x7  }
0x37: {  	v5 =	vld.idx.msk [tilespmem:v4+s19+$0x0], $0xffff;
	_ =	sdelay $0x2  }
0x38: {  	[tilespmem:$0x6500] =	vst v4;
	v4 =	vadd.s32 $0x4000, v4  }
0x39: {  	[tilespmem:$0x6900] =	vst v4  }
0x3a: {  	[tilespmem:$0x6100] =	vst v5  }
0x3b: {  	v4 =	vld [tilespmem:s0+$0x50];
	_ =	sdelay $0x7  }
0x3c: {  	v5 =	vld.idx.msk [tilespmem:v4+s19+$0x0], $0xffff;
	_ =	sdelay $0x2  }
0x3d: {  	[tilespmem:$0x6510] =	vst v4;
	v4 =	vadd.s32 $0x4000, v4  }
0x3e: {  	[tilespmem:$0x6910] =	vst v4  }
0x3f: {  	[tilespmem:$0x6110] =	vst v5  }
0x40: {  	v4 =	vld [tilespmem:s0+$0x60];
	_ =	sdelay $0x7  }
0x41: {  	v5 =	vld.idx.msk [tilespmem:v4+s19+$0x0], $0xffff;
	_ =	sdelay $0x2  }
0x42: {  	[tilespmem:$0x6580] =	vst v4;
	v4 =	vadd.s32 $0x4000, v4  }
0x43: {  	[tilespmem:$0x6980] =	vst v4  }
0x44: {  	[tilespmem:$0x6180] =	vst v5  }
0x45: {  	v4 =	vld [tilespmem:s0+$0x70];
	_ =	sdelay $0x7  }
0x46: {  	v5 =	vld.idx.msk [tilespmem:v4+s19+$0x0], $0xffff;
	_ =	sdelay $0x2  }
0x47: {  	[tilespmem:$0x6590] =	vst v4;
	v4 =	vadd.s32 $0x4000, v4  }
0x48: {  	[tilespmem:$0x6990] =	vst v4  }
0x49: {  	[tilespmem:$0x6190] =	vst v5  }
0x4a: {  	v4 =	vld [tilespmem:s0+$0x80];
	_ =	sdelay $0x7  }
0x4b: {  	v5 =	vld.idx.msk [tilespmem:v4+s19+$0x0], $0xffff;
	_ =	sdelay $0x2  }
0x4c: {  	[tilespmem:$0x6600] =	vst v4;
	v4 =	vadd.s32 $0x4000, v4  }
0x4d: {  	[tilespmem:$0x6A00] =	vst v4  }
0x4e: {  	[tilespmem:$0x6200] =	vst v5  }
0x4f: {  	v4 =	vld [tilespmem:s0+$0x90];
	_ =	sdelay $0x7  }
0x50: {  	v5 =	vld.idx.msk [tilespmem:v4+s19+$0x0], $0xffff;
	_ =	sdelay $0x2  }
0x51: {  	[tilespmem:$0x6610] =	vst v4;
	v4 =	vadd.s32 $0x4000, v4  }
0x52: {  	[tilespmem:$0x6A10] =	vst v4  }
0x53: {  	[tilespmem:$0x6210] =	vst v5  }
0x54: {  	v4 =	vld [tilespmem:s0+$0xA0];
	_ =	sdelay $0x7  }
0x55: {  	v5 =	vld.idx.msk [tilespmem:v4+s19+$0x0], $0xffff;
	_ =	sdelay $0x2  }
0x56: {  	[tilespmem:$0x6680] =	vst v4;
	v4 =	vadd.s32 $0x4000, v4  }
0x57: {  	[tilespmem:$0x6A80] =	vst v4  }
0x58: {  	[tilespmem:$0x6280] =	vst v5  }
0x59: {  	v4 =	vld [tilespmem:s0+$0xB0];
	_ =	sdelay $0x7  }
0x5a: {  	v5 =	vld.idx.msk [tilespmem:v4+s19+$0x0], $0xffff;
	_ =	sdelay $0x2  }
0x5b: {  	[tilespmem:$0x6690] =	vst v4;
	v4 =	vadd.s32 $0x4000, v4  }
0x5c: {  	[tilespmem:$0x6A90] =	vst v4  }
0x5d: {  	[tilespmem:$0x6290] =	vst v5  }
0x5e: {  	v4 =	vld [tilespmem:s0+$0xC0];
	_ =	sdelay $0x7  }
0x5f: {  	v5 =	vld.idx.msk [tilespmem:v4+s19+$0x0], $0xffff;
	_ =	sdelay $0x2  }
0x60: {  	[tilespmem:$0x6700] =	vst v4;
	v4 =	vadd.s32 $0x4000, v4  }
0x61: {  	[tilespmem:$0x6B00] =	vst v4  }
0x62: {  	[tilespmem:$0x6300] =	vst v5  }
0x63: {  	v4 =	vld [tilespmem:s0+$0xD0];
	_ =	sdelay $0x7  }
0x64: {  	v5 =	vld.idx.msk [tilespmem:v4+s19+$0x0], $0xffff;
	_ =	sdelay $0x2  }
0x65: {  	[tilespmem:$0x6710] =	vst v4;
	v4 =	vadd.s32 $0x4000, v4  }
0x66: {  	[tilespmem:$0x6B10] =	vst v4  }
0x67: {  	[tilespmem:$0x6310] =	vst v5  }
0x68: {  	v4 =	vld [tilespmem:s0+$0xE0];
	_ =	sdelay $0x7  }
0x69: {  	v5 =	vld.idx.msk [tilespmem:v4+s19+$0x0], $0xffff;
	_ =	sdelay $0x2  }
0x6a: {  	[tilespmem:$0x6780] =	vst v4;
	v4 =	vadd.s32 $0x4000, v4  }
0x6b: {  	[tilespmem:$0x6B80] =	vst v4  }
0x6c: {  	[tilespmem:$0x6380] =	vst v5;
	v5 =	vld [tilespmem:$0x6000]  }
0x6d: {  	v4 =	vld [tilespmem:s0+$0xF0];
	_ =	sdelay $0x3  }
0x6e: {  	v6 =	vshll.u32 v5, $0x3  }
0x6f: {  	v5 =	vand.u32 $0x7, v5;
	v6 =	vand.u32 $0xFFFFFFC0, v6  }
0x70: {  	v5 =	vor.u32 v5, v6  }
0x71: {  	v6 =	vperm.xlane v5, v1  }
0x72: {  	v7 =	vld.idx.msk [tilespmem:v4+s19+$0x0], $0xffff  }
0x73: {  	v6 =	vadd.s32 v2, v6;
	_ =	sdelay $0x1  }
0x74: {  	[tilespmem:$0x6790] =	vst v4;
	v4 =	vadd.s32 $0x4000, v4  }
0x75: {  	[tilespmem:$0x6B90] =	vst v4  }
0x76: {  	s30 =	simm.s32 $0x6C00;
	s4 =	rddreg [dreg:$0x6];
	[tilespmem:$0x6390] =	vst v7  }
0x77: {  	[tilespmem:s30], [sflag:$0x1] =	stream.indirect_vreg.gather [hbm4b:s4+s17], $0x80, v6, vm0, $0xb8;
	[tilespmem:$0x16C00] =	vst v63  }
0x78: {  	s31 =	simm.s32 $0x7400;
	s8 =	rddreg [dreg:$0x8];
	v4 =	vperm.xlane v5, v3  }
0x79: {  	[tilespmem:s31], [sflag:$0x1] =	stream.indirect_vreg.gather [hbm4b:s8+s17], $0x80, v6, vm0, $0xb8;
	[tilespmem:$0x16C00] =	vst v63  }
0x7a: {  	s1 =	simm.s32 $0x7C00;
	s9 =	rddreg [dreg:$0x9];
	v4 =	vadd.s32 v2, v4  }
0x7b: {  	[tilespmem:s1], [sflag:$0x1] =	stream.indirect_vreg.gather [hbm4b:s9+s17], $0x80, v6, vm0, $0xb8;
	[tilespmem:$0x16C00] =	vst v63  }
0x7c: {  	s2 =	simm.s32 $0x8400;
	s12 =	rddreg [dreg:$0xa]  }
0x7d: {  	[tilespmem:s2], [sflag:$0x1] =	stream.indirect_vreg.gather [hbm4b:s12+s17], $0x80, v6, vm0, $0xb8;
	[tilespmem:$0x16C00] =	vst v63  }
0x7e: {  	s3 =	simm.s32 $0x8C00  }
0x7f: {  	[tilespmem:s3], [sflag:$0x1] =	stream.indirect_vreg.gather [hbm4b:s4+s17], $0x80, v4, vm0, $0xb8;
	[tilespmem:$0x16C00] =	vst v63  }
0x80: {  	s6 =	simm.s32 $0x9400  }
0x81: {  	[tilespmem:s6], [sflag:$0x1] =	stream.indirect_vreg.gather [hbm4b:s8+s17], $0x80, v4, vm0, $0xb8;
	[tilespmem:$0x16C00] =	vst v63  }
0x82: {  	s7 =	simm.s32 $0x9C00  }
0x83: {  	[tilespmem:s7], [sflag:$0x1] =	stream.indirect_vreg.gather [hbm4b:s9+s17], $0x80, v4, vm0, $0xb8;
	[tilespmem:$0x16C00] =	vst v63  }
0x84: {  	s14 =	simm.s32 $0xA400  }
0x85: {  	[tilespmem:s14], [sflag:$0x1] =	stream.indirect_vreg.gather [hbm4b:s12+s17], $0x80, v4, vm0, $0xb8;
	[tilespmem:$0x16C00] =	vst v63  }
0x86: {  	v4 =	vld [tilespmem:$0x6010];
	_ =	sdelay $0x4  }
0x87: {  	v5 =	vshll.u32 v4, $0x3  }
0x88: {  	v4 =	vand.u32 $0x7, v4;
	v5 =	vand.u32 $0xFFFFFFC0, v5  }
0x89: {  	v4 =	vor.u32 v4, v5  }
0x8a: {  	v5 =	vperm.xlane v4, v1;
	_ =	sdelay $0x1  }
0x8b: {  	v5 =	vadd.s32 v2, v5;
	_ =	sdelay $0x3  }
0x8c: {  	s15 =	simm.s32 $0xAC00  }
0x8d: {  	[tilespmem:s15], [sflag:$0x1] =	stream.indirect_vreg.gather [hbm4b:s4+s17], $0x80, v5, vm0, $0xb8;
	[tilespmem:$0x16C00] =	vst v63  }
0x8e: {  	s16 =	simm.s32 $0xB400;
	v4 =	vperm.xlane v4, v3  }
0x8f: {  	[tilespmem:s16], [sflag:$0x1] =	stream.indirect_vreg.gather [hbm4b:s8+s17], $0x80, v5, vm0, $0xb8;
	[tilespmem:$0x16C00] =	vst v63  }
0x90: {  	s18 =	simm.s32 $0xBC00;
	v4 =	vadd.s32 v2, v4  }
0x91: {  	[tilespmem:s18], [sflag:$0x1] =	stream.indirect_vreg.gather [hbm4b:s9+s17], $0x80, v5, vm0, $0xb8;
	[tilespmem:$0x16C00] =	vst v63  }
0x92: {  	s22 =	simm.s32 $0xC400  }
0x93: {  	[tilespmem:s22], [sflag:$0x1] =	stream.indirect_vreg.gather [hbm4b:s12+s17], $0x80, v5, vm0, $0xb8;
	[tilespmem:$0x16C00] =	vst v63  }
0x94: {  	s30 =	simm.s32 $0xCC00  }
0x95: {  	[tilespmem:s30], [sflag:$0x1] =	stream.indirect_vreg.gather [hbm4b:s4+s17], $0x80, v4, vm0, $0xb8;
	[tilespmem:$0x16C00] =	vst v63  }
0x96: {  	s3 =	simm.s32 $0xD400  }
0x97: {  	[tilespmem:s3], [sflag:$0x1] =	stream.indirect_vreg.gather [hbm4b:s8+s17], $0x80, v4, vm0, $0xb8;
	[tilespmem:$0x16C00] =	vst v63  }
0x98: {  	s6 =	simm.s32 $0xDC00  }
0x99: {  	[tilespmem:s6], [sflag:$0x1] =	stream.indirect_vreg.gather [hbm4b:s9+s17], $0x80, v4, vm0, $0xb8;
	[tilespmem:$0x16C00] =	vst v63  }
0x9a: {  	s14 =	simm.s32 $0xE400;
	s3 =	simm.s32 $0x1  }
0x9b: {  	[tilespmem:s14], [sflag:$0x1] =	stream.indirect_vreg.gather [hbm4b:s12+s17], $0x80, v4, vm0, $0xb8;
	[tilespmem:$0x16C00] =	vst v63  }
0x9c: {  	_ =	swait.ge [sflag:s3], $0x8000  }
0x9d: {  	[sflag:s3] =	ssyncset.done $0x0  }
0x9e: {  	[sflag:s3] =	ssyncadd.s32 $0xFFFF8000  }
0x9f: {  	v4 =	vld [tilespmem:$0x6400];
	_ =	sdelay $0x4  }
0xa0: {  	v5 =	vshll.u32 v4, $0x3  }
0xa1: {  	v4 =	vand.u32 $0x7, v4;
	v5 =	vand.u32 $0xFFFFFFC0, v5  }
0xa2: {  	v4 =	vor.u32 v4, v5  }
0xa3: {  	v5 =	vperm.xlane v4, v1;
	_ =	sdelay $0x1  }
0xa4: {  	v5 =	vadd.s32 v2, v5;
	_ =	sdelay $0x3  }
0xa5: {  	s29 =	simm.s32 $0x6C00  }
0xa6: {  	[hbm4b:s5+s17] =	stream.indirect_vreg.scatter [tilespmem:s29], [sflag:$0x1], $0x80, v5, vm0, $0xb8;
	[tilespmem:$0x16C00] =	vst v63  }
0xa7: {  	s31 =	simm.s32 $0x7400;
	v4 =	vperm.xlane v4, v3  }
0xa8: {  	[hbm4b:s10+s17] =	stream.indirect_vreg.scatter [tilespmem:s31], [sflag:$0x1], $0x80, v5, vm0, $0xb8;
	[tilespmem:$0x16C00] =	vst v63  }
0xa9: {  	s23 =	simm.s32 $0x7C00;
	v4 =	vadd.s32 v2, v4  }
0xaa: {  	[hbm4b:s11+s17] =	stream.indirect_vreg.scatter [tilespmem:s23], [sflag:$0x1], $0x80, v5, vm0, $0xb8;
	[tilespmem:$0x16C00] =	vst v63  }
0xab: {  	s21 =	simm.s32 $0x8400  }
0xac: {  	[hbm4b:s13+s17] =	stream.indirect_vreg.scatter [tilespmem:s21], [sflag:$0x1], $0x80, v5, vm0, $0xb8;
	[tilespmem:$0x16C00] =	vst v63  }
0xad: {  	s24 =	simm.s32 $0x8C00  }
0xae: {  	[hbm4b:s5+s17] =	stream.indirect_vreg.scatter [tilespmem:s24], [sflag:$0x1], $0x80, v4, vm0, $0xb8;
	[tilespmem:$0x16C00] =	vst v63  }
0xaf: {  	s26 =	simm.s32 $0x9400  }
0xb0: {  	[hbm4b:s10+s17] =	stream.indirect_vreg.scatter [tilespmem:s26], [sflag:$0x1], $0x80, v4, vm0, $0xb8;
	[tilespmem:$0x16C00] =	vst v63  }
0xb1: {  	s28 =	simm.s32 $0x9C00  }
0xb2: {  	[hbm4b:s11+s17] =	stream.indirect_vreg.scatter [tilespmem:s28], [sflag:$0x1], $0x80, v4, vm0, $0xb8;
	[tilespmem:$0x16C00] =	vst v63  }
0xb3: {  	s1 =	simm.s32 $0xA400  }
0xb4: {  	[hbm4b:s13+s17] =	stream.indirect_vreg.scatter [tilespmem:s1], [sflag:$0x1], $0x80, v4, vm0, $0xb8;
	[tilespmem:$0x16C00] =	vst v63  }
0xb5: {  	v4 =	vld [tilespmem:$0x6410];
	_ =	sdelay $0x4  }
0xb6: {  	v5 =	vshll.u32 v4, $0x3  }
0xb7: {  	v4 =	vand.u32 $0x7, v4;
	v5 =	vand.u32 $0xFFFFFFC0, v5  }
0xb8: {  	v4 =	vor.u32 v4, v5  }
0xb9: {  	v5 =	vperm.xlane v4, v1;
	_ =	sdelay $0x1  }
0xba: {  	v5 =	vadd.s32 v2, v5;
	_ =	sdelay $0x3  }
0xbb: {  	s25 =	simm.s32 $0xAC00  }
0xbc: {  	[hbm4b:s5+s17] =	stream.indirect_vreg.scatter [tilespmem:s25], [sflag:$0x1], $0x80, v5, vm0, $0xb8;
	[tilespmem:$0x16C00] =	vst v63  }
0xbd: {  	s20 =	simm.s32 $0xB400;
	v4 =	vperm.xlane v4, v3  }
0xbe: {  	[hbm4b:s10+s17] =	stream.indirect_vreg.scatter [tilespmem:s20], [sflag:$0x1], $0x80, v5, vm0, $0xb8;
	[tilespmem:$0x16C00] =	vst v63  }
0xbf: {  	s2 =	simm.s32 $0xBC00;
	v4 =	vadd.s32 v2, v4  }
0xc0: {  	[hbm4b:s11+s17] =	stream.indirect_vreg.scatter [tilespmem:s2], [sflag:$0x1], $0x80, v5, vm0, $0xb8;
	[tilespmem:$0x16C00] =	vst v63  }
0xc1: {  	s7 =	simm.s32 $0xC400  }
0xc2: {  	[hbm4b:s13+s17] =	stream.indirect_vreg.scatter [tilespmem:s7], [sflag:$0x1], $0x80, v5, vm0, $0xb8;
	[tilespmem:$0x16C00] =	vst v63  }
0xc3: {  	s16 =	simm.s32 $0xCC00  }
0xc4: {  	[hbm4b:s5+s17] =	stream.indirect_vreg.scatter [tilespmem:s16], [sflag:$0x1], $0x80, v4, vm0, $0xb8;
	[tilespmem:$0x16C00] =	vst v63  }
0xc5: {  	s18 =	simm.s32 $0xD400  }
0xc6: {  	[hbm4b:s10+s17] =	stream.indirect_vreg.scatter [tilespmem:s18], [sflag:$0x1], $0x80, v4, vm0, $0xb8;
	[tilespmem:$0x16C00] =	vst v63  }
0xc7: {  	s6 =	simm.s32 $0xDC00  }
0xc8: {  	[hbm4b:s11+s17] =	stream.indirect_vreg.scatter [tilespmem:s6], [sflag:$0x1], $0x80, v4, vm0, $0xb8;
	[tilespmem:$0x16C00] =	vst v63  }
0xc9: {  	s15 =	simm.s32 $0xE400;
	s22 =	simm.s32 $0x1  }
0xca: {  	[hbm4b:s13+s17] =	stream.indirect_vreg.scatter [tilespmem:s15], [sflag:$0x1], $0x80, v4, vm0, $0xb8;
	[tilespmem:$0x16C00] =	vst v63  }
0xcb: {  	_ =	swait.ge [sflag:s22], $0x8000  }
0xcc: {  	[sflag:s22] =	ssyncset.done $0x0  }
0xcd: {  	[sflag:s22] =	ssyncadd.s32 $0xFFFF8000  }
0xce: {  	v4 =	vld [tilespmem:$0x6000];
	_ =	sdelay $0x4  }
0xcf: {  	v5 =	vshll.u32 v4, $0x3  }
0xd0: {  	v4 =	vand.u32 $0x7, v4;
	v5 =	vand.u32 $0xFFFFFFC0, v5  }
0xd1: {  	v4 =	vor.u32 v4, v5  }
0xd2: {  	v5 =	vperm.xlane v4, v1;
	_ =	sdelay $0x1  }
0xd3: {  	v5 =	vadd.s32 v2, v5;
	_ =	sdelay $0x3  }
0xd4: {  	s23 =	simm.s32 $0xEC00;
	s6 =	rddreg [dreg:$0x7]  }
0xd5: {  	[tilespmem:s23], [sflag:$0x2] =	stream.indirect_vreg.gather [hbm4b:s6+s17], $0x80, v5, vm0, $0xb8;
	[tilespmem:$0x16C00] =	vst v63  }
0xd6: {  	s24 =	simm.s32 $0xF400;
	s14 =	rddreg [dreg:$0xb];
	v4 =	vperm.xlane v4, v3  }
0xd7: {  	[tilespmem:s24], [sflag:$0x2] =	stream.indirect_vreg.gather [hbm4b:s14+s17], $0x80, v5, vm0, $0xb8;
	[tilespmem:$0x16C00] =	vst v63  }
0xd8: {  	s25 =	simm.s32 $0xFC00;
	s15 =	rddreg [dreg:$0xc];
	v4 =	vadd.s32 v2, v4  }
0xd9: {  	[tilespmem:s25], [sflag:$0x2] =	stream.indirect_vreg.gather [hbm4b:s15+s17], $0x80, v5, vm0, $0xb8;
	[tilespmem:$0x16C00] =	vst v63  }
0xda: {  	s26 =	simm.s32 $0x10400;
	s1 =	rddreg [dreg:$0xd]  }
0xdb: {  	[tilespmem:s26], [sflag:$0x2] =	stream.indirect_vreg.gather [hbm4b:s1+s17], $0x80, v5, vm0, $0xb8;
	[tilespmem:$0x16C00] =	vst v63  }
0xdc: {  	s29 =	simm.s32 $0x10C00  }
0xdd: {  	[tilespmem:s29], [sflag:$0x2] =	stream.indirect_vreg.gather [hbm4b:s6+s17], $0x80, v4, vm0, $0xb8;
	[tilespmem:$0x16C00] =	vst v63  }
0xde: {  	s30 =	simm.s32 $0x11400  }
0xdf: {  	[tilespmem:s30], [sflag:$0x2] =	stream.indirect_vreg.gather [hbm4b:s14+s17], $0x80, v4, vm0, $0xb8;
	[tilespmem:$0x16C00] =	vst v63  }
0xe0: {  	s31 =	simm.s32 $0x11C00  }
0xe1: {  	[tilespmem:s31], [sflag:$0x2] =	stream.indirect_vreg.gather [hbm4b:s15+s17], $0x80, v4, vm0, $0xb8;
	[tilespmem:$0x16C00] =	vst v63  }
0xe2: {  	s3 =	simm.s32 $0x12400  }
0xe3: {  	[tilespmem:s3], [sflag:$0x2] =	stream.indirect_vreg.gather [hbm4b:s1+s17], $0x80, v4, vm0, $0xb8;
	[tilespmem:$0x16C00] =	vst v63  }
0xe4: {  	v4 =	vld [tilespmem:$0x6010];
	_ =	sdelay $0x4  }
0xe5: {  	v5 =	vshll.u32 v4, $0x3  }
0xe6: {  	v4 =	vand.u32 $0x7, v4;
	v5 =	vand.u32 $0xFFFFFFC0, v5  }
0xe7: {  	v4 =	vor.u32 v4, v5  }
0xe8: {  	v5 =	vperm.xlane v4, v1;
	_ =	sdelay $0x1  }
0xe9: {  	v5 =	vadd.s32 v2, v5;
	_ =	sdelay $0x3  }
0xea: {  	s21 =	simm.s32 $0x12C00  }
0xeb: {  	[tilespmem:s21], [sflag:$0x2] =	stream.indirect_vreg.gather [hbm4b:s6+s17], $0x80, v5, vm0, $0xb8;
	[tilespmem:$0x16C00] =	vst v63  }
0xec: {  	s23 =	simm.s32 $0x13400;
	v4 =	vperm.xlane v4, v3  }
0xed: {  	[tilespmem:s23], [sflag:$0x2] =	stream.indirect_vreg.gather [hbm4b:s14+s17], $0x80, v5, vm0, $0xb8;
	[tilespmem:$0x16C00] =	vst v63  }
0xee: {  	s24 =	simm.s32 $0x13C00;
	v4 =	vadd.s32 v2, v4  }
0xef: {  	[tilespmem:s24], [sflag:$0x2] =	stream.indirect_vreg.gather [hbm4b:s15+s17], $0x80, v5, vm0, $0xb8;
	[tilespmem:$0x16C00] =	vst v63  }
0xf0: {  	s25 =	simm.s32 $0x14400  }
0xf1: {  	[tilespmem:s25], [sflag:$0x2] =	stream.indirect_vreg.gather [hbm4b:s1+s17], $0x80, v5, vm0, $0xb8;
	[tilespmem:$0x16C00] =	vst v63  }
0xf2: {  	s26 =	simm.s32 $0x14C00  }
0xf3: {  	[tilespmem:s26], [sflag:$0x2] =	stream.indirect_vreg.gather [hbm4b:s6+s17], $0x80, v4, vm0, $0xb8;
	[tilespmem:$0x16C00] =	vst v63  }
0xf4: {  	s30 =	simm.s32 $0x15400  }
0xf5: {  	[tilespmem:s30], [sflag:$0x2] =	stream.indirect_vreg.gather [hbm4b:s14+s17], $0x80, v4, vm0, $0xb8;
	[tilespmem:$0x16C00] =	vst v63  }
0xf6: {  	s25 =	simm.s32 $0x15C00  }
0xf7: {  	[tilespmem:s25], [sflag:$0x2] =	stream.indirect_vreg.gather [hbm4b:s15+s17], $0x80, v4, vm0, $0xb8;
	[tilespmem:$0x16C00] =	vst v63  }
0xf8: {  	s30 =	simm.s32 $0x16400  }
0xf9: {  	[tilespmem:s30], [sflag:$0x2] =	stream.indirect_vreg.gather [hbm4b:s1+s17], $0x80, v4, vm0, $0xb8;
	[tilespmem:$0x16C00] =	vst v63  }
0xfa: {  	s30 =	simm.s32 $0x2  }
0xfb: {  	_ =	swait.ge [sflag:s30], $0x8000  }
0xfc: {  	[sflag:s30] =	ssyncset.done $0x0  }
0xfd: {  	[sflag:s30] =	ssyncadd.s32 $0xFFFF8000  }
0xfe: {  	v4 =	vld [tilespmem:$0x6800];
	_ =	sdelay $0x4  }
0xff: {  	v5 =	vshll.u32 v4, $0x3  }
0x100: {  	v4 =	vand.u32 $0x7, v4;
	v5 =	vand.u32 $0xFFFFFFC0, v5  }
0x101: {  	v4 =	vor.u32 v4, v5  }
0x102: {  	v5 =	vperm.xlane v4, v1;
	_ =	sdelay $0x1  }
0x103: {  	v5 =	vadd.s32 v2, v5;
	_ =	sdelay $0x3  }
0x104: {  	s28 =	simm.s32 $0xEC00  }
0x105: {  	[hbm4b:s5+s17] =	stream.indirect_vreg.scatter [tilespmem:s28], [sflag:$0x2], $0x80, v5, vm0, $0xb8;
	[tilespmem:$0x16C00] =	vst v63  }
0x106: {  	s20 =	simm.s32 $0xF400;
	v4 =	vperm.xlane v4, v3  }
0x107: {  	[hbm4b:s10+s17] =	stream.indirect_vreg.scatter [tilespmem:s20], [sflag:$0x2], $0x80, v5, vm0, $0xb8;
	[tilespmem:$0x16C00] =	vst v63  }
0x108: {  	s22 =	simm.s32 $0xFC00;
	v4 =	vadd.s32 v2, v4  }
0x109: {  	[hbm4b:s11+s17] =	stream.indirect_vreg.scatter [tilespmem:s22], [sflag:$0x2], $0x80, v5, vm0, $0xb8;
	[tilespmem:$0x16C00] =	vst v63  }
0x10a: {  	s7 =	simm.s32 $0x10400  }
0x10b: {  	[hbm4b:s13+s17] =	stream.indirect_vreg.scatter [tilespmem:s7], [sflag:$0x2], $0x80, v5, vm0, $0xb8;
	[tilespmem:$0x16C00] =	vst v63  }
0x10c: {  	s2 =	simm.s32 $0x10C00  }
0x10d: {  	[hbm4b:s5+s17] =	stream.indirect_vreg.scatter [tilespmem:s2], [sflag:$0x2], $0x80, v4, vm0, $0xb8;
	[tilespmem:$0x16C00] =	vst v63  }
0x10e: {  	s18 =	simm.s32 $0x11400  }
0x10f: {  	[hbm4b:s10+s17] =	stream.indirect_vreg.scatter [tilespmem:s18], [sflag:$0x2], $0x80, v4, vm0, $0xb8;
	[tilespmem:$0x16C00] =	vst v63  }
0x110: {  	s16 =	simm.s32 $0x11C00  }
0x111: {  	[hbm4b:s11+s17] =	stream.indirect_vreg.scatter [tilespmem:s16], [sflag:$0x2], $0x80, v4, vm0, $0xb8;
	[tilespmem:$0x16C00] =	vst v63  }
0x112: {  	s31 =	simm.s32 $0x12400  }
0x113: {  	[hbm4b:s13+s17] =	stream.indirect_vreg.scatter [tilespmem:s31], [sflag:$0x2], $0x80, v4, vm0, $0xb8;
	[tilespmem:$0x16C00] =	vst v63  }
0x114: {  	v4 =	vld [tilespmem:$0x6810];
	_ =	sdelay $0x4  }
0x115: {  	v5 =	vshll.u32 v4, $0x3  }
0x116: {  	v4 =	vand.u32 $0x7, v4;
	v5 =	vand.u32 $0xFFFFFFC0, v5  }
0x117: {  	v4 =	vor.u32 v4, v5  }
0x118: {  	v5 =	vperm.xlane v4, v1;
	_ =	sdelay $0x1  }
0x119: {  	v5 =	vadd.s32 v2, v5;
	_ =	sdelay $0x3  }
0x11a: {  	s29 =	simm.s32 $0x12C00  }
0x11b: {  	[hbm4b:s5+s17] =	stream.indirect_vreg.scatter [tilespmem:s29], [sflag:$0x2], $0x80, v5, vm0, $0xb8;
	[tilespmem:$0x16C00] =	vst v63  }
0x11c: {  	s3 =	simm.s32 $0x13400;
	v4 =	vperm.xlane v4, v3  }
0x11d: {  	[hbm4b:s10+s17] =	stream.indirect_vreg.scatter [tilespmem:s3], [sflag:$0x2], $0x80, v5, vm0, $0xb8;
	[tilespmem:$0x16C00] =	vst v63  }
0x11e: {  	s21 =	simm.s32 $0x13C00;
	v4 =	vadd.s32 v2, v4  }
0x11f: {  	[hbm4b:s11+s17] =	stream.indirect_vreg.scatter [tilespmem:s21], [sflag:$0x2], $0x80, v5, vm0, $0xb8;
	[tilespmem:$0x16C00] =	vst v63  }
0x120: {  	s24 =	simm.s32 $0x14400  }
0x121: {  	[hbm4b:s13+s17] =	stream.indirect_vreg.scatter [tilespmem:s24], [sflag:$0x2], $0x80, v5, vm0, $0xb8;
	[tilespmem:$0x16C00] =	vst v63  }
0x122: {  	s23 =	simm.s32 $0x14C00  }
0x123: {  	[hbm4b:s5+s17] =	stream.indirect_vreg.scatter [tilespmem:s23], [sflag:$0x2], $0x80, v4, vm0, $0xb8;
	[tilespmem:$0x16C00] =	vst v63  }
0x124: {  	s26 =	simm.s32 $0x15400  }
0x125: {  	[hbm4b:s10+s17] =	stream.indirect_vreg.scatter [tilespmem:s26], [sflag:$0x2], $0x80, v4, vm0, $0xb8;
	[tilespmem:$0x16C00] =	vst v63  }
0x126: {  	s0 =	simm.s32 $0x15C00  }
0x127: {  	[hbm4b:s11+s17] =	stream.indirect_vreg.scatter [tilespmem:s0], [sflag:$0x2], $0x80, v4, vm0, $0xb8;
	[tilespmem:$0x16C00] =	vst v63  }
0x128: {  	s25 =	simm.s32 $0x16400;
	s30 =	simm.s32 $0x2  }
0x129: {  	[hbm4b:s13+s17] =	stream.indirect_vreg.scatter [tilespmem:s25], [sflag:$0x2], $0x80, v4, vm0, $0xb8;
	[tilespmem:$0x16C00] =	vst v63  }
0x12a: {  	_ =	swait.ge [sflag:s30], $0x8000  }
0x12b: {  	[sflag:s30] =	ssyncset.done $0x0  }
0x12c: {  	[sflag:s30] =	ssyncadd.s32 $0xFFFF8000  }
0x12d: {  	v4 =	vld [tilespmem:$0x6080];
	_ =	sdelay $0x4  }
0x12e: {  	v5 =	vshll.u32 v4, $0x3  }
0x12f: {  	v4 =	vand.u32 $0x7, v4;
	v5 =	vand.u32 $0xFFFFFFC0, v5  }
0x130: {  	v4 =	vor.u32 v4, v5  }
0x131: {  	v5 =	vperm.xlane v4, v1;
	_ =	sdelay $0x1  }
0x132: {  	v5 =	vadd.s32 v2, v5;
	_ =	sdelay $0x3  }
0x133: {  	s29 =	simm.s32 $0x6C00  }
0x134: {  	[tilespmem:s29], [sflag:$0x1] =	stream.indirect_vreg.gather [hbm4b:s4+s17], $0x80, v5, vm0, $0xb8;
	[tilespmem:$0x16C00] =	vst v63  }
0x135: {  	s30 =	simm.s32 $0x7400;
	v4 =	vperm.xlane v4, v3  }
0x136: {  	[tilespmem:s30], [sflag:$0x1] =	stream.indirect_vreg.gather [hbm4b:s8+s17], $0x80, v5, vm0, $0xb8;
	[tilespmem:$0x16C00] =	vst v63  }
0x137: {  	s18 =	simm.s32 $0x7C00;
	v4 =	vadd.s32 v2, v4  }
0x138: {  	[tilespmem:s18], [sflag:$0x1] =	stream.indirect_vreg.gather [hbm4b:s9+s17], $0x80, v5, vm0, $0xb8;
	[tilespmem:$0x16C00] =	vst v63  }
0x139: {  	s16 =	simm.s32 $0x8400  }
0x13a: {  	[tilespmem:s16], [sflag:$0x1] =	stream.indirect_vreg.gather [hbm4b:s12+s17], $0x80, v5, vm0, $0xb8;
	[tilespmem:$0x16C00] =	vst v63  }
0x13b: {  	s21 =	simm.s32 $0x8C00  }
0x13c: {  	[tilespmem:s21], [sflag:$0x1] =	stream.indirect_vreg.gather [hbm4b:s4+s17], $0x80, v4, vm0, $0xb8;
	[tilespmem:$0x16C00] =	vst v63  }
0x13d: {  	s24 =	simm.s32 $0x9400  }
0x13e: {  	[tilespmem:s24], [sflag:$0x1] =	stream.indirect_vreg.gather [hbm4b:s8+s17], $0x80, v4, vm0, $0xb8;
	[tilespmem:$0x16C00] =	vst v63  }
0x13f: {  	s20 =	simm.s32 $0x9C00  }
0x140: {  	[tilespmem:s20], [sflag:$0x1] =	stream.indirect_vreg.gather [hbm4b:s9+s17], $0x80, v4, vm0, $0xb8;
	[tilespmem:$0x16C00] =	vst v63  }
0x141: {  	s31 =	simm.s32 $0xA400  }
0x142: {  	[tilespmem:s31], [sflag:$0x1] =	stream.indirect_vreg.gather [hbm4b:s12+s17], $0x80, v4, vm0, $0xb8;
	[tilespmem:$0x16C00] =	vst v63  }
0x143: {  	v4 =	vld [tilespmem:$0x6090];
	_ =	sdelay $0x4  }
0x144: {  	v5 =	vshll.u32 v4, $0x3  }
0x145: {  	v4 =	vand.u32 $0x7, v4;
	v5 =	vand.u32 $0xFFFFFFC0, v5  }
0x146: {  	v4 =	vor.u32 v4, v5  }
0x147: {  	v5 =	vperm.xlane v4, v1;
	_ =	sdelay $0x1  }
0x148: {  	v5 =	vadd.s32 v2, v5;
	_ =	sdelay $0x3  }
0x149: {  	s23 =	simm.s32 $0xAC00  }
0x14a: {  	[tilespmem:s23], [sflag:$0x1] =	stream.indirect_vreg.gather [hbm4b:s4+s17], $0x80, v5, vm0, $0xb8;
	[tilespmem:$0x16C00] =	vst v63  }
0x14b: {  	s28 =	simm.s32 $0xB400;
	v4 =	vperm.xlane v4, v3  }
0x14c: {  	[tilespmem:s28], [sflag:$0x1] =	stream.indirect_vreg.gather [hbm4b:s8+s17], $0x80, v5, vm0, $0xb8;
	[tilespmem:$0x16C00] =	vst v63  }
0x14d: {  	s0 =	simm.s32 $0xBC00;
	v4 =	vadd.s32 v2, v4  }
0x14e: {  	[tilespmem:s0], [sflag:$0x1] =	stream.indirect_vreg.gather [hbm4b:s9+s17], $0x80, v5, vm0, $0xb8;
	[tilespmem:$0x16C00] =	vst v63  }
0x14f: {  	s25 =	simm.s32 $0xC400  }
0x150: {  	[tilespmem:s25], [sflag:$0x1] =	stream.indirect_vreg.gather [hbm4b:s12+s17], $0x80, v5, vm0, $0xb8;
	[tilespmem:$0x16C00] =	vst v63  }
0x151: {  	s2 =	simm.s32 $0xCC00  }
0x152: {  	[tilespmem:s2], [sflag:$0x1] =	stream.indirect_vreg.gather [hbm4b:s4+s17], $0x80, v4, vm0, $0xb8;
	[tilespmem:$0x16C00] =	vst v63  }
0x153: {  	s7 =	simm.s32 $0xD400  }
0x154: {  	[tilespmem:s7], [sflag:$0x1] =	stream.indirect_vreg.gather [hbm4b:s8+s17], $0x80, v4, vm0, $0xb8;
	[tilespmem:$0x16C00] =	vst v63  }
0x155: {  	s22 =	simm.s32 $0xDC00  }
0x156: {  	[tilespmem:s22], [sflag:$0x1] =	stream.indirect_vreg.gather [hbm4b:s9+s17], $0x80, v4, vm0, $0xb8;
	[tilespmem:$0x16C00] =	vst v63  }
0x157: {  	s3 =	simm.s32 $0x1;
	s26 =	simm.s32 $0xE400  }
0x158: {  	[tilespmem:s26], [sflag:$0x1] =	stream.indirect_vreg.gather [hbm4b:s12+s17], $0x80, v4, vm0, $0xb8;
	[tilespmem:$0x16C00] =	vst v63  }
0x159: {  	_ =	swait.ge [sflag:s3], $0x8000  }
0x15a: {  	[sflag:s3] =	ssyncset.done $0x0  }
0x15b: {  	[sflag:s3] =	ssyncadd.s32 $0xFFFF8000  }
0x15c: {  	v4 =	vld [tilespmem:$0x6480];
	_ =	sdelay $0x4  }
0x15d: {  	v5 =	vshll.u32 v4, $0x3  }
0x15e: {  	v4 =	vand.u32 $0x7, v4;
	v5 =	vand.u32 $0xFFFFFFC0, v5  }
0x15f: {  	v4 =	vor.u32 v4, v5  }
0x160: {  	v5 =	vperm.xlane v4, v1;
	_ =	sdelay $0x1  }
0x161: {  	v5 =	vadd.s32 v2, v5;
	_ =	sdelay $0x4  }
0x162: {  	[hbm4b:s5+s17] =	stream.indirect_vreg.scatter [tilespmem:s29], [sflag:$0x1], $0x80, v5, vm0, $0xb8;
	[tilespmem:$0x16C00] =	vst v63  }
0x163: {  	v4 =	vperm.xlane v4, v3  }
0x164: {  	[hbm4b:s10+s17] =	stream.indirect_vreg.scatter [tilespmem:s30], [sflag:$0x1], $0x80, v5, vm0, $0xb8;
	[tilespmem:$0x16C00] =	vst v63  }
0x165: {  	v4 =	vadd.s32 v2, v4  }
0x166: {  	[hbm4b:s11+s17] =	stream.indirect_vreg.scatter [tilespmem:s18], [sflag:$0x1], $0x80, v5, vm0, $0xb8;
	[tilespmem:$0x16C00] =	vst v63  }
0x167: {  	_ = 	snop  }
0x168: {  	[hbm4b:s13+s17] =	stream.indirect_vreg.scatter [tilespmem:s16], [sflag:$0x1], $0x80, v5, vm0, $0xb8;
	[tilespmem:$0x16C00] =	vst v63  }
0x169: {  	_ = 	snop  }
0x16a: {  	[hbm4b:s5+s17] =	stream.indirect_vreg.scatter [tilespmem:s21], [sflag:$0x1], $0x80, v4, vm0, $0xb8;
	[tilespmem:$0x16C00] =	vst v63  }
0x16b: {  	_ = 	snop  }
0x16c: {  	[hbm4b:s10+s17] =	stream.indirect_vreg.scatter [tilespmem:s24], [sflag:$0x1], $0x80, v4, vm0, $0xb8;
	[tilespmem:$0x16C00] =	vst v63  }
0x16d: {  	_ = 	snop  }
0x16e: {  	[hbm4b:s11+s17] =	stream.indirect_vreg.scatter [tilespmem:s20], [sflag:$0x1], $0x80, v4, vm0, $0xb8;
	[tilespmem:$0x16C00] =	vst v63  }
0x16f: {  	_ = 	snop  }
0x170: {  	[hbm4b:s13+s17] =	stream.indirect_vreg.scatter [tilespmem:s31], [sflag:$0x1], $0x80, v4, vm0, $0xb8;
	[tilespmem:$0x16C00] =	vst v63  }
0x171: {  	v4 =	vld [tilespmem:$0x6490];
	_ =	sdelay $0x4  }
0x172: {  	v5 =	vshll.u32 v4, $0x3  }
0x173: {  	v4 =	vand.u32 $0x7, v4;
	v5 =	vand.u32 $0xFFFFFFC0, v5  }
0x174: {  	v4 =	vor.u32 v4, v5  }
0x175: {  	v5 =	vperm.xlane v4, v1;
	_ =	sdelay $0x1  }
0x176: {  	v5 =	vadd.s32 v2, v5;
	_ =	sdelay $0x4  }
0x177: {  	[hbm4b:s5+s17] =	stream.indirect_vreg.scatter [tilespmem:s23], [sflag:$0x1], $0x80, v5, vm0, $0xb8;
	[tilespmem:$0x16C00] =	vst v63  }
0x178: {  	v4 =	vperm.xlane v4, v3  }
0x179: {  	[hbm4b:s10+s17] =	stream.indirect_vreg.scatter [tilespmem:s28], [sflag:$0x1], $0x80, v5, vm0, $0xb8;
	[tilespmem:$0x16C00] =	vst v63  }
0x17a: {  	v4 =	vadd.s32 v2, v4  }
0x17b: {  	[hbm4b:s11+s17] =	stream.indirect_vreg.scatter [tilespmem:s0], [sflag:$0x1], $0x80, v5, vm0, $0xb8;
	[tilespmem:$0x16C00] =	vst v63  }
0x17c: {  	_ = 	snop  }
0x17d: {  	[hbm4b:s13+s17] =	stream.indirect_vreg.scatter [tilespmem:s25], [sflag:$0x1], $0x80, v5, vm0, $0xb8;
	[tilespmem:$0x16C00] =	vst v63  }
0x17e: {  	_ = 	snop  }
0x17f: {  	[hbm4b:s5+s17] =	stream.indirect_vreg.scatter [tilespmem:s2], [sflag:$0x1], $0x80, v4, vm0, $0xb8;
	[tilespmem:$0x16C00] =	vst v63  }
0x180: {  	_ = 	snop  }
0x181: {  	[hbm4b:s10+s17] =	stream.indirect_vreg.scatter [tilespmem:s7], [sflag:$0x1], $0x80, v4, vm0, $0xb8;
	[tilespmem:$0x16C00] =	vst v63  }
0x182: {  	_ = 	snop  }
0x183: {  	[hbm4b:s11+s17] =	stream.indirect_vreg.scatter [tilespmem:s22], [sflag:$0x1], $0x80, v4, vm0, $0xb8;
	[tilespmem:$0x16C00] =	vst v63  }
0x184: {  	s3 =	simm.s32 $0x1  }
0x185: {  	[hbm4b:s13+s17] =	stream.indirect_vreg.scatter [tilespmem:s26], [sflag:$0x1], $0x80, v4, vm0, $0xb8;
	[tilespmem:$0x16C00] =	vst v63  }
0x186: {  	_ =	swait.ge [sflag:s3], $0x8000  }
0x187: {  	[sflag:s3] =	ssyncset.done $0x0  }
0x188: {  	[sflag:s3] =	ssyncadd.s32 $0xFFFF8000  }
0x189: {  	v4 =	vld [tilespmem:$0x6080];
	_ =	sdelay $0x4  }
0x18a: {  	v5 =	vshll.u32 v4, $0x3  }
0x18b: {  	v4 =	vand.u32 $0x7, v4;
	v5 =	vand.u32 $0xFFFFFFC0, v5  }
0x18c: {  	v4 =	vor.u32 v4, v5  }
0x18d: {  	v5 =	vperm.xlane v4, v1;
	_ =	sdelay $0x1  }
0x18e: {  	v5 =	vadd.s32 v2, v5;
	_ =	sdelay $0x3  }
0x18f: {  	s0 =	simm.s32 $0xEC00  }
0x190: {  	[tilespmem:s0], [sflag:$0x2] =	stream.indirect_vreg.gather [hbm4b:s6+s17], $0x80, v5, vm0, $0xb8;
	[tilespmem:$0x16C00] =	vst v63  }
0x191: {  	s20 =	simm.s32 $0xF400;
	v4 =	vperm.xlane v4, v3  }
0x192: {  	[tilespmem:s20], [sflag:$0x2] =	stream.indirect_vreg.gather [hbm4b:s14+s17], $0x80, v5, vm0, $0xb8;
	[tilespmem:$0x16C00] =	vst v63  }
0x193: {  	s31 =	simm.s32 $0xFC00;
	v4 =	vadd.s32 v2, v4  }
0x194: {  	[tilespmem:s31], [sflag:$0x2] =	stream.indirect_vreg.gather [hbm4b:s15+s17], $0x80, v5, vm0, $0xb8;
	[tilespmem:$0x16C00] =	vst v63  }
0x195: {  	s7 =	simm.s32 $0x10400  }
0x196: {  	[tilespmem:s7], [sflag:$0x2] =	stream.indirect_vreg.gather [hbm4b:s1+s17], $0x80, v5, vm0, $0xb8;
	[tilespmem:$0x16C00] =	vst v63  }
0x197: {  	s2 =	simm.s32 $0x10C00  }
0x198: {  	[tilespmem:s2], [sflag:$0x2] =	stream.indirect_vreg.gather [hbm4b:s6+s17], $0x80, v4, vm0, $0xb8;
	[tilespmem:$0x16C00] =	vst v63  }
0x199: {  	s18 =	simm.s32 $0x11400  }
0x19a: {  	[tilespmem:s18], [sflag:$0x2] =	stream.indirect_vreg.gather [hbm4b:s14+s17], $0x80, v4, vm0, $0xb8;
	[tilespmem:$0x16C00] =	vst v63  }
0x19b: {  	s16 =	simm.s32 $0x11C00  }
0x19c: {  	[tilespmem:s16], [sflag:$0x2] =	stream.indirect_vreg.gather [hbm4b:s15+s17], $0x80, v4, vm0, $0xb8;
	[tilespmem:$0x16C00] =	vst v63  }
0x19d: {  	s30 =	simm.s32 $0x12400  }
0x19e: {  	[tilespmem:s30], [sflag:$0x2] =	stream.indirect_vreg.gather [hbm4b:s1+s17], $0x80, v4, vm0, $0xb8;
	[tilespmem:$0x16C00] =	vst v63  }
0x19f: {  	v4 =	vld [tilespmem:$0x6090];
	_ =	sdelay $0x4  }
0x1a0: {  	v5 =	vshll.u32 v4, $0x3  }
0x1a1: {  	v4 =	vand.u32 $0x7, v4;
	v5 =	vand.u32 $0xFFFFFFC0, v5  }
0x1a2: {  	v4 =	vor.u32 v4, v5  }
0x1a3: {  	v5 =	vperm.xlane v4, v1;
	_ =	sdelay $0x1  }
0x1a4: {  	v5 =	vadd.s32 v2, v5;
	_ =	sdelay $0x3  }
0x1a5: {  	s29 =	simm.s32 $0x12C00  }
0x1a6: {  	[tilespmem:s29], [sflag:$0x2] =	stream.indirect_vreg.gather [hbm4b:s6+s17], $0x80, v5, vm0, $0xb8;
	[tilespmem:$0x16C00] =	vst v63  }
0x1a7: {  	s3 =	simm.s32 $0x13400;
	v4 =	vperm.xlane v4, v3  }
0x1a8: {  	[tilespmem:s3], [sflag:$0x2] =	stream.indirect_vreg.gather [hbm4b:s14+s17], $0x80, v5, vm0, $0xb8;
	[tilespmem:$0x16C00] =	vst v63  }
0x1a9: {  	s21 =	simm.s32 $0x13C00;
	v4 =	vadd.s32 v2, v4  }
0x1aa: {  	[tilespmem:s21], [sflag:$0x2] =	stream.indirect_vreg.gather [hbm4b:s15+s17], $0x80, v5, vm0, $0xb8;
	[tilespmem:$0x16C00] =	vst v63  }
0x1ab: {  	s24 =	simm.s32 $0x14400  }
0x1ac: {  	[tilespmem:s24], [sflag:$0x2] =	stream.indirect_vreg.gather [hbm4b:s1+s17], $0x80, v5, vm0, $0xb8;
	[tilespmem:$0x16C00] =	vst v63  }
0x1ad: {  	s23 =	simm.s32 $0x14C00  }
0x1ae: {  	[tilespmem:s23], [sflag:$0x2] =	stream.indirect_vreg.gather [hbm4b:s6+s17], $0x80, v4, vm0, $0xb8;
	[tilespmem:$0x16C00] =	vst v63  }
0x1af: {  	s28 =	simm.s32 $0x15400  }
0x1b0: {  	[tilespmem:s28], [sflag:$0x2] =	stream.indirect_vreg.gather [hbm4b:s14+s17], $0x80, v4, vm0, $0xb8;
	[tilespmem:$0x16C00] =	vst v63  }
0x1b1: {  	s26 =	simm.s32 $0x15C00  }
0x1b2: {  	[tilespmem:s26], [sflag:$0x2] =	stream.indirect_vreg.gather [hbm4b:s15+s17], $0x80, v4, vm0, $0xb8;
	[tilespmem:$0x16C00] =	vst v63  }
0x1b3: {  	s25 =	simm.s32 $0x2;
	s22 =	simm.s32 $0x16400  }
0x1b4: {  	[tilespmem:s22], [sflag:$0x2] =	stream.indirect_vreg.gather [hbm4b:s1+s17], $0x80, v4, vm0, $0xb8;
	[tilespmem:$0x16C00] =	vst v63  }
0x1b5: {  	_ =	swait.ge [sflag:s25], $0x8000  }
0x1b6: {  	[sflag:s25] =	ssyncset.done $0x0  }
0x1b7: {  	[sflag:s25] =	ssyncadd.s32 $0xFFFF8000  }
0x1b8: {  	v4 =	vld [tilespmem:$0x6880];
	_ =	sdelay $0x4  }
0x1b9: {  	v5 =	vshll.u32 v4, $0x3  }
0x1ba: {  	v4 =	vand.u32 $0x7, v4;
	v5 =	vand.u32 $0xFFFFFFC0, v5  }
0x1bb: {  	v4 =	vor.u32 v4, v5  }
0x1bc: {  	v5 =	vperm.xlane v4, v1;
	_ =	sdelay $0x1  }
0x1bd: {  	v5 =	vadd.s32 v2, v5;
	_ =	sdelay $0x4  }
0x1be: {  	[hbm4b:s5+s17] =	stream.indirect_vreg.scatter [tilespmem:s0], [sflag:$0x2], $0x80, v5, vm0, $0xb8;
	[tilespmem:$0x16C00] =	vst v63  }
0x1bf: {  	v4 =	vperm.xlane v4, v3  }
0x1c0: {  	[hbm4b:s10+s17] =	stream.indirect_vreg.scatter [tilespmem:s20], [sflag:$0x2], $0x80, v5, vm0, $0xb8;
	[tilespmem:$0x16C00] =	vst v63  }
0x1c1: {  	v4 =	vadd.s32 v2, v4  }
0x1c2: {  	[hbm4b:s11+s17] =	stream.indirect_vreg.scatter [tilespmem:s31], [sflag:$0x2], $0x80, v5, vm0, $0xb8;
	[tilespmem:$0x16C00] =	vst v63  }
0x1c3: {  	_ = 	snop  }
0x1c4: {  	[hbm4b:s13+s17] =	stream.indirect_vreg.scatter [tilespmem:s7], [sflag:$0x2], $0x80, v5, vm0, $0xb8;
	[tilespmem:$0x16C00] =	vst v63  }
0x1c5: {  	_ = 	snop  }
0x1c6: {  	[hbm4b:s5+s17] =	stream.indirect_vreg.scatter [tilespmem:s2], [sflag:$0x2], $0x80, v4, vm0, $0xb8;
	[tilespmem:$0x16C00] =	vst v63  }
0x1c7: {  	_ = 	snop  }
0x1c8: {  	[hbm4b:s10+s17] =	stream.indirect_vreg.scatter [tilespmem:s18], [sflag:$0x2], $0x80, v4, vm0, $0xb8;
	[tilespmem:$0x16C00] =	vst v63  }
0x1c9: {  	_ = 	snop  }
0x1ca: {  	[hbm4b:s11+s17] =	stream.indirect_vreg.scatter [tilespmem:s16], [sflag:$0x2], $0x80, v4, vm0, $0xb8;
	[tilespmem:$0x16C00] =	vst v63  }
0x1cb: {  	_ = 	snop  }
0x1cc: {  	[hbm4b:s13+s17] =	stream.indirect_vreg.scatter [tilespmem:s30], [sflag:$0x2], $0x80, v4, vm0, $0xb8;
	[tilespmem:$0x16C00] =	vst v63  }
0x1cd: {  	v4 =	vld [tilespmem:$0x6890];
	_ =	sdelay $0x4  }
0x1ce: {  	v5 =	vshll.u32 v4, $0x3  }
0x1cf: {  	v4 =	vand.u32 $0x7, v4;
	v5 =	vand.u32 $0xFFFFFFC0, v5  }
0x1d0: {  	v4 =	vor.u32 v4, v5  }
0x1d1: {  	v5 =	vperm.xlane v4, v1;
	_ =	sdelay $0x1  }
0x1d2: {  	v5 =	vadd.s32 v2, v5;
	_ =	sdelay $0x4  }
0x1d3: {  	[hbm4b:s5+s17] =	stream.indirect_vreg.scatter [tilespmem:s29], [sflag:$0x2], $0x80, v5, vm0, $0xb8;
	[tilespmem:$0x16C00] =	vst v63  }
0x1d4: {  	v4 =	vperm.xlane v4, v3  }
0x1d5: {  	[hbm4b:s10+s17] =	stream.indirect_vreg.scatter [tilespmem:s3], [sflag:$0x2], $0x80, v5, vm0, $0xb8;
	[tilespmem:$0x16C00] =	vst v63  }
0x1d6: {  	v4 =	vadd.s32 v2, v4  }
0x1d7: {  	[hbm4b:s11+s17] =	stream.indirect_vreg.scatter [tilespmem:s21], [sflag:$0x2], $0x80, v5, vm0, $0xb8;
	[tilespmem:$0x16C00] =	vst v63  }
0x1d8: {  	_ = 	snop  }
0x1d9: {  	[hbm4b:s13+s17] =	stream.indirect_vreg.scatter [tilespmem:s24], [sflag:$0x2], $0x80, v5, vm0, $0xb8;
	[tilespmem:$0x16C00] =	vst v63  }
0x1da: {  	_ = 	snop  }
0x1db: {  	[hbm4b:s5+s17] =	stream.indirect_vreg.scatter [tilespmem:s23], [sflag:$0x2], $0x80, v4, vm0, $0xb8;
	[tilespmem:$0x16C00] =	vst v63  }
0x1dc: {  	_ = 	snop  }
0x1dd: {  	[hbm4b:s10+s17] =	stream.indirect_vreg.scatter [tilespmem:s28], [sflag:$0x2], $0x80, v4, vm0, $0xb8;
	[tilespmem:$0x16C00] =	vst v63  }
0x1de: {  	_ = 	snop  }
0x1df: {  	[hbm4b:s11+s17] =	stream.indirect_vreg.scatter [tilespmem:s26], [sflag:$0x2], $0x80, v4, vm0, $0xb8;
	[tilespmem:$0x16C00] =	vst v63  }
0x1e0: {  	s25 =	simm.s32 $0x2  }
0x1e1: {  	[hbm4b:s13+s17] =	stream.indirect_vreg.scatter [tilespmem:s22], [sflag:$0x2], $0x80, v4, vm0, $0xb8;
	[tilespmem:$0x16C00] =	vst v63  }
0x1e2: {  	_ =	swait.ge [sflag:s25], $0x8000  }
0x1e3: {  	[sflag:s25] =	ssyncset.done $0x0  }
0x1e4: {  	[sflag:s25] =	ssyncadd.s32 $0xFFFF8000  }
0x1e5: {  	v4 =	vld [tilespmem:$0x6100];
	_ =	sdelay $0x4  }
0x1e6: {  	v5 =	vshll.u32 v4, $0x3  }
0x1e7: {  	v4 =	vand.u32 $0x7, v4;
	v5 =	vand.u32 $0xFFFFFFC0, v5  }
0x1e8: {  	v4 =	vor.u32 v4, v5  }
0x1e9: {  	v5 =	vperm.xlane v4, v1;
	_ =	sdelay $0x1  }
0x1ea: {  	v5 =	vadd.s32 v2, v5;
	_ =	sdelay $0x3  }
0x1eb: {  	s28 =	simm.s32 $0x6C00  }
0x1ec: {  	[tilespmem:s28], [sflag:$0x1] =	stream.indirect_vreg.gather [hbm4b:s4+s17], $0x80, v5, vm0, $0xb8;
	[tilespmem:$0x16C00] =	vst v63  }
0x1ed: {  	s29 =	simm.s32 $0x7400;
	v4 =	vperm.xlane v4, v3  }
0x1ee: {  	[tilespmem:s29], [sflag:$0x1] =	stream.indirect_vreg.gather [hbm4b:s8+s17], $0x80, v5, vm0, $0xb8;
	[tilespmem:$0x16C00] =	vst v63  }
0x1ef: {  	s18 =	simm.s32 $0x7C00;
	v4 =	vadd.s32 v2, v4  }
0x1f0: {  	[tilespmem:s18], [sflag:$0x1] =	stream.indirect_vreg.gather [hbm4b:s9+s17], $0x80, v5, vm0, $0xb8;
	[tilespmem:$0x16C00] =	vst v63  }
0x1f1: {  	s16 =	simm.s32 $0x8400  }
0x1f2: {  	[tilespmem:s16], [sflag:$0x1] =	stream.indirect_vreg.gather [hbm4b:s12+s17], $0x80, v5, vm0, $0xb8;
	[tilespmem:$0x16C00] =	vst v63  }
0x1f3: {  	s20 =	simm.s32 $0x8C00  }
0x1f4: {  	[tilespmem:s20], [sflag:$0x1] =	stream.indirect_vreg.gather [hbm4b:s4+s17], $0x80, v4, vm0, $0xb8;
	[tilespmem:$0x16C00] =	vst v63  }
0x1f5: {  	s23 =	simm.s32 $0x9400  }
0x1f6: {  	[tilespmem:s23], [sflag:$0x1] =	stream.indirect_vreg.gather [hbm4b:s8+s17], $0x80, v4, vm0, $0xb8;
	[tilespmem:$0x16C00] =	vst v63  }
0x1f7: {  	s26 =	simm.s32 $0x9C00  }
0x1f8: {  	[tilespmem:s26], [sflag:$0x1] =	stream.indirect_vreg.gather [hbm4b:s9+s17], $0x80, v4, vm0, $0xb8;
	[tilespmem:$0x16C00] =	vst v63  }
0x1f9: {  	s2 =	simm.s32 $0xA400  }
0x1fa: {  	[tilespmem:s2], [sflag:$0x1] =	stream.indirect_vreg.gather [hbm4b:s12+s17], $0x80, v4, vm0, $0xb8;
	[tilespmem:$0x16C00] =	vst v63  }
0x1fb: {  	v4 =	vld [tilespmem:$0x6110];
	_ =	sdelay $0x4  }
0x1fc: {  	v5 =	vshll.u32 v4, $0x3  }
0x1fd: {  	v4 =	vand.u32 $0x7, v4;
	v5 =	vand.u32 $0xFFFFFFC0, v5  }
0x1fe: {  	v4 =	vor.u32 v4, v5  }
0x1ff: {  	v5 =	vperm.xlane v4, v1;
	_ =	sdelay $0x1  }
0x200: {  	v5 =	vadd.s32 v2, v5;
	_ =	sdelay $0x3  }
0x201: {  	s21 =	simm.s32 $0xAC00  }
0x202: {  	[tilespmem:s21], [sflag:$0x1] =	stream.indirect_vreg.gather [hbm4b:s4+s17], $0x80, v5, vm0, $0xb8;
	[tilespmem:$0x16C00] =	vst v63  }
0x203: {  	s25 =	simm.s32 $0xB400;
	v4 =	vperm.xlane v4, v3  }
0x204: {  	[tilespmem:s25], [sflag:$0x1] =	stream.indirect_vreg.gather [hbm4b:s8+s17], $0x80, v5, vm0, $0xb8;
	[tilespmem:$0x16C00] =	vst v63  }
0x205: {  	s31 =	simm.s32 $0xBC00;
	v4 =	vadd.s32 v2, v4  }
0x206: {  	[tilespmem:s31], [sflag:$0x1] =	stream.indirect_vreg.gather [hbm4b:s9+s17], $0x80, v5, vm0, $0xb8;
	[tilespmem:$0x16C00] =	vst v63  }
0x207: {  	s0 =	simm.s32 $0xC400  }
0x208: {  	[tilespmem:s0], [sflag:$0x1] =	stream.indirect_vreg.gather [hbm4b:s12+s17], $0x80, v5, vm0, $0xb8;
	[tilespmem:$0x16C00] =	vst v63  }
0x209: {  	s3 =	simm.s32 $0xCC00  }
0x20a: {  	[tilespmem:s3], [sflag:$0x1] =	stream.indirect_vreg.gather [hbm4b:s4+s17], $0x80, v4, vm0, $0xb8;
	[tilespmem:$0x16C00] =	vst v63  }
0x20b: {  	s7 =	simm.s32 $0xD400  }
0x20c: {  	[tilespmem:s7], [sflag:$0x1] =	stream.indirect_vreg.gather [hbm4b:s8+s17], $0x80, v4, vm0, $0xb8;
	[tilespmem:$0x16C00] =	vst v63  }
0x20d: {  	s30 =	simm.s32 $0xDC00  }
0x20e: {  	[tilespmem:s30], [sflag:$0x1] =	stream.indirect_vreg.gather [hbm4b:s9+s17], $0x80, v4, vm0, $0xb8;
	[tilespmem:$0x16C00] =	vst v63  }
0x20f: {  	s24 =	simm.s32 $0xE400;
	s22 =	simm.s32 $0x1  }
0x210: {  	[tilespmem:s24], [sflag:$0x1] =	stream.indirect_vreg.gather [hbm4b:s12+s17], $0x80, v4, vm0, $0xb8;
	[tilespmem:$0x16C00] =	vst v63  }
0x211: {  	_ =	swait.ge [sflag:s22], $0x8000  }
0x212: {  	[sflag:s22] =	ssyncset.done $0x0  }
0x213: {  	[sflag:s22] =	ssyncadd.s32 $0xFFFF8000  }
0x214: {  	v4 =	vld [tilespmem:$0x6500];
	_ =	sdelay $0x4  }
0x215: {  	v5 =	vshll.u32 v4, $0x3  }
0x216: {  	v4 =	vand.u32 $0x7, v4;
	v5 =	vand.u32 $0xFFFFFFC0, v5  }
0x217: {  	v4 =	vor.u32 v4, v5  }
0x218: {  	v5 =	vperm.xlane v4, v1;
	_ =	sdelay $0x1  }
0x219: {  	v5 =	vadd.s32 v2, v5;
	_ =	sdelay $0x4  }
0x21a: {  	[hbm4b:s5+s17] =	stream.indirect_vreg.scatter [tilespmem:s28], [sflag:$0x1], $0x80, v5, vm0, $0xb8;
	[tilespmem:$0x16C00] =	vst v63  }
0x21b: {  	v4 =	vperm.xlane v4, v3  }
0x21c: {  	[hbm4b:s10+s17] =	stream.indirect_vreg.scatter [tilespmem:s29], [sflag:$0x1], $0x80, v5, vm0, $0xb8;
	[tilespmem:$0x16C00] =	vst v63  }
0x21d: {  	v4 =	vadd.s32 v2, v4  }
0x21e: {  	[hbm4b:s11+s17] =	stream.indirect_vreg.scatter [tilespmem:s18], [sflag:$0x1], $0x80, v5, vm0, $0xb8;
	[tilespmem:$0x16C00] =	vst v63  }
0x21f: {  	_ = 	snop  }
0x220: {  	[hbm4b:s13+s17] =	stream.indirect_vreg.scatter [tilespmem:s16], [sflag:$0x1], $0x80, v5, vm0, $0xb8;
	[tilespmem:$0x16C00] =	vst v63  }
0x221: {  	_ = 	snop  }
0x222: {  	[hbm4b:s5+s17] =	stream.indirect_vreg.scatter [tilespmem:s20], [sflag:$0x1], $0x80, v4, vm0, $0xb8;
	[tilespmem:$0x16C00] =	vst v63  }
0x223: {  	_ = 	snop  }
0x224: {  	[hbm4b:s10+s17] =	stream.indirect_vreg.scatter [tilespmem:s23], [sflag:$0x1], $0x80, v4, vm0, $0xb8;
	[tilespmem:$0x16C00] =	vst v63  }
0x225: {  	_ = 	snop  }
0x226: {  	[hbm4b:s11+s17] =	stream.indirect_vreg.scatter [tilespmem:s26], [sflag:$0x1], $0x80, v4, vm0, $0xb8;
	[tilespmem:$0x16C00] =	vst v63  }
0x227: {  	_ = 	snop  }
0x228: {  	[hbm4b:s13+s17] =	stream.indirect_vreg.scatter [tilespmem:s2], [sflag:$0x1], $0x80, v4, vm0, $0xb8;
	[tilespmem:$0x16C00] =	vst v63  }
0x229: {  	v4 =	vld [tilespmem:$0x6510];
	_ =	sdelay $0x4  }
0x22a: {  	v5 =	vshll.u32 v4, $0x3  }
0x22b: {  	v4 =	vand.u32 $0x7, v4;
	v5 =	vand.u32 $0xFFFFFFC0, v5  }
0x22c: {  	v4 =	vor.u32 v4, v5  }
0x22d: {  	v5 =	vperm.xlane v4, v1;
	_ =	sdelay $0x1  }
0x22e: {  	v5 =	vadd.s32 v2, v5;
	_ =	sdelay $0x4  }
0x22f: {  	[hbm4b:s5+s17] =	stream.indirect_vreg.scatter [tilespmem:s21], [sflag:$0x1], $0x80, v5, vm0, $0xb8;
	[tilespmem:$0x16C00] =	vst v63  }
0x230: {  	v4 =	vperm.xlane v4, v3  }
0x231: {  	[hbm4b:s10+s17] =	stream.indirect_vreg.scatter [tilespmem:s25], [sflag:$0x1], $0x80, v5, vm0, $0xb8;
	[tilespmem:$0x16C00] =	vst v63  }
0x232: {  	v4 =	vadd.s32 v2, v4  }
0x233: {  	[hbm4b:s11+s17] =	stream.indirect_vreg.scatter [tilespmem:s31], [sflag:$0x1], $0x80, v5, vm0, $0xb8;
	[tilespmem:$0x16C00] =	vst v63  }
0x234: {  	_ = 	snop  }
0x235: {  	[hbm4b:s13+s17] =	stream.indirect_vreg.scatter [tilespmem:s0], [sflag:$0x1], $0x80, v5, vm0, $0xb8;
	[tilespmem:$0x16C00] =	vst v63  }
0x236: {  	_ = 	snop  }
0x237: {  	[hbm4b:s5+s17] =	stream.indirect_vreg.scatter [tilespmem:s3], [sflag:$0x1], $0x80, v4, vm0, $0xb8;
	[tilespmem:$0x16C00] =	vst v63  }
0x238: {  	_ = 	snop  }
0x239: {  	[hbm4b:s10+s17] =	stream.indirect_vreg.scatter [tilespmem:s7], [sflag:$0x1], $0x80, v4, vm0, $0xb8;
	[tilespmem:$0x16C00] =	vst v63  }
0x23a: {  	_ = 	snop  }
0x23b: {  	[hbm4b:s11+s17] =	stream.indirect_vreg.scatter [tilespmem:s30], [sflag:$0x1], $0x80, v4, vm0, $0xb8;
	[tilespmem:$0x16C00] =	vst v63  }
0x23c: {  	s22 =	simm.s32 $0x1  }
0x23d: {  	[hbm4b:s13+s17] =	stream.indirect_vreg.scatter [tilespmem:s24], [sflag:$0x1], $0x80, v4, vm0, $0xb8;
	[tilespmem:$0x16C00] =	vst v63  }
0x23e: {  	_ =	swait.ge [sflag:s22], $0x8000  }
0x23f: {  	[sflag:s22] =	ssyncset.done $0x0  }
0x240: {  	[sflag:s22] =	ssyncadd.s32 $0xFFFF8000  }
0x241: {  	v4 =	vld [tilespmem:$0x6100];
	_ =	sdelay $0x4  }
0x242: {  	v5 =	vshll.u32 v4, $0x3  }
0x243: {  	v4 =	vand.u32 $0x7, v4;
	v5 =	vand.u32 $0xFFFFFFC0, v5  }
0x244: {  	v4 =	vor.u32 v4, v5  }
0x245: {  	v5 =	vperm.xlane v4, v1;
	_ =	sdelay $0x1  }
0x246: {  	v5 =	vadd.s32 v2, v5;
	_ =	sdelay $0x3  }
0x247: {  	s0 =	simm.s32 $0xEC00  }
0x248: {  	[tilespmem:s0], [sflag:$0x2] =	stream.indirect_vreg.gather [hbm4b:s6+s17], $0x80, v5, vm0, $0xb8;
	[tilespmem:$0x16C00] =	vst v63  }
0x249: {  	s2 =	simm.s32 $0xF400;
	v4 =	vperm.xlane v4, v3  }
0x24a: {  	[tilespmem:s2], [sflag:$0x2] =	stream.indirect_vreg.gather [hbm4b:s14+s17], $0x80, v5, vm0, $0xb8;
	[tilespmem:$0x16C00] =	vst v63  }
0x24b: {  	s3 =	simm.s32 $0xFC00;
	v4 =	vadd.s32 v2, v4  }
0x24c: {  	[tilespmem:s3], [sflag:$0x2] =	stream.indirect_vreg.gather [hbm4b:s15+s17], $0x80, v5, vm0, $0xb8;
	[tilespmem:$0x16C00] =	vst v63  }
0x24d: {  	s16 =	simm.s32 $0x10400  }
0x24e: {  	[tilespmem:s16], [sflag:$0x2] =	stream.indirect_vreg.gather [hbm4b:s1+s17], $0x80, v5, vm0, $0xb8;
	[tilespmem:$0x16C00] =	vst v63  }
0x24f: {  	s7 =	simm.s32 $0x10C00  }
0x250: {  	[tilespmem:s7], [sflag:$0x2] =	stream.indirect_vreg.gather [hbm4b:s6+s17], $0x80, v4, vm0, $0xb8;
	[tilespmem:$0x16C00] =	vst v63  }
0x251: {  	s20 =	simm.s32 $0x11400  }
0x252: {  	[tilespmem:s20], [sflag:$0x2] =	stream.indirect_vreg.gather [hbm4b:s14+s17], $0x80, v4, vm0, $0xb8;
	[tilespmem:$0x16C00] =	vst v63  }
0x253: {  	s18 =	simm.s32 $0x11C00  }
0x254: {  	[tilespmem:s18], [sflag:$0x2] =	stream.indirect_vreg.gather [hbm4b:s15+s17], $0x80, v4, vm0, $0xb8;
	[tilespmem:$0x16C00] =	vst v63  }
0x255: {  	s22 =	simm.s32 $0x12400  }
0x256: {  	[tilespmem:s22], [sflag:$0x2] =	stream.indirect_vreg.gather [hbm4b:s1+s17], $0x80, v4, vm0, $0xb8;
	[tilespmem:$0x16C00] =	vst v63  }
0x257: {  	v4 =	vld [tilespmem:$0x6110];
	_ =	sdelay $0x4  }
0x258: {  	v5 =	vshll.u32 v4, $0x3  }
0x259: {  	v4 =	vand.u32 $0x7, v4;
	v5 =	vand.u32 $0xFFFFFFC0, v5  }
0x25a: {  	v4 =	vor.u32 v4, v5  }
0x25b: {  	v5 =	vperm.xlane v4, v1;
	_ =	sdelay $0x1  }
0x25c: {  	v5 =	vadd.s32 v2, v5;
	_ =	sdelay $0x3  }
0x25d: {  	s21 =	simm.s32 $0x12C00  }
0x25e: {  	[tilespmem:s21], [sflag:$0x2] =	stream.indirect_vreg.gather [hbm4b:s6+s17], $0x80, v5, vm0, $0xb8;
	[tilespmem:$0x16C00] =	vst v63  }
0x25f: {  	s25 =	simm.s32 $0x13400;
	v4 =	vperm.xlane v4, v3  }
0x260: {  	[tilespmem:s25], [sflag:$0x2] =	stream.indirect_vreg.gather [hbm4b:s14+s17], $0x80, v5, vm0, $0xb8;
	[tilespmem:$0x16C00] =	vst v63  }
0x261: {  	s23 =	simm.s32 $0x13C00;
	v4 =	vadd.s32 v2, v4  }
0x262: {  	[tilespmem:s23], [sflag:$0x2] =	stream.indirect_vreg.gather [hbm4b:s15+s17], $0x80, v5, vm0, $0xb8;
	[tilespmem:$0x16C00] =	vst v63  }
0x263: {  	s26 =	simm.s32 $0x14400  }
0x264: {  	[tilespmem:s26], [sflag:$0x2] =	stream.indirect_vreg.gather [hbm4b:s1+s17], $0x80, v5, vm0, $0xb8;
	[tilespmem:$0x16C00] =	vst v63  }
0x265: {  	s24 =	simm.s32 $0x14C00  }
0x266: {  	[tilespmem:s24], [sflag:$0x2] =	stream.indirect_vreg.gather [hbm4b:s6+s17], $0x80, v4, vm0, $0xb8;
	[tilespmem:$0x16C00] =	vst v63  }
0x267: {  	s29 =	simm.s32 $0x15400  }
0x268: {  	[tilespmem:s29], [sflag:$0x2] =	stream.indirect_vreg.gather [hbm4b:s14+s17], $0x80, v4, vm0, $0xb8;
	[tilespmem:$0x16C00] =	vst v63  }
0x269: {  	s28 =	simm.s32 $0x15C00  }
0x26a: {  	[tilespmem:s28], [sflag:$0x2] =	stream.indirect_vreg.gather [hbm4b:s15+s17], $0x80, v4, vm0, $0xb8;
	[tilespmem:$0x16C00] =	vst v63  }
0x26b: {  	s31 =	simm.s32 $0x16400;
	s30 =	simm.s32 $0x2  }
0x26c: {  	[tilespmem:s31], [sflag:$0x2] =	stream.indirect_vreg.gather [hbm4b:s1+s17], $0x80, v4, vm0, $0xb8;
	[tilespmem:$0x16C00] =	vst v63  }
0x26d: {  	_ =	swait.ge [sflag:s30], $0x8000  }
0x26e: {  	[sflag:s30] =	ssyncset.done $0x0  }
0x26f: {  	[sflag:s30] =	ssyncadd.s32 $0xFFFF8000  }
0x270: {  	v4 =	vld [tilespmem:$0x6900];
	_ =	sdelay $0x4  }
0x271: {  	v5 =	vshll.u32 v4, $0x3  }
0x272: {  	v4 =	vand.u32 $0x7, v4;
	v5 =	vand.u32 $0xFFFFFFC0, v5  }
0x273: {  	v4 =	vor.u32 v4, v5  }
0x274: {  	v5 =	vperm.xlane v4, v1;
	_ =	sdelay $0x1  }
0x275: {  	v5 =	vadd.s32 v2, v5;
	_ =	sdelay $0x4  }
0x276: {  	[hbm4b:s5+s17] =	stream.indirect_vreg.scatter [tilespmem:s0], [sflag:$0x2], $0x80, v5, vm0, $0xb8;
	[tilespmem:$0x16C00] =	vst v63  }
0x277: {  	v4 =	vperm.xlane v4, v3  }
0x278: {  	[hbm4b:s10+s17] =	stream.indirect_vreg.scatter [tilespmem:s2], [sflag:$0x2], $0x80, v5, vm0, $0xb8;
	[tilespmem:$0x16C00] =	vst v63  }
0x279: {  	v4 =	vadd.s32 v2, v4  }
0x27a: {  	[hbm4b:s11+s17] =	stream.indirect_vreg.scatter [tilespmem:s3], [sflag:$0x2], $0x80, v5, vm0, $0xb8;
	[tilespmem:$0x16C00] =	vst v63  }
0x27b: {  	_ = 	snop  }
0x27c: {  	[hbm4b:s13+s17] =	stream.indirect_vreg.scatter [tilespmem:s16], [sflag:$0x2], $0x80, v5, vm0, $0xb8;
	[tilespmem:$0x16C00] =	vst v63  }
0x27d: {  	_ = 	snop  }
0x27e: {  	[hbm4b:s5+s17] =	stream.indirect_vreg.scatter [tilespmem:s7], [sflag:$0x2], $0x80, v4, vm0, $0xb8;
	[tilespmem:$0x16C00] =	vst v63  }
0x27f: {  	_ = 	snop  }
0x280: {  	[hbm4b:s10+s17] =	stream.indirect_vreg.scatter [tilespmem:s20], [sflag:$0x2], $0x80, v4, vm0, $0xb8;
	[tilespmem:$0x16C00] =	vst v63  }
0x281: {  	_ = 	snop  }
0x282: {  	[hbm4b:s11+s17] =	stream.indirect_vreg.scatter [tilespmem:s18], [sflag:$0x2], $0x80, v4, vm0, $0xb8;
	[tilespmem:$0x16C00] =	vst v63  }
0x283: {  	_ = 	snop  }
0x284: {  	[hbm4b:s13+s17] =	stream.indirect_vreg.scatter [tilespmem:s22], [sflag:$0x2], $0x80, v4, vm0, $0xb8;
	[tilespmem:$0x16C00] =	vst v63  }
0x285: {  	v4 =	vld [tilespmem:$0x6910];
	_ =	sdelay $0x4  }
0x286: {  	v5 =	vshll.u32 v4, $0x3  }
0x287: {  	v4 =	vand.u32 $0x7, v4;
	v5 =	vand.u32 $0xFFFFFFC0, v5  }
0x288: {  	v4 =	vor.u32 v4, v5  }
0x289: {  	v5 =	vperm.xlane v4, v1;
	_ =	sdelay $0x1  }
0x28a: {  	v5 =	vadd.s32 v2, v5;
	_ =	sdelay $0x4  }
0x28b: {  	[hbm4b:s5+s17] =	stream.indirect_vreg.scatter [tilespmem:s21], [sflag:$0x2], $0x80, v5, vm0, $0xb8;
	[tilespmem:$0x16C00] =	vst v63  }
0x28c: {  	v4 =	vperm.xlane v4, v3  }
0x28d: {  	[hbm4b:s10+s17] =	stream.indirect_vreg.scatter [tilespmem:s25], [sflag:$0x2], $0x80, v5, vm0, $0xb8;
	[tilespmem:$0x16C00] =	vst v63  }
0x28e: {  	v4 =	vadd.s32 v2, v4  }
0x28f: {  	[hbm4b:s11+s17] =	stream.indirect_vreg.scatter [tilespmem:s23], [sflag:$0x2], $0x80, v5, vm0, $0xb8;
	[tilespmem:$0x16C00] =	vst v63  }
0x290: {  	_ = 	snop  }
0x291: {  	[hbm4b:s13+s17] =	stream.indirect_vreg.scatter [tilespmem:s26], [sflag:$0x2], $0x80, v5, vm0, $0xb8;
	[tilespmem:$0x16C00] =	vst v63  }
0x292: {  	_ = 	snop  }
0x293: {  	[hbm4b:s5+s17] =	stream.indirect_vreg.scatter [tilespmem:s24], [sflag:$0x2], $0x80, v4, vm0, $0xb8;
	[tilespmem:$0x16C00] =	vst v63  }
0x294: {  	_ = 	snop  }
0x295: {  	[hbm4b:s10+s17] =	stream.indirect_vreg.scatter [tilespmem:s29], [sflag:$0x2], $0x80, v4, vm0, $0xb8;
	[tilespmem:$0x16C00] =	vst v63  }
0x296: {  	_ = 	snop  }
0x297: {  	[hbm4b:s11+s17] =	stream.indirect_vreg.scatter [tilespmem:s28], [sflag:$0x2], $0x80, v4, vm0, $0xb8;
	[tilespmem:$0x16C00] =	vst v63  }
0x298: {  	s30 =	simm.s32 $0x2  }
0x299: {  	[hbm4b:s13+s17] =	stream.indirect_vreg.scatter [tilespmem:s31], [sflag:$0x2], $0x80, v4, vm0, $0xb8;
	[tilespmem:$0x16C00] =	vst v63  }
0x29a: {  	_ =	swait.ge [sflag:s30], $0x8000  }
0x29b: {  	[sflag:s30] =	ssyncset.done $0x0  }
0x29c: {  	[sflag:s30] =	ssyncadd.s32 $0xFFFF8000  }
0x29d: {  	v4 =	vld [tilespmem:$0x6180];
	_ =	sdelay $0x4  }
0x29e: {  	v5 =	vshll.u32 v4, $0x3  }
0x29f: {  	v4 =	vand.u32 $0x7, v4;
	v5 =	vand.u32 $0xFFFFFFC0, v5  }
0x2a0: {  	v4 =	vor.u32 v4, v5  }
0x2a1: {  	v5 =	vperm.xlane v4, v1;
	_ =	sdelay $0x1  }
0x2a2: {  	v5 =	vadd.s32 v2, v5;
	_ =	sdelay $0x3  }
0x2a3: {  	s29 =	simm.s32 $0x6C00  }
0x2a4: {  	[tilespmem:s29], [sflag:$0x1] =	stream.indirect_vreg.gather [hbm4b:s4+s17], $0x80, v5, vm0, $0xb8;
	[tilespmem:$0x16C00] =	vst v63  }
0x2a5: {  	s30 =	simm.s32 $0x7400;
	v4 =	vperm.xlane v4, v3  }
0x2a6: {  	[tilespmem:s30], [sflag:$0x1] =	stream.indirect_vreg.gather [hbm4b:s8+s17], $0x80, v5, vm0, $0xb8;
	[tilespmem:$0x16C00] =	vst v63  }
0x2a7: {  	s20 =	simm.s32 $0x7C00;
	v4 =	vadd.s32 v2, v4  }
0x2a8: {  	[tilespmem:s20], [sflag:$0x1] =	stream.indirect_vreg.gather [hbm4b:s9+s17], $0x80, v5, vm0, $0xb8;
	[tilespmem:$0x16C00] =	vst v63  }
0x2a9: {  	s18 =	simm.s32 $0x8400  }
0x2aa: {  	[tilespmem:s18], [sflag:$0x1] =	stream.indirect_vreg.gather [hbm4b:s12+s17], $0x80, v5, vm0, $0xb8;
	[tilespmem:$0x16C00] =	vst v63  }
0x2ab: {  	s21 =	simm.s32 $0x8C00  }
0x2ac: {  	[tilespmem:s21], [sflag:$0x1] =	stream.indirect_vreg.gather [hbm4b:s4+s17], $0x80, v4, vm0, $0xb8;
	[tilespmem:$0x16C00] =	vst v63  }
0x2ad: {  	s23 =	simm.s32 $0x9400  }
0x2ae: {  	[tilespmem:s23], [sflag:$0x1] =	stream.indirect_vreg.gather [hbm4b:s8+s17], $0x80, v4, vm0, $0xb8;
	[tilespmem:$0x16C00] =	vst v63  }
0x2af: {  	s26 =	simm.s32 $0x9C00  }
0x2b0: {  	[tilespmem:s26], [sflag:$0x1] =	stream.indirect_vreg.gather [hbm4b:s9+s17], $0x80, v4, vm0, $0xb8;
	[tilespmem:$0x16C00] =	vst v63  }
0x2b1: {  	s3 =	simm.s32 $0xA400  }
0x2b2: {  	[tilespmem:s3], [sflag:$0x1] =	stream.indirect_vreg.gather [hbm4b:s12+s17], $0x80, v4, vm0, $0xb8;
	[tilespmem:$0x16C00] =	vst v63  }
0x2b3: {  	v4 =	vld [tilespmem:$0x6190];
	_ =	sdelay $0x4  }
0x2b4: {  	v5 =	vshll.u32 v4, $0x3  }
0x2b5: {  	v4 =	vand.u32 $0x7, v4;
	v5 =	vand.u32 $0xFFFFFFC0, v5  }
0x2b6: {  	v4 =	vor.u32 v4, v5  }
0x2b7: {  	v5 =	vperm.xlane v4, v1;
	_ =	sdelay $0x1  }
0x2b8: {  	v5 =	vadd.s32 v2, v5;
	_ =	sdelay $0x3  }
0x2b9: {  	s22 =	simm.s32 $0xAC00  }
0x2ba: {  	[tilespmem:s22], [sflag:$0x1] =	stream.indirect_vreg.gather [hbm4b:s4+s17], $0x80, v5, vm0, $0xb8;
	[tilespmem:$0x16C00] =	vst v63  }
0x2bb: {  	s28 =	simm.s32 $0xB400;
	v4 =	vperm.xlane v4, v3  }
0x2bc: {  	[tilespmem:s28], [sflag:$0x1] =	stream.indirect_vreg.gather [hbm4b:s8+s17], $0x80, v5, vm0, $0xb8;
	[tilespmem:$0x16C00] =	vst v63  }
0x2bd: {  	s0 =	simm.s32 $0xBC00;
	v4 =	vadd.s32 v2, v4  }
0x2be: {  	[tilespmem:s0], [sflag:$0x1] =	stream.indirect_vreg.gather [hbm4b:s9+s17], $0x80, v5, vm0, $0xb8;
	[tilespmem:$0x16C00] =	vst v63  }
0x2bf: {  	s2 =	simm.s32 $0xC400  }
0x2c0: {  	[tilespmem:s2], [sflag:$0x1] =	stream.indirect_vreg.gather [hbm4b:s12+s17], $0x80, v5, vm0, $0xb8;
	[tilespmem:$0x16C00] =	vst v63  }
0x2c1: {  	s7 =	simm.s32 $0xCC00  }
0x2c2: {  	[tilespmem:s7], [sflag:$0x1] =	stream.indirect_vreg.gather [hbm4b:s4+s17], $0x80, v4, vm0, $0xb8;
	[tilespmem:$0x16C00] =	vst v63  }
0x2c3: {  	s16 =	simm.s32 $0xD400  }
0x2c4: {  	[tilespmem:s16], [sflag:$0x1] =	stream.indirect_vreg.gather [hbm4b:s8+s17], $0x80, v4, vm0, $0xb8;
	[tilespmem:$0x16C00] =	vst v63  }
0x2c5: {  	s31 =	simm.s32 $0xDC00  }
0x2c6: {  	[tilespmem:s31], [sflag:$0x1] =	stream.indirect_vreg.gather [hbm4b:s9+s17], $0x80, v4, vm0, $0xb8;
	[tilespmem:$0x16C00] =	vst v63  }
0x2c7: {  	s25 =	simm.s32 $0x1;
	s24 =	simm.s32 $0xE400  }
0x2c8: {  	[tilespmem:s24], [sflag:$0x1] =	stream.indirect_vreg.gather [hbm4b:s12+s17], $0x80, v4, vm0, $0xb8;
	[tilespmem:$0x16C00] =	vst v63  }
0x2c9: {  	_ =	swait.ge [sflag:s25], $0x8000  }
0x2ca: {  	[sflag:s25] =	ssyncset.done $0x0  }
0x2cb: {  	[sflag:s25] =	ssyncadd.s32 $0xFFFF8000  }
0x2cc: {  	v4 =	vld [tilespmem:$0x6580];
	_ =	sdelay $0x4  }
0x2cd: {  	v5 =	vshll.u32 v4, $0x3  }
0x2ce: {  	v4 =	vand.u32 $0x7, v4;
	v5 =	vand.u32 $0xFFFFFFC0, v5  }
0x2cf: {  	v4 =	vor.u32 v4, v5  }
0x2d0: {  	v5 =	vperm.xlane v4, v1;
	_ =	sdelay $0x1  }
0x2d1: {  	v5 =	vadd.s32 v2, v5;
	_ =	sdelay $0x4  }
0x2d2: {  	[hbm4b:s5+s17] =	stream.indirect_vreg.scatter [tilespmem:s29], [sflag:$0x1], $0x80, v5, vm0, $0xb8;
	[tilespmem:$0x16C00] =	vst v63  }
0x2d3: {  	v4 =	vperm.xlane v4, v3  }
0x2d4: {  	[hbm4b:s10+s17] =	stream.indirect_vreg.scatter [tilespmem:s30], [sflag:$0x1], $0x80, v5, vm0, $0xb8;
	[tilespmem:$0x16C00] =	vst v63  }
0x2d5: {  	v4 =	vadd.s32 v2, v4  }
0x2d6: {  	[hbm4b:s11+s17] =	stream.indirect_vreg.scatter [tilespmem:s20], [sflag:$0x1], $0x80, v5, vm0, $0xb8;
	[tilespmem:$0x16C00] =	vst v63  }
0x2d7: {  	_ = 	snop  }
0x2d8: {  	[hbm4b:s13+s17] =	stream.indirect_vreg.scatter [tilespmem:s18], [sflag:$0x1], $0x80, v5, vm0, $0xb8;
	[tilespmem:$0x16C00] =	vst v63  }
0x2d9: {  	_ = 	snop  }
0x2da: {  	[hbm4b:s5+s17] =	stream.indirect_vreg.scatter [tilespmem:s21], [sflag:$0x1], $0x80, v4, vm0, $0xb8;
	[tilespmem:$0x16C00] =	vst v63  }
0x2db: {  	_ = 	snop  }
0x2dc: {  	[hbm4b:s10+s17] =	stream.indirect_vreg.scatter [tilespmem:s23], [sflag:$0x1], $0x80, v4, vm0, $0xb8;
	[tilespmem:$0x16C00] =	vst v63  }
0x2dd: {  	_ = 	snop  }
0x2de: {  	[hbm4b:s11+s17] =	stream.indirect_vreg.scatter [tilespmem:s26], [sflag:$0x1], $0x80, v4, vm0, $0xb8;
	[tilespmem:$0x16C00] =	vst v63  }
0x2df: {  	_ = 	snop  }
0x2e0: {  	[hbm4b:s13+s17] =	stream.indirect_vreg.scatter [tilespmem:s3], [sflag:$0x1], $0x80, v4, vm0, $0xb8;
	[tilespmem:$0x16C00] =	vst v63  }
0x2e1: {  	v4 =	vld [tilespmem:$0x6590];
	_ =	sdelay $0x4  }
0x2e2: {  	v5 =	vshll.u32 v4, $0x3  }
0x2e3: {  	v4 =	vand.u32 $0x7, v4;
	v5 =	vand.u32 $0xFFFFFFC0, v5  }
0x2e4: {  	v4 =	vor.u32 v4, v5  }
0x2e5: {  	v5 =	vperm.xlane v4, v1;
	_ =	sdelay $0x1  }
0x2e6: {  	v5 =	vadd.s32 v2, v5;
	_ =	sdelay $0x4  }
0x2e7: {  	[hbm4b:s5+s17] =	stream.indirect_vreg.scatter [tilespmem:s22], [sflag:$0x1], $0x80, v5, vm0, $0xb8;
	[tilespmem:$0x16C00] =	vst v63  }
0x2e8: {  	v4 =	vperm.xlane v4, v3  }
0x2e9: {  	[hbm4b:s10+s17] =	stream.indirect_vreg.scatter [tilespmem:s28], [sflag:$0x1], $0x80, v5, vm0, $0xb8;
	[tilespmem:$0x16C00] =	vst v63  }
0x2ea: {  	v4 =	vadd.s32 v2, v4  }
0x2eb: {  	[hbm4b:s11+s17] =	stream.indirect_vreg.scatter [tilespmem:s0], [sflag:$0x1], $0x80, v5, vm0, $0xb8;
	[tilespmem:$0x16C00] =	vst v63  }
0x2ec: {  	_ = 	snop  }
0x2ed: {  	[hbm4b:s13+s17] =	stream.indirect_vreg.scatter [tilespmem:s2], [sflag:$0x1], $0x80, v5, vm0, $0xb8;
	[tilespmem:$0x16C00] =	vst v63  }
0x2ee: {  	_ = 	snop  }
0x2ef: {  	[hbm4b:s5+s17] =	stream.indirect_vreg.scatter [tilespmem:s7], [sflag:$0x1], $0x80, v4, vm0, $0xb8;
	[tilespmem:$0x16C00] =	vst v63  }
0x2f0: {  	_ = 	snop  }
0x2f1: {  	[hbm4b:s10+s17] =	stream.indirect_vreg.scatter [tilespmem:s16], [sflag:$0x1], $0x80, v4, vm0, $0xb8;
	[tilespmem:$0x16C00] =	vst v63  }
0x2f2: {  	_ = 	snop  }
0x2f3: {  	[hbm4b:s11+s17] =	stream.indirect_vreg.scatter [tilespmem:s31], [sflag:$0x1], $0x80, v4, vm0, $0xb8;
	[tilespmem:$0x16C00] =	vst v63  }
0x2f4: {  	s25 =	simm.s32 $0x1  }
0x2f5: {  	[hbm4b:s13+s17] =	stream.indirect_vreg.scatter [tilespmem:s24], [sflag:$0x1], $0x80, v4, vm0, $0xb8;
	[tilespmem:$0x16C00] =	vst v63  }
0x2f6: {  	_ =	swait.ge [sflag:s25], $0x8000  }
0x2f7: {  	[sflag:s25] =	ssyncset.done $0x0  }
0x2f8: {  	[sflag:s25] =	ssyncadd.s32 $0xFFFF8000  }
0x2f9: {  	v4 =	vld [tilespmem:$0x6180];
	_ =	sdelay $0x4  }
0x2fa: {  	v5 =	vshll.u32 v4, $0x3  }
0x2fb: {  	v4 =	vand.u32 $0x7, v4;
	v5 =	vand.u32 $0xFFFFFFC0, v5  }
0x2fc: {  	v4 =	vor.u32 v4, v5  }
0x2fd: {  	v5 =	vperm.xlane v4, v1;
	_ =	sdelay $0x1  }
0x2fe: {  	v5 =	vadd.s32 v2, v5;
	_ =	sdelay $0x3  }
0x2ff: {  	s2 =	simm.s32 $0xEC00  }
0x300: {  	[tilespmem:s2], [sflag:$0x2] =	stream.indirect_vreg.gather [hbm4b:s6+s17], $0x80, v5, vm0, $0xb8;
	[tilespmem:$0x16C00] =	vst v63  }
0x301: {  	s3 =	simm.s32 $0xF400;
	v4 =	vperm.xlane v4, v3  }
0x302: {  	[tilespmem:s3], [sflag:$0x2] =	stream.indirect_vreg.gather [hbm4b:s14+s17], $0x80, v5, vm0, $0xb8;
	[tilespmem:$0x16C00] =	vst v63  }
0x303: {  	s7 =	simm.s32 $0xFC00;
	v4 =	vadd.s32 v2, v4  }
0x304: {  	[tilespmem:s7], [sflag:$0x2] =	stream.indirect_vreg.gather [hbm4b:s15+s17], $0x80, v5, vm0, $0xb8;
	[tilespmem:$0x16C00] =	vst v63  }
0x305: {  	s18 =	simm.s32 $0x10400  }
0x306: {  	[tilespmem:s18], [sflag:$0x2] =	stream.indirect_vreg.gather [hbm4b:s1+s17], $0x80, v5, vm0, $0xb8;
	[tilespmem:$0x16C00] =	vst v63  }
0x307: {  	s16 =	simm.s32 $0x10C00  }
0x308: {  	[tilespmem:s16], [sflag:$0x2] =	stream.indirect_vreg.gather [hbm4b:s6+s17], $0x80, v4, vm0, $0xb8;
	[tilespmem:$0x16C00] =	vst v63  }
0x309: {  	s21 =	simm.s32 $0x11400  }
0x30a: {  	[tilespmem:s21], [sflag:$0x2] =	stream.indirect_vreg.gather [hbm4b:s14+s17], $0x80, v4, vm0, $0xb8;
	[tilespmem:$0x16C00] =	vst v63  }
0x30b: {  	s20 =	simm.s32 $0x11C00  }
0x30c: {  	[tilespmem:s20], [sflag:$0x2] =	stream.indirect_vreg.gather [hbm4b:s15+s17], $0x80, v4, vm0, $0xb8;
	[tilespmem:$0x16C00] =	vst v63  }
0x30d: {  	s23 =	simm.s32 $0x12400  }
0x30e: {  	[tilespmem:s23], [sflag:$0x2] =	stream.indirect_vreg.gather [hbm4b:s1+s17], $0x80, v4, vm0, $0xb8;
	[tilespmem:$0x16C00] =	vst v63  }
0x30f: {  	v4 =	vld [tilespmem:$0x6190];
	_ =	sdelay $0x4  }
0x310: {  	v5 =	vshll.u32 v4, $0x3  }
0x311: {  	v4 =	vand.u32 $0x7, v4;
	v5 =	vand.u32 $0xFFFFFFC0, v5  }
0x312: {  	v4 =	vor.u32 v4, v5  }
0x313: {  	v5 =	vperm.xlane v4, v1;
	_ =	sdelay $0x1  }
0x314: {  	v5 =	vadd.s32 v2, v5;
	_ =	sdelay $0x3  }
0x315: {  	s22 =	simm.s32 $0x12C00  }
0x316: {  	[tilespmem:s22], [sflag:$0x2] =	stream.indirect_vreg.gather [hbm4b:s6+s17], $0x80, v5, vm0, $0xb8;
	[tilespmem:$0x16C00] =	vst v63  }
0x317: {  	s25 =	simm.s32 $0x13400;
	v4 =	vperm.xlane v4, v3  }
0x318: {  	[tilespmem:s25], [sflag:$0x2] =	stream.indirect_vreg.gather [hbm4b:s14+s17], $0x80, v5, vm0, $0xb8;
	[tilespmem:$0x16C00] =	vst v63  }
0x319: {  	s24 =	simm.s32 $0x13C00;
	v4 =	vadd.s32 v2, v4  }
0x31a: {  	[tilespmem:s24], [sflag:$0x2] =	stream.indirect_vreg.gather [hbm4b:s15+s17], $0x80, v5, vm0, $0xb8;
	[tilespmem:$0x16C00] =	vst v63  }
0x31b: {  	s28 =	simm.s32 $0x14400  }
0x31c: {  	[tilespmem:s28], [sflag:$0x2] =	stream.indirect_vreg.gather [hbm4b:s1+s17], $0x80, v5, vm0, $0xb8;
	[tilespmem:$0x16C00] =	vst v63  }
0x31d: {  	s26 =	simm.s32 $0x14C00  }
0x31e: {  	[tilespmem:s26], [sflag:$0x2] =	stream.indirect_vreg.gather [hbm4b:s6+s17], $0x80, v4, vm0, $0xb8;
	[tilespmem:$0x16C00] =	vst v63  }
0x31f: {  	s0 =	simm.s32 $0x15400  }
0x320: {  	[tilespmem:s0], [sflag:$0x2] =	stream.indirect_vreg.gather [hbm4b:s14+s17], $0x80, v4, vm0, $0xb8;
	[tilespmem:$0x16C00] =	vst v63  }
0x321: {  	s29 =	simm.s32 $0x15C00  }
0x322: {  	[tilespmem:s29], [sflag:$0x2] =	stream.indirect_vreg.gather [hbm4b:s15+s17], $0x80, v4, vm0, $0xb8;
	[tilespmem:$0x16C00] =	vst v63  }
0x323: {  	s30 =	simm.s32 $0x2;
	s31 =	simm.s32 $0x16400  }
0x324: {  	[tilespmem:s31], [sflag:$0x2] =	stream.indirect_vreg.gather [hbm4b:s1+s17], $0x80, v4, vm0, $0xb8;
	[tilespmem:$0x16C00] =	vst v63  }
0x325: {  	_ =	swait.ge [sflag:s30], $0x8000  }
0x326: {  	[sflag:s30] =	ssyncset.done $0x0  }
0x327: {  	[sflag:s30] =	ssyncadd.s32 $0xFFFF8000  }
0x328: {  	v4 =	vld [tilespmem:$0x6980];
	_ =	sdelay $0x4  }
0x329: {  	v5 =	vshll.u32 v4, $0x3  }
0x32a: {  	v4 =	vand.u32 $0x7, v4;
	v5 =	vand.u32 $0xFFFFFFC0, v5  }
0x32b: {  	v4 =	vor.u32 v4, v5  }
0x32c: {  	v5 =	vperm.xlane v4, v1;
	_ =	sdelay $0x1  }
0x32d: {  	v5 =	vadd.s32 v2, v5;
	_ =	sdelay $0x4  }
0x32e: {  	[hbm4b:s5+s17] =	stream.indirect_vreg.scatter [tilespmem:s2], [sflag:$0x2], $0x80, v5, vm0, $0xb8;
	[tilespmem:$0x16C00] =	vst v63  }
0x32f: {  	v4 =	vperm.xlane v4, v3  }
0x330: {  	[hbm4b:s10+s17] =	stream.indirect_vreg.scatter [tilespmem:s3], [sflag:$0x2], $0x80, v5, vm0, $0xb8;
	[tilespmem:$0x16C00] =	vst v63  }
0x331: {  	v4 =	vadd.s32 v2, v4  }
0x332: {  	[hbm4b:s11+s17] =	stream.indirect_vreg.scatter [tilespmem:s7], [sflag:$0x2], $0x80, v5, vm0, $0xb8;
	[tilespmem:$0x16C00] =	vst v63  }
0x333: {  	_ = 	snop  }
0x334: {  	[hbm4b:s13+s17] =	stream.indirect_vreg.scatter [tilespmem:s18], [sflag:$0x2], $0x80, v5, vm0, $0xb8;
	[tilespmem:$0x16C00] =	vst v63  }
0x335: {  	_ = 	snop  }
0x336: {  	[hbm4b:s5+s17] =	stream.indirect_vreg.scatter [tilespmem:s16], [sflag:$0x2], $0x80, v4, vm0, $0xb8;
	[tilespmem:$0x16C00] =	vst v63  }
0x337: {  	_ = 	snop  }
0x338: {  	[hbm4b:s10+s17] =	stream.indirect_vreg.scatter [tilespmem:s21], [sflag:$0x2], $0x80, v4, vm0, $0xb8;
	[tilespmem:$0x16C00] =	vst v63  }
0x339: {  	_ = 	snop  }
0x33a: {  	[hbm4b:s11+s17] =	stream.indirect_vreg.scatter [tilespmem:s20], [sflag:$0x2], $0x80, v4, vm0, $0xb8;
	[tilespmem:$0x16C00] =	vst v63  }
0x33b: {  	_ = 	snop  }
0x33c: {  	[hbm4b:s13+s17] =	stream.indirect_vreg.scatter [tilespmem:s23], [sflag:$0x2], $0x80, v4, vm0, $0xb8;
	[tilespmem:$0x16C00] =	vst v63  }
0x33d: {  	v4 =	vld [tilespmem:$0x6990];
	_ =	sdelay $0x4  }
0x33e: {  	v5 =	vshll.u32 v4, $0x3  }
0x33f: {  	v4 =	vand.u32 $0x7, v4;
	v5 =	vand.u32 $0xFFFFFFC0, v5  }
0x340: {  	v4 =	vor.u32 v4, v5  }
0x341: {  	v5 =	vperm.xlane v4, v1;
	_ =	sdelay $0x1  }
0x342: {  	v5 =	vadd.s32 v2, v5;
	_ =	sdelay $0x4  }
0x343: {  	[hbm4b:s5+s17] =	stream.indirect_vreg.scatter [tilespmem:s22], [sflag:$0x2], $0x80, v5, vm0, $0xb8;
	[tilespmem:$0x16C00] =	vst v63  }
0x344: {  	v4 =	vperm.xlane v4, v3  }
0x345: {  	[hbm4b:s10+s17] =	stream.indirect_vreg.scatter [tilespmem:s25], [sflag:$0x2], $0x80, v5, vm0, $0xb8;
	[tilespmem:$0x16C00] =	vst v63  }
0x346: {  	v4 =	vadd.s32 v2, v4  }
0x347: {  	[hbm4b:s11+s17] =	stream.indirect_vreg.scatter [tilespmem:s24], [sflag:$0x2], $0x80, v5, vm0, $0xb8;
	[tilespmem:$0x16C00] =	vst v63  }
0x348: {  	_ = 	snop  }
0x349: {  	[hbm4b:s13+s17] =	stream.indirect_vreg.scatter [tilespmem:s28], [sflag:$0x2], $0x80, v5, vm0, $0xb8;
	[tilespmem:$0x16C00] =	vst v63  }
0x34a: {  	_ = 	snop  }
0x34b: {  	[hbm4b:s5+s17] =	stream.indirect_vreg.scatter [tilespmem:s26], [sflag:$0x2], $0x80, v4, vm0, $0xb8;
	[tilespmem:$0x16C00] =	vst v63  }
0x34c: {  	_ = 	snop  }
0x34d: {  	[hbm4b:s10+s17] =	stream.indirect_vreg.scatter [tilespmem:s0], [sflag:$0x2], $0x80, v4, vm0, $0xb8;
	[tilespmem:$0x16C00] =	vst v63  }
0x34e: {  	_ = 	snop  }
0x34f: {  	[hbm4b:s11+s17] =	stream.indirect_vreg.scatter [tilespmem:s29], [sflag:$0x2], $0x80, v4, vm0, $0xb8;
	[tilespmem:$0x16C00] =	vst v63  }
0x350: {  	s31 =	simm.s32 $0x2;
	s7 =	simm.s32 $0x16400  }
0x351: {  	[hbm4b:s13+s17] =	stream.indirect_vreg.scatter [tilespmem:s7], [sflag:$0x2], $0x80, v4, vm0, $0xb8;
	[tilespmem:$0x16C00] =	vst v63  }
0x352: {  	_ =	swait.ge [sflag:s31], $0x8000  }
0x353: {  	[sflag:s31] =	ssyncset.done $0x0  }
0x354: {  	[sflag:s31] =	ssyncadd.s32 $0xFFFF8000  }
0x355: {  	v4 =	vld [tilespmem:$0x6200];
	_ =	sdelay $0x4  }
0x356: {  	v5 =	vshll.u32 v4, $0x3  }
0x357: {  	v4 =	vand.u32 $0x7, v4;
	v5 =	vand.u32 $0xFFFFFFC0, v5  }
0x358: {  	v4 =	vor.u32 v4, v5  }
0x359: {  	v5 =	vperm.xlane v4, v1;
	_ =	sdelay $0x1  }
0x35a: {  	v5 =	vadd.s32 v2, v5;
	_ =	sdelay $0x3  }
0x35b: {  	s30 =	simm.s32 $0x6C00  }
0x35c: {  	[tilespmem:s30], [sflag:$0x1] =	stream.indirect_vreg.gather [hbm4b:s4+s17], $0x80, v5, vm0, $0xb8;
	[tilespmem:$0x16C00] =	vst v63  }
0x35d: {  	s0 =	simm.s32 $0x7400;
	v4 =	vperm.xlane v4, v3  }
0x35e: {  	[tilespmem:s0], [sflag:$0x1] =	stream.indirect_vreg.gather [hbm4b:s8+s17], $0x80, v5, vm0, $0xb8;
	[tilespmem:$0x16C00] =	vst v63  }
0x35f: {  	s20 =	simm.s32 $0x7C00;
	v4 =	vadd.s32 v2, v4  }
0x360: {  	[tilespmem:s20], [sflag:$0x1] =	stream.indirect_vreg.gather [hbm4b:s9+s17], $0x80, v5, vm0, $0xb8;
	[tilespmem:$0x16C00] =	vst v63  }
0x361: {  	s18 =	simm.s32 $0x8400  }
0x362: {  	[tilespmem:s18], [sflag:$0x1] =	stream.indirect_vreg.gather [hbm4b:s12+s17], $0x80, v5, vm0, $0xb8;
	[tilespmem:$0x16C00] =	vst v63  }
0x363: {  	s21 =	simm.s32 $0x8C00  }
0x364: {  	[tilespmem:s21], [sflag:$0x1] =	stream.indirect_vreg.gather [hbm4b:s4+s17], $0x80, v4, vm0, $0xb8;
	[tilespmem:$0x16C00] =	vst v63  }
0x365: {  	s24 =	simm.s32 $0x9400  }
0x366: {  	[tilespmem:s24], [sflag:$0x1] =	stream.indirect_vreg.gather [hbm4b:s8+s17], $0x80, v4, vm0, $0xb8;
	[tilespmem:$0x16C00] =	vst v63  }
0x367: {  	s28 =	simm.s32 $0x9C00  }
0x368: {  	[tilespmem:s28], [sflag:$0x1] =	stream.indirect_vreg.gather [hbm4b:s9+s17], $0x80, v4, vm0, $0xb8;
	[tilespmem:$0x16C00] =	vst v63  }
0x369: {  	s3 =	simm.s32 $0xA400  }
0x36a: {  	[tilespmem:s3], [sflag:$0x1] =	stream.indirect_vreg.gather [hbm4b:s12+s17], $0x80, v4, vm0, $0xb8;
	[tilespmem:$0x16C00] =	vst v63  }
0x36b: {  	v4 =	vld [tilespmem:$0x6210];
	_ =	sdelay $0x4  }
0x36c: {  	v5 =	vshll.u32 v4, $0x3  }
0x36d: {  	v4 =	vand.u32 $0x7, v4;
	v5 =	vand.u32 $0xFFFFFFC0, v5  }
0x36e: {  	v4 =	vor.u32 v4, v5  }
0x36f: {  	v5 =	vperm.xlane v4, v1;
	_ =	sdelay $0x1  }
0x370: {  	v5 =	vadd.s32 v2, v5;
	_ =	sdelay $0x3  }
0x371: {  	s22 =	simm.s32 $0xAC00  }
0x372: {  	[tilespmem:s22], [sflag:$0x1] =	stream.indirect_vreg.gather [hbm4b:s4+s17], $0x80, v5, vm0, $0xb8;
	[tilespmem:$0x16C00] =	vst v63  }
0x373: {  	s29 =	simm.s32 $0xB400;
	v4 =	vperm.xlane v4, v3  }
0x374: {  	[tilespmem:s29], [sflag:$0x1] =	stream.indirect_vreg.gather [hbm4b:s8+s17], $0x80, v5, vm0, $0xb8;
	[tilespmem:$0x16C00] =	vst v63  }
0x375: {  	s25 =	simm.s32 $0xBC00;
	v4 =	vadd.s32 v2, v4  }
0x376: {  	[tilespmem:s25], [sflag:$0x1] =	stream.indirect_vreg.gather [hbm4b:s9+s17], $0x80, v5, vm0, $0xb8;
	[tilespmem:$0x16C00] =	vst v63  }
0x377: {  	s2 =	simm.s32 $0xC400  }
0x378: {  	[tilespmem:s2], [sflag:$0x1] =	stream.indirect_vreg.gather [hbm4b:s12+s17], $0x80, v5, vm0, $0xb8;
	[tilespmem:$0x16C00] =	vst v63  }
0x379: {  	s7 =	simm.s32 $0xCC00  }
0x37a: {  	[tilespmem:s7], [sflag:$0x1] =	stream.indirect_vreg.gather [hbm4b:s4+s17], $0x80, v4, vm0, $0xb8;
	[tilespmem:$0x16C00] =	vst v63  }
0x37b: {  	s16 =	simm.s32 $0xD400  }
0x37c: {  	[tilespmem:s16], [sflag:$0x1] =	stream.indirect_vreg.gather [hbm4b:s8+s17], $0x80, v4, vm0, $0xb8;
	[tilespmem:$0x16C00] =	vst v63  }
0x37d: {  	s23 =	simm.s32 $0xDC00  }
0x37e: {  	[tilespmem:s23], [sflag:$0x1] =	stream.indirect_vreg.gather [hbm4b:s9+s17], $0x80, v4, vm0, $0xb8;
	[tilespmem:$0x16C00] =	vst v63  }
0x37f: {  	s26 =	simm.s32 $0xE400;
	s31 =	simm.s32 $0x1  }
0x380: {  	[tilespmem:s26], [sflag:$0x1] =	stream.indirect_vreg.gather [hbm4b:s12+s17], $0x80, v4, vm0, $0xb8;
	[tilespmem:$0x16C00] =	vst v63  }
0x381: {  	_ =	swait.ge [sflag:s31], $0x8000  }
0x382: {  	[sflag:s31] =	ssyncset.done $0x0  }
0x383: {  	[sflag:s31] =	ssyncadd.s32 $0xFFFF8000  }
0x384: {  	v4 =	vld [tilespmem:$0x6600];
	_ =	sdelay $0x4  }
0x385: {  	v5 =	vshll.u32 v4, $0x3  }
0x386: {  	v4 =	vand.u32 $0x7, v4;
	v5 =	vand.u32 $0xFFFFFFC0, v5  }
0x387: {  	v4 =	vor.u32 v4, v5  }
0x388: {  	v5 =	vperm.xlane v4, v1;
	_ =	sdelay $0x1  }
0x389: {  	v5 =	vadd.s32 v2, v5;
	_ =	sdelay $0x4  }
0x38a: {  	[hbm4b:s5+s17] =	stream.indirect_vreg.scatter [tilespmem:s30], [sflag:$0x1], $0x80, v5, vm0, $0xb8;
	[tilespmem:$0x16C00] =	vst v63  }
0x38b: {  	v4 =	vperm.xlane v4, v3  }
0x38c: {  	[hbm4b:s10+s17] =	stream.indirect_vreg.scatter [tilespmem:s0], [sflag:$0x1], $0x80, v5, vm0, $0xb8;
	[tilespmem:$0x16C00] =	vst v63  }
0x38d: {  	v4 =	vadd.s32 v2, v4  }
0x38e: {  	[hbm4b:s11+s17] =	stream.indirect_vreg.scatter [tilespmem:s20], [sflag:$0x1], $0x80, v5, vm0, $0xb8;
	[tilespmem:$0x16C00] =	vst v63  }
0x38f: {  	_ = 	snop  }
0x390: {  	[hbm4b:s13+s17] =	stream.indirect_vreg.scatter [tilespmem:s18], [sflag:$0x1], $0x80, v5, vm0, $0xb8;
	[tilespmem:$0x16C00] =	vst v63  }
0x391: {  	_ = 	snop  }
0x392: {  	[hbm4b:s5+s17] =	stream.indirect_vreg.scatter [tilespmem:s21], [sflag:$0x1], $0x80, v4, vm0, $0xb8;
	[tilespmem:$0x16C00] =	vst v63  }
0x393: {  	_ = 	snop  }
0x394: {  	[hbm4b:s10+s17] =	stream.indirect_vreg.scatter [tilespmem:s24], [sflag:$0x1], $0x80, v4, vm0, $0xb8;
	[tilespmem:$0x16C00] =	vst v63  }
0x395: {  	_ = 	snop  }
0x396: {  	[hbm4b:s11+s17] =	stream.indirect_vreg.scatter [tilespmem:s28], [sflag:$0x1], $0x80, v4, vm0, $0xb8;
	[tilespmem:$0x16C00] =	vst v63  }
0x397: {  	_ = 	snop  }
0x398: {  	[hbm4b:s13+s17] =	stream.indirect_vreg.scatter [tilespmem:s3], [sflag:$0x1], $0x80, v4, vm0, $0xb8;
	[tilespmem:$0x16C00] =	vst v63  }
0x399: {  	v4 =	vld [tilespmem:$0x6610];
	_ =	sdelay $0x4  }
0x39a: {  	v5 =	vshll.u32 v4, $0x3  }
0x39b: {  	v4 =	vand.u32 $0x7, v4;
	v5 =	vand.u32 $0xFFFFFFC0, v5  }
0x39c: {  	v4 =	vor.u32 v4, v5  }
0x39d: {  	v5 =	vperm.xlane v4, v1;
	_ =	sdelay $0x1  }
0x39e: {  	v5 =	vadd.s32 v2, v5;
	_ =	sdelay $0x4  }
0x39f: {  	[hbm4b:s5+s17] =	stream.indirect_vreg.scatter [tilespmem:s22], [sflag:$0x1], $0x80, v5, vm0, $0xb8;
	[tilespmem:$0x16C00] =	vst v63  }
0x3a0: {  	v4 =	vperm.xlane v4, v3  }
0x3a1: {  	[hbm4b:s10+s17] =	stream.indirect_vreg.scatter [tilespmem:s29], [sflag:$0x1], $0x80, v5, vm0, $0xb8;
	[tilespmem:$0x16C00] =	vst v63  }
0x3a2: {  	v4 =	vadd.s32 v2, v4  }
0x3a3: {  	[hbm4b:s11+s17] =	stream.indirect_vreg.scatter [tilespmem:s25], [sflag:$0x1], $0x80, v5, vm0, $0xb8;
	[tilespmem:$0x16C00] =	vst v63  }
0x3a4: {  	_ = 	snop  }
0x3a5: {  	[hbm4b:s13+s17] =	stream.indirect_vreg.scatter [tilespmem:s2], [sflag:$0x1], $0x80, v5, vm0, $0xb8;
	[tilespmem:$0x16C00] =	vst v63  }
0x3a6: {  	_ = 	snop  }
0x3a7: {  	[hbm4b:s5+s17] =	stream.indirect_vreg.scatter [tilespmem:s7], [sflag:$0x1], $0x80, v4, vm0, $0xb8;
	[tilespmem:$0x16C00] =	vst v63  }
0x3a8: {  	_ = 	snop  }
0x3a9: {  	[hbm4b:s10+s17] =	stream.indirect_vreg.scatter [tilespmem:s16], [sflag:$0x1], $0x80, v4, vm0, $0xb8;
	[tilespmem:$0x16C00] =	vst v63  }
0x3aa: {  	_ = 	snop  }
0x3ab: {  	[hbm4b:s11+s17] =	stream.indirect_vreg.scatter [tilespmem:s23], [sflag:$0x1], $0x80, v4, vm0, $0xb8;
	[tilespmem:$0x16C00] =	vst v63  }
0x3ac: {  	s31 =	simm.s32 $0x1  }
0x3ad: {  	[hbm4b:s13+s17] =	stream.indirect_vreg.scatter [tilespmem:s26], [sflag:$0x1], $0x80, v4, vm0, $0xb8;
	[tilespmem:$0x16C00] =	vst v63  }
0x3ae: {  	_ =	swait.ge [sflag:s31], $0x8000  }
0x3af: {  	[sflag:s31] =	ssyncset.done $0x0  }
0x3b0: {  	[sflag:s31] =	ssyncadd.s32 $0xFFFF8000  }
0x3b1: {  	v4 =	vld [tilespmem:$0x6200];
	_ =	sdelay $0x4  }
0x3b2: {  	v5 =	vshll.u32 v4, $0x3  }
0x3b3: {  	v4 =	vand.u32 $0x7, v4;
	v5 =	vand.u32 $0xFFFFFFC0, v5  }
0x3b4: {  	v4 =	vor.u32 v4, v5  }
0x3b5: {  	v5 =	vperm.xlane v4, v1;
	_ =	sdelay $0x1  }
0x3b6: {  	v5 =	vadd.s32 v2, v5;
	_ =	sdelay $0x3  }
0x3b7: {  	s3 =	simm.s32 $0xEC00  }
0x3b8: {  	[tilespmem:s3], [sflag:$0x2] =	stream.indirect_vreg.gather [hbm4b:s6+s17], $0x80, v5, vm0, $0xb8;
	[tilespmem:$0x16C00] =	vst v63  }
0x3b9: {  	s7 =	simm.s32 $0xF400;
	v4 =	vperm.xlane v4, v3  }
0x3ba: {  	[tilespmem:s7], [sflag:$0x2] =	stream.indirect_vreg.gather [hbm4b:s14+s17], $0x80, v5, vm0, $0xb8;
	[tilespmem:$0x16C00] =	vst v63  }
0x3bb: {  	s16 =	simm.s32 $0xFC00;
	v4 =	vadd.s32 v2, v4  }
0x3bc: {  	[tilespmem:s16], [sflag:$0x2] =	stream.indirect_vreg.gather [hbm4b:s15+s17], $0x80, v5, vm0, $0xb8;
	[tilespmem:$0x16C00] =	vst v63  }
0x3bd: {  	s20 =	simm.s32 $0x10400  }
0x3be: {  	[tilespmem:s20], [sflag:$0x2] =	stream.indirect_vreg.gather [hbm4b:s1+s17], $0x80, v5, vm0, $0xb8;
	[tilespmem:$0x16C00] =	vst v63  }
0x3bf: {  	s18 =	simm.s32 $0x10C00  }
0x3c0: {  	[tilespmem:s18], [sflag:$0x2] =	stream.indirect_vreg.gather [hbm4b:s6+s17], $0x80, v4, vm0, $0xb8;
	[tilespmem:$0x16C00] =	vst v63  }
0x3c1: {  	s22 =	simm.s32 $0x11400  }
0x3c2: {  	[tilespmem:s22], [sflag:$0x2] =	stream.indirect_vreg.gather [hbm4b:s14+s17], $0x80, v4, vm0, $0xb8;
	[tilespmem:$0x16C00] =	vst v63  }
0x3c3: {  	s21 =	simm.s32 $0x11C00  }
0x3c4: {  	[tilespmem:s21], [sflag:$0x2] =	stream.indirect_vreg.gather [hbm4b:s15+s17], $0x80, v4, vm0, $0xb8;
	[tilespmem:$0x16C00] =	vst v63  }
0x3c5: {  	s24 =	simm.s32 $0x12400  }
0x3c6: {  	[tilespmem:s24], [sflag:$0x2] =	stream.indirect_vreg.gather [hbm4b:s1+s17], $0x80, v4, vm0, $0xb8;
	[tilespmem:$0x16C00] =	vst v63  }
0x3c7: {  	v4 =	vld [tilespmem:$0x6210];
	_ =	sdelay $0x4  }
0x3c8: {  	v5 =	vshll.u32 v4, $0x3  }
0x3c9: {  	v4 =	vand.u32 $0x7, v4;
	v5 =	vand.u32 $0xFFFFFFC0, v5  }
0x3ca: {  	v4 =	vor.u32 v4, v5  }
0x3cb: {  	v5 =	vperm.xlane v4, v1;
	_ =	sdelay $0x1  }
0x3cc: {  	v5 =	vadd.s32 v2, v5;
	_ =	sdelay $0x3  }
0x3cd: {  	s23 =	simm.s32 $0x12C00  }
0x3ce: {  	[tilespmem:s23], [sflag:$0x2] =	stream.indirect_vreg.gather [hbm4b:s6+s17], $0x80, v5, vm0, $0xb8;
	[tilespmem:$0x16C00] =	vst v63  }
0x3cf: {  	s25 =	simm.s32 $0x13400;
	v4 =	vperm.xlane v4, v3  }
0x3d0: {  	[tilespmem:s25], [sflag:$0x2] =	stream.indirect_vreg.gather [hbm4b:s14+s17], $0x80, v5, vm0, $0xb8;
	[tilespmem:$0x16C00] =	vst v63  }
0x3d1: {  	s26 =	simm.s32 $0x13C00;
	v4 =	vadd.s32 v2, v4  }
0x3d2: {  	[tilespmem:s26], [sflag:$0x2] =	stream.indirect_vreg.gather [hbm4b:s15+s17], $0x80, v5, vm0, $0xb8;
	[tilespmem:$0x16C00] =	vst v63  }
0x3d3: {  	s29 =	simm.s32 $0x14400  }
0x3d4: {  	[tilespmem:s29], [sflag:$0x2] =	stream.indirect_vreg.gather [hbm4b:s1+s17], $0x80, v5, vm0, $0xb8;
	[tilespmem:$0x16C00] =	vst v63  }
0x3d5: {  	s28 =	simm.s32 $0x14C00  }
0x3d6: {  	[tilespmem:s28], [sflag:$0x2] =	stream.indirect_vreg.gather [hbm4b:s6+s17], $0x80, v4, vm0, $0xb8;
	[tilespmem:$0x16C00] =	vst v63  }
0x3d7: {  	s2 =	simm.s32 $0x15400  }
0x3d8: {  	[tilespmem:s2], [sflag:$0x2] =	stream.indirect_vreg.gather [hbm4b:s14+s17], $0x80, v4, vm0, $0xb8;
	[tilespmem:$0x16C00] =	vst v63  }
0x3d9: {  	s0 =	simm.s32 $0x15C00  }
0x3da: {  	[tilespmem:s0], [sflag:$0x2] =	stream.indirect_vreg.gather [hbm4b:s15+s17], $0x80, v4, vm0, $0xb8;
	[tilespmem:$0x16C00] =	vst v63  }
0x3db: {  	s30 =	simm.s32 $0x2;
	s31 =	simm.s32 $0x16400  }
0x3dc: {  	[tilespmem:s31], [sflag:$0x2] =	stream.indirect_vreg.gather [hbm4b:s1+s17], $0x80, v4, vm0, $0xb8;
	[tilespmem:$0x16C00] =	vst v63  }
0x3dd: {  	_ =	swait.ge [sflag:s30], $0x8000  }
0x3de: {  	[sflag:s30] =	ssyncset.done $0x0  }
0x3df: {  	[sflag:s30] =	ssyncadd.s32 $0xFFFF8000  }
0x3e0: {  	v4 =	vld [tilespmem:$0x6A00];
	_ =	sdelay $0x4  }
0x3e1: {  	v5 =	vshll.u32 v4, $0x3  }
0x3e2: {  	v4 =	vand.u32 $0x7, v4;
	v5 =	vand.u32 $0xFFFFFFC0, v5  }
0x3e3: {  	v4 =	vor.u32 v4, v5  }
0x3e4: {  	v5 =	vperm.xlane v4, v1;
	_ =	sdelay $0x1  }
0x3e5: {  	v5 =	vadd.s32 v2, v5;
	_ =	sdelay $0x4  }
0x3e6: {  	[hbm4b:s5+s17] =	stream.indirect_vreg.scatter [tilespmem:s3], [sflag:$0x2], $0x80, v5, vm0, $0xb8;
	[tilespmem:$0x16C00] =	vst v63  }
0x3e7: {  	v4 =	vperm.xlane v4, v3  }
0x3e8: {  	[hbm4b:s10+s17] =	stream.indirect_vreg.scatter [tilespmem:s7], [sflag:$0x2], $0x80, v5, vm0, $0xb8;
	[tilespmem:$0x16C00] =	vst v63  }
0x3e9: {  	v4 =	vadd.s32 v2, v4  }
0x3ea: {  	[hbm4b:s11+s17] =	stream.indirect_vreg.scatter [tilespmem:s16], [sflag:$0x2], $0x80, v5, vm0, $0xb8;
	[tilespmem:$0x16C00] =	vst v63  }
0x3eb: {  	_ = 	snop  }
0x3ec: {  	[hbm4b:s13+s17] =	stream.indirect_vreg.scatter [tilespmem:s20], [sflag:$0x2], $0x80, v5, vm0, $0xb8;
	[tilespmem:$0x16C00] =	vst v63  }
0x3ed: {  	_ = 	snop  }
0x3ee: {  	[hbm4b:s5+s17] =	stream.indirect_vreg.scatter [tilespmem:s18], [sflag:$0x2], $0x80, v4, vm0, $0xb8;
	[tilespmem:$0x16C00] =	vst v63  }
0x3ef: {  	_ = 	snop  }
0x3f0: {  	[hbm4b:s10+s17] =	stream.indirect_vreg.scatter [tilespmem:s22], [sflag:$0x2], $0x80, v4, vm0, $0xb8;
	[tilespmem:$0x16C00] =	vst v63  }
0x3f1: {  	_ = 	snop  }
0x3f2: {  	[hbm4b:s11+s17] =	stream.indirect_vreg.scatter [tilespmem:s21], [sflag:$0x2], $0x80, v4, vm0, $0xb8;
	[tilespmem:$0x16C00] =	vst v63  }
0x3f3: {  	_ = 	snop  }
0x3f4: {  	[hbm4b:s13+s17] =	stream.indirect_vreg.scatter [tilespmem:s24], [sflag:$0x2], $0x80, v4, vm0, $0xb8;
	[tilespmem:$0x16C00] =	vst v63  }
0x3f5: {  	v4 =	vld [tilespmem:$0x6A10];
	_ =	sdelay $0x4  }
0x3f6: {  	v5 =	vshll.u32 v4, $0x3  }
0x3f7: {  	v4 =	vand.u32 $0x7, v4;
	v5 =	vand.u32 $0xFFFFFFC0, v5  }
0x3f8: {  	v4 =	vor.u32 v4, v5  }
0x3f9: {  	v5 =	vperm.xlane v4, v1;
	_ =	sdelay $0x1  }
0x3fa: {  	v5 =	vadd.s32 v2, v5;
	_ =	sdelay $0x4  }
0x3fb: {  	[hbm4b:s5+s17] =	stream.indirect_vreg.scatter [tilespmem:s23], [sflag:$0x2], $0x80, v5, vm0, $0xb8;
	[tilespmem:$0x16C00] =	vst v63  }
0x3fc: {  	v4 =	vperm.xlane v4, v3  }
0x3fd: {  	[hbm4b:s10+s17] =	stream.indirect_vreg.scatter [tilespmem:s25], [sflag:$0x2], $0x80, v5, vm0, $0xb8;
	[tilespmem:$0x16C00] =	vst v63  }
0x3fe: {  	v4 =	vadd.s32 v2, v4  }
0x3ff: {  	[hbm4b:s11+s17] =	stream.indirect_vreg.scatter [tilespmem:s26], [sflag:$0x2], $0x80, v5, vm0, $0xb8;
	[tilespmem:$0x16C00] =	vst v63  }
0x400: {  	_ = 	snop  }
0x401: {  	[hbm4b:s13+s17] =	stream.indirect_vreg.scatter [tilespmem:s29], [sflag:$0x2], $0x80, v5, vm0, $0xb8;
	[tilespmem:$0x16C00] =	vst v63  }
0x402: {  	_ = 	snop  }
0x403: {  	[hbm4b:s5+s17] =	stream.indirect_vreg.scatter [tilespmem:s28], [sflag:$0x2], $0x80, v4, vm0, $0xb8;
	[tilespmem:$0x16C00] =	vst v63  }
0x404: {  	_ = 	snop  }
0x405: {  	[hbm4b:s10+s17] =	stream.indirect_vreg.scatter [tilespmem:s2], [sflag:$0x2], $0x80, v4, vm0, $0xb8;
	[tilespmem:$0x16C00] =	vst v63  }
0x406: {  	_ = 	snop  }
0x407: {  	[hbm4b:s11+s17] =	stream.indirect_vreg.scatter [tilespmem:s0], [sflag:$0x2], $0x80, v4, vm0, $0xb8;
	[tilespmem:$0x16C00] =	vst v63  }
0x408: {  	s30 =	simm.s32 $0x2  }
0x409: {  	[hbm4b:s13+s17] =	stream.indirect_vreg.scatter [tilespmem:s31], [sflag:$0x2], $0x80, v4, vm0, $0xb8;
	[tilespmem:$0x16C00] =	vst v63  }
0x40a: {  	_ =	swait.ge [sflag:s30], $0x8000  }
0x40b: {  	[sflag:s30] =	ssyncset.done $0x0  }
0x40c: {  	[sflag:s30] =	ssyncadd.s32 $0xFFFF8000  }
0x40d: {  	v4 =	vld [tilespmem:$0x6280];
	_ =	sdelay $0x4  }
0x40e: {  	v5 =	vshll.u32 v4, $0x3  }
0x40f: {  	v4 =	vand.u32 $0x7, v4;
	v5 =	vand.u32 $0xFFFFFFC0, v5  }
0x410: {  	v4 =	vor.u32 v4, v5  }
0x411: {  	v5 =	vperm.xlane v4, v1;
	_ =	sdelay $0x1  }
0x412: {  	v5 =	vadd.s32 v2, v5;
	_ =	sdelay $0x3  }
0x413: {  	s30 =	simm.s32 $0x6C00  }
0x414: {  	[tilespmem:s30], [sflag:$0x1] =	stream.indirect_vreg.gather [hbm4b:s4+s17], $0x80, v5, vm0, $0xb8;
	[tilespmem:$0x16C00] =	vst v63  }
0x415: {  	s24 =	simm.s32 $0x7400;
	v4 =	vperm.xlane v4, v3  }
0x416: {  	[tilespmem:s24], [sflag:$0x1] =	stream.indirect_vreg.gather [hbm4b:s8+s17], $0x80, v5, vm0, $0xb8;
	[tilespmem:$0x16C00] =	vst v63  }
0x417: {  	s20 =	simm.s32 $0x7C00;
	v4 =	vadd.s32 v2, v4  }
0x418: {  	[tilespmem:s20], [sflag:$0x1] =	stream.indirect_vreg.gather [hbm4b:s9+s17], $0x80, v5, vm0, $0xb8;
	[tilespmem:$0x16C00] =	vst v63  }
0x419: {  	s0 =	simm.s32 $0x8400  }
0x41a: {  	[tilespmem:s0], [sflag:$0x1] =	stream.indirect_vreg.gather [hbm4b:s12+s17], $0x80, v5, vm0, $0xb8;
	[tilespmem:$0x16C00] =	vst v63  }
0x41b: {  	s21 =	simm.s32 $0x8C00  }
0x41c: {  	[tilespmem:s21], [sflag:$0x1] =	stream.indirect_vreg.gather [hbm4b:s4+s17], $0x80, v4, vm0, $0xb8;
	[tilespmem:$0x16C00] =	vst v63  }
0x41d: {  	s23 =	simm.s32 $0x9400  }
0x41e: {  	[tilespmem:s23], [sflag:$0x1] =	stream.indirect_vreg.gather [hbm4b:s8+s17], $0x80, v4, vm0, $0xb8;
	[tilespmem:$0x16C00] =	vst v63  }
0x41f: {  	s29 =	simm.s32 $0x9C00  }
0x420: {  	[tilespmem:s29], [sflag:$0x1] =	stream.indirect_vreg.gather [hbm4b:s9+s17], $0x80, v4, vm0, $0xb8;
	[tilespmem:$0x16C00] =	vst v63  }
0x421: {  	s7 =	simm.s32 $0xA400  }
0x422: {  	[tilespmem:s7], [sflag:$0x1] =	stream.indirect_vreg.gather [hbm4b:s12+s17], $0x80, v4, vm0, $0xb8;
	[tilespmem:$0x16C00] =	vst v63  }
0x423: {  	v4 =	vld [tilespmem:$0x6290];
	_ =	sdelay $0x4  }
0x424: {  	v5 =	vshll.u32 v4, $0x3  }
0x425: {  	v4 =	vand.u32 $0x7, v4;
	v5 =	vand.u32 $0xFFFFFFC0, v5  }
0x426: {  	v4 =	vor.u32 v4, v5  }
0x427: {  	v5 =	vperm.xlane v4, v1;
	_ =	sdelay $0x1  }
0x428: {  	v5 =	vadd.s32 v2, v5;
	_ =	sdelay $0x3  }
0x429: {  	s22 =	simm.s32 $0xAC00  }
0x42a: {  	[tilespmem:s22], [sflag:$0x1] =	stream.indirect_vreg.gather [hbm4b:s4+s17], $0x80, v5, vm0, $0xb8;
	[tilespmem:$0x16C00] =	vst v63  }
0x42b: {  	s26 =	simm.s32 $0xB400;
	v4 =	vperm.xlane v4, v3  }
0x42c: {  	[tilespmem:s26], [sflag:$0x1] =	stream.indirect_vreg.gather [hbm4b:s8+s17], $0x80, v5, vm0, $0xb8;
	[tilespmem:$0x16C00] =	vst v63  }
0x42d: {  	s31 =	simm.s32 $0xBC00;
	v4 =	vadd.s32 v2, v4  }
0x42e: {  	[tilespmem:s31], [sflag:$0x1] =	stream.indirect_vreg.gather [hbm4b:s9+s17], $0x80, v5, vm0, $0xb8;
	[tilespmem:$0x16C00] =	vst v63  }
0x42f: {  	s3 =	simm.s32 $0xC400  }
0x430: {  	[tilespmem:s3], [sflag:$0x1] =	stream.indirect_vreg.gather [hbm4b:s12+s17], $0x80, v5, vm0, $0xb8;
	[tilespmem:$0x16C00] =	vst v63  }
0x431: {  	s16 =	simm.s32 $0xCC00  }
0x432: {  	[tilespmem:s16], [sflag:$0x1] =	stream.indirect_vreg.gather [hbm4b:s4+s17], $0x80, v4, vm0, $0xb8;
	[tilespmem:$0x16C00] =	vst v63  }
0x433: {  	s18 =	simm.s32 $0xD400  }
0x434: {  	[tilespmem:s18], [sflag:$0x1] =	stream.indirect_vreg.gather [hbm4b:s8+s17], $0x80, v4, vm0, $0xb8;
	[tilespmem:$0x16C00] =	vst v63  }
0x435: {  	s25 =	simm.s32 $0xDC00  }
0x436: {  	[tilespmem:s25], [sflag:$0x1] =	stream.indirect_vreg.gather [hbm4b:s9+s17], $0x80, v4, vm0, $0xb8;
	[tilespmem:$0x16C00] =	vst v63  }
0x437: {  	s28 =	simm.s32 $0xE400;
	s2 =	simm.s32 $0x1  }
0x438: {  	[tilespmem:s28], [sflag:$0x1] =	stream.indirect_vreg.gather [hbm4b:s12+s17], $0x80, v4, vm0, $0xb8;
	[tilespmem:$0x16C00] =	vst v63  }
0x439: {  	_ =	swait.ge [sflag:s2], $0x8000  }
0x43a: {  	[sflag:s2] =	ssyncset.done $0x0  }
0x43b: {  	[sflag:s2] =	ssyncadd.s32 $0xFFFF8000  }
0x43c: {  	v4 =	vld [tilespmem:$0x6680];
	_ =	sdelay $0x4  }
0x43d: {  	v5 =	vshll.u32 v4, $0x3  }
0x43e: {  	v4 =	vand.u32 $0x7, v4;
	v5 =	vand.u32 $0xFFFFFFC0, v5  }
0x43f: {  	v4 =	vor.u32 v4, v5  }
0x440: {  	v5 =	vperm.xlane v4, v1;
	_ =	sdelay $0x1  }
0x441: {  	v5 =	vadd.s32 v2, v5;
	_ =	sdelay $0x4  }
0x442: {  	[hbm4b:s5+s17] =	stream.indirect_vreg.scatter [tilespmem:s30], [sflag:$0x1], $0x80, v5, vm0, $0xb8;
	[tilespmem:$0x16C00] =	vst v63  }
0x443: {  	v4 =	vperm.xlane v4, v3  }
0x444: {  	[hbm4b:s10+s17] =	stream.indirect_vreg.scatter [tilespmem:s24], [sflag:$0x1], $0x80, v5, vm0, $0xb8;
	[tilespmem:$0x16C00] =	vst v63  }
0x445: {  	v4 =	vadd.s32 v2, v4  }
0x446: {  	[hbm4b:s11+s17] =	stream.indirect_vreg.scatter [tilespmem:s20], [sflag:$0x1], $0x80, v5, vm0, $0xb8;
	[tilespmem:$0x16C00] =	vst v63  }
0x447: {  	_ = 	snop  }
0x448: {  	[hbm4b:s13+s17] =	stream.indirect_vreg.scatter [tilespmem:s0], [sflag:$0x1], $0x80, v5, vm0, $0xb8;
	[tilespmem:$0x16C00] =	vst v63  }
0x449: {  	_ = 	snop  }
0x44a: {  	[hbm4b:s5+s17] =	stream.indirect_vreg.scatter [tilespmem:s21], [sflag:$0x1], $0x80, v4, vm0, $0xb8;
	[tilespmem:$0x16C00] =	vst v63  }
0x44b: {  	_ = 	snop  }
0x44c: {  	[hbm4b:s10+s17] =	stream.indirect_vreg.scatter [tilespmem:s23], [sflag:$0x1], $0x80, v4, vm0, $0xb8;
	[tilespmem:$0x16C00] =	vst v63  }
0x44d: {  	_ = 	snop  }
0x44e: {  	[hbm4b:s11+s17] =	stream.indirect_vreg.scatter [tilespmem:s29], [sflag:$0x1], $0x80, v4, vm0, $0xb8;
	[tilespmem:$0x16C00] =	vst v63  }
0x44f: {  	_ = 	snop  }
0x450: {  	[hbm4b:s13+s17] =	stream.indirect_vreg.scatter [tilespmem:s7], [sflag:$0x1], $0x80, v4, vm0, $0xb8;
	[tilespmem:$0x16C00] =	vst v63  }
0x451: {  	v4 =	vld [tilespmem:$0x6690];
	_ =	sdelay $0x4  }
0x452: {  	v5 =	vshll.u32 v4, $0x3  }
0x453: {  	v4 =	vand.u32 $0x7, v4;
	v5 =	vand.u32 $0xFFFFFFC0, v5  }
0x454: {  	v4 =	vor.u32 v4, v5  }
0x455: {  	v5 =	vperm.xlane v4, v1;
	_ =	sdelay $0x1  }
0x456: {  	v5 =	vadd.s32 v2, v5;
	_ =	sdelay $0x4  }
0x457: {  	[hbm4b:s5+s17] =	stream.indirect_vreg.scatter [tilespmem:s22], [sflag:$0x1], $0x80, v5, vm0, $0xb8;
	[tilespmem:$0x16C00] =	vst v63  }
0x458: {  	v4 =	vperm.xlane v4, v3  }
0x459: {  	[hbm4b:s10+s17] =	stream.indirect_vreg.scatter [tilespmem:s26], [sflag:$0x1], $0x80, v5, vm0, $0xb8;
	[tilespmem:$0x16C00] =	vst v63  }
0x45a: {  	v4 =	vadd.s32 v2, v4  }
0x45b: {  	[hbm4b:s11+s17] =	stream.indirect_vreg.scatter [tilespmem:s31], [sflag:$0x1], $0x80, v5, vm0, $0xb8;
	[tilespmem:$0x16C00] =	vst v63  }
0x45c: {  	_ = 	snop  }
0x45d: {  	[hbm4b:s13+s17] =	stream.indirect_vreg.scatter [tilespmem:s3], [sflag:$0x1], $0x80, v5, vm0, $0xb8;
	[tilespmem:$0x16C00] =	vst v63  }
0x45e: {  	_ = 	snop  }
0x45f: {  	[hbm4b:s5+s17] =	stream.indirect_vreg.scatter [tilespmem:s16], [sflag:$0x1], $0x80, v4, vm0, $0xb8;
	[tilespmem:$0x16C00] =	vst v63  }
0x460: {  	_ = 	snop  }
0x461: {  	[hbm4b:s10+s17] =	stream.indirect_vreg.scatter [tilespmem:s18], [sflag:$0x1], $0x80, v4, vm0, $0xb8;
	[tilespmem:$0x16C00] =	vst v63  }
0x462: {  	_ = 	snop  }
0x463: {  	[hbm4b:s11+s17] =	stream.indirect_vreg.scatter [tilespmem:s25], [sflag:$0x1], $0x80, v4, vm0, $0xb8;
	[tilespmem:$0x16C00] =	vst v63  }
0x464: {  	s2 =	simm.s32 $0x1  }
0x465: {  	[hbm4b:s13+s17] =	stream.indirect_vreg.scatter [tilespmem:s28], [sflag:$0x1], $0x80, v4, vm0, $0xb8;
	[tilespmem:$0x16C00] =	vst v63  }
0x466: {  	_ =	swait.ge [sflag:s2], $0x8000  }
0x467: {  	[sflag:s2] =	ssyncset.done $0x0  }
0x468: {  	[sflag:s2] =	ssyncadd.s32 $0xFFFF8000  }
0x469: {  	v4 =	vld [tilespmem:$0x6280];
	_ =	sdelay $0x4  }
0x46a: {  	v5 =	vshll.u32 v4, $0x3  }
0x46b: {  	v4 =	vand.u32 $0x7, v4;
	v5 =	vand.u32 $0xFFFFFFC0, v5  }
0x46c: {  	v4 =	vor.u32 v4, v5  }
0x46d: {  	v5 =	vperm.xlane v4, v1;
	_ =	sdelay $0x1  }
0x46e: {  	v5 =	vadd.s32 v2, v5;
	_ =	sdelay $0x3  }
0x46f: {  	s7 =	simm.s32 $0xEC00  }
0x470: {  	[tilespmem:s7], [sflag:$0x2] =	stream.indirect_vreg.gather [hbm4b:s6+s17], $0x80, v5, vm0, $0xb8;
	[tilespmem:$0x16C00] =	vst v63  }
0x471: {  	s16 =	simm.s32 $0xF400;
	v4 =	vperm.xlane v4, v3  }
0x472: {  	[tilespmem:s16], [sflag:$0x2] =	stream.indirect_vreg.gather [hbm4b:s14+s17], $0x80, v5, vm0, $0xb8;
	[tilespmem:$0x16C00] =	vst v63  }
0x473: {  	s18 =	simm.s32 $0xFC00;
	v4 =	vadd.s32 v2, v4  }
0x474: {  	[tilespmem:s18], [sflag:$0x2] =	stream.indirect_vreg.gather [hbm4b:s15+s17], $0x80, v5, vm0, $0xb8;
	[tilespmem:$0x16C00] =	vst v63  }
0x475: {  	s21 =	simm.s32 $0x10400  }
0x476: {  	[tilespmem:s21], [sflag:$0x2] =	stream.indirect_vreg.gather [hbm4b:s1+s17], $0x80, v5, vm0, $0xb8;
	[tilespmem:$0x16C00] =	vst v63  }
0x477: {  	s20 =	simm.s32 $0x10C00  }
0x478: {  	[tilespmem:s20], [sflag:$0x2] =	stream.indirect_vreg.gather [hbm4b:s6+s17], $0x80, v4, vm0, $0xb8;
	[tilespmem:$0x16C00] =	vst v63  }
0x479: {  	s23 =	simm.s32 $0x11400  }
0x47a: {  	[tilespmem:s23], [sflag:$0x2] =	stream.indirect_vreg.gather [hbm4b:s14+s17], $0x80, v4, vm0, $0xb8;
	[tilespmem:$0x16C00] =	vst v63  }
0x47b: {  	s22 =	simm.s32 $0x11C00  }
0x47c: {  	[tilespmem:s22], [sflag:$0x2] =	stream.indirect_vreg.gather [hbm4b:s15+s17], $0x80, v4, vm0, $0xb8;
	[tilespmem:$0x16C00] =	vst v63  }
0x47d: {  	s25 =	simm.s32 $0x12400  }
0x47e: {  	[tilespmem:s25], [sflag:$0x2] =	stream.indirect_vreg.gather [hbm4b:s1+s17], $0x80, v4, vm0, $0xb8;
	[tilespmem:$0x16C00] =	vst v63  }
0x47f: {  	v4 =	vld [tilespmem:$0x6290];
	_ =	sdelay $0x4  }
0x480: {  	v5 =	vshll.u32 v4, $0x3  }
0x481: {  	v4 =	vand.u32 $0x7, v4;
	v5 =	vand.u32 $0xFFFFFFC0, v5  }
0x482: {  	v4 =	vor.u32 v4, v5  }
0x483: {  	v5 =	vperm.xlane v4, v1;
	_ =	sdelay $0x1  }
0x484: {  	v5 =	vadd.s32 v2, v5;
	_ =	sdelay $0x3  }
0x485: {  	s24 =	simm.s32 $0x12C00  }
0x486: {  	[tilespmem:s24], [sflag:$0x2] =	stream.indirect_vreg.gather [hbm4b:s6+s17], $0x80, v5, vm0, $0xb8;
	[tilespmem:$0x16C00] =	vst v63  }
0x487: {  	s26 =	simm.s32 $0x13400;
	v4 =	vperm.xlane v4, v3  }
0x488: {  	[tilespmem:s26], [sflag:$0x2] =	stream.indirect_vreg.gather [hbm4b:s14+s17], $0x80, v5, vm0, $0xb8;
	[tilespmem:$0x16C00] =	vst v63  }
0x489: {  	s28 =	simm.s32 $0x13C00;
	v4 =	vadd.s32 v2, v4  }
0x48a: {  	[tilespmem:s28], [sflag:$0x2] =	stream.indirect_vreg.gather [hbm4b:s15+s17], $0x80, v5, vm0, $0xb8;
	[tilespmem:$0x16C00] =	vst v63  }
0x48b: {  	s0 =	simm.s32 $0x14400  }
0x48c: {  	[tilespmem:s0], [sflag:$0x2] =	stream.indirect_vreg.gather [hbm4b:s1+s17], $0x80, v5, vm0, $0xb8;
	[tilespmem:$0x16C00] =	vst v63  }
0x48d: {  	s29 =	simm.s32 $0x14C00  }
0x48e: {  	[tilespmem:s29], [sflag:$0x2] =	stream.indirect_vreg.gather [hbm4b:s6+s17], $0x80, v4, vm0, $0xb8;
	[tilespmem:$0x16C00] =	vst v63  }
0x48f: {  	s3 =	simm.s32 $0x15400  }
0x490: {  	[tilespmem:s3], [sflag:$0x2] =	stream.indirect_vreg.gather [hbm4b:s14+s17], $0x80, v4, vm0, $0xb8;
	[tilespmem:$0x16C00] =	vst v63  }
0x491: {  	s2 =	simm.s32 $0x15C00  }
0x492: {  	[tilespmem:s2], [sflag:$0x2] =	stream.indirect_vreg.gather [hbm4b:s15+s17], $0x80, v4, vm0, $0xb8;
	[tilespmem:$0x16C00] =	vst v63  }
0x493: {  	s30 =	simm.s32 $0x16400;
	s31 =	simm.s32 $0x2  }
0x494: {  	[tilespmem:s30], [sflag:$0x2] =	stream.indirect_vreg.gather [hbm4b:s1+s17], $0x80, v4, vm0, $0xb8;
	[tilespmem:$0x16C00] =	vst v63  }
0x495: {  	_ =	swait.ge [sflag:s31], $0x8000  }
0x496: {  	[sflag:s31] =	ssyncset.done $0x0  }
0x497: {  	[sflag:s31] =	ssyncadd.s32 $0xFFFF8000  }
0x498: {  	v4 =	vld [tilespmem:$0x6A80];
	_ =	sdelay $0x4  }
0x499: {  	v5 =	vshll.u32 v4, $0x3  }
0x49a: {  	v4 =	vand.u32 $0x7, v4;
	v5 =	vand.u32 $0xFFFFFFC0, v5  }
0x49b: {  	v4 =	vor.u32 v4, v5  }
0x49c: {  	v5 =	vperm.xlane v4, v1;
	_ =	sdelay $0x1  }
0x49d: {  	v5 =	vadd.s32 v2, v5;
	_ =	sdelay $0x4  }
0x49e: {  	[hbm4b:s5+s17] =	stream.indirect_vreg.scatter [tilespmem:s7], [sflag:$0x2], $0x80, v5, vm0, $0xb8;
	[tilespmem:$0x16C00] =	vst v63  }
0x49f: {  	v4 =	vperm.xlane v4, v3  }
0x4a0: {  	[hbm4b:s10+s17] =	stream.indirect_vreg.scatter [tilespmem:s16], [sflag:$0x2], $0x80, v5, vm0, $0xb8;
	[tilespmem:$0x16C00] =	vst v63  }
0x4a1: {  	v4 =	vadd.s32 v2, v4  }
0x4a2: {  	[hbm4b:s11+s17] =	stream.indirect_vreg.scatter [tilespmem:s18], [sflag:$0x2], $0x80, v5, vm0, $0xb8;
	[tilespmem:$0x16C00] =	vst v63  }
0x4a3: {  	_ = 	snop  }
0x4a4: {  	[hbm4b:s13+s17] =	stream.indirect_vreg.scatter [tilespmem:s21], [sflag:$0x2], $0x80, v5, vm0, $0xb8;
	[tilespmem:$0x16C00] =	vst v63  }
0x4a5: {  	_ = 	snop  }
0x4a6: {  	[hbm4b:s5+s17] =	stream.indirect_vreg.scatter [tilespmem:s20], [sflag:$0x2], $0x80, v4, vm0, $0xb8;
	[tilespmem:$0x16C00] =	vst v63  }
0x4a7: {  	_ = 	snop  }
0x4a8: {  	[hbm4b:s10+s17] =	stream.indirect_vreg.scatter [tilespmem:s23], [sflag:$0x2], $0x80, v4, vm0, $0xb8;
	[tilespmem:$0x16C00] =	vst v63  }
0x4a9: {  	_ = 	snop  }
0x4aa: {  	[hbm4b:s11+s17] =	stream.indirect_vreg.scatter [tilespmem:s22], [sflag:$0x2], $0x80, v4, vm0, $0xb8;
	[tilespmem:$0x16C00] =	vst v63  }
0x4ab: {  	_ = 	snop  }
0x4ac: {  	[hbm4b:s13+s17] =	stream.indirect_vreg.scatter [tilespmem:s25], [sflag:$0x2], $0x80, v4, vm0, $0xb8;
	[tilespmem:$0x16C00] =	vst v63  }
0x4ad: {  	v4 =	vld [tilespmem:$0x6A90];
	_ =	sdelay $0x4  }
0x4ae: {  	v5 =	vshll.u32 v4, $0x3  }
0x4af: {  	v4 =	vand.u32 $0x7, v4;
	v5 =	vand.u32 $0xFFFFFFC0, v5  }
0x4b0: {  	v4 =	vor.u32 v4, v5  }
0x4b1: {  	v5 =	vperm.xlane v4, v1;
	_ =	sdelay $0x1  }
0x4b2: {  	v5 =	vadd.s32 v2, v5;
	_ =	sdelay $0x4  }
0x4b3: {  	[hbm4b:s5+s17] =	stream.indirect_vreg.scatter [tilespmem:s24], [sflag:$0x2], $0x80, v5, vm0, $0xb8;
	[tilespmem:$0x16C00] =	vst v63  }
0x4b4: {  	v4 =	vperm.xlane v4, v3  }
0x4b5: {  	[hbm4b:s10+s17] =	stream.indirect_vreg.scatter [tilespmem:s26], [sflag:$0x2], $0x80, v5, vm0, $0xb8;
	[tilespmem:$0x16C00] =	vst v63  }
0x4b6: {  	v4 =	vadd.s32 v2, v4  }
0x4b7: {  	[hbm4b:s11+s17] =	stream.indirect_vreg.scatter [tilespmem:s28], [sflag:$0x2], $0x80, v5, vm0, $0xb8;
	[tilespmem:$0x16C00] =	vst v63  }
0x4b8: {  	_ = 	snop  }
0x4b9: {  	[hbm4b:s13+s17] =	stream.indirect_vreg.scatter [tilespmem:s0], [sflag:$0x2], $0x80, v5, vm0, $0xb8;
	[tilespmem:$0x16C00] =	vst v63  }
0x4ba: {  	_ = 	snop  }
0x4bb: {  	[hbm4b:s5+s17] =	stream.indirect_vreg.scatter [tilespmem:s29], [sflag:$0x2], $0x80, v4, vm0, $0xb8;
	[tilespmem:$0x16C00] =	vst v63  }
0x4bc: {  	_ = 	snop  }
0x4bd: {  	[hbm4b:s10+s17] =	stream.indirect_vreg.scatter [tilespmem:s3], [sflag:$0x2], $0x80, v4, vm0, $0xb8;
	[tilespmem:$0x16C00] =	vst v63  }
0x4be: {  	_ = 	snop  }
0x4bf: {  	[hbm4b:s11+s17] =	stream.indirect_vreg.scatter [tilespmem:s2], [sflag:$0x2], $0x80, v4, vm0, $0xb8;
	[tilespmem:$0x16C00] =	vst v63  }
0x4c0: {  	s31 =	simm.s32 $0x2  }
0x4c1: {  	[hbm4b:s13+s17] =	stream.indirect_vreg.scatter [tilespmem:s30], [sflag:$0x2], $0x80, v4, vm0, $0xb8;
	[tilespmem:$0x16C00] =	vst v63  }
0x4c2: {  	_ =	swait.ge [sflag:s31], $0x8000  }
0x4c3: {  	[sflag:s31] =	ssyncset.done $0x0  }
0x4c4: {  	[sflag:s31] =	ssyncadd.s32 $0xFFFF8000  }
0x4c5: {  	v4 =	vld [tilespmem:$0x6300];
	_ =	sdelay $0x4  }
0x4c6: {  	v5 =	vshll.u32 v4, $0x3  }
0x4c7: {  	v4 =	vand.u32 $0x7, v4;
	v5 =	vand.u32 $0xFFFFFFC0, v5  }
0x4c8: {  	v4 =	vor.u32 v4, v5  }
0x4c9: {  	v5 =	vperm.xlane v4, v1;
	_ =	sdelay $0x1  }
0x4ca: {  	v5 =	vadd.s32 v2, v5;
	_ =	sdelay $0x3  }
0x4cb: {  	s0 =	simm.s32 $0x6C00  }
0x4cc: {  	[tilespmem:s0], [sflag:$0x1] =	stream.indirect_vreg.gather [hbm4b:s4+s17], $0x80, v5, vm0, $0xb8;
	[tilespmem:$0x16C00] =	vst v63  }
0x4cd: {  	s25 =	simm.s32 $0x7400;
	v4 =	vperm.xlane v4, v3  }
0x4ce: {  	[tilespmem:s25], [sflag:$0x1] =	stream.indirect_vreg.gather [hbm4b:s8+s17], $0x80, v5, vm0, $0xb8;
	[tilespmem:$0x16C00] =	vst v63  }
0x4cf: {  	s21 =	simm.s32 $0x7C00;
	v4 =	vadd.s32 v2, v4  }
0x4d0: {  	[tilespmem:s21], [sflag:$0x1] =	stream.indirect_vreg.gather [hbm4b:s9+s17], $0x80, v5, vm0, $0xb8;
	[tilespmem:$0x16C00] =	vst v63  }
0x4d1: {  	s2 =	simm.s32 $0x8400  }
0x4d2: {  	[tilespmem:s2], [sflag:$0x1] =	stream.indirect_vreg.gather [hbm4b:s12+s17], $0x80, v5, vm0, $0xb8;
	[tilespmem:$0x16C00] =	vst v63  }
0x4d3: {  	s22 =	simm.s32 $0x8C00  }
0x4d4: {  	[tilespmem:s22], [sflag:$0x1] =	stream.indirect_vreg.gather [hbm4b:s4+s17], $0x80, v4, vm0, $0xb8;
	[tilespmem:$0x16C00] =	vst v63  }
0x4d5: {  	s24 =	simm.s32 $0x9400  }
0x4d6: {  	[tilespmem:s24], [sflag:$0x1] =	stream.indirect_vreg.gather [hbm4b:s8+s17], $0x80, v4, vm0, $0xb8;
	[tilespmem:$0x16C00] =	vst v63  }
0x4d7: {  	s31 =	simm.s32 $0x9C00  }
0x4d8: {  	[tilespmem:s31], [sflag:$0x1] =	stream.indirect_vreg.gather [hbm4b:s9+s17], $0x80, v4, vm0, $0xb8;
	[tilespmem:$0x16C00] =	vst v63  }
0x4d9: {  	s16 =	simm.s32 $0xA400  }
0x4da: {  	[tilespmem:s16], [sflag:$0x1] =	stream.indirect_vreg.gather [hbm4b:s12+s17], $0x80, v4, vm0, $0xb8;
	[tilespmem:$0x16C00] =	vst v63  }
0x4db: {  	v4 =	vld [tilespmem:$0x6310];
	_ =	sdelay $0x4  }
0x4dc: {  	v5 =	vshll.u32 v4, $0x3  }
0x4dd: {  	v4 =	vand.u32 $0x7, v4;
	v5 =	vand.u32 $0xFFFFFFC0, v5  }
0x4de: {  	v4 =	vor.u32 v4, v5  }
0x4df: {  	v5 =	vperm.xlane v4, v1;
	_ =	sdelay $0x1  }
0x4e0: {  	v5 =	vadd.s32 v2, v5;
	_ =	sdelay $0x3  }
0x4e1: {  	s23 =	simm.s32 $0xAC00  }
0x4e2: {  	[tilespmem:s23], [sflag:$0x1] =	stream.indirect_vreg.gather [hbm4b:s4+s17], $0x80, v5, vm0, $0xb8;
	[tilespmem:$0x16C00] =	vst v63  }
0x4e3: {  	s28 =	simm.s32 $0xB400;
	v4 =	vperm.xlane v4, v3  }
0x4e4: {  	[tilespmem:s28], [sflag:$0x1] =	stream.indirect_vreg.gather [hbm4b:s8+s17], $0x80, v5, vm0, $0xb8;
	[tilespmem:$0x16C00] =	vst v63  }
0x4e5: {  	s30 =	simm.s32 $0xBC00;
	v4 =	vadd.s32 v2, v4  }
0x4e6: {  	[tilespmem:s30], [sflag:$0x1] =	stream.indirect_vreg.gather [hbm4b:s9+s17], $0x80, v5, vm0, $0xb8;
	[tilespmem:$0x16C00] =	vst v63  }
0x4e7: {  	s7 =	simm.s32 $0xC400  }
0x4e8: {  	[tilespmem:s7], [sflag:$0x1] =	stream.indirect_vreg.gather [hbm4b:s12+s17], $0x80, v5, vm0, $0xb8;
	[tilespmem:$0x16C00] =	vst v63  }
0x4e9: {  	s18 =	simm.s32 $0xCC00  }
0x4ea: {  	[tilespmem:s18], [sflag:$0x1] =	stream.indirect_vreg.gather [hbm4b:s4+s17], $0x80, v4, vm0, $0xb8;
	[tilespmem:$0x16C00] =	vst v63  }
0x4eb: {  	s20 =	simm.s32 $0xD400  }
0x4ec: {  	[tilespmem:s20], [sflag:$0x1] =	stream.indirect_vreg.gather [hbm4b:s8+s17], $0x80, v4, vm0, $0xb8;
	[tilespmem:$0x16C00] =	vst v63  }
0x4ed: {  	s26 =	simm.s32 $0xDC00  }
0x4ee: {  	[tilespmem:s26], [sflag:$0x1] =	stream.indirect_vreg.gather [hbm4b:s9+s17], $0x80, v4, vm0, $0xb8;
	[tilespmem:$0x16C00] =	vst v63  }
0x4ef: {  	s29 =	simm.s32 $0xE400;
	s3 =	simm.s32 $0x1  }
0x4f0: {  	[tilespmem:s29], [sflag:$0x1] =	stream.indirect_vreg.gather [hbm4b:s12+s17], $0x80, v4, vm0, $0xb8;
	[tilespmem:$0x16C00] =	vst v63  }
0x4f1: {  	_ =	swait.ge [sflag:s3], $0x8000  }
0x4f2: {  	[sflag:s3] =	ssyncset.done $0x0  }
0x4f3: {  	[sflag:s3] =	ssyncadd.s32 $0xFFFF8000  }
0x4f4: {  	v4 =	vld [tilespmem:$0x6700];
	_ =	sdelay $0x4  }
0x4f5: {  	v5 =	vshll.u32 v4, $0x3  }
0x4f6: {  	v4 =	vand.u32 $0x7, v4;
	v5 =	vand.u32 $0xFFFFFFC0, v5  }
0x4f7: {  	v4 =	vor.u32 v4, v5  }
0x4f8: {  	v5 =	vperm.xlane v4, v1;
	_ =	sdelay $0x1  }
0x4f9: {  	v5 =	vadd.s32 v2, v5;
	_ =	sdelay $0x4  }
0x4fa: {  	[hbm4b:s5+s17] =	stream.indirect_vreg.scatter [tilespmem:s0], [sflag:$0x1], $0x80, v5, vm0, $0xb8;
	[tilespmem:$0x16C00] =	vst v63  }
0x4fb: {  	v4 =	vperm.xlane v4, v3  }
0x4fc: {  	[hbm4b:s10+s17] =	stream.indirect_vreg.scatter [tilespmem:s25], [sflag:$0x1], $0x80, v5, vm0, $0xb8;
	[tilespmem:$0x16C00] =	vst v63  }
0x4fd: {  	v4 =	vadd.s32 v2, v4  }
0x4fe: {  	[hbm4b:s11+s17] =	stream.indirect_vreg.scatter [tilespmem:s21], [sflag:$0x1], $0x80, v5, vm0, $0xb8;
	[tilespmem:$0x16C00] =	vst v63  }
0x4ff: {  	_ = 	snop  }
0x500: {  	[hbm4b:s13+s17] =	stream.indirect_vreg.scatter [tilespmem:s2], [sflag:$0x1], $0x80, v5, vm0, $0xb8;
	[tilespmem:$0x16C00] =	vst v63  }
0x501: {  	_ = 	snop  }
0x502: {  	[hbm4b:s5+s17] =	stream.indirect_vreg.scatter [tilespmem:s22], [sflag:$0x1], $0x80, v4, vm0, $0xb8;
	[tilespmem:$0x16C00] =	vst v63  }
0x503: {  	_ = 	snop  }
0x504: {  	[hbm4b:s10+s17] =	stream.indirect_vreg.scatter [tilespmem:s24], [sflag:$0x1], $0x80, v4, vm0, $0xb8;
	[tilespmem:$0x16C00] =	vst v63  }
0x505: {  	_ = 	snop  }
0x506: {  	[hbm4b:s11+s17] =	stream.indirect_vreg.scatter [tilespmem:s31], [sflag:$0x1], $0x80, v4, vm0, $0xb8;
	[tilespmem:$0x16C00] =	vst v63  }
0x507: {  	_ = 	snop  }
0x508: {  	[hbm4b:s13+s17] =	stream.indirect_vreg.scatter [tilespmem:s16], [sflag:$0x1], $0x80, v4, vm0, $0xb8;
	[tilespmem:$0x16C00] =	vst v63  }
0x509: {  	v4 =	vld [tilespmem:$0x6710];
	_ =	sdelay $0x4  }
0x50a: {  	v5 =	vshll.u32 v4, $0x3  }
0x50b: {  	v4 =	vand.u32 $0x7, v4;
	v5 =	vand.u32 $0xFFFFFFC0, v5  }
0x50c: {  	v4 =	vor.u32 v4, v5  }
0x50d: {  	v5 =	vperm.xlane v4, v1;
	_ =	sdelay $0x1  }
0x50e: {  	v5 =	vadd.s32 v2, v5;
	_ =	sdelay $0x4  }
0x50f: {  	[hbm4b:s5+s17] =	stream.indirect_vreg.scatter [tilespmem:s23], [sflag:$0x1], $0x80, v5, vm0, $0xb8;
	[tilespmem:$0x16C00] =	vst v63  }
0x510: {  	v4 =	vperm.xlane v4, v3  }
0x511: {  	[hbm4b:s10+s17] =	stream.indirect_vreg.scatter [tilespmem:s28], [sflag:$0x1], $0x80, v5, vm0, $0xb8;
	[tilespmem:$0x16C00] =	vst v63  }
0x512: {  	v4 =	vadd.s32 v2, v4  }
0x513: {  	[hbm4b:s11+s17] =	stream.indirect_vreg.scatter [tilespmem:s30], [sflag:$0x1], $0x80, v5, vm0, $0xb8;
	[tilespmem:$0x16C00] =	vst v63  }
0x514: {  	_ = 	snop  }
0x515: {  	[hbm4b:s13+s17] =	stream.indirect_vreg.scatter [tilespmem:s7], [sflag:$0x1], $0x80, v5, vm0, $0xb8;
	[tilespmem:$0x16C00] =	vst v63  }
0x516: {  	_ = 	snop  }
0x517: {  	[hbm4b:s5+s17] =	stream.indirect_vreg.scatter [tilespmem:s18], [sflag:$0x1], $0x80, v4, vm0, $0xb8;
	[tilespmem:$0x16C00] =	vst v63  }
0x518: {  	_ = 	snop  }
0x519: {  	[hbm4b:s10+s17] =	stream.indirect_vreg.scatter [tilespmem:s20], [sflag:$0x1], $0x80, v4, vm0, $0xb8;
	[tilespmem:$0x16C00] =	vst v63  }
0x51a: {  	_ = 	snop  }
0x51b: {  	[hbm4b:s11+s17] =	stream.indirect_vreg.scatter [tilespmem:s26], [sflag:$0x1], $0x80, v4, vm0, $0xb8;
	[tilespmem:$0x16C00] =	vst v63  }
0x51c: {  	s3 =	simm.s32 $0x1  }
0x51d: {  	[hbm4b:s13+s17] =	stream.indirect_vreg.scatter [tilespmem:s29], [sflag:$0x1], $0x80, v4, vm0, $0xb8;
	[tilespmem:$0x16C00] =	vst v63  }
0x51e: {  	_ =	swait.ge [sflag:s3], $0x8000  }
0x51f: {  	[sflag:s3] =	ssyncset.done $0x0  }
0x520: {  	[sflag:s3] =	ssyncadd.s32 $0xFFFF8000  }
0x521: {  	v4 =	vld [tilespmem:$0x6300];
	_ =	sdelay $0x4  }
0x522: {  	v5 =	vshll.u32 v4, $0x3  }
0x523: {  	v4 =	vand.u32 $0x7, v4;
	v5 =	vand.u32 $0xFFFFFFC0, v5  }
0x524: {  	v4 =	vor.u32 v4, v5  }
0x525: {  	v5 =	vperm.xlane v4, v1;
	_ =	sdelay $0x1  }
0x526: {  	v5 =	vadd.s32 v2, v5;
	_ =	sdelay $0x3  }
0x527: {  	s16 =	simm.s32 $0xEC00  }
0x528: {  	[tilespmem:s16], [sflag:$0x2] =	stream.indirect_vreg.gather [hbm4b:s6+s17], $0x80, v5, vm0, $0xb8;
	[tilespmem:$0x16C00] =	vst v63  }
0x529: {  	s18 =	simm.s32 $0xF400;
	v4 =	vperm.xlane v4, v3  }
0x52a: {  	[tilespmem:s18], [sflag:$0x2] =	stream.indirect_vreg.gather [hbm4b:s14+s17], $0x80, v5, vm0, $0xb8;
	[tilespmem:$0x16C00] =	vst v63  }
0x52b: {  	s20 =	simm.s32 $0xFC00;
	v4 =	vadd.s32 v2, v4  }
0x52c: {  	[tilespmem:s20], [sflag:$0x2] =	stream.indirect_vreg.gather [hbm4b:s15+s17], $0x80, v5, vm0, $0xb8;
	[tilespmem:$0x16C00] =	vst v63  }
0x52d: {  	s22 =	simm.s32 $0x10400  }
0x52e: {  	[tilespmem:s22], [sflag:$0x2] =	stream.indirect_vreg.gather [hbm4b:s1+s17], $0x80, v5, vm0, $0xb8;
	[tilespmem:$0x16C00] =	vst v63  }
0x52f: {  	s21 =	simm.s32 $0x10C00  }
0x530: {  	[tilespmem:s21], [sflag:$0x2] =	stream.indirect_vreg.gather [hbm4b:s6+s17], $0x80, v4, vm0, $0xb8;
	[tilespmem:$0x16C00] =	vst v63  }
0x531: {  	s24 =	simm.s32 $0x11400  }
0x532: {  	[tilespmem:s24], [sflag:$0x2] =	stream.indirect_vreg.gather [hbm4b:s14+s17], $0x80, v4, vm0, $0xb8;
	[tilespmem:$0x16C00] =	vst v63  }
0x533: {  	s23 =	simm.s32 $0x11C00  }
0x534: {  	[tilespmem:s23], [sflag:$0x2] =	stream.indirect_vreg.gather [hbm4b:s15+s17], $0x80, v4, vm0, $0xb8;
	[tilespmem:$0x16C00] =	vst v63  }
0x535: {  	s26 =	simm.s32 $0x12400  }
0x536: {  	[tilespmem:s26], [sflag:$0x2] =	stream.indirect_vreg.gather [hbm4b:s1+s17], $0x80, v4, vm0, $0xb8;
	[tilespmem:$0x16C00] =	vst v63  }
0x537: {  	v4 =	vld [tilespmem:$0x6310];
	_ =	sdelay $0x4  }
0x538: {  	v5 =	vshll.u32 v4, $0x3  }
0x539: {  	v4 =	vand.u32 $0x7, v4;
	v5 =	vand.u32 $0xFFFFFFC0, v5  }
0x53a: {  	v4 =	vor.u32 v4, v5  }
0x53b: {  	v5 =	vperm.xlane v4, v1;
	_ =	sdelay $0x1  }
0x53c: {  	v5 =	vadd.s32 v2, v5;
	_ =	sdelay $0x3  }
0x53d: {  	s25 =	simm.s32 $0x12C00  }
0x53e: {  	[tilespmem:s25], [sflag:$0x2] =	stream.indirect_vreg.gather [hbm4b:s6+s17], $0x80, v5, vm0, $0xb8;
	[tilespmem:$0x16C00] =	vst v63  }
0x53f: {  	s28 =	simm.s32 $0x13400;
	v4 =	vperm.xlane v4, v3  }
0x540: {  	[tilespmem:s28], [sflag:$0x2] =	stream.indirect_vreg.gather [hbm4b:s14+s17], $0x80, v5, vm0, $0xb8;
	[tilespmem:$0x16C00] =	vst v63  }
0x541: {  	s29 =	simm.s32 $0x13C00;
	v4 =	vadd.s32 v2, v4  }
0x542: {  	[tilespmem:s29], [sflag:$0x2] =	stream.indirect_vreg.gather [hbm4b:s15+s17], $0x80, v5, vm0, $0xb8;
	[tilespmem:$0x16C00] =	vst v63  }
0x543: {  	s2 =	simm.s32 $0x14400  }
0x544: {  	[tilespmem:s2], [sflag:$0x2] =	stream.indirect_vreg.gather [hbm4b:s1+s17], $0x80, v5, vm0, $0xb8;
	[tilespmem:$0x16C00] =	vst v63  }
0x545: {  	s0 =	simm.s32 $0x14C00  }
0x546: {  	[tilespmem:s0], [sflag:$0x2] =	stream.indirect_vreg.gather [hbm4b:s6+s17], $0x80, v4, vm0, $0xb8;
	[tilespmem:$0x16C00] =	vst v63  }
0x547: {  	s7 =	simm.s32 $0x15400  }
0x548: {  	[tilespmem:s7], [sflag:$0x2] =	stream.indirect_vreg.gather [hbm4b:s14+s17], $0x80, v4, vm0, $0xb8;
	[tilespmem:$0x16C00] =	vst v63  }
0x549: {  	s3 =	simm.s32 $0x15C00  }
0x54a: {  	[tilespmem:s3], [sflag:$0x2] =	stream.indirect_vreg.gather [hbm4b:s15+s17], $0x80, v4, vm0, $0xb8;
	[tilespmem:$0x16C00] =	vst v63  }
0x54b: {  	s31 =	simm.s32 $0x16400;
	s30 =	simm.s32 $0x2  }
0x54c: {  	[tilespmem:s31], [sflag:$0x2] =	stream.indirect_vreg.gather [hbm4b:s1+s17], $0x80, v4, vm0, $0xb8;
	[tilespmem:$0x16C00] =	vst v63  }
0x54d: {  	_ =	swait.ge [sflag:s30], $0x8000  }
0x54e: {  	[sflag:s30] =	ssyncset.done $0x0  }
0x54f: {  	[sflag:s30] =	ssyncadd.s32 $0xFFFF8000  }
0x550: {  	v4 =	vld [tilespmem:$0x6B00];
	_ =	sdelay $0x4  }
0x551: {  	v5 =	vshll.u32 v4, $0x3  }
0x552: {  	v4 =	vand.u32 $0x7, v4;
	v5 =	vand.u32 $0xFFFFFFC0, v5  }
0x553: {  	v4 =	vor.u32 v4, v5  }
0x554: {  	v5 =	vperm.xlane v4, v1;
	_ =	sdelay $0x1  }
0x555: {  	v5 =	vadd.s32 v2, v5;
	_ =	sdelay $0x4  }
0x556: {  	[hbm4b:s5+s17] =	stream.indirect_vreg.scatter [tilespmem:s16], [sflag:$0x2], $0x80, v5, vm0, $0xb8;
	[tilespmem:$0x16C00] =	vst v63  }
0x557: {  	v4 =	vperm.xlane v4, v3  }
0x558: {  	[hbm4b:s10+s17] =	stream.indirect_vreg.scatter [tilespmem:s18], [sflag:$0x2], $0x80, v5, vm0, $0xb8;
	[tilespmem:$0x16C00] =	vst v63  }
0x559: {  	v4 =	vadd.s32 v2, v4  }
0x55a: {  	[hbm4b:s11+s17] =	stream.indirect_vreg.scatter [tilespmem:s20], [sflag:$0x2], $0x80, v5, vm0, $0xb8;
	[tilespmem:$0x16C00] =	vst v63  }
0x55b: {  	_ = 	snop  }
0x55c: {  	[hbm4b:s13+s17] =	stream.indirect_vreg.scatter [tilespmem:s22], [sflag:$0x2], $0x80, v5, vm0, $0xb8;
	[tilespmem:$0x16C00] =	vst v63  }
0x55d: {  	_ = 	snop  }
0x55e: {  	[hbm4b:s5+s17] =	stream.indirect_vreg.scatter [tilespmem:s21], [sflag:$0x2], $0x80, v4, vm0, $0xb8;
	[tilespmem:$0x16C00] =	vst v63  }
0x55f: {  	_ = 	snop  }
0x560: {  	[hbm4b:s10+s17] =	stream.indirect_vreg.scatter [tilespmem:s24], [sflag:$0x2], $0x80, v4, vm0, $0xb8;
	[tilespmem:$0x16C00] =	vst v63  }
0x561: {  	_ = 	snop  }
0x562: {  	[hbm4b:s11+s17] =	stream.indirect_vreg.scatter [tilespmem:s23], [sflag:$0x2], $0x80, v4, vm0, $0xb8;
	[tilespmem:$0x16C00] =	vst v63  }
0x563: {  	_ = 	snop  }
0x564: {  	[hbm4b:s13+s17] =	stream.indirect_vreg.scatter [tilespmem:s26], [sflag:$0x2], $0x80, v4, vm0, $0xb8;
	[tilespmem:$0x16C00] =	vst v63  }
0x565: {  	v4 =	vld [tilespmem:$0x6B10];
	_ =	sdelay $0x4  }
0x566: {  	v5 =	vshll.u32 v4, $0x3  }
0x567: {  	v4 =	vand.u32 $0x7, v4;
	v5 =	vand.u32 $0xFFFFFFC0, v5  }
0x568: {  	v4 =	vor.u32 v4, v5  }
0x569: {  	v5 =	vperm.xlane v4, v1;
	_ =	sdelay $0x1  }
0x56a: {  	v5 =	vadd.s32 v2, v5;
	_ =	sdelay $0x4  }
0x56b: {  	[hbm4b:s5+s17] =	stream.indirect_vreg.scatter [tilespmem:s25], [sflag:$0x2], $0x80, v5, vm0, $0xb8;
	[tilespmem:$0x16C00] =	vst v63  }
0x56c: {  	v4 =	vperm.xlane v4, v3  }
0x56d: {  	[hbm4b:s10+s17] =	stream.indirect_vreg.scatter [tilespmem:s28], [sflag:$0x2], $0x80, v5, vm0, $0xb8;
	[tilespmem:$0x16C00] =	vst v63  }
0x56e: {  	v4 =	vadd.s32 v2, v4  }
0x56f: {  	[hbm4b:s11+s17] =	stream.indirect_vreg.scatter [tilespmem:s29], [sflag:$0x2], $0x80, v5, vm0, $0xb8;
	[tilespmem:$0x16C00] =	vst v63  }
0x570: {  	_ = 	snop  }
0x571: {  	[hbm4b:s13+s17] =	stream.indirect_vreg.scatter [tilespmem:s2], [sflag:$0x2], $0x80, v5, vm0, $0xb8;
	[tilespmem:$0x16C00] =	vst v63  }
0x572: {  	_ = 	snop  }
0x573: {  	[hbm4b:s5+s17] =	stream.indirect_vreg.scatter [tilespmem:s0], [sflag:$0x2], $0x80, v4, vm0, $0xb8;
	[tilespmem:$0x16C00] =	vst v63  }
0x574: {  	_ = 	snop  }
0x575: {  	[hbm4b:s10+s17] =	stream.indirect_vreg.scatter [tilespmem:s7], [sflag:$0x2], $0x80, v4, vm0, $0xb8;
	[tilespmem:$0x16C00] =	vst v63  }
0x576: {  	_ = 	snop  }
0x577: {  	[hbm4b:s11+s17] =	stream.indirect_vreg.scatter [tilespmem:s3], [sflag:$0x2], $0x80, v4, vm0, $0xb8;
	[tilespmem:$0x16C00] =	vst v63  }
0x578: {  	s30 =	simm.s32 $0x2  }
0x579: {  	[hbm4b:s13+s17] =	stream.indirect_vreg.scatter [tilespmem:s31], [sflag:$0x2], $0x80, v4, vm0, $0xb8;
	[tilespmem:$0x16C00] =	vst v63  }
0x57a: {  	_ =	swait.ge [sflag:s30], $0x8000  }
0x57b: {  	[sflag:s30] =	ssyncset.done $0x0  }
0x57c: {  	[sflag:s30] =	ssyncadd.s32 $0xFFFF8000  }
0x57d: {  	v4 =	vld [tilespmem:$0x6380];
	_ =	sdelay $0x4  }
0x57e: {  	v5 =	vshll.u32 v4, $0x3  }
0x57f: {  	v4 =	vand.u32 $0x7, v4;
	v5 =	vand.u32 $0xFFFFFFC0, v5  }
0x580: {  	v4 =	vor.u32 v4, v5  }
0x581: {  	v5 =	vperm.xlane v4, v1;
	_ =	sdelay $0x1  }
0x582: {  	v5 =	vadd.s32 v2, v5;
	_ =	sdelay $0x3  }
0x583: {  	s3 =	simm.s32 $0x6C00  }
0x584: {  	[tilespmem:s3], [sflag:$0x1] =	stream.indirect_vreg.gather [hbm4b:s4+s17], $0x80, v5, vm0, $0xb8;
	[tilespmem:$0x16C00] =	vst v63  }
0x585: {  	s7 =	simm.s32 $0x7400;
	v4 =	vperm.xlane v4, v3  }
0x586: {  	[tilespmem:s7], [sflag:$0x1] =	stream.indirect_vreg.gather [hbm4b:s8+s17], $0x80, v5, vm0, $0xb8;
	[tilespmem:$0x16C00] =	vst v63  }
0x587: {  	s20 =	simm.s32 $0x7C00;
	v4 =	vadd.s32 v2, v4  }
0x588: {  	[tilespmem:s20], [sflag:$0x1] =	stream.indirect_vreg.gather [hbm4b:s9+s17], $0x80, v5, vm0, $0xb8;
	[tilespmem:$0x16C00] =	vst v63  }
0x589: {  	s18 =	simm.s32 $0x8400  }
0x58a: {  	[tilespmem:s18], [sflag:$0x1] =	stream.indirect_vreg.gather [hbm4b:s12+s17], $0x80, v5, vm0, $0xb8;
	[tilespmem:$0x16C00] =	vst v63  }
0x58b: {  	s21 =	simm.s32 $0x8C00  }
0x58c: {  	[tilespmem:s21], [sflag:$0x1] =	stream.indirect_vreg.gather [hbm4b:s4+s17], $0x80, v4, vm0, $0xb8;
	[tilespmem:$0x16C00] =	vst v63  }
0x58d: {  	s23 =	simm.s32 $0x9400  }
0x58e: {  	[tilespmem:s23], [sflag:$0x1] =	stream.indirect_vreg.gather [hbm4b:s8+s17], $0x80, v4, vm0, $0xb8;
	[tilespmem:$0x16C00] =	vst v63  }
0x58f: {  	s16 =	simm.s32 $0x9C00  }
0x590: {  	[tilespmem:s16], [sflag:$0x1] =	stream.indirect_vreg.gather [hbm4b:s9+s17], $0x80, v4, vm0, $0xb8;
	[tilespmem:$0x16C00] =	vst v63  }
0x591: {  	s31 =	simm.s32 $0xA400  }
0x592: {  	[tilespmem:s31], [sflag:$0x1] =	stream.indirect_vreg.gather [hbm4b:s12+s17], $0x80, v4, vm0, $0xb8;
	[tilespmem:$0x16C00] =	vst v63  }
0x593: {  	v4 =	vld [tilespmem:$0x6390];
	_ =	sdelay $0x4  }
0x594: {  	v5 =	vshll.u32 v4, $0x3  }
0x595: {  	v4 =	vand.u32 $0x7, v4;
	v5 =	vand.u32 $0xFFFFFFC0, v5  }
0x596: {  	v4 =	vor.u32 v4, v5  }
0x597: {  	v5 =	vperm.xlane v4, v1;
	_ =	sdelay $0x1  }
0x598: {  	v5 =	vadd.s32 v2, v5;
	_ =	sdelay $0x3  }
0x599: {  	s22 =	simm.s32 $0xAC00  }
0x59a: {  	[tilespmem:s22], [sflag:$0x1] =	stream.indirect_vreg.gather [hbm4b:s4+s17], $0x80, v5, vm0, $0xb8;
	[tilespmem:$0x16C00] =	vst v63  }
0x59b: {  	s24 =	simm.s32 $0xB400;
	v4 =	vperm.xlane v4, v3  }
0x59c: {  	[tilespmem:s24], [sflag:$0x1] =	stream.indirect_vreg.gather [hbm4b:s8+s17], $0x80, v5, vm0, $0xb8;
	[tilespmem:$0x16C00] =	vst v63  }
0x59d: {  	s26 =	simm.s32 $0xBC00;
	v4 =	vadd.s32 v2, v4  }
0x59e: {  	[tilespmem:s26], [sflag:$0x1] =	stream.indirect_vreg.gather [hbm4b:s9+s17], $0x80, v5, vm0, $0xb8;
	[tilespmem:$0x16C00] =	vst v63  }
0x59f: {  	s28 =	simm.s32 $0xC400  }
0x5a0: {  	[tilespmem:s28], [sflag:$0x1] =	stream.indirect_vreg.gather [hbm4b:s12+s17], $0x80, v5, vm0, $0xb8;
	[tilespmem:$0x16C00] =	vst v63  }
0x5a1: {  	s0 =	simm.s32 $0xCC00  }
0x5a2: {  	[tilespmem:s0], [sflag:$0x1] =	stream.indirect_vreg.gather [hbm4b:s4+s17], $0x80, v4, vm0, $0xb8;
	[tilespmem:$0x16C00] =	vst v63  }
0x5a3: {  	s2 =	simm.s32 $0xD400  }
0x5a4: {  	[tilespmem:s2], [sflag:$0x1] =	stream.indirect_vreg.gather [hbm4b:s8+s17], $0x80, v4, vm0, $0xb8;
	[tilespmem:$0x16C00] =	vst v63  }
0x5a5: {  	s8 =	simm.s32 $0xDC00  }
0x5a6: {  	[tilespmem:s8], [sflag:$0x1] =	stream.indirect_vreg.gather [hbm4b:s9+s17], $0x80, v4, vm0, $0xb8;
	[tilespmem:$0x16C00] =	vst v63  }
0x5a7: {  	s9 =	simm.s32 $0xE400  }
0x5a8: {  	[tilespmem:s9], [sflag:$0x1] =	stream.indirect_vreg.gather [hbm4b:s12+s17], $0x80, v4, vm0, $0xb8;
	[tilespmem:$0x16C00] =	vst v63  }
0x5a9: {  	s12 =	simm.s32 $0x1  }
0x5aa: {  	_ =	swait.ge [sflag:s12], $0x8000  }
0x5ab: {  	[sflag:s12] =	ssyncset.done $0x0  }
0x5ac: {  	[sflag:s12] =	ssyncadd.s32 $0xFFFF8000  }
0x5ad: {  	v4 =	vld [tilespmem:$0x6780];
	_ =	sdelay $0x4  }
0x5ae: {  	v5 =	vshll.u32 v4, $0x3  }
0x5af: {  	v4 =	vand.u32 $0x7, v4;
	v5 =	vand.u32 $0xFFFFFFC0, v5  }
0x5b0: {  	v4 =	vor.u32 v4, v5  }
0x5b1: {  	v5 =	vperm.xlane v4, v1;
	_ =	sdelay $0x1  }
0x5b2: {  	v5 =	vadd.s32 v2, v5;
	_ =	sdelay $0x4  }
0x5b3: {  	[hbm4b:s5+s17] =	stream.indirect_vreg.scatter [tilespmem:s3], [sflag:$0x1], $0x80, v5, vm0, $0xb8;
	[tilespmem:$0x16C00] =	vst v63  }
0x5b4: {  	v4 =	vperm.xlane v4, v3  }
0x5b5: {  	[hbm4b:s10+s17] =	stream.indirect_vreg.scatter [tilespmem:s7], [sflag:$0x1], $0x80, v5, vm0, $0xb8;
	[tilespmem:$0x16C00] =	vst v63  }
0x5b6: {  	v4 =	vadd.s32 v2, v4  }
0x5b7: {  	[hbm4b:s11+s17] =	stream.indirect_vreg.scatter [tilespmem:s20], [sflag:$0x1], $0x80, v5, vm0, $0xb8;
	[tilespmem:$0x16C00] =	vst v63  }
0x5b8: {  	_ = 	snop  }
0x5b9: {  	[hbm4b:s13+s17] =	stream.indirect_vreg.scatter [tilespmem:s18], [sflag:$0x1], $0x80, v5, vm0, $0xb8;
	[tilespmem:$0x16C00] =	vst v63  }
0x5ba: {  	_ = 	snop  }
0x5bb: {  	[hbm4b:s5+s17] =	stream.indirect_vreg.scatter [tilespmem:s21], [sflag:$0x1], $0x80, v4, vm0, $0xb8;
	[tilespmem:$0x16C00] =	vst v63  }
0x5bc: {  	_ = 	snop  }
0x5bd: {  	[hbm4b:s10+s17] =	stream.indirect_vreg.scatter [tilespmem:s23], [sflag:$0x1], $0x80, v4, vm0, $0xb8;
	[tilespmem:$0x16C00] =	vst v63  }
0x5be: {  	_ = 	snop  }
0x5bf: {  	[hbm4b:s11+s17] =	stream.indirect_vreg.scatter [tilespmem:s16], [sflag:$0x1], $0x80, v4, vm0, $0xb8;
	[tilespmem:$0x16C00] =	vst v63  }
0x5c0: {  	_ = 	snop  }
0x5c1: {  	[hbm4b:s13+s17] =	stream.indirect_vreg.scatter [tilespmem:s31], [sflag:$0x1], $0x80, v4, vm0, $0xb8;
	[tilespmem:$0x16C00] =	vst v63  }
0x5c2: {  	v4 =	vld [tilespmem:$0x6790];
	_ =	sdelay $0x4  }
0x5c3: {  	v5 =	vshll.u32 v4, $0x3  }
0x5c4: {  	v4 =	vand.u32 $0x7, v4;
	v5 =	vand.u32 $0xFFFFFFC0, v5  }
0x5c5: {  	v4 =	vor.u32 v4, v5  }
0x5c6: {  	v5 =	vperm.xlane v4, v1;
	_ =	sdelay $0x1  }
0x5c7: {  	v5 =	vadd.s32 v2, v5;
	_ =	sdelay $0x4  }
0x5c8: {  	[hbm4b:s5+s17] =	stream.indirect_vreg.scatter [tilespmem:s22], [sflag:$0x1], $0x80, v5, vm0, $0xb8;
	[tilespmem:$0x16C00] =	vst v63  }
0x5c9: {  	v4 =	vperm.xlane v4, v3  }
0x5ca: {  	[hbm4b:s10+s17] =	stream.indirect_vreg.scatter [tilespmem:s24], [sflag:$0x1], $0x80, v5, vm0, $0xb8;
	[tilespmem:$0x16C00] =	vst v63  }
0x5cb: {  	v4 =	vadd.s32 v2, v4  }
0x5cc: {  	[hbm4b:s11+s17] =	stream.indirect_vreg.scatter [tilespmem:s26], [sflag:$0x1], $0x80, v5, vm0, $0xb8;
	[tilespmem:$0x16C00] =	vst v63  }
0x5cd: {  	_ = 	snop  }
0x5ce: {  	[hbm4b:s13+s17] =	stream.indirect_vreg.scatter [tilespmem:s28], [sflag:$0x1], $0x80, v5, vm0, $0xb8;
	[tilespmem:$0x16C00] =	vst v63  }
0x5cf: {  	_ = 	snop  }
0x5d0: {  	[hbm4b:s5+s17] =	stream.indirect_vreg.scatter [tilespmem:s0], [sflag:$0x1], $0x80, v4, vm0, $0xb8;
	[tilespmem:$0x16C00] =	vst v63  }
0x5d1: {  	_ = 	snop  }
0x5d2: {  	[hbm4b:s10+s17] =	stream.indirect_vreg.scatter [tilespmem:s2], [sflag:$0x1], $0x80, v4, vm0, $0xb8;
	[tilespmem:$0x16C00] =	vst v63  }
0x5d3: {  	_ = 	snop  }
0x5d4: {  	[hbm4b:s11+s17] =	stream.indirect_vreg.scatter [tilespmem:s8], [sflag:$0x1], $0x80, v4, vm0, $0xb8;
	[tilespmem:$0x16C00] =	vst v63  }
0x5d5: {  	s12 =	simm.s32 $0x1  }
0x5d6: {  	[hbm4b:s13+s17] =	stream.indirect_vreg.scatter [tilespmem:s9], [sflag:$0x1], $0x80, v4, vm0, $0xb8;
	[tilespmem:$0x16C00] =	vst v63  }
0x5d7: {  	_ =	swait.ge [sflag:s12], $0x8000  }
0x5d8: {  	[sflag:s12] =	ssyncset.done $0x0  }
0x5d9: {  	[sflag:s12] =	ssyncadd.s32 $0xFFFF8000  }
0x5da: {  	v4 =	vld [tilespmem:$0x6380];
	_ =	sdelay $0x4  }
0x5db: {  	v5 =	vshll.u32 v4, $0x3  }
0x5dc: {  	v4 =	vand.u32 $0x7, v4;
	v5 =	vand.u32 $0xFFFFFFC0, v5  }
0x5dd: {  	v4 =	vor.u32 v4, v5  }
0x5de: {  	v5 =	vperm.xlane v4, v1;
	_ =	sdelay $0x1  }
0x5df: {  	v5 =	vadd.s32 v2, v5;
	_ =	sdelay $0x3  }
0x5e0: {  	s9 =	simm.s32 $0xEC00  }
0x5e1: {  	[tilespmem:s9], [sflag:$0x2] =	stream.indirect_vreg.gather [hbm4b:s6+s17], $0x80, v5, vm0, $0xb8;
	[tilespmem:$0x16C00] =	vst v63  }
0x5e2: {  	s16 =	simm.s32 $0xF400;
	v4 =	vperm.xlane v4, v3  }
0x5e3: {  	[tilespmem:s16], [sflag:$0x2] =	stream.indirect_vreg.gather [hbm4b:s14+s17], $0x80, v5, vm0, $0xb8;
	[tilespmem:$0x16C00] =	vst v63  }
0x5e4: {  	s20 =	simm.s32 $0xFC00;
	v4 =	vadd.s32 v2, v4  }
0x5e5: {  	[tilespmem:s20], [sflag:$0x2] =	stream.indirect_vreg.gather [hbm4b:s15+s17], $0x80, v5, vm0, $0xb8;
	[tilespmem:$0x16C00] =	vst v63  }
0x5e6: {  	s21 =	simm.s32 $0x10400  }
0x5e7: {  	[tilespmem:s21], [sflag:$0x2] =	stream.indirect_vreg.gather [hbm4b:s1+s17], $0x80, v5, vm0, $0xb8;
	[tilespmem:$0x16C00] =	vst v63  }
0x5e8: {  	s22 =	simm.s32 $0x10C00  }
0x5e9: {  	[tilespmem:s22], [sflag:$0x2] =	stream.indirect_vreg.gather [hbm4b:s6+s17], $0x80, v4, vm0, $0xb8;
	[tilespmem:$0x16C00] =	vst v63  }
0x5ea: {  	s31 =	simm.s32 $0x11400  }
0x5eb: {  	[tilespmem:s31], [sflag:$0x2] =	stream.indirect_vreg.gather [hbm4b:s14+s17], $0x80, v4, vm0, $0xb8;
	[tilespmem:$0x16C00] =	vst v63  }
0x5ec: {  	s0 =	simm.s32 $0x11C00  }
0x5ed: {  	[tilespmem:s0], [sflag:$0x2] =	stream.indirect_vreg.gather [hbm4b:s15+s17], $0x80, v4, vm0, $0xb8;
	[tilespmem:$0x16C00] =	vst v63  }
0x5ee: {  	s2 =	simm.s32 $0x12400  }
0x5ef: {  	[tilespmem:s2], [sflag:$0x2] =	stream.indirect_vreg.gather [hbm4b:s1+s17], $0x80, v4, vm0, $0xb8;
	[tilespmem:$0x16C00] =	vst v63  }
0x5f0: {  	v4 =	vld [tilespmem:$0x6390];
	_ =	sdelay $0x4  }
0x5f1: {  	v5 =	vshll.u32 v4, $0x3  }
0x5f2: {  	v4 =	vand.u32 $0x7, v4;
	v5 =	vand.u32 $0xFFFFFFC0, v5  }
0x5f3: {  	v4 =	vor.u32 v4, v5  }
0x5f4: {  	v5 =	vperm.xlane v4, v1;
	_ =	sdelay $0x1  }
0x5f5: {  	v5 =	vadd.s32 v2, v5;
	_ =	sdelay $0x3  }
0x5f6: {  	s3 =	simm.s32 $0x12C00  }
0x5f7: {  	[tilespmem:s3], [sflag:$0x2] =	stream.indirect_vreg.gather [hbm4b:s6+s17], $0x80, v5, vm0, $0xb8;
	[tilespmem:$0x16C00] =	vst v63  }
0x5f8: {  	s25 =	simm.s32 $0x13400;
	v4 =	vperm.xlane v4, v3  }
0x5f9: {  	[tilespmem:s25], [sflag:$0x2] =	stream.indirect_vreg.gather [hbm4b:s14+s17], $0x80, v5, vm0, $0xb8;
	[tilespmem:$0x16C00] =	vst v63  }
0x5fa: {  	s29 =	simm.s32 $0x13C00;
	v4 =	vadd.s32 v2, v4  }
0x5fb: {  	[tilespmem:s29], [sflag:$0x2] =	stream.indirect_vreg.gather [hbm4b:s15+s17], $0x80, v5, vm0, $0xb8;
	[tilespmem:$0x16C00] =	vst v63  }
0x5fc: {  	s4 =	simm.s32 $0x14400  }
0x5fd: {  	[tilespmem:s4], [sflag:$0x2] =	stream.indirect_vreg.gather [hbm4b:s1+s17], $0x80, v5, vm0, $0xb8;
	[tilespmem:$0x16C00] =	vst v63  }
0x5fe: {  	s23 =	simm.s32 $0x14C00  }
0x5ff: {  	[tilespmem:s23], [sflag:$0x2] =	stream.indirect_vreg.gather [hbm4b:s6+s17], $0x80, v4, vm0, $0xb8;
	[tilespmem:$0x16C00] =	vst v63  }
0x600: {  	s24 =	simm.s32 $0x15400  }
0x601: {  	[tilespmem:s24], [sflag:$0x2] =	stream.indirect_vreg.gather [hbm4b:s14+s17], $0x80, v4, vm0, $0xb8;
	[tilespmem:$0x16C00] =	vst v63  }
0x602: {  	s26 =	simm.s32 $0x15C00  }
0x603: {  	[tilespmem:s26], [sflag:$0x2] =	stream.indirect_vreg.gather [hbm4b:s15+s17], $0x80, v4, vm0, $0xb8;
	[tilespmem:$0x16C00] =	vst v63  }
0x604: {  	s28 =	simm.s32 $0x16400  }
0x605: {  	[tilespmem:s28], [sflag:$0x2] =	stream.indirect_vreg.gather [hbm4b:s1+s17], $0x80, v4, vm0, $0xb8;
	[tilespmem:$0x16C00] =	vst v63  }
0x606: {  	_ =	swait.ge [sflag:s30], $0x8000  }
0x607: {  	[sflag:s30] =	ssyncset.done $0x0  }
0x608: {  	[sflag:s30] =	ssyncadd.s32 $0xFFFF8000  }
0x609: {  	v4 =	vld [tilespmem:$0x6B80];
	_ =	sdelay $0x4  }
0x60a: {  	v5 =	vshll.u32 v4, $0x3  }
0x60b: {  	v4 =	vand.u32 $0x7, v4;
	v5 =	vand.u32 $0xFFFFFFC0, v5  }
0x60c: {  	v4 =	vor.u32 v4, v5  }
0x60d: {  	v5 =	vperm.xlane v4, v1;
	_ =	sdelay $0x1  }
0x60e: {  	v5 =	vadd.s32 v2, v5;
	_ =	sdelay $0x4  }
0x60f: {  	[hbm4b:s5+s17] =	stream.indirect_vreg.scatter [tilespmem:s9], [sflag:$0x2], $0x80, v5, vm0, $0xb8;
	[tilespmem:$0x16C00] =	vst v63  }
0x610: {  	v4 =	vperm.xlane v4, v3  }
0x611: {  	[hbm4b:s10+s17] =	stream.indirect_vreg.scatter [tilespmem:s16], [sflag:$0x2], $0x80, v5, vm0, $0xb8;
	[tilespmem:$0x16C00] =	vst v63  }
0x612: {  	v4 =	vadd.s32 v2, v4  }
0x613: {  	[hbm4b:s11+s17] =	stream.indirect_vreg.scatter [tilespmem:s20], [sflag:$0x2], $0x80, v5, vm0, $0xb8;
	[tilespmem:$0x16C00] =	vst v63  }
0x614: {  	_ = 	snop  }
0x615: {  	[hbm4b:s13+s17] =	stream.indirect_vreg.scatter [tilespmem:s21], [sflag:$0x2], $0x80, v5, vm0, $0xb8;
	[tilespmem:$0x16C00] =	vst v63  }
0x616: {  	_ = 	snop  }
0x617: {  	[hbm4b:s5+s17] =	stream.indirect_vreg.scatter [tilespmem:s22], [sflag:$0x2], $0x80, v4, vm0, $0xb8;
	[tilespmem:$0x16C00] =	vst v63  }
0x618: {  	_ = 	snop  }
0x619: {  	[hbm4b:s10+s17] =	stream.indirect_vreg.scatter [tilespmem:s31], [sflag:$0x2], $0x80, v4, vm0, $0xb8;
	[tilespmem:$0x16C00] =	vst v63  }
0x61a: {  	_ = 	snop  }
0x61b: {  	[hbm4b:s11+s17] =	stream.indirect_vreg.scatter [tilespmem:s0], [sflag:$0x2], $0x80, v4, vm0, $0xb8;
	[tilespmem:$0x16C00] =	vst v63  }
0x61c: {  	_ = 	snop  }
0x61d: {  	[hbm4b:s13+s17] =	stream.indirect_vreg.scatter [tilespmem:s2], [sflag:$0x2], $0x80, v4, vm0, $0xb8;
	[tilespmem:$0x16C00] =	vst v63  }
0x61e: {  	v4 =	vld [tilespmem:$0x6B90];
	_ =	sdelay $0x4  }
0x61f: {  	v5 =	vshll.u32 v4, $0x3  }
0x620: {  	v4 =	vand.u32 $0x7, v4;
	v5 =	vand.u32 $0xFFFFFFC0, v5  }
0x621: {  	v4 =	vor.u32 v4, v5  }
0x622: {  	v5 =	vperm.xlane v4, v1;
	_ =	sdelay $0x1  }
0x623: {  	v5 =	vadd.s32 v2, v5;
	_ =	sdelay $0x4  }
0x624: {  	[hbm4b:s5+s17] =	stream.indirect_vreg.scatter [tilespmem:s3], [sflag:$0x2], $0x80, v5, vm0, $0xb8;
	[tilespmem:$0x16C00] =	vst v63  }
0x625: {  	v4 =	vperm.xlane v4, v3  }
0x626: {  	[hbm4b:s10+s17] =	stream.indirect_vreg.scatter [tilespmem:s25], [sflag:$0x2], $0x80, v5, vm0, $0xb8;
	[tilespmem:$0x16C00] =	vst v63  }
0x627: {  	v4 =	vadd.s32 v2, v4  }
0x628: {  	[hbm4b:s11+s17] =	stream.indirect_vreg.scatter [tilespmem:s29], [sflag:$0x2], $0x80, v5, vm0, $0xb8;
	[tilespmem:$0x16C00] =	vst v63  }
0x629: {  	_ = 	snop  }
0x62a: {  	[hbm4b:s13+s17] =	stream.indirect_vreg.scatter [tilespmem:s4], [sflag:$0x2], $0x80, v5, vm0, $0xb8;
	[tilespmem:$0x16C00] =	vst v63  }
0x62b: {  	_ = 	snop  }
0x62c: {  	[hbm4b:s5+s17] =	stream.indirect_vreg.scatter [tilespmem:s23], [sflag:$0x2], $0x80, v4, vm0, $0xb8;
	[tilespmem:$0x16C00] =	vst v63  }
0x62d: {  	_ = 	snop  }
0x62e: {  	[hbm4b:s10+s17] =	stream.indirect_vreg.scatter [tilespmem:s24], [sflag:$0x2], $0x80, v4, vm0, $0xb8;
	[tilespmem:$0x16C00] =	vst v63  }
0x62f: {  	_ = 	snop  }
0x630: {  	[hbm4b:s11+s17] =	stream.indirect_vreg.scatter [tilespmem:s26], [sflag:$0x2], $0x80, v4, vm0, $0xb8;
	[tilespmem:$0x16C00] =	vst v63  }
0x631: {  	_ = 	snop  }
0x632: {  	[hbm4b:s13+s17] =	stream.indirect_vreg.scatter [tilespmem:s28], [sflag:$0x2], $0x80, v4, vm0, $0xb8;
	[tilespmem:$0x16C00] =	vst v63  }
0x633: {  	_ =	swait.ge [sflag:s30], $0x8000  }
0x634: {  	s29 =	rddreg [dreg:$0x4]  }
0x635: {  	s31 =	rddreg [dreg:$0x3];
	s0 =	sadd.s32 $0x1, s29  }
0x636: {  	p0 =	sne.s32 s0, s31  }
.Ltmp1:
0x637: {  	_ = 	snop;
	(pc) =	sbr.rel @p0 .LBB2_1-.Ltmp1, $3  }
0x638: {  	_ =	sdelay $0x1  }
0x639: {  	[sflag:s30] =	ssyncset.done $0x0  }
0x63a: {  	[sflag:s30] =	ssyncadd.s32 $0xFFFF8000  }
0x63b: {  	_ =	sfence.sel $0x180000  }
0x63c: {  	[bflag:$0x0] =	sbarrier.arrive $0xFFFF  }
0x63d: {  	_ =	strace $0x9000004A  }
0x63e: {  	s0 =	stileid.u32;
	[bflag:$0x2] =	sbarrier.arrive $0xFFFF  }
0x63f: {  	p0 =	sne.s32 s0, $0x0;
	s0 =	rddreg [dreg:$0x2]  }
0x640: {  	s0 =	sadd.s32 @!p0 $0x100000, s0  }
0x641: {  	[sflag:s0] =	ssyncadd.tile.s32 @!p0 $0x1;
	_ =	shalt  }
.Lfunc_end2:
_tile_overlayer_lowered:
.L_overlay_start_2:
0x642: {  	(tag) =	ssettag $0x2  }
0x643: {  	s0 =	rddreg [dreg:$0x0];
	s2 =	stileid.u32  }
0x644: {  	s1 =	rddreg [dreg:$0x1];
	p0 =	sne.s32 s2, $0x0  }
0x645: {  	s3 =	rddreg [dreg:$0x2];
	[bflag:$0x3] =	sbarrier.arrive $0xFFFF;
	s2 =	simm.s32 @!p0 $0x1C03  }
0x646: {  	[timem:s3], [sflag:s2] =	dma.local @!p0 [hbm:s0], s1  }
0x647: {  	s0 =	simm.s32 @!p0 $0x3  }
0x648: {  	_ =	swait.ge @!p0 [sflag:s0], s1  }
0x649: {  	s1 =	ssub.s32 @!p0 $0x0, s1;
	[sflag:s0] =	ssyncset.done @!p0 $0x0  }
0x64a: {  	[sflag:s0] =	ssyncadd.s32 @!p0 s1  }
0x64b: {  	[bflag:$0x3] =	sbarrier.arrive $0xFFFF  }
0x64c: {  	_ =	shalt  }

// kernel: sparse-core-data-format-call.1.cloned.1.call-start
scs
called_computation.1_lowered:
.L_overlay_start_0:
0x0: {  	s2 =	sld [smem:$0x3FD9]  }
0x1: {  	s3 =	sld [smem:$0x3FFE];
	_ =	sdelay $0x1  }
0x2: {  	s1 =	srdreg.scid  }
0x3: {  	s0 =	sand.u32 $0x1, s1  }
0x4: {  	s18 =	sshll.u32 s0, $0xA;
	s2 =	sadd.s32 s3, s2  }
0x5: {  	s2 =	sadd.s32 s2, s18  }
0x6: {  	[smem:$0x3FC2] =	sst s2  }
0x7: {  	_ = 	snop  }
0x8: {  	s2 =	sld [smem:$0x3FC7];
	(tm) =	ssettm $0x1  }
0x9: {  	s19 =	sld [smem:$0x3FFB];
	_ =	sdelay $0x3  }
0xa: {  	_ =	strace s19  }
0xb: {  	s3 =	sld [smem:$0x3FFC];
	_ =	sdelay $0x3  }
0xc: {  	_ =	strace s3  }
0xd: {  	s3 =	sld [smem:$0x3FFD];
	_ =	sdelay $0x3  }
0xe: {  	_ =	strace s3  }
0xf: {  	_ =	strace $0x8FFFFFFF  }
0x10: {  	s20 =	sld [smem:$0x3FDB];
	_ =	sdelay $0x1  }
0x11: {  	s4 =	simm.s32 $_scs_section_size  }
0x12: {  	s5 =	simm.s32 $_size__tile_overlayer_lowered;
	s6 =	simm.s32 $_tile_overlayer_lowered  }
0x13: {  	s23 =	simm.s32 $0x1BFF;
	s22 =	sshll.u32 s6, $0x1;
	s3 =	sadd.s32 s4, s20  }
0x14: {  	s7 =	simm.s32 $0x0;
	s21 =	sshll.u32 s5, $0x1;
	s5 =	sadd.s32 s22, s3  }
0x15: {  	[timem:s7], [sflag:s23] =	dma.local [hbm:s5], s21  }
0x16: {  	_ =	swait.ge [sflag:s23], s21  }
0x17: {  	s4 =	ssub.s32 $0x0, s21;
	[sflag:s23] =	ssyncset.done $0x0  }
0x18: {  	[sflag:s23] =	ssyncadd.s32 s4;
	_ =	sdelay $0x1  }
0x19: {  	s24 =	simm.s32 $0x1B8B  }
0x1a: {  	_ =	swait.ge [sflag:s24], $0x1  }
0x1b: {  	[sflag:s24] =	ssyncset.done $0x0  }
0x1c: {  	s26 =	simm.s32 $0x1B8E;
	s25 =	sld [smem:$0x3FFE];
	[sflag:s24] =	ssyncadd.s32 $0xFFFFFFFF  }
0x1d: {  	s27 =	simm.s32 $execute0_lowered;
	[smem:$0x3FD2] =	sst s26  }
0x1e: {  	s5 =	sshll.u32 s27, $0x1;
	_ =	strace $0x80000046;
	[dreg:$0x1] =	wrdreg $0xFFFFFFFF  }
0x1f: {  	s28 =	simm.s32 $_size_execute0_lowered;
	s3 =	sadd.s32 s3, s5;
	[dreg:$0x0] =	wrdreg $0x0  }
0x20: {  	s5 =	sshll.u32 s28, $0x1;
	[dreg:$0x2] =	wrdreg s3  }
0x21: {  	[dreg:$0x3] =	wrdreg s5  }
0x22: {  	[dreg:$0x4] =	wrdreg $0xC0  }
0x23: {  	_ =	task [dreg:s7], $0x5FFFF  }
0x24: {  	[dreg:$0x1] =	wrdreg $0xFFFFFFFF  }
0x25: {  	[dreg:$0x0] =	wrdreg $0x60  }
0x26: {  	[dreg:$0x2] =	wrdreg s2  }
0x27: {  	[dreg:$0x3] =	wrdreg s25  }
0x28: {  	[dreg:$0x4] =	wrdreg $0x9  }
0x29: {  	_ =	task.clear_ibuf [dreg:s7], $0x5FFFF;
	_ =	strace $0x90000046  }
0x2a: {  	s29 =	simm.s32 $0x9;
	_ =	strace $0x80000048  }
0x2b: {  	_ =	swait.ge [sflag:s29], $0x1  }
0x2c: {  	[sflag:s29] =	ssyncadd.s32 $0xFFFFFFFF  }
0x2d: {  	_ =	strace $0x90000048  }
0x2e: {  	_ =	sfence  }
0x2f: {  	s30 =	sld [smem:$0x0];
	_ =	sdelay $0x2  }
0x30: {  	s31 =	sshll.u32 s1, $0xD;
	s1 =	sshrl.u32 s1, $0x2  }
0x31: {  	s3 =	sand.u32 $0x4000, s31;
	s1 =	sadd.s32 s1, s30  }
0x32: {  	s0 =	sor.u32 s3, s0;
	s1 =	sshll.u32 s1, $0x11  }
0x33: {  	s0 =	sor.u32 s1, s0  }
0x34: {  	s0 =	sadd.s32 $0x8F2B, s0  }
0x35: {  	[sflag:s0] =	ssyncadd.remote.s32 $0x1  }
0x36: {  	_ =	sfence.sel $0xFFFF  }
0x37: {  	[dreg:$0x0] =	wrdreg $0xFFFFFFFF;
	(pc) =	sbr.abs _section_cstart, $3  }
0x38: {  	[dreg:$0x1] =	wrdreg $0xFFFFFFFF  }
0x39: {  	_ =	task.clear_ibuf [dreg:s7], $0x2FFFF;
	_ =	strace $0x9FFFFFFF  }
0x3a: {  	(tm) =	ssettm $0x7FFFFFFF  }
0x3b: {  	_ =	shalt  }
tec
execute0_lowered:
.L_overlay_start_1:
0x0: {  	(tag) =	ssettag $0x1  }
0x1: {  	s0 =	srdreg.scid  }
0x2: {  	s1 =	sshll.u32 s0, $0x4  }
0x3: {  	s2 =	rddreg [dreg:$0x0];
	s0 =	stileid.u32;
	s1 =	sand.u32 $0x10, s1  }
0x4: {  	s4 =	rddreg [dreg:$0x1];
	s7 =	simm.s32 $0x1;
	s1 =	sor.u32 s0, s1  }
0x5: {  	s8 =	simm.s32 $0x2;
	s9 =	simm.s32 $0x0;
	s3 =	sshll.u32 s1, $0x1  }
0x6: {  	s12 =	simm.s32 $0x0;
	s11 =	simm.s32 $0x0;
	s6 =	ssub.s32 $0x1000, s3  }
.Ltmp0:
0x7: {  	s4 =	sadd.s32 $0x2000, s4;
	s5 =	sand.u32 $0x3E, s6;
	(pc) =	sbr.rel .LBB1_1-.Ltmp0, $4  }
0x8: {  	s1 =	rddreg [dreg:$0x2];
	_ =	strace $0x80000047;
	p0 =	sne.s32 s5, $0x0  }
0x9: {  	s6 =	sshrl.u32 s6, $0x6;
	s5 =	simm.s32 $0x1;
	s7 =	simm.s32 @!p0 $0x0  }
0xa: {  	s10 =	smov.u32 s3;
	[sflag:s5] =	ssyncpa.u1 $0x0;
	s6 =	sadd.s32 s7, s6  }
0xb: {  	[sflag:s8] =	ssyncpa.u1 $0x0;
	s8 =	simm.s32 $0x0;
	s7 =	sadd.s32 $0x1, s6  }
.LBB1_9:
0xc: {  	s14 =	sadd.s32 $0x40, s10  }
0xd: {  	p1 =	sgt.s32 s14, $0xFFF  }
0xe: {  	s14 =	smov.u32 @p1 s3;
	p1 =	sne.s32 s11, s7  }
.Ltmp1:
0xf: {  	p0 =	slt.u32 s11, $0x2;
	(pc) =	sbr.rel @!p1 .LBB1_10-.Ltmp1, $4  }
0x10: {  	s13 =	simm.s32 @!p0 $0x2  }
0x11: {  	s15 =	sadd.s32 $0x1, s11;
	_ =	swait.ge @!p0 [sflag:s13], $0x4000  }
0x12: {  	s12 =	smov.u32 s10;
	s9 =	sadd.s32 $0x4000, s9;
	[sflag:s13] =	ssyncset.done @!p0 $0x0  }
0x13: {  	s11 =	smov.u32 s15;
	s10 =	smov.u32 s14;
	[sflag:s13] =	ssyncadd.s32 @!p0 $0xFFFFC000  }
.LBB1_1:
0x14: {  	p0 =	sge.u32 s11, s6  }
0x15: {  	s13 =	sxor.u32 @!p0 $0xFFFFFFFF, s11  }
0x16: {  	s31 =	sadd.s32 $0xFFFFFFFF, s11;
	s14 =	sshll.u32 @!p0 s10, $0xA;
	s13 =	sshll.u32 @!p0 s13, $0xE  }
0x17: {  	s15 =	simm.s32 @!p0 $0x0;
	s14 =	sadd.s32 @!p0 s2, s14;
	s13 =	sand.u32 @!p0 $0x4000, s13  }
0x18: {  	[tilespmem:s13], [sflag:$0x1] =	stream.linear.gather @!p0 [hbm4b:s14+s15], $0x4000, $0x38;
	[tilespmem:$0x10000] =	vst v63  }
0x19: {  	p0 =	sge.u32 s31, s6  }
.Ltmp2:
0x1a: {  	_ = 	snop;
	(pc) =	sbr.rel @p0 .LBB1_9-.Ltmp2, $1  }
0x1b: {  	_ =	sdelay $0x3  }
0x1c: {  	s13 =	sshll.u32 s9, $0x2  }
0x1d: {  	_ =	swait.ge [sflag:s5], $0x4000;
	s14 =	sshll.u32 s11, $0xE;
	s16 =	simm.s32 $0x0  }
0x1e: {  	p1 =	por $0x1, $0x1;
	s13 =	sand.u32 $0x10000, s13;
	[sflag:s5] =	ssyncset.done $0x0  }
0x1f: {  	s14 =	sand.u32 $0x4000, s14;
	s15 =	sshrl.u32 s13, $0x2;
	[sflag:s5] =	ssyncadd.s32 $0xFFFFC000  }
0x20: {  	s13 =	sor.u32 $0x8000, s14;
	s14 =	sadd.s32 $0x8040, s15;
	s15 =	sadd.s32 $0x40, s15  }
.LBB1_3:
0x21: {  	s16 =	sshll.u32 s16, $0x2  }
0x22: {  	p0 =	por p1, p1;
	s17 =	sshra.s32 s16, $0x2  }
0x23: {  	s18 =	simm.s32 $0x0;
	s16 =	sadd.s32 s17, s14;
	s17 =	sadd.s32 s17, s15  }
.LBB1_4:
0x24: {  	v0 =	vmov s17;
	_ =	sdelay $0x3  }
0x25: {  	s20 =	simm.s32 $0x0  }
0x26: {  	v6 =	vld.idx.msk [tilespmem:v0+s20+$0x30 ss:$0x1], $0xffff  }
0x27: {  	v7 =	vld.idx.msk [tilespmem:v0+s20+$0xFFFFFFC0 ss:$0x1], $0xffff  }
0x28: {  	v5 =	vld.idx.msk [tilespmem:v0+s20+$0xFFFFFFD0 ss:$0x1], $0xffff  }
0x29: {  	v4 =	vld.idx.msk [tilespmem:v0+s20+$0xFFFFFFE0 ss:$0x1], $0xffff  }
0x2a: {  	v3 =	vld.idx.msk [tilespmem:v0+s20+$0xFFFFFFF0 ss:$0x1], $0xffff  }
0x2b: {  	v1 =	vld.idx.msk [tilespmem:v0+s20+$0x0 ss:$0x1], $0xffff  }
0x2c: {  	v2 =	vld.idx.msk [tilespmem:v0+s20+$0x10 ss:$0x1], $0xffff;
	[tilespmem:s16+$0x30] =	vst v6  }
0x2d: {  	s19 =	simm.s32 $0x80;
	s21 =	simm.s32 $0x400;
	[tilespmem:s16+$0xFFFFFFC0] =	vst v7;
	v6 =	vld.idx.msk [tilespmem:v0+s20+$0x20 ss:$0x1], $0xffff;
	s20 =	smov.u32 s16  }
.LBB1_5:
0x2e: {  	p1 =	sne.s32 s21, $0xE00;
	v7 =	vld.idx.msk [tilespmem:v0+s19+$0x30 ss:$0x1], $0xffff;
	[tilespmem:s20+$0xFFFFFFD0] =	vst v5  }
0x2f: {  	v8 =	vld.idx.msk [tilespmem:v0+s19+$0xFFFFFFC0 ss:$0x1], $0xffff;
	[tilespmem:s20+$0xFFFFFFE0] =	vst v4  }
0x30: {  	v5 =	vld.idx.msk [tilespmem:v0+s19+$0xFFFFFFD0 ss:$0x1], $0xffff;
	[tilespmem:s20+$0xFFFFFFF0] =	vst v3  }
.Ltmp3:
0x31: {  	v4 =	vld.idx.msk [tilespmem:v0+s19+$0xFFFFFFE0 ss:$0x1], $0xffff;
	[tilespmem:s20+$0x0] =	vst v1;
	(pc) =	sbr.rel @p1 .LBB1_5-.Ltmp3, $4  }
0x32: {  	v3 =	vld.idx.msk [tilespmem:v0+s19+$0xFFFFFFF0 ss:$0x1], $0xffff;
	[tilespmem:s20+$0x10] =	vst v2  }
0x33: {  	v1 =	vld.idx.msk [tilespmem:v0+s19+$0x0 ss:$0x1], $0xffff;
	[tilespmem:s20+$0x20] =	vst v6;
	s20 =	sadd.s32 $0x400, s20  }
0x34: {  	v2 =	vld.idx.msk [tilespmem:v0+s19+$0x10 ss:$0x1], $0xffff;
	[tilespmem:s20+$0x30] =	vst v7  }
0x35: {  	[tilespmem:s20+$0xFFFFFFC0] =	vst v8;
	v6 =	vld.idx.msk [tilespmem:v0+s19+$0x20 ss:$0x1], $0xffff;
	s19 =	sshra.s32 s21, $0x2;
	s21 =	sadd.s32 $0x200, s21  }
0x36: {  	_ =	sdelay $0x2  }
0x37: {  	[tilespmem:s20+$0xFFFFFFD0] =	vst v5  }
0x38: {  	v56 =	vld.idx.msk [tilespmem:v0+s19+$0x30 ss:$0x1], $0xffff;
	[tilespmem:s20+$0xFFFFFFE0] =	vst v4  }
0x39: {  	v57 =	vld.idx.msk [tilespmem:v0+s19+$0xFFFFFFC0 ss:$0x1], $0xffff;
	[tilespmem:s20+$0xFFFFFFF0] =	vst v3  }
0x3a: {  	v58 =	vld.idx.msk [tilespmem:v0+s19+$0xFFFFFFD0 ss:$0x1], $0xffff;
	[tilespmem:s20+$0x0] =	vst v1  }
0x3b: {  	v59 =	vld.idx.msk [tilespmem:v0+s19+$0xFFFFFFE0 ss:$0x1], $0xffff;
	[tilespmem:s20+$0x10] =	vst v2  }
0x3c: {  	v60 =	vld.idx.msk [tilespmem:v0+s19+$0xFFFFFFF0 ss:$0x1], $0xffff;
	s31 =	sadd.s32 $0x400, s20;
	[tilespmem:s20+$0x20] =	vst v6  }
0x3d: {  	v61 =	vld.idx.msk [tilespmem:v0+s19+$0x0 ss:$0x1], $0xffff;
	[tilespmem:s31+$0x30] =	vst v56  }
0x3e: {  	v62 =	vld.idx.msk [tilespmem:v0+s19+$0x10 ss:$0x1], $0xffff;
	s18 =	sadd.s32 $0x1, s18;
	[tilespmem:s31+$0xFFFFFFC0] =	vst v57  }
0x3f: {  	v63 =	vld.idx.msk [tilespmem:v0+s19+$0x20 ss:$0x1], $0xffff;
	p1 =	sne.s32 s18, $0x8;
	[tilespmem:s31+$0xFFFFFFD0] =	vst v58  }
.Ltmp4:
0x40: {  	[tilespmem:s31+$0xFFFFFFE0] =	vst v59;
	(pc) =	sbr.rel @p1 .LBB1_4-.Ltmp4, $4  }
0x41: {  	[tilespmem:s31+$0xFFFFFFF0] =	vst v60  }
0x42: {  	[tilespmem:s31+$0x0] =	vst v61  }
0x43: {  	[tilespmem:s31+$0x10] =	vst v62  }
0x44: {  	s16 =	sadd.s32 $0x80, s16;
	s17 =	sadd.s32 $0x400, s17;
	[tilespmem:s31+$0x20] =	vst v63  }
.Ltmp5:
0x45: {  	(pc) =	sbr.rel @p0 .LBB1_3-.Ltmp5, $2  }
0x46: {  	_ =	sdelay $0x2  }
0x47: {  	s16 =	simm.s32 $0x2000;
	p1 =	por $0x0, $0x0  }
.Ltmp6:
0x48: {  	(pc) =	sbr.rel .LBB1_9-.Ltmp6, $4  }
0x49: {  	_ = 	snop  }
0x4a: {  	s12 =	sshll.u32 s12, $0xA  }
0x4b: {  	s12 =	sadd.s32 s4, s12  }
0x4c: {  	[hbm4b:s12+s8] =	stream.linear.scatter [tilespmem:s13], [sflag:$0x2], $0x4000, $0x38;
	[tilespmem:$0x10000] =	vst v63  }
.LBB1_10:
0x4d: {  	_ =	sfence.sel $0x180000  }
0x4e: {  	s2 =	simm.s32 $0x1;
	[bflag:$0x0] =	sbarrier.arrive $0xFFFF  }
0x4f: {  	s31 =	simm.s32 $0x2;
	[sflag:s2] =	ssyncpa.u1 $0x1  }
0x50: {  	[sflag:s31] =	ssyncpa.u1 $0x1  }
0x51: {  	p0 =	sne.s32 s0, $0x0;
	_ =	strace $0x90000047  }
0x52: {  	s0 =	sadd.s32 @!p0 $0x100000, s1;
	[bflag:$0x2] =	sbarrier.arrive $0xFFFF  }
0x53: {  	[sflag:s0] =	ssyncadd.tile.s32 @!p0 $0x1;
	_ =	shalt  }
.Lfunc_end1:
_tile_overlayer_lowered:
.L_overlay_start_2:
0x54: {  	(tag) =	ssettag $0x2  }
0x55: {  	s0 =	rddreg [dreg:$0x0];
	s2 =	stileid.u32  }
0x56: {  	s1 =	rddreg [dreg:$0x1];
	p0 =	sne.s32 s2, $0x0  }
0x57: {  	s3 =	rddreg [dreg:$0x2];
	[bflag:$0x3] =	sbarrier.arrive $0xFFFF;
	s2 =	simm.s32 @!p0 $0x1C01  }
0x58: {  	[timem:s3], [sflag:s2] =	dma.local @!p0 [hbm:s0], s1  }
0x59: {  	s0 =	simm.s32 @!p0 $0x1  }
0x5a: {  	_ =	swait.ge @!p0 [sflag:s0], s1  }
0x5b: {  	s1 =	ssub.s32 @!p0 $0x0, s1;
	[sflag:s0] =	ssyncset.done @!p0 $0x0  }
0x5c: {  	[sflag:s0] =	ssyncadd.s32 @!p0 s1  }
0x5d: {  	[bflag:$0x3] =	sbarrier.arrive $0xFFFF  }
0x5e: {  	_ =	shalt  }

// kernel: sparse-core-data-format-call.2.cloned.1.call-start
scs
called_computation.2_lowered:
.L_overlay_start_0:
0x0: {  	s2 =	sld [smem:$0x3FD9]  }
0x1: {  	s3 =	sld [smem:$0x3FFE];
	_ =	sdelay $0x1  }
0x2: {  	s1 =	srdreg.scid  }
0x3: {  	s0 =	sand.u32 $0x1, s1  }
0x4: {  	s16 =	sshll.u32 s0, $0xA;
	s2 =	sadd.s32 s3, s2  }
0x5: {  	s2 =	sadd.s32 s2, s16  }
0x6: {  	[smem:$0x3FC2] =	sst s2  }
0x7: {  	_ = 	snop  }
0x8: {  	s2 =	sld [smem:$0x3FD0];
	_ =	sdelay $0x2  }
0x9: {  	s17 =	simm.s32 $0xD;
	s4 =	simm.s32 $0x10  }
0xa: {  	[smem:s4], [sflag:s17] =	dma.local [hbm:s2], $0x1  }
0xb: {  	_ =	swait.eq [sflag:s17], $0x1  }
0xc: {  	[sflag:s17] =	ssyncset.done $0x0  }
0xd: {  	[sflag:s17] =	ssyncadd.s32 $0xFFFFFFFF  }
0xe: {  	s18 =	sld [smem:$0x12];
	(tm) =	ssettm $0x1  }
0xf: {  	s19 =	sld [smem:$0x3FFB];
	_ =	sdelay $0x3  }
0x10: {  	_ =	strace s19  }
0x11: {  	s2 =	sld [smem:$0x3FFC];
	_ =	sdelay $0x3  }
0x12: {  	_ =	strace s2  }
0x13: {  	s2 =	sld [smem:$0x3FFD];
	_ =	sdelay $0x3  }
0x14: {  	_ =	strace s2  }
0x15: {  	_ =	strace $0x8FFFFFFF  }
0x16: {  	s20 =	sld [smem:$0x3FDB];
	_ =	sdelay $0x1  }
0x17: {  	s21 =	simm.s32 $_scs_section_size  }
0x18: {  	s5 =	simm.s32 $_size__tile_overlayer_lowered;
	s6 =	simm.s32 $_tile_overlayer_lowered  }
0x19: {  	s7 =	simm.s32 $0x1BFF;
	s22 =	sshll.u32 s6, $0x1;
	s4 =	sadd.s32 s21, s20  }
0x1a: {  	s23 =	simm.s32 $0x0;
	s5 =	sshll.u32 s5, $0x1;
	s6 =	sadd.s32 s22, s4  }
0x1b: {  	[timem:s23], [sflag:s7] =	dma.local [hbm:s6], s5  }
0x1c: {  	_ =	swait.ge [sflag:s7], s5  }
0x1d: {  	s5 =	ssub.s32 $0x0, s5;
	[sflag:s7] =	ssyncset.done $0x0  }
0x1e: {  	[sflag:s7] =	ssyncadd.s32 s5;
	_ =	sdelay $0x1  }
0x1f: {  	s24 =	simm.s32 $0x1B8B  }
0x20: {  	_ =	swait.ge [sflag:s24], $0x1  }
0x21: {  	[sflag:s24] =	ssyncset.done $0x0  }
0x22: {  	[sflag:s24] =	ssyncadd.s32 $0xFFFFFFFF  }
0x23: {  	s5 =	sld [smem:$0x0]  }
0x24: {  	s6 =	sand.u32 $0xFFFFFFFE, s1  }
0x25: {  	p0 =	sne.s32 s1, s6  }
0x26: {  	s6 =	sshll.u32 @p0 s6, $0xE  }
0x27: {  	s6 =	sadd.s32 @p0 $0x11B8D, s6;
	s7 =	sshll.u32 @p0 s5, $0x11  }
0x28: {  	s6 =	sor.u32 @p0 s7, s6  }
0x29: {  	[sflag:s6] =	ssyncadd.remote.s32 @p0 $0x1;
	_ =	sdelay $0x1  }
0x2a: {  	s6 =	simm.s32 @p0 $0x1B8D  }
0x2b: {  	_ =	swait.eq @p0 [sflag:s6], $0x1  }
0x2c: {  	[sflag:s6] =	ssyncadd.s32 @p0 $0xFFFFFFFF  }
0x2d: {  	s7 =	sshll.u32 @!p0 s1, $0xE  }
0x2e: {  	s7 =	sor.u32 @!p0 $0x4000, s7;
	s6 =	simm.s32 @!p0 $0x1B8D  }
0x2f: {  	s5 =	sshll.u32 @!p0 s5, $0x11;
	s7 =	sadd.s32 @!p0 $0x11B8D, s7;
	_ =	swait.eq @!p0 [sflag:s6], $0x1  }
0x30: {  	s5 =	sor.u32 @!p0 s5, s7;
	[sflag:s6] =	ssyncadd.s32 @!p0 $0xFFFFFFFF  }
0x31: {  	s26 =	simm.s32 $0x1B8E;
	s25 =	sld [smem:$0x3FFE];
	[sflag:s5] =	ssyncadd.remote.s32 @!p0 $0x1  }
0x32: {  	s27 =	simm.s32 $execute0_lowered;
	[smem:$0x3FD2] =	sst s26  }
0x33: {  	s6 =	sshll.u32 s27, $0x1;
	_ =	strace $0x8000004F;
	[dreg:$0x1] =	wrdreg $0xFFFFFFFF  }
0x34: {  	s28 =	simm.s32 $_size_execute0_lowered;
	s4 =	sadd.s32 s4, s6;
	[dreg:$0x0] =	wrdreg $0x0  }
0x35: {  	s6 =	sshll.u32 s28, $0x1;
	[dreg:$0x2] =	wrdreg s4  }
0x36: {  	[dreg:$0x3] =	wrdreg s6  }
0x37: {  	[dreg:$0x4] =	wrdreg $0xC0  }
0x38: {  	_ =	task [dreg:s23], $0x5FFFF  }
0x39: {  	[dreg:$0x1] =	wrdreg $0xFFFFFFFF  }
0x3a: {  	[dreg:$0x0] =	wrdreg $0x60  }
0x3b: {  	[dreg:$0x2] =	wrdreg s25  }
0x3c: {  	[dreg:$0x3] =	wrdreg s18  }
0x3d: {  	[dreg:$0x4] =	wrdreg $0x9  }
0x3e: {  	_ =	task.clear_ibuf [dreg:s23], $0x5FFFF;
	_ =	strace $0x9000004F  }
0x3f: {  	s29 =	simm.s32 $0x9;
	_ =	strace $0x80000051  }
0x40: {  	_ =	swait.ge [sflag:s29], $0x1  }
0x41: {  	[sflag:s29] =	ssyncadd.s32 $0xFFFFFFFF  }
0x42: {  	_ =	strace $0x90000051  }
0x43: {  	_ =	sfence  }
0x44: {  	s30 =	sld [smem:$0x0];
	_ =	sdelay $0x2  }
0x45: {  	s31 =	sshll.u32 s1, $0xD;
	s1 =	sshrl.u32 s1, $0x2  }
0x46: {  	s4 =	sand.u32 $0x4000, s31;
	s1 =	sadd.s32 s1, s30  }
0x47: {  	s0 =	sor.u32 s4, s0;
	s1 =	sshll.u32 s1, $0x11  }
0x48: {  	s0 =	sor.u32 s1, s0  }
0x49: {  	s0 =	sadd.s32 $0x8F2B, s0  }
0x4a: {  	[sflag:s0] =	ssyncadd.remote.s32 $0x1  }
0x4b: {  	_ =	sfence.sel $0xFFFF  }
0x4c: {  	[dreg:$0x0] =	wrdreg $0xFFFFFFFF;
	(pc) =	sbr.abs _section_cstart, $3  }
0x4d: {  	[dreg:$0x1] =	wrdreg $0xFFFFFFFF  }
0x4e: {  	_ =	task.clear_ibuf [dreg:s23], $0x2FFFF;
	_ =	strace $0x9FFFFFFF  }
0x4f: {  	(tm) =	ssettm $0x7FFFFFFF  }
tec
execute0_lowered:
.L_overlay_start_1:
0x0: {  	(tag) =	ssettag $0x1  }
0x1: {  	s0 =	srdreg.scid  }
0x2: {  	s1 =	sshll.u32 s0, $0x4  }
0x3: {  	s4 =	rddreg [dreg:$0x0];
	s0 =	stileid.u32;
	s1 =	sand.u32 $0x10, s1  }
0x4: {  	s2 =	rddreg [dreg:$0x1];
	s7 =	simm.s32 $0x1;
	s1 =	sor.u32 s0, s1  }
0x5: {  	s8 =	simm.s32 $0x2;
	s9 =	simm.s32 $0x0;
	s3 =	sshll.u32 s1, $0x1  }
0x6: {  	s12 =	simm.s32 $0x0;
	s11 =	simm.s32 $0x0;
	s6 =	ssub.s32 $0x400, s3  }
.Ltmp0:
0x7: {  	s4 =	sadd.s32 $0x502000, s4;
	s5 =	sand.u32 $0x3E, s6;
	(pc) =	sbr.rel .LBB1_1-.Ltmp0, $4  }
0x8: {  	s1 =	rddreg [dreg:$0x2];
	_ =	strace $0x80000050;
	p0 =	sne.s32 s5, $0x0  }
0x9: {  	s6 =	sshrl.u32 s6, $0x6;
	s5 =	simm.s32 $0x1;
	s7 =	simm.s32 @!p0 $0x0  }
0xa: {  	s10 =	smov.u32 s3;
	[sflag:s5] =	ssyncpa.u1 $0x0;
	s6 =	sadd.s32 s7, s6  }
0xb: {  	[sflag:s8] =	ssyncpa.u1 $0x0;
	s8 =	simm.s32 $0x0;
	s7 =	sadd.s32 $0x1, s6  }
.LBB1_9:
0xc: {  	s14 =	sadd.s32 $0x40, s10  }
0xd: {  	p1 =	sgt.s32 s14, $0x3FF  }
0xe: {  	s14 =	smov.u32 @p1 s3;
	p1 =	sne.s32 s11, s7  }
.Ltmp1:
0xf: {  	p0 =	slt.u32 s11, $0x2;
	(pc) =	sbr.rel @!p1 .LBB1_10-.Ltmp1, $4  }
0x10: {  	s13 =	simm.s32 @!p0 $0x2  }
0x11: {  	s15 =	sadd.s32 $0x1, s11;
	_ =	swait.ge @!p0 [sflag:s13], $0x4000  }
0x12: {  	s12 =	smov.u32 s10;
	s9 =	sadd.s32 $0x4000, s9;
	[sflag:s13] =	ssyncset.done @!p0 $0x0  }
0x13: {  	s11 =	smov.u32 s15;
	s10 =	smov.u32 s14;
	[sflag:s13] =	ssyncadd.s32 @!p0 $0xFFFFC000  }
.LBB1_1:
0x14: {  	p0 =	sge.u32 s11, s6  }
0x15: {  	s13 =	sxor.u32 @!p0 $0xFFFFFFFF, s11  }
0x16: {  	s31 =	sadd.s32 $0xFFFFFFFF, s11;
	s14 =	sshll.u32 @!p0 s10, $0xA;
	s13 =	sshll.u32 @!p0 s13, $0xE  }
0x17: {  	s15 =	simm.s32 @!p0 $0x0;
	s14 =	sadd.s32 @!p0 s4, s14;
	s13 =	sand.u32 @!p0 $0x4000, s13  }
0x18: {  	[tilespmem:s13], [sflag:$0x1] =	stream.linear.gather @!p0 [hbm4b:s14+s15], $0x4000, $0x38;
	[tilespmem:$0x10000] =	vst v63  }
0x19: {  	p0 =	sge.u32 s31, s6  }
.Ltmp2:
0x1a: {  	_ = 	snop;
	(pc) =	sbr.rel @p0 .LBB1_9-.Ltmp2, $1  }
0x1b: {  	_ =	sdelay $0x3  }
0x1c: {  	s13 =	sshll.u32 s9, $0x2  }
0x1d: {  	_ =	swait.ge [sflag:s5], $0x4000;
	s14 =	sshll.u32 s11, $0xE;
	s16 =	simm.s32 $0x0  }
0x1e: {  	p1 =	por $0x1, $0x1;
	s13 =	sand.u32 $0x10000, s13;
	[sflag:s5] =	ssyncset.done $0x0  }
0x1f: {  	s14 =	sand.u32 $0x4000, s14;
	s15 =	sshrl.u32 s13, $0x2;
	[sflag:s5] =	ssyncadd.s32 $0xFFFFC000  }
0x20: {  	s13 =	sor.u32 $0x8000, s14;
	s14 =	sadd.s32 $0x8040, s15;
	s15 =	sadd.s32 $0x40, s15  }
.LBB1_3:
0x21: {  	s16 =	sshll.u32 s16, $0x2  }
0x22: {  	p0 =	por p1, p1;
	s17 =	sshra.s32 s16, $0x2  }
0x23: {  	s18 =	simm.s32 $0x0;
	s16 =	sadd.s32 s17, s14;
	s17 =	sadd.s32 s17, s15  }
.LBB1_4:
0x24: {  	v0 =	vmov s17;
	_ =	sdelay $0x3  }
0x25: {  	s20 =	simm.s32 $0x0  }
0x26: {  	v6 =	vld.idx.msk [tilespmem:v0+s20+$0x30 ss:$0x1], $0xffff  }
0x27: {  	v7 =	vld.idx.msk [tilespmem:v0+s20+$0xFFFFFFC0 ss:$0x1], $0xffff  }
0x28: {  	v5 =	vld.idx.msk [tilespmem:v0+s20+$0xFFFFFFD0 ss:$0x1], $0xffff  }
0x29: {  	v4 =	vld.idx.msk [tilespmem:v0+s20+$0xFFFFFFE0 ss:$0x1], $0xffff  }
0x2a: {  	v3 =	vld.idx.msk [tilespmem:v0+s20+$0xFFFFFFF0 ss:$0x1], $0xffff  }
0x2b: {  	v1 =	vld.idx.msk [tilespmem:v0+s20+$0x0 ss:$0x1], $0xffff  }
0x2c: {  	v2 =	vld.idx.msk [tilespmem:v0+s20+$0x10 ss:$0x1], $0xffff;
	[tilespmem:s16+$0x30] =	vst v6  }
0x2d: {  	s19 =	simm.s32 $0x80;
	s21 =	simm.s32 $0x400;
	[tilespmem:s16+$0xFFFFFFC0] =	vst v7;
	v6 =	vld.idx.msk [tilespmem:v0+s20+$0x20 ss:$0x1], $0xffff;
	s20 =	smov.u32 s16  }
.LBB1_5:
0x2e: {  	p1 =	sne.s32 s21, $0xE00;
	v7 =	vld.idx.msk [tilespmem:v0+s19+$0x30 ss:$0x1], $0xffff;
	[tilespmem:s20+$0xFFFFFFD0] =	vst v5  }
0x2f: {  	v8 =	vld.idx.msk [tilespmem:v0+s19+$0xFFFFFFC0 ss:$0x1], $0xffff;
	[tilespmem:s20+$0xFFFFFFE0] =	vst v4  }
0x30: {  	v5 =	vld.idx.msk [tilespmem:v0+s19+$0xFFFFFFD0 ss:$0x1], $0xffff;
	[tilespmem:s20+$0xFFFFFFF0] =	vst v3  }
.Ltmp3:
0x31: {  	v4 =	vld.idx.msk [tilespmem:v0+s19+$0xFFFFFFE0 ss:$0x1], $0xffff;
	[tilespmem:s20+$0x0] =	vst v1;
	(pc) =	sbr.rel @p1 .LBB1_5-.Ltmp3, $4  }
0x32: {  	v3 =	vld.idx.msk [tilespmem:v0+s19+$0xFFFFFFF0 ss:$0x1], $0xffff;
	[tilespmem:s20+$0x10] =	vst v2  }
0x33: {  	v1 =	vld.idx.msk [tilespmem:v0+s19+$0x0 ss:$0x1], $0xffff;
	[tilespmem:s20+$0x20] =	vst v6;
	s20 =	sadd.s32 $0x400, s20  }
0x34: {  	v2 =	vld.idx.msk [tilespmem:v0+s19+$0x10 ss:$0x1], $0xffff;
	[tilespmem:s20+$0x30] =	vst v7  }
0x35: {  	[tilespmem:s20+$0xFFFFFFC0] =	vst v8;
	v6 =	vld.idx.msk [tilespmem:v0+s19+$0x20 ss:$0x1], $0xffff;
	s19 =	sshra.s32 s21, $0x2;
	s21 =	sadd.s32 $0x200, s21  }
0x36: {  	_ =	sdelay $0x2  }
0x37: {  	[tilespmem:s20+$0xFFFFFFD0] =	vst v5  }
0x38: {  	v56 =	vld.idx.msk [tilespmem:v0+s19+$0x30 ss:$0x1], $0xffff;
	[tilespmem:s20+$0xFFFFFFE0] =	vst v4  }
0x39: {  	v57 =	vld.idx.msk [tilespmem:v0+s19+$0xFFFFFFC0 ss:$0x1], $0xffff;
	[tilespmem:s20+$0xFFFFFFF0] =	vst v3  }
0x3a: {  	v58 =	vld.idx.msk [tilespmem:v0+s19+$0xFFFFFFD0 ss:$0x1], $0xffff;
	[tilespmem:s20+$0x0] =	vst v1  }
0x3b: {  	v59 =	vld.idx.msk [tilespmem:v0+s19+$0xFFFFFFE0 ss:$0x1], $0xffff;
	[tilespmem:s20+$0x10] =	vst v2  }
0x3c: {  	v60 =	vld.idx.msk [tilespmem:v0+s19+$0xFFFFFFF0 ss:$0x1], $0xffff;
	s31 =	sadd.s32 $0x400, s20;
	[tilespmem:s20+$0x20] =	vst v6  }
0x3d: {  	v61 =	vld.idx.msk [tilespmem:v0+s19+$0x0 ss:$0x1], $0xffff;
	[tilespmem:s31+$0x30] =	vst v56  }
0x3e: {  	v62 =	vld.idx.msk [tilespmem:v0+s19+$0x10 ss:$0x1], $0xffff;
	s18 =	sadd.s32 $0x1, s18;
	[tilespmem:s31+$0xFFFFFFC0] =	vst v57  }
0x3f: {  	v63 =	vld.idx.msk [tilespmem:v0+s19+$0x20 ss:$0x1], $0xffff;
	p1 =	sne.s32 s18, $0x8;
	[tilespmem:s31+$0xFFFFFFD0] =	vst v58  }
.Ltmp4:
0x40: {  	[tilespmem:s31+$0xFFFFFFE0] =	vst v59;
	(pc) =	sbr.rel @p1 .LBB1_4-.Ltmp4, $4  }
0x41: {  	[tilespmem:s31+$0xFFFFFFF0] =	vst v60  }
0x42: {  	[tilespmem:s31+$0x0] =	vst v61  }
0x43: {  	[tilespmem:s31+$0x10] =	vst v62  }
0x44: {  	s16 =	sadd.s32 $0x80, s16;
	s17 =	sadd.s32 $0x400, s17;
	[tilespmem:s31+$0x20] =	vst v63  }
.Ltmp5:
0x45: {  	(pc) =	sbr.rel @p0 .LBB1_3-.Ltmp5, $2  }
0x46: {  	_ =	sdelay $0x2  }
0x47: {  	s16 =	simm.s32 $0x2000;
	p1 =	por $0x0, $0x0  }
.Ltmp6:
0x48: {  	(pc) =	sbr.rel .LBB1_9-.Ltmp6, $4  }
0x49: {  	_ = 	snop  }
0x4a: {  	s12 =	sshll.u32 s12, $0xA  }
0x4b: {  	s12 =	sadd.s32 s2, s12  }
0x4c: {  	[hbm4b:s12+s8] =	stream.linear.scatter [tilespmem:s13], [sflag:$0x2], $0x4000, $0x38;
	[tilespmem:$0x10000] =	vst v63  }
.LBB1_10:
0x4d: {  	_ =	sfence.sel $0x180000  }
0x4e: {  	s2 =	simm.s32 $0x1;
	[bflag:$0x0] =	sbarrier.arrive $0xFFFF  }
0x4f: {  	s31 =	simm.s32 $0x2;
	[sflag:s2] =	ssyncpa.u1 $0x1  }
0x50: {  	[sflag:s31] =	ssyncpa.u1 $0x1  }
0x51: {  	p0 =	sne.s32 s0, $0x0;
	_ =	strace $0x90000050  }
0x52: {  	s0 =	sadd.s32 @!p0 $0x100000, s1;
	[bflag:$0x2] =	sbarrier.arrive $0xFFFF  }
0x53: {  	[sflag:s0] =	ssyncadd.tile.s32 @!p0 $0x1;
	_ =	shalt  }
.Lfunc_end1:
_tile_overlayer_lowered:
.L_overlay_start_2:
0x54: {  	(tag) =	ssettag $0x2  }
0x55: {  	s0 =	rddreg [dreg:$0x0];
	s2 =	stileid.u32  }
0x56: {  	s1 =	rddreg [dreg:$0x1];
	p0 =	sne.s32 s2, $0x0  }
0x57: {  	s3 =	rddreg [dreg:$0x2];
	[bflag:$0x3] =	sbarrier.arrive $0xFFFF;
	s2 =	simm.s32 @!p0 $0x1C01  }
0x58: {  	[timem:s3], [sflag:s2] =	dma.local @!p0 [hbm:s0], s1  }
0x59: {  	s0 =	simm.s32 @!p0 $0x1  }
0x5a: {  	_ =	swait.ge @!p0 [sflag:s0], s1  }
0x5b: {  	s1 =	ssub.s32 @!p0 $0x0, s1;
	[sflag:s0] =	ssyncset.done @!p0 $0x0  }
0x5c: {  	[sflag:s0] =	ssyncadd.s32 @!p0 s1  }
0x5d: {  	[bflag:$0x3] =	sbarrier.arrive $0xFFFF  }
0x5e: {  	_ =	shalt  }

// kernel: sparse-core-data-format-call.3.cloned.1.call-start
scs
called_computation.3_lowered:
.L_overlay_start_0:
0x0: {  	s2 =	sld [smem:$0x3FD9]  }
0x1: {  	s3 =	sld [smem:$0x3FFE];
	_ =	sdelay $0x1  }
0x2: {  	s1 =	srdreg.scid  }
0x3: {  	s0 =	sand.u32 $0x1, s1  }
0x4: {  	s16 =	sshll.u32 s0, $0xA;
	s2 =	sadd.s32 s3, s2  }
0x5: {  	s2 =	sadd.s32 s2, s16  }
0x6: {  	[smem:$0x3FC2] =	sst s2  }
0x7: {  	_ = 	snop  }
0x8: {  	s2 =	sld [smem:$0x3FD0];
	_ =	sdelay $0x2  }
0x9: {  	s17 =	simm.s32 $0xD;
	s4 =	simm.s32 $0x10  }
0xa: {  	[smem:s4], [sflag:s17] =	dma.local [hbm:s2], $0x1  }
0xb: {  	_ =	swait.eq [sflag:s17], $0x1  }
0xc: {  	[sflag:s17] =	ssyncset.done $0x0  }
0xd: {  	[sflag:s17] =	ssyncadd.s32 $0xFFFFFFFF  }
0xe: {  	s18 =	sld [smem:$0x11];
	(tm) =	ssettm $0x1  }
0xf: {  	s19 =	sld [smem:$0x3FFB];
	_ =	sdelay $0x3  }
0x10: {  	_ =	strace s19  }
0x11: {  	s2 =	sld [smem:$0x3FFC];
	_ =	sdelay $0x3  }
0x12: {  	_ =	strace s2  }
0x13: {  	s2 =	sld [smem:$0x3FFD];
	_ =	sdelay $0x3  }
0x14: {  	_ =	strace s2  }
0x15: {  	_ =	strace $0x8FFFFFFF  }
0x16: {  	s20 =	sld [smem:$0x3FDB];
	_ =	sdelay $0x1  }
0x17: {  	s21 =	simm.s32 $_scs_section_size  }
0x18: {  	s5 =	simm.s32 $_size__tile_overlayer_lowered;
	s6 =	simm.s32 $_tile_overlayer_lowered  }
0x19: {  	s7 =	simm.s32 $0x1BFF;
	s22 =	sshll.u32 s6, $0x1;
	s4 =	sadd.s32 s21, s20  }
0x1a: {  	s23 =	simm.s32 $0x0;
	s5 =	sshll.u32 s5, $0x1;
	s6 =	sadd.s32 s22, s4  }
0x1b: {  	[timem:s23], [sflag:s7] =	dma.local [hbm:s6], s5  }
0x1c: {  	_ =	swait.ge [sflag:s7], s5  }
0x1d: {  	s5 =	ssub.s32 $0x0, s5;
	[sflag:s7] =	ssyncset.done $0x0  }
0x1e: {  	[sflag:s7] =	ssyncadd.s32 s5;
	_ =	sdelay $0x1  }
0x1f: {  	s24 =	simm.s32 $0x1B8B  }
0x20: {  	_ =	swait.ge [sflag:s24], $0x1  }
0x21: {  	[sflag:s24] =	ssyncset.done $0x0  }
0x22: {  	[sflag:s24] =	ssyncadd.s32 $0xFFFFFFFF  }
0x23: {  	s5 =	sld [smem:$0x0]  }
0x24: {  	s6 =	sand.u32 $0xFFFFFFFE, s1  }
0x25: {  	p0 =	sne.s32 s1, s6  }
0x26: {  	s6 =	sshll.u32 @p0 s6, $0xE  }
0x27: {  	s6 =	sadd.s32 @p0 $0x11B8D, s6;
	s7 =	sshll.u32 @p0 s5, $0x11  }
0x28: {  	s6 =	sor.u32 @p0 s7, s6  }
0x29: {  	[sflag:s6] =	ssyncadd.remote.s32 @p0 $0x1;
	_ =	sdelay $0x1  }
0x2a: {  	s6 =	simm.s32 @p0 $0x1B8D  }
0x2b: {  	_ =	swait.eq @p0 [sflag:s6], $0x1  }
0x2c: {  	[sflag:s6] =	ssyncadd.s32 @p0 $0xFFFFFFFF  }
0x2d: {  	s7 =	sshll.u32 @!p0 s1, $0xE  }
0x2e: {  	s7 =	sor.u32 @!p0 $0x4000, s7;
	s6 =	simm.s32 @!p0 $0x1B8D  }
0x2f: {  	s5 =	sshll.u32 @!p0 s5, $0x11;
	s7 =	sadd.s32 @!p0 $0x11B8D, s7;
	_ =	swait.eq @!p0 [sflag:s6], $0x1  }
0x30: {  	s5 =	sor.u32 @!p0 s5, s7;
	[sflag:s6] =	ssyncadd.s32 @!p0 $0xFFFFFFFF  }
0x31: {  	s26 =	simm.s32 $0x1B8E;
	s25 =	sld [smem:$0x3FFE];
	[sflag:s5] =	ssyncadd.remote.s32 @!p0 $0x1  }
0x32: {  	s27 =	simm.s32 $execute0_lowered;
	[smem:$0x3FD2] =	sst s26  }
0x33: {  	s6 =	sshll.u32 s27, $0x1;
	_ =	strace $0x8000004C;
	[dreg:$0x1] =	wrdreg $0xFFFFFFFF  }
0x34: {  	s28 =	simm.s32 $_size_execute0_lowered;
	s4 =	sadd.s32 s4, s6;
	[dreg:$0x0] =	wrdreg $0x0  }
0x35: {  	s6 =	sshll.u32 s28, $0x1;
	[dreg:$0x2] =	wrdreg s4  }
0x36: {  	[dreg:$0x3] =	wrdreg s6  }
0x37: {  	[dreg:$0x4] =	wrdreg $0xC0  }
0x38: {  	_ =	task [dreg:s23], $0x5FFFF  }
0x39: {  	[dreg:$0x1] =	wrdreg $0xFFFFFFFF  }
0x3a: {  	[dreg:$0x0] =	wrdreg $0x60  }
0x3b: {  	[dreg:$0x2] =	wrdreg s25  }
0x3c: {  	[dreg:$0x3] =	wrdreg s18  }
0x3d: {  	[dreg:$0x4] =	wrdreg $0xA  }
0x3e: {  	_ =	task.clear_ibuf [dreg:s23], $0x5FFFF;
	_ =	strace $0x9000004C  }
0x3f: {  	s29 =	simm.s32 $0xA;
	_ =	strace $0x8000004E  }
0x40: {  	_ =	swait.ge [sflag:s29], $0x1  }
0x41: {  	[sflag:s29] =	ssyncadd.s32 $0xFFFFFFFF  }
0x42: {  	_ =	strace $0x9000004E  }
0x43: {  	_ =	sfence  }
0x44: {  	s30 =	sld [smem:$0x0];
	_ =	sdelay $0x2  }
0x45: {  	s31 =	sshll.u32 s1, $0xD;
	s1 =	sshrl.u32 s1, $0x2  }
0x46: {  	s4 =	sand.u32 $0x4000, s31;
	s1 =	sadd.s32 s1, s30  }
0x47: {  	s0 =	sor.u32 s4, s0;
	s1 =	sshll.u32 s1, $0x11  }
0x48: {  	s0 =	sor.u32 s1, s0  }
0x49: {  	s0 =	sadd.s32 $0x8F2B, s0  }
0x4a: {  	[sflag:s0] =	ssyncadd.remote.s32 $0x1  }
0x4b: {  	_ =	sfence.sel $0xFFFF  }
0x4c: {  	[dreg:$0x0] =	wrdreg $0xFFFFFFFF;
	(pc) =	sbr.abs _section_cstart, $3  }
0x4d: {  	[dreg:$0x1] =	wrdreg $0xFFFFFFFF  }
0x4e: {  	_ =	task.clear_ibuf [dreg:s23], $0x2FFFF;
	_ =	strace $0x9FFFFFFF  }
0x4f: {  	(tm) =	ssettm $0x7FFFFFFF  }
tec
execute0_lowered:
.L_overlay_start_1:
0x0: {  	(tag) =	ssettag $0x1  }
0x1: {  	s0 =	srdreg.scid  }
0x2: {  	s1 =	sshll.u32 s0, $0x4  }
0x3: {  	s4 =	rddreg [dreg:$0x0];
	s0 =	stileid.u32;
	s1 =	sand.u32 $0x10, s1  }
0x4: {  	s2 =	rddreg [dreg:$0x1];
	s7 =	simm.s32 $0x1;
	s1 =	sor.u32 s0, s1  }
0x5: {  	s8 =	simm.s32 $0x2;
	s9 =	simm.s32 $0x0;
	s3 =	sshll.u32 s1, $0x1  }
0x6: {  	s12 =	simm.s32 $0x0;
	s11 =	simm.s32 $0x0;
	s6 =	ssub.s32 $0x400, s3  }
.Ltmp0:
0x7: {  	s4 =	sadd.s32 $0x402000, s4;
	s5 =	sand.u32 $0x3E, s6;
	(pc) =	sbr.rel .LBB1_1-.Ltmp0, $4  }
0x8: {  	s1 =	rddreg [dreg:$0x2];
	_ =	strace $0x8000004D;
	p0 =	sne.s32 s5, $0x0  }
0x9: {  	s6 =	sshrl.u32 s6, $0x6;
	s5 =	simm.s32 $0x1;
	s7 =	simm.s32 @!p0 $0x0  }
0xa: {  	s10 =	smov.u32 s3;
	[sflag:s5] =	ssyncpa.u1 $0x0;
	s6 =	sadd.s32 s7, s6  }
0xb: {  	[sflag:s8] =	ssyncpa.u1 $0x0;
	s8 =	simm.s32 $0x0;
	s7 =	sadd.s32 $0x1, s6  }
.LBB1_9:
0xc: {  	s14 =	sadd.s32 $0x40, s10  }
0xd: {  	p1 =	sgt.s32 s14, $0x3FF  }
0xe: {  	s14 =	smov.u32 @p1 s3;
	p1 =	sne.s32 s11, s7  }
.Ltmp1:
0xf: {  	p0 =	slt.u32 s11, $0x2;
	(pc) =	sbr.rel @!p1 .LBB1_10-.Ltmp1, $4  }
0x10: {  	s13 =	simm.s32 @!p0 $0x2  }
0x11: {  	s15 =	sadd.s32 $0x1, s11;
	_ =	swait.ge @!p0 [sflag:s13], $0x4000  }
0x12: {  	s12 =	smov.u32 s10;
	s9 =	sadd.s32 $0x4000, s9;
	[sflag:s13] =	ssyncset.done @!p0 $0x0  }
0x13: {  	s11 =	smov.u32 s15;
	s10 =	smov.u32 s14;
	[sflag:s13] =	ssyncadd.s32 @!p0 $0xFFFFC000  }
.LBB1_1:
0x14: {  	p0 =	sge.u32 s11, s6  }
0x15: {  	s13 =	sxor.u32 @!p0 $0xFFFFFFFF, s11  }
0x16: {  	s31 =	sadd.s32 $0xFFFFFFFF, s11;
	s14 =	sshll.u32 @!p0 s10, $0xA;
	s13 =	sshll.u32 @!p0 s13, $0xE  }
0x17: {  	s15 =	simm.s32 @!p0 $0x0;
	s14 =	sadd.s32 @!p0 s4, s14;
	s13 =	sand.u32 @!p0 $0x4000, s13  }
0x18: {  	[tilespmem:s13], [sflag:$0x1] =	stream.linear.gather @!p0 [hbm4b:s14+s15], $0x4000, $0x38;
	[tilespmem:$0x10000] =	vst v63  }
0x19: {  	p0 =	sge.u32 s31, s6  }
.Ltmp2:
0x1a: {  	_ = 	snop;
	(pc) =	sbr.rel @p0 .LBB1_9-.Ltmp2, $1  }
0x1b: {  	_ =	sdelay $0x3  }
0x1c: {  	s13 =	sshll.u32 s9, $0x2  }
0x1d: {  	_ =	swait.ge [sflag:s5], $0x4000;
	s14 =	sshll.u32 s11, $0xE;
	s16 =	simm.s32 $0x0  }
0x1e: {  	p1 =	por $0x1, $0x1;
	s13 =	sand.u32 $0x10000, s13;
	[sflag:s5] =	ssyncset.done $0x0  }
0x1f: {  	s14 =	sand.u32 $0x4000, s14;
	s15 =	sshrl.u32 s13, $0x2;
	[sflag:s5] =	ssyncadd.s32 $0xFFFFC000  }
0x20: {  	s13 =	sor.u32 $0x8000, s14;
	s14 =	sadd.s32 $0x8040, s15;
	s15 =	sadd.s32 $0x40, s15  }
.LBB1_3:
0x21: {  	s16 =	sshll.u32 s16, $0x2  }
0x22: {  	p0 =	por p1, p1;
	s17 =	sshra.s32 s16, $0x2  }
0x23: {  	s18 =	simm.s32 $0x0;
	s16 =	sadd.s32 s17, s14;
	s17 =	sadd.s32 s17, s15  }
.LBB1_4:
0x24: {  	v0 =	vmov s17;
	_ =	sdelay $0x3  }
0x25: {  	s20 =	simm.s32 $0x0  }
0x26: {  	v6 =	vld.idx.msk [tilespmem:v0+s20+$0x30 ss:$0x1], $0xffff  }
0x27: {  	v7 =	vld.idx.msk [tilespmem:v0+s20+$0xFFFFFFC0 ss:$0x1], $0xffff  }
0x28: {  	v5 =	vld.idx.msk [tilespmem:v0+s20+$0xFFFFFFD0 ss:$0x1], $0xffff  }
0x29: {  	v4 =	vld.idx.msk [tilespmem:v0+s20+$0xFFFFFFE0 ss:$0x1], $0xffff  }
0x2a: {  	v3 =	vld.idx.msk [tilespmem:v0+s20+$0xFFFFFFF0 ss:$0x1], $0xffff  }
0x2b: {  	v1 =	vld.idx.msk [tilespmem:v0+s20+$0x0 ss:$0x1], $0xffff  }
0x2c: {  	v2 =	vld.idx.msk [tilespmem:v0+s20+$0x10 ss:$0x1], $0xffff;
	[tilespmem:s16+$0x30] =	vst v6  }
0x2d: {  	s19 =	simm.s32 $0x80;
	s21 =	simm.s32 $0x400;
	[tilespmem:s16+$0xFFFFFFC0] =	vst v7;
	v6 =	vld.idx.msk [tilespmem:v0+s20+$0x20 ss:$0x1], $0xffff;
	s20 =	smov.u32 s16  }
.LBB1_5:
0x2e: {  	p1 =	sne.s32 s21, $0xE00;
	v7 =	vld.idx.msk [tilespmem:v0+s19+$0x30 ss:$0x1], $0xffff;
	[tilespmem:s20+$0xFFFFFFD0] =	vst v5  }
0x2f: {  	v8 =	vld.idx.msk [tilespmem:v0+s19+$0xFFFFFFC0 ss:$0x1], $0xffff;
	[tilespmem:s20+$0xFFFFFFE0] =	vst v4  }
0x30: {  	v5 =	vld.idx.msk [tilespmem:v0+s19+$0xFFFFFFD0 ss:$0x1], $0xffff;
	[tilespmem:s20+$0xFFFFFFF0] =	vst v3  }
.Ltmp3:
0x31: {  	v4 =	vld.idx.msk [tilespmem:v0+s19+$0xFFFFFFE0 ss:$0x1], $0xffff;
	[tilespmem:s20+$0x0] =	vst v1;
	(pc) =	sbr.rel @p1 .LBB1_5-.Ltmp3, $4  }
0x32: {  	v3 =	vld.idx.msk [tilespmem:v0+s19+$0xFFFFFFF0 ss:$0x1], $0xffff;
	[tilespmem:s20+$0x10] =	vst v2  }
0x33: {  	v1 =	vld.idx.msk [tilespmem:v0+s19+$0x0 ss:$0x1], $0xffff;
	[tilespmem:s20+$0x20] =	vst v6;
	s20 =	sadd.s32 $0x400, s20  }
0x34: {  	v2 =	vld.idx.msk [tilespmem:v0+s19+$0x10 ss:$0x1], $0xffff;
	[tilespmem:s20+$0x30] =	vst v7  }
0x35: {  	[tilespmem:s20+$0xFFFFFFC0] =	vst v8;
	v6 =	vld.idx.msk [tilespmem:v0+s19+$0x20 ss:$0x1], $0xffff;
	s19 =	sshra.s32 s21, $0x2;
	s21 =	sadd.s32 $0x200, s21  }
0x36: {  	_ =	sdelay $0x2  }
0x37: {  	[tilespmem:s20+$0xFFFFFFD0] =	vst v5  }
0x38: {  	v56 =	vld.idx.msk [tilespmem:v0+s19+$0x30 ss:$0x1], $0xffff;
	[tilespmem:s20+$0xFFFFFFE0] =	vst v4  }
0x39: {  	v57 =	vld.idx.msk [tilespmem:v0+s19+$0xFFFFFFC0 ss:$0x1], $0xffff;
	[tilespmem:s20+$0xFFFFFFF0] =	vst v3  }
0x3a: {  	v58 =	vld.idx.msk [tilespmem:v0+s19+$0xFFFFFFD0 ss:$0x1], $0xffff;
	[tilespmem:s20+$0x0] =	vst v1  }
0x3b: {  	v59 =	vld.idx.msk [tilespmem:v0+s19+$0xFFFFFFE0 ss:$0x1], $0xffff;
	[tilespmem:s20+$0x10] =	vst v2  }
0x3c: {  	v60 =	vld.idx.msk [tilespmem:v0+s19+$0xFFFFFFF0 ss:$0x1], $0xffff;
	s31 =	sadd.s32 $0x400, s20;
	[tilespmem:s20+$0x20] =	vst v6  }
0x3d: {  	v61 =	vld.idx.msk [tilespmem:v0+s19+$0x0 ss:$0x1], $0xffff;
	[tilespmem:s31+$0x30] =	vst v56  }
0x3e: {  	v62 =	vld.idx.msk [tilespmem:v0+s19+$0x10 ss:$0x1], $0xffff;
	s18 =	sadd.s32 $0x1, s18;
	[tilespmem:s31+$0xFFFFFFC0] =	vst v57  }
0x3f: {  	v63 =	vld.idx.msk [tilespmem:v0+s19+$0x20 ss:$0x1], $0xffff;
	p1 =	sne.s32 s18, $0x8;
	[tilespmem:s31+$0xFFFFFFD0] =	vst v58  }
.Ltmp4:
0x40: {  	[tilespmem:s31+$0xFFFFFFE0] =	vst v59;
	(pc) =	sbr.rel @p1 .LBB1_4-.Ltmp4, $4  }
0x41: {  	[tilespmem:s31+$0xFFFFFFF0] =	vst v60  }
0x42: {  	[tilespmem:s31+$0x0] =	vst v61  }
0x43: {  	[tilespmem:s31+$0x10] =	vst v62  }
0x44: {  	s16 =	sadd.s32 $0x80, s16;
	s17 =	sadd.s32 $0x400, s17;
	[tilespmem:s31+$0x20] =	vst v63  }
.Ltmp5:
0x45: {  	(pc) =	sbr.rel @p0 .LBB1_3-.Ltmp5, $2  }
0x46: {  	_ =	sdelay $0x2  }
0x47: {  	s16 =	simm.s32 $0x2000;
	p1 =	por $0x0, $0x0  }
.Ltmp6:
0x48: {  	(pc) =	sbr.rel .LBB1_9-.Ltmp6, $4  }
0x49: {  	_ = 	snop  }
0x4a: {  	s12 =	sshll.u32 s12, $0xA  }
0x4b: {  	s12 =	sadd.s32 s2, s12  }
0x4c: {  	[hbm4b:s12+s8] =	stream.linear.scatter [tilespmem:s13], [sflag:$0x2], $0x4000, $0x38;
	[tilespmem:$0x10000] =	vst v63  }
.LBB1_10:
0x4d: {  	_ =	sfence.sel $0x180000  }
0x4e: {  	s2 =	simm.s32 $0x1;
	[bflag:$0x0] =	sbarrier.arrive $0xFFFF  }
0x4f: {  	s31 =	simm.s32 $0x2;
	[sflag:s2] =	ssyncpa.u1 $0x1  }
0x50: {  	[sflag:s31] =	ssyncpa.u1 $0x1  }
0x51: {  	p0 =	sne.s32 s0, $0x0;
	_ =	strace $0x9000004D  }
0x52: {  	s0 =	sadd.s32 @!p0 $0x100000, s1;
	[bflag:$0x2] =	sbarrier.arrive $0xFFFF  }
0x53: {  	[sflag:s0] =	ssyncadd.tile.s32 @!p0 $0x1;
	_ =	shalt  }
.Lfunc_end1:
_tile_overlayer_lowered:
.L_overlay_start_2:
0x54: {  	(tag) =	ssettag $0x2  }
0x55: {  	s0 =	rddreg [dreg:$0x0];
	s2 =	stileid.u32  }
0x56: {  	s1 =	rddreg [dreg:$0x1];
	p0 =	sne.s32 s2, $0x0  }
0x57: {  	s3 =	rddreg [dreg:$0x2];
	[bflag:$0x3] =	sbarrier.arrive $0xFFFF;
	s2 =	simm.s32 @!p0 $0x1C01  }
0x58: {  	[timem:s3], [sflag:s2] =	dma.local @!p0 [hbm:s0], s1  }
0x59: {  	s0 =	simm.s32 @!p0 $0x1  }
0x5a: {  	_ =	swait.ge @!p0 [sflag:s0], s1  }
0x5b: {  	s1 =	ssub.s32 @!p0 $0x0, s1;
	[sflag:s0] =	ssyncset.done @!p0 $0x0  }
0x5c: {  	[sflag:s0] =	ssyncadd.s32 @!p0 s1  }
0x5d: {  	[bflag:$0x3] =	sbarrier.arrive $0xFFFF  }
0x5e: {  	_ =	shalt  }

// kernel: sparse-core-data-format-call.4.cloned.1.call-start
scs
called_computation.4_lowered:
.L_overlay_start_0:
0x0: {  	s2 =	sld [smem:$0x3FD9]  }
0x1: {  	s3 =	sld [smem:$0x3FFE];
	_ =	sdelay $0x1  }
0x2: {  	s1 =	srdreg.scid  }
0x3: {  	s0 =	sand.u32 $0x1, s1  }
0x4: {  	s16 =	sshll.u32 s0, $0xA;
	s2 =	sadd.s32 s3, s2  }
0x5: {  	s2 =	sadd.s32 s2, s16  }
0x6: {  	[smem:$0x3FC2] =	sst s2  }
0x7: {  	_ = 	snop  }
0x8: {  	s2 =	sld [smem:$0x3FD0];
	_ =	sdelay $0x2  }
0x9: {  	s17 =	simm.s32 $0xD;
	s4 =	simm.s32 $0x10  }
0xa: {  	[smem:s4], [sflag:s17] =	dma.local [hbm:s2], $0x1  }
0xb: {  	_ =	swait.eq [sflag:s17], $0x1  }
0xc: {  	[sflag:s17] =	ssyncset.done $0x0  }
0xd: {  	[sflag:s17] =	ssyncadd.s32 $0xFFFFFFFF  }
0xe: {  	s18 =	sld [smem:$0x10];
	(tm) =	ssettm $0x1  }
0xf: {  	s19 =	sld [smem:$0x3FFB];
	_ =	sdelay $0x3  }
0x10: {  	_ =	strace s19  }
0x11: {  	s2 =	sld [smem:$0x3FFC];
	_ =	sdelay $0x3  }
0x12: {  	_ =	strace s2  }
0x13: {  	s2 =	sld [smem:$0x3FFD];
	_ =	sdelay $0x3  }
0x14: {  	_ =	strace s2  }
0x15: {  	_ =	strace $0x8FFFFFFF  }
0x16: {  	s20 =	sld [smem:$0x3FDB];
	_ =	sdelay $0x1  }
0x17: {  	s21 =	simm.s32 $_scs_section_size  }
0x18: {  	s5 =	simm.s32 $_size__tile_overlayer_lowered;
	s6 =	simm.s32 $_tile_overlayer_lowered  }
0x19: {  	s7 =	simm.s32 $0x1BFF;
	s22 =	sshll.u32 s6, $0x1;
	s4 =	sadd.s32 s21, s20  }
0x1a: {  	s23 =	simm.s32 $0x0;
	s5 =	sshll.u32 s5, $0x1;
	s6 =	sadd.s32 s22, s4  }
0x1b: {  	[timem:s23], [sflag:s7] =	dma.local [hbm:s6], s5  }
0x1c: {  	_ =	swait.ge [sflag:s7], s5  }
0x1d: {  	s5 =	ssub.s32 $0x0, s5;
	[sflag:s7] =	ssyncset.done $0x0  }
0x1e: {  	[sflag:s7] =	ssyncadd.s32 s5;
	_ =	sdelay $0x1  }
0x1f: {  	s24 =	simm.s32 $0x1B8B  }
0x20: {  	_ =	swait.ge [sflag:s24], $0x1  }
0x21: {  	[sflag:s24] =	ssyncset.done $0x0  }
0x22: {  	[sflag:s24] =	ssyncadd.s32 $0xFFFFFFFF  }
0x23: {  	s5 =	sld [smem:$0x0]  }
0x24: {  	s6 =	sand.u32 $0xFFFFFFFE, s1  }
0x25: {  	p0 =	sne.s32 s1, s6  }
0x26: {  	s6 =	sshll.u32 @p0 s6, $0xE  }
0x27: {  	s6 =	sadd.s32 @p0 $0x11B8D, s6;
	s7 =	sshll.u32 @p0 s5, $0x11  }
0x28: {  	s6 =	sor.u32 @p0 s7, s6  }
0x29: {  	[sflag:s6] =	ssyncadd.remote.s32 @p0 $0x1;
	_ =	sdelay $0x1  }
0x2a: {  	s6 =	simm.s32 @p0 $0x1B8D  }
0x2b: {  	_ =	swait.eq @p0 [sflag:s6], $0x1  }
0x2c: {  	[sflag:s6] =	ssyncadd.s32 @p0 $0xFFFFFFFF  }
0x2d: {  	s7 =	sshll.u32 @!p0 s1, $0xE  }
0x2e: {  	s7 =	sor.u32 @!p0 $0x4000, s7;
	s6 =	simm.s32 @!p0 $0x1B8D  }
0x2f: {  	s5 =	sshll.u32 @!p0 s5, $0x11;
	s7 =	sadd.s32 @!p0 $0x11B8D, s7;
	_ =	swait.eq @!p0 [sflag:s6], $0x1  }
0x30: {  	s5 =	sor.u32 @!p0 s5, s7;
	[sflag:s6] =	ssyncadd.s32 @!p0 $0xFFFFFFFF  }
0x31: {  	s26 =	simm.s32 $0x1B8E;
	s25 =	sld [smem:$0x3FFE];
	[sflag:s5] =	ssyncadd.remote.s32 @!p0 $0x1  }
0x32: {  	s27 =	simm.s32 $execute0_lowered;
	[smem:$0x3FD2] =	sst s26  }
0x33: {  	s6 =	sshll.u32 s27, $0x1;
	_ =	strace $0x80000052;
	[dreg:$0x1] =	wrdreg $0xFFFFFFFF  }
0x34: {  	s28 =	simm.s32 $_size_execute0_lowered;
	s4 =	sadd.s32 s4, s6;
	[dreg:$0x0] =	wrdreg $0x0  }
0x35: {  	s6 =	sshll.u32 s28, $0x1;
	[dreg:$0x2] =	wrdreg s4  }
0x36: {  	[dreg:$0x3] =	wrdreg s6  }
0x37: {  	[dreg:$0x4] =	wrdreg $0xC0  }
0x38: {  	_ =	task [dreg:s23], $0x5FFFF  }
0x39: {  	[dreg:$0x1] =	wrdreg $0xFFFFFFFF  }
0x3a: {  	[dreg:$0x0] =	wrdreg $0x60  }
0x3b: {  	[dreg:$0x2] =	wrdreg s25  }
0x3c: {  	[dreg:$0x3] =	wrdreg s18  }
0x3d: {  	[dreg:$0x4] =	wrdreg $0xB  }
0x3e: {  	_ =	task.clear_ibuf [dreg:s23], $0x5FFFF;
	_ =	strace $0x90000052  }
0x3f: {  	s29 =	simm.s32 $0xB;
	_ =	strace $0x80000054  }
0x40: {  	_ =	swait.ge [sflag:s29], $0x1  }
0x41: {  	[sflag:s29] =	ssyncadd.s32 $0xFFFFFFFF  }
0x42: {  	_ =	strace $0x90000054  }
0x43: {  	_ =	sfence  }
0x44: {  	s30 =	sld [smem:$0x0];
	_ =	sdelay $0x2  }
0x45: {  	s31 =	sshll.u32 s1, $0xD;
	s1 =	sshrl.u32 s1, $0x2  }
0x46: {  	s4 =	sand.u32 $0x4000, s31;
	s1 =	sadd.s32 s1, s30  }
0x47: {  	s0 =	sor.u32 s4, s0;
	s1 =	sshll.u32 s1, $0x11  }
0x48: {  	s0 =	sor.u32 s1, s0  }
0x49: {  	s0 =	sadd.s32 $0x8F2B, s0  }
0x4a: {  	[sflag:s0] =	ssyncadd.remote.s32 $0x1  }
0x4b: {  	_ =	sfence.sel $0xFFFF  }
0x4c: {  	[dreg:$0x0] =	wrdreg $0xFFFFFFFF;
	(pc) =	sbr.abs _section_cstart, $3  }
0x4d: {  	[dreg:$0x1] =	wrdreg $0xFFFFFFFF  }
0x4e: {  	_ =	task.clear_ibuf [dreg:s23], $0x2FFFF;
	_ =	strace $0x9FFFFFFF  }
0x4f: {  	(tm) =	ssettm $0x7FFFFFFF  }
tec
execute0_lowered:
.L_overlay_start_1:
0x0: {  	(tag) =	ssettag $0x1  }
0x1: {  	s1 =	rddreg [dreg:$0x0]  }
0x2: {  	s2 =	rddreg [dreg:$0x1]  }
0x3: {  	s0 =	rddreg [dreg:$0x2];
	_ =	strace $0x80000053;
	s4 =	srdreg.scid  }
0x4: {  	s6 =	simm.s32 $0x2;
	s11 =	simm.s32 $0x0;
	p0 =	por $0x0, $0x0  }
.Ltmp0:
0x5: {  	s7 =	simm.s32 $0x1000;
	s12 =	simm.s32 $0x0;
	(pc) =	sbr.rel .LBB1_1-.Ltmp0, $4  }
0x6: {  	s9 =	simm.s32 $0x0;
	s3 =	sadd.s32 $0x602000, s1;
	s5 =	sshll.u32 s4, $0x4  }
0x7: {  	s1 =	stileid.u32;
	s4 =	simm.s32 $0x1;
	s5 =	sand.u32 $0x10, s5  }
0x8: {  	s8 =	simm.s32 $0x0;
	[sflag:s4] =	ssyncpa.u1 $0x0;
	s5 =	sor.u32 s1, s5  }
0x9: {  	[sflag:s6] =	ssyncpa.u1 $0x0;
	s6 =	simm.s32 $0x800;
	s10 =	smov.u32 s5  }
.LBB1_7:
0xa: {  	s13 =	sadd.s32 $0x10, s9  }
0xb: {  	s11 =	sadd.s32 $0x20, s10;
	s15 =	smov.u32 s10;
	p2 =	sgt.s32 s13, $0x1F  }
0xc: {  	p1 =	slt.u32 s8, $0x2;
	s15 =	smov.u32 @p2 s11  }
0xd: {  	s8 =	sadd.s32 $0x1, s8;
	s13 =	simm.s32 @p2 $0x0;
	p2 =	sgt.s32 s15, $0x3FF  }
0xe: {  	s15 =	smov.u32 @p2 s5;
	p2 =	sne.s32 s8, $0x42  }
.Ltmp1:
0xf: {  	_ = 	snop;
	(pc) =	sbr.rel @!p2 .LBB1_8-.Ltmp1, $4  }
0x10: {  	s14 =	simm.s32 @!p1 $0x2  }
0x11: {  	s12 =	smov.u32 s10;
	_ =	swait.ge @!p1 [sflag:s14], $0x4000  }
0x12: {  	p0 =	por !p0, !p0;
	s11 =	smov.u32 s9;
	[sflag:s14] =	ssyncset.done @!p1 $0x0  }
0x13: {  	s9 =	smov.u32 s13;
	[sflag:s14] =	ssyncadd.s32 @!p1 $0xFFFFC000;
	s10 =	smov.u32 s15  }
.LBB1_1:
0x14: {  	p1 =	sgt.u32 s8, $0x3F  }
0x15: {  	s13 =	sxor.u32 @!p1 $0xFFFFFFFF, s8;
	s14 =	sshll.u32 @!p1 s10, $0xC  }
0x16: {  	s15 =	sshll.u32 @!p1 s9, $0x7;
	s13 =	sshll.u32 @!p1 s13, $0xE;
	s14 =	sadd.s32 @!p1 s3, s14  }
0x17: {  	s13 =	sand.u32 @!p1 $0x4000, s13;
	s14 =	sadd.s32 @!p1 s15, s14;
	s15 =	simm.s32 @!p1 $0x0  }
0x18: {  	[tilespmem:s13], [sflag:$0x1] =	stream.linear.gather @!p1 [hbm4b:s14+s15], $0x4000, $0x38;
	[tilespmem:$0x10000] =	vst v63  }
0x19: {  	p1 =	seq.s32 s8, $0x0  }
0x1a: {  	p2 =	seq.s32 @!p1 s8, $0x41  }
0x1b: {  	p1 =	por p1, p2  }
.Ltmp2:
0x1c: {  	_ = 	snop;
	(pc) =	sbr.rel @p1 .LBB1_7-.Ltmp2, $1  }
0x1d: {  	_ =	sdelay $0x3  }
0x1e: {  	s13 =	simm.s32 $0x1;
	_ =	swait.ge [sflag:s4], $0x4000;
	s16 =	sshll.u32 s8, $0xE  }
0x1f: {  	s13 =	simm.s32 @!p0 $0x0;
	[sflag:s4] =	ssyncset.done $0x0;
	s31 =	sand.u32 $0x4000, s16  }
0x20: {  	s16 =	simm.s32 $0x0;
	s14 =	sshll.u32 s13, $0xE;
	[sflag:s4] =	ssyncadd.s32 $0xFFFFC000  }
0x21: {  	s13 =	sor.u32 $0x8040, s14;
	s15 =	sor.u32 $0x40, s14;
	s14 =	sor.u32 $0x8000, s31  }
.LBB1_3:
0x22: {  	v0 =	vmov s15;
	_ =	sdelay $0x3  }
0x23: {  	s18 =	simm.s32 $0x0  }
0x24: {  	v6 =	vld.idx.msk [tilespmem:v0+s18+$0x30 ss:$0x1], $0xffff  }
0x25: {  	v7 =	vld.idx.msk [tilespmem:v0+s18+$0xFFFFFFC0 ss:$0x1], $0xffff  }
0x26: {  	v5 =	vld.idx.msk [tilespmem:v0+s18+$0xFFFFFFD0 ss:$0x1], $0xffff  }
0x27: {  	v4 =	vld.idx.msk [tilespmem:v0+s18+$0xFFFFFFE0 ss:$0x1], $0xffff  }
0x28: {  	v3 =	vld.idx.msk [tilespmem:v0+s18+$0xFFFFFFF0 ss:$0x1], $0xffff  }
0x29: {  	v1 =	vld.idx.msk [tilespmem:v0+s18+$0x0 ss:$0x1], $0xffff  }
0x2a: {  	v2 =	vld.idx.msk [tilespmem:v0+s18+$0x10 ss:$0x1], $0xffff;
	[tilespmem:s13+$0x30] =	vst v6  }
0x2b: {  	s17 =	simm.s32 $0x80;
	s19 =	simm.s32 $0x400;
	[tilespmem:s13+$0xFFFFFFC0] =	vst v7;
	v6 =	vld.idx.msk [tilespmem:v0+s18+$0x20 ss:$0x1], $0xffff;
	s18 =	smov.u32 s13  }
.LBB1_4:
0x2c: {  	p1 =	sne.s32 s19, $0xE00;
	v7 =	vld.idx.msk [tilespmem:v0+s17+$0x30 ss:$0x1], $0xffff;
	[tilespmem:s18+$0xFFFFFFD0] =	vst v5  }
0x2d: {  	v8 =	vld.idx.msk [tilespmem:v0+s17+$0xFFFFFFC0 ss:$0x1], $0xffff;
	[tilespmem:s18+$0xFFFFFFE0] =	vst v4  }
0x2e: {  	v5 =	vld.idx.msk [tilespmem:v0+s17+$0xFFFFFFD0 ss:$0x1], $0xffff;
	[tilespmem:s18+$0xFFFFFFF0] =	vst v3  }
.Ltmp3:
0x2f: {  	v4 =	vld.idx.msk [tilespmem:v0+s17+$0xFFFFFFE0 ss:$0x1], $0xffff;
	[tilespmem:s18+$0x0] =	vst v1;
	(pc) =	sbr.rel @p1 .LBB1_4-.Ltmp3, $4  }
0x30: {  	v3 =	vld.idx.msk [tilespmem:v0+s17+$0xFFFFFFF0 ss:$0x1], $0xffff;
	[tilespmem:s18+$0x10] =	vst v2  }
0x31: {  	v1 =	vld.idx.msk [tilespmem:v0+s17+$0x0 ss:$0x1], $0xffff;
	[tilespmem:s18+$0x20] =	vst v6;
	s18 =	sadd.s32 $0x800, s18  }
0x32: {  	v2 =	vld.idx.msk [tilespmem:v0+s17+$0x10 ss:$0x1], $0xffff;
	[tilespmem:s18+$0x30] =	vst v7  }
0x33: {  	[tilespmem:s18+$0xFFFFFFC0] =	vst v8;
	v6 =	vld.idx.msk [tilespmem:v0+s17+$0x20 ss:$0x1], $0xffff;
	s17 =	sshra.s32 s19, $0x2;
	s19 =	sadd.s32 $0x200, s19  }
0x34: {  	_ =	sdelay $0x2  }
0x35: {  	[tilespmem:s18+$0xFFFFFFD0] =	vst v5  }
0x36: {  	v56 =	vld.idx.msk [tilespmem:v0+s17+$0x30 ss:$0x1], $0xffff;
	[tilespmem:s18+$0xFFFFFFE0] =	vst v4  }
0x37: {  	v57 =	vld.idx.msk [tilespmem:v0+s17+$0xFFFFFFC0 ss:$0x1], $0xffff;
	[tilespmem:s18+$0xFFFFFFF0] =	vst v3  }
0x38: {  	v58 =	vld.idx.msk [tilespmem:v0+s17+$0xFFFFFFD0 ss:$0x1], $0xffff;
	[tilespmem:s18+$0x0] =	vst v1  }
0x39: {  	v59 =	vld.idx.msk [tilespmem:v0+s17+$0xFFFFFFE0 ss:$0x1], $0xffff;
	[tilespmem:s18+$0x10] =	vst v2  }
0x3a: {  	v60 =	vld.idx.msk [tilespmem:v0+s17+$0xFFFFFFF0 ss:$0x1], $0xffff;
	s31 =	sadd.s32 $0x800, s18;
	[tilespmem:s18+$0x20] =	vst v6  }
0x3b: {  	v61 =	vld.idx.msk [tilespmem:v0+s17+$0x0 ss:$0x1], $0xffff;
	[tilespmem:s31+$0x30] =	vst v56  }
0x3c: {  	v62 =	vld.idx.msk [tilespmem:v0+s17+$0x10 ss:$0x1], $0xffff;
	s16 =	sadd.s32 $0x1, s16;
	[tilespmem:s31+$0xFFFFFFC0] =	vst v57  }
0x3d: {  	v63 =	vld.idx.msk [tilespmem:v0+s17+$0x20 ss:$0x1], $0xffff;
	p1 =	sne.s32 s16, $0x10;
	[tilespmem:s31+$0xFFFFFFD0] =	vst v58  }
.Ltmp4:
0x3e: {  	[tilespmem:s31+$0xFFFFFFE0] =	vst v59;
	(pc) =	sbr.rel @p1 .LBB1_3-.Ltmp4, $4  }
0x3f: {  	[tilespmem:s31+$0xFFFFFFF0] =	vst v60  }
0x40: {  	[tilespmem:s31+$0x0] =	vst v61  }
0x41: {  	[tilespmem:s31+$0x10] =	vst v62  }
0x42: {  	s13 =	sadd.s32 $0x80, s13;
	s15 =	sadd.s32 $0x400, s15;
	[tilespmem:s31+$0x20] =	vst v63  }
.Ltmp5:
0x43: {  	(pc) =	sbr.rel .LBB1_7-.Ltmp5, $4  }
0x44: {  	s12 =	sshll.u32 s12, $0xC;
	s11 =	sshll.u32 s11, $0x4  }
0x45: {  	s11 =	sand.u32 $0x1F0, s11;
	s12 =	sadd.s32 s2, s12  }
0x46: {  	s11 =	sadd.s32 s11, s12  }
0x47: {  	[hbm4b:s11+s6] =	stream.strided.scatter [tilespmem:s14], [sflag:$0x2], $0x4000, s7, s6, $0x38;
	[tilespmem:$0x10000] =	vst v63  }
.LBB1_8:
0x48: {  	_ =	sfence.sel $0x180000  }
0x49: {  	s2 =	simm.s32 $0x1;
	[bflag:$0x0] =	sbarrier.arrive $0xFFFF  }
0x4a: {  	s31 =	simm.s32 $0x2;
	[sflag:s2] =	ssyncpa.u1 $0x1  }
0x4b: {  	[sflag:s31] =	ssyncpa.u1 $0x1  }
0x4c: {  	p0 =	sne.s32 s1, $0x0;
	_ =	strace $0x90000053  }
0x4d: {  	s0 =	sadd.s32 @!p0 $0x100000, s0;
	[bflag:$0x2] =	sbarrier.arrive $0xFFFF  }
0x4e: {  	[sflag:s0] =	ssyncadd.tile.s32 @!p0 $0x1;
	_ =	shalt  }
.Lfunc_end1:
_tile_overlayer_lowered:
.L_overlay_start_2:
0x4f: {  	(tag) =	ssettag $0x2  }
0x50: {  	s0 =	rddreg [dreg:$0x0];
	s2 =	stileid.u32  }
0x51: {  	s1 =	rddreg [dreg:$0x1];
	p0 =	sne.s32 s2, $0x0  }
0x52: {  	s3 =	rddreg [dreg:$0x2];
	[bflag:$0x3] =	sbarrier.arrive $0xFFFF;
	s2 =	simm.s32 @!p0 $0x1C01  }
0x53: {  	[timem:s3], [sflag:s2] =	dma.local @!p0 [hbm:s0], s1  }
0x54: {  	s0 =	simm.s32 @!p0 $0x1  }
0x55: {  	_ =	swait.ge @!p0 [sflag:s0], s1  }
0x56: {  	s1 =	ssub.s32 @!p0 $0x0, s1;
	[sflag:s0] =	ssyncset.done @!p0 $0x0  }
0x57: {  	[sflag:s0] =	ssyncadd.s32 @!p0 s1  }
0x58: {  	[bflag:$0x3] =	sbarrier.arrive $0xFFFF  }
0x59: {  	_ =	shalt  }

// kernel: sparse-core-data-format-call.cloned.1.call-start
scs
called_computation_lowered:
.L_overlay_start_0:
0x0: {  	s2 =	sld [smem:$0x3FD9]  }
0x1: {  	s3 =	sld [smem:$0x3FFE];
	_ =	sdelay $0x1  }
0x2: {  	s1 =	srdreg.scid  }
0x3: {  	s0 =	sand.u32 $0x1, s1  }
0x4: {  	s16 =	sshll.u32 s0, $0xA;
	s2 =	sadd.s32 s3, s2  }
0x5: {  	s2 =	sadd.s32 s2, s16  }
0x6: {  	[smem:$0x3FC2] =	sst s2  }
0x7: {  	_ = 	snop  }
0x8: {  	s2 =	sld [smem:$0x3FD0];
	_ =	sdelay $0x2  }
0x9: {  	s17 =	simm.s32 $0xD;
	s4 =	simm.s32 $0x10  }
0xa: {  	[smem:s4], [sflag:s17] =	dma.local [hbm:s2], $0x1  }
0xb: {  	_ =	swait.eq [sflag:s17], $0x1  }
0xc: {  	[sflag:s17] =	ssyncset.done $0x0  }
0xd: {  	[sflag:s17] =	ssyncadd.s32 $0xFFFFFFFF  }
0xe: {  	s18 =	sld [smem:$0x13];
	(tm) =	ssettm $0x1  }
0xf: {  	s19 =	sld [smem:$0x3FFB];
	_ =	sdelay $0x3  }
0x10: {  	_ =	strace s19  }
0x11: {  	s2 =	sld [smem:$0x3FFC];
	_ =	sdelay $0x3  }
0x12: {  	_ =	strace s2  }
0x13: {  	s2 =	sld [smem:$0x3FFD];
	_ =	sdelay $0x3  }
0x14: {  	_ =	strace s2  }
0x15: {  	_ =	strace $0x8FFFFFFF  }
0x16: {  	s20 =	sld [smem:$0x3FDB];
	_ =	sdelay $0x1  }
0x17: {  	s21 =	simm.s32 $_scs_section_size  }
0x18: {  	s5 =	simm.s32 $_size__tile_overlayer_lowered;
	s6 =	simm.s32 $_tile_overlayer_lowered  }
0x19: {  	s7 =	simm.s32 $0x1BFF;
	s22 =	sshll.u32 s6, $0x1;
	s4 =	sadd.s32 s21, s20  }
0x1a: {  	s23 =	simm.s32 $0x0;
	s5 =	sshll.u32 s5, $0x1;
	s6 =	sadd.s32 s22, s4  }
0x1b: {  	[timem:s23], [sflag:s7] =	dma.local [hbm:s6], s5  }
0x1c: {  	_ =	swait.ge [sflag:s7], s5  }
0x1d: {  	s5 =	ssub.s32 $0x0, s5;
	[sflag:s7] =	ssyncset.done $0x0  }
0x1e: {  	[sflag:s7] =	ssyncadd.s32 s5;
	_ =	sdelay $0x1  }
0x1f: {  	s24 =	simm.s32 $0x1B8B  }
0x20: {  	_ =	swait.ge [sflag:s24], $0x1  }
0x21: {  	[sflag:s24] =	ssyncset.done $0x0  }
0x22: {  	[sflag:s24] =	ssyncadd.s32 $0xFFFFFFFF  }
0x23: {  	s5 =	sld [smem:$0x0]  }
0x24: {  	s6 =	sand.u32 $0xFFFFFFFE, s1  }
0x25: {  	p0 =	sne.s32 s1, s6  }
0x26: {  	s6 =	sshll.u32 @p0 s6, $0xE  }
0x27: {  	s6 =	sadd.s32 @p0 $0x11B8D, s6;
	s7 =	sshll.u32 @p0 s5, $0x11  }
0x28: {  	s6 =	sor.u32 @p0 s7, s6  }
0x29: {  	[sflag:s6] =	ssyncadd.remote.s32 @p0 $0x1;
	_ =	sdelay $0x1  }
0x2a: {  	s6 =	simm.s32 @p0 $0x1B8D  }
0x2b: {  	_ =	swait.eq @p0 [sflag:s6], $0x1  }
0x2c: {  	[sflag:s6] =	ssyncadd.s32 @p0 $0xFFFFFFFF  }
0x2d: {  	s7 =	sshll.u32 @!p0 s1, $0xE  }
0x2e: {  	s7 =	sor.u32 @!p0 $0x4000, s7;
	s6 =	simm.s32 @!p0 $0x1B8D  }
0x2f: {  	s5 =	sshll.u32 @!p0 s5, $0x11;
	s7 =	sadd.s32 @!p0 $0x11B8D, s7;
	_ =	swait.eq @!p0 [sflag:s6], $0x1  }
0x30: {  	s5 =	sor.u32 @!p0 s5, s7;
	[sflag:s6] =	ssyncadd.s32 @!p0 $0xFFFFFFFF  }
0x31: {  	s26 =	simm.s32 $0x1B8E;
	s25 =	sld [smem:$0x3FFE];
	[sflag:s5] =	ssyncadd.remote.s32 @!p0 $0x1  }
0x32: {  	s27 =	simm.s32 $execute0_lowered;
	[smem:$0x3FD2] =	sst s26  }
0x33: {  	s6 =	sshll.u32 s27, $0x1;
	_ =	strace $0x80000055;
	[dreg:$0x1] =	wrdreg $0xFFFFFFFF  }
0x34: {  	s28 =	simm.s32 $_size_execute0_lowered;
	s4 =	sadd.s32 s4, s6;
	[dreg:$0x0] =	wrdreg $0x0  }
0x35: {  	s6 =	sshll.u32 s28, $0x1;
	[dreg:$0x2] =	wrdreg s4  }
0x36: {  	[dreg:$0x3] =	wrdreg s6  }
0x37: {  	[dreg:$0x4] =	wrdreg $0xC0  }
0x38: {  	_ =	task [dreg:s23], $0x5FFFF  }
0x39: {  	[dreg:$0x1] =	wrdreg $0xFFFFFFFF  }
0x3a: {  	[dreg:$0x0] =	wrdreg $0x60  }
0x3b: {  	[dreg:$0x2] =	wrdreg s25  }
0x3c: {  	[dreg:$0x3] =	wrdreg s18  }
0x3d: {  	[dreg:$0x4] =	wrdreg $0xC  }
0x3e: {  	_ =	task.clear_ibuf [dreg:s23], $0x5FFFF;
	_ =	strace $0x90000055  }
0x3f: {  	s29 =	simm.s32 $0xC;
	_ =	strace $0x80000057  }
0x40: {  	_ =	swait.ge [sflag:s29], $0x1  }
0x41: {  	[sflag:s29] =	ssyncadd.s32 $0xFFFFFFFF  }
0x42: {  	_ =	strace $0x90000057  }
0x43: {  	_ =	sfence  }
0x44: {  	s30 =	sld [smem:$0x0];
	_ =	sdelay $0x2  }
0x45: {  	s31 =	sshll.u32 s1, $0xD;
	s1 =	sshrl.u32 s1, $0x2  }
0x46: {  	s4 =	sand.u32 $0x4000, s31;
	s1 =	sadd.s32 s1, s30  }
0x47: {  	s0 =	sor.u32 s4, s0;
	s1 =	sshll.u32 s1, $0x11  }
0x48: {  	s0 =	sor.u32 s1, s0  }
0x49: {  	s0 =	sadd.s32 $0x8F2B, s0  }
0x4a: {  	[sflag:s0] =	ssyncadd.remote.s32 $0x1  }
0x4b: {  	_ =	sfence.sel $0xFFFF  }
0x4c: {  	[dreg:$0x0] =	wrdreg $0xFFFFFFFF;
	(pc) =	sbr.abs _section_cstart, $3  }
0x4d: {  	[dreg:$0x1] =	wrdreg $0xFFFFFFFF  }
0x4e: {  	_ =	task.clear_ibuf [dreg:s23], $0x2FFFF;
	_ =	strace $0x9FFFFFFF  }
0x4f: {  	(tm) =	ssettm $0x7FFFFFFF  }
tec
execute0_lowered:
.L_overlay_start_1:
0x0: {  	(tag) =	ssettag $0x1  }
0x1: {  	s0 =	srdreg.scid  }
0x2: {  	s1 =	sshll.u32 s0, $0x4  }
0x3: {  	s4 =	rddreg [dreg:$0x0];
	s0 =	stileid.u32;
	s1 =	sand.u32 $0x10, s1  }
0x4: {  	s2 =	rddreg [dreg:$0x1];
	s7 =	simm.s32 $0x1;
	s1 =	sor.u32 s0, s1  }
0x5: {  	s8 =	simm.s32 $0x2;
	s9 =	simm.s32 $0x0;
	s3 =	sshll.u32 s1, $0x1  }
0x6: {  	s12 =	simm.s32 $0x0;
	s11 =	simm.s32 $0x0;
	s6 =	ssub.s32 $0x1000, s3  }
.Ltmp0:
0x7: {  	s4 =	sadd.s32 $0x2000, s4;
	s5 =	sand.u32 $0x3E, s6;
	(pc) =	sbr.rel .LBB1_1-.Ltmp0, $4  }
0x8: {  	s1 =	rddreg [dreg:$0x2];
	_ =	strace $0x80000056;
	p0 =	sne.s32 s5, $0x0  }
0x9: {  	s6 =	sshrl.u32 s6, $0x6;
	s5 =	simm.s32 $0x1;
	s7 =	simm.s32 @!p0 $0x0  }
0xa: {  	s10 =	smov.u32 s3;
	[sflag:s5] =	ssyncpa.u1 $0x0;
	s6 =	sadd.s32 s7, s6  }
0xb: {  	[sflag:s8] =	ssyncpa.u1 $0x0;
	s8 =	simm.s32 $0x0;
	s7 =	sadd.s32 $0x1, s6  }
.LBB1_9:
0xc: {  	s14 =	sadd.s32 $0x40, s10  }
0xd: {  	p1 =	sgt.s32 s14, $0xFFF  }
0xe: {  	s14 =	smov.u32 @p1 s3;
	p1 =	sne.s32 s11, s7  }
.Ltmp1:
0xf: {  	p0 =	slt.u32 s11, $0x2;
	(pc) =	sbr.rel @!p1 .LBB1_10-.Ltmp1, $4  }
0x10: {  	s13 =	simm.s32 @!p0 $0x2  }
0x11: {  	s15 =	sadd.s32 $0x1, s11;
	_ =	swait.ge @!p0 [sflag:s13], $0x4000  }
0x12: {  	s12 =	smov.u32 s10;
	s9 =	sadd.s32 $0x4000, s9;
	[sflag:s13] =	ssyncset.done @!p0 $0x0  }
0x13: {  	s11 =	smov.u32 s15;
	s10 =	smov.u32 s14;
	[sflag:s13] =	ssyncadd.s32 @!p0 $0xFFFFC000  }
.LBB1_1:
0x14: {  	p0 =	sge.u32 s11, s6  }
0x15: {  	s13 =	sxor.u32 @!p0 $0xFFFFFFFF, s11  }
0x16: {  	s31 =	sadd.s32 $0xFFFFFFFF, s11;
	s14 =	sshll.u32 @!p0 s10, $0xA;
	s13 =	sshll.u32 @!p0 s13, $0xE  }
0x17: {  	s15 =	simm.s32 @!p0 $0x0;
	s14 =	sadd.s32 @!p0 s4, s14;
	s13 =	sand.u32 @!p0 $0x4000, s13  }
0x18: {  	[tilespmem:s13], [sflag:$0x1] =	stream.linear.gather @!p0 [hbm4b:s14+s15], $0x4000, $0x38;
	[tilespmem:$0x10000] =	vst v63  }
0x19: {  	p0 =	sge.u32 s31, s6  }
.Ltmp2:
0x1a: {  	_ = 	snop;
	(pc) =	sbr.rel @p0 .LBB1_9-.Ltmp2, $1  }
0x1b: {  	_ =	sdelay $0x3  }
0x1c: {  	s13 =	sshll.u32 s9, $0x2  }
0x1d: {  	_ =	swait.ge [sflag:s5], $0x4000;
	s14 =	sshll.u32 s11, $0xE;
	s16 =	simm.s32 $0x0  }
0x1e: {  	p1 =	por $0x1, $0x1;
	s13 =	sand.u32 $0x10000, s13;
	[sflag:s5] =	ssyncset.done $0x0  }
0x1f: {  	s14 =	sand.u32 $0x4000, s14;
	s15 =	sshrl.u32 s13, $0x2;
	[sflag:s5] =	ssyncadd.s32 $0xFFFFC000  }
0x20: {  	s13 =	sor.u32 $0x8000, s14;
	s14 =	sadd.s32 $0x8040, s15;
	s15 =	sadd.s32 $0x40, s15  }
.LBB1_3:
0x21: {  	s16 =	sshll.u32 s16, $0x2  }
0x22: {  	p0 =	por p1, p1;
	s17 =	sshra.s32 s16, $0x2  }
0x23: {  	s18 =	simm.s32 $0x0;
	s16 =	sadd.s32 s17, s14;
	s17 =	sadd.s32 s17, s15  }
.LBB1_4:
0x24: {  	v0 =	vmov s17;
	_ =	sdelay $0x3  }
0x25: {  	s20 =	simm.s32 $0x0  }
0x26: {  	v6 =	vld.idx.msk [tilespmem:v0+s20+$0x30 ss:$0x1], $0xffff  }
0x27: {  	v7 =	vld.idx.msk [tilespmem:v0+s20+$0xFFFFFFC0 ss:$0x1], $0xffff  }
0x28: {  	v5 =	vld.idx.msk [tilespmem:v0+s20+$0xFFFFFFD0 ss:$0x1], $0xffff  }
0x29: {  	v4 =	vld.idx.msk [tilespmem:v0+s20+$0xFFFFFFE0 ss:$0x1], $0xffff  }
0x2a: {  	v3 =	vld.idx.msk [tilespmem:v0+s20+$0xFFFFFFF0 ss:$0x1], $0xffff  }
0x2b: {  	v1 =	vld.idx.msk [tilespmem:v0+s20+$0x0 ss:$0x1], $0xffff  }
0x2c: {  	v2 =	vld.idx.msk [tilespmem:v0+s20+$0x10 ss:$0x1], $0xffff;
	[tilespmem:s16+$0x30] =	vst v6  }
0x2d: {  	s19 =	simm.s32 $0x80;
	s21 =	simm.s32 $0x400;
	[tilespmem:s16+$0xFFFFFFC0] =	vst v7;
	v6 =	vld.idx.msk [tilespmem:v0+s20+$0x20 ss:$0x1], $0xffff;
	s20 =	smov.u32 s16  }
.LBB1_5:
0x2e: {  	p1 =	sne.s32 s21, $0xE00;
	v7 =	vld.idx.msk [tilespmem:v0+s19+$0x30 ss:$0x1], $0xffff;
	[tilespmem:s20+$0xFFFFFFD0] =	vst v5  }
0x2f: {  	v8 =	vld.idx.msk [tilespmem:v0+s19+$0xFFFFFFC0 ss:$0x1], $0xffff;
	[tilespmem:s20+$0xFFFFFFE0] =	vst v4  }
0x30: {  	v5 =	vld.idx.msk [tilespmem:v0+s19+$0xFFFFFFD0 ss:$0x1], $0xffff;
	[tilespmem:s20+$0xFFFFFFF0] =	vst v3  }
.Ltmp3:
0x31: {  	v4 =	vld.idx.msk [tilespmem:v0+s19+$0xFFFFFFE0 ss:$0x1], $0xffff;
	[tilespmem:s20+$0x0] =	vst v1;
	(pc) =	sbr.rel @p1 .LBB1_5-.Ltmp3, $4  }
0x32: {  	v3 =	vld.idx.msk [tilespmem:v0+s19+$0xFFFFFFF0 ss:$0x1], $0xffff;
	[tilespmem:s20+$0x10] =	vst v2  }
0x33: {  	v1 =	vld.idx.msk [tilespmem:v0+s19+$0x0 ss:$0x1], $0xffff;
	[tilespmem:s20+$0x20] =	vst v6;
	s20 =	sadd.s32 $0x400, s20  }
0x34: {  	v2 =	vld.idx.msk [tilespmem:v0+s19+$0x10 ss:$0x1], $0xffff;
	[tilespmem:s20+$0x30] =	vst v7  }
0x35: {  	[tilespmem:s20+$0xFFFFFFC0] =	vst v8;
	v6 =	vld.idx.msk [tilespmem:v0+s19+$0x20 ss:$0x1], $0xffff;
	s19 =	sshra.s32 s21, $0x2;
	s21 =	sadd.s32 $0x200, s21  }
0x36: {  	_ =	sdelay $0x2  }
0x37: {  	[tilespmem:s20+$0xFFFFFFD0] =	vst v5  }
0x38: {  	v56 =	vld.idx.msk [tilespmem:v0+s19+$0x30 ss:$0x1], $0xffff;
	[tilespmem:s20+$0xFFFFFFE0] =	vst v4  }
0x39: {  	v57 =	vld.idx.msk [tilespmem:v0+s19+$0xFFFFFFC0 ss:$0x1], $0xffff;
	[tilespmem:s20+$0xFFFFFFF0] =	vst v3  }
0x3a: {  	v58 =	vld.idx.msk [tilespmem:v0+s19+$0xFFFFFFD0 ss:$0x1], $0xffff;
	[tilespmem:s20+$0x0] =	vst v1  }
0x3b: {  	v59 =	vld.idx.msk [tilespmem:v0+s19+$0xFFFFFFE0 ss:$0x1], $0xffff;
	[tilespmem:s20+$0x10] =	vst v2  }
0x3c: {  	v60 =	vld.idx.msk [tilespmem:v0+s19+$0xFFFFFFF0 ss:$0x1], $0xffff;
	s31 =	sadd.s32 $0x400, s20;
	[tilespmem:s20+$0x20] =	vst v6  }
0x3d: {  	v61 =	vld.idx.msk [tilespmem:v0+s19+$0x0 ss:$0x1], $0xffff;
	[tilespmem:s31+$0x30] =	vst v56  }
0x3e: {  	v62 =	vld.idx.msk [tilespmem:v0+s19+$0x10 ss:$0x1], $0xffff;
	s18 =	sadd.s32 $0x1, s18;
	[tilespmem:s31+$0xFFFFFFC0] =	vst v57  }
0x3f: {  	v63 =	vld.idx.msk [tilespmem:v0+s19+$0x20 ss:$0x1], $0xffff;
	p1 =	sne.s32 s18, $0x8;
	[tilespmem:s31+$0xFFFFFFD0] =	vst v58  }
.Ltmp4:
0x40: {  	[tilespmem:s31+$0xFFFFFFE0] =	vst v59;
	(pc) =	sbr.rel @p1 .LBB1_4-.Ltmp4, $4  }
0x41: {  	[tilespmem:s31+$0xFFFFFFF0] =	vst v60  }
0x42: {  	[tilespmem:s31+$0x0] =	vst v61  }
0x43: {  	[tilespmem:s31+$0x10] =	vst v62  }
0x44: {  	s16 =	sadd.s32 $0x80, s16;
	s17 =	sadd.s32 $0x400, s17;
	[tilespmem:s31+$0x20] =	vst v63  }
.Ltmp5:
0x45: {  	(pc) =	sbr.rel @p0 .LBB1_3-.Ltmp5, $2  }
0x46: {  	_ =	sdelay $0x2  }
0x47: {  	s16 =	simm.s32 $0x2000;
	p1 =	por $0x0, $0x0  }
.Ltmp6:
0x48: {  	(pc) =	sbr.rel .LBB1_9-.Ltmp6, $4  }
0x49: {  	_ = 	snop  }
0x4a: {  	s12 =	sshll.u32 s12, $0xA  }
0x4b: {  	s12 =	sadd.s32 s2, s12  }
0x4c: {  	[hbm4b:s12+s8] =	stream.linear.scatter [tilespmem:s13], [sflag:$0x2], $0x4000, $0x38;
	[tilespmem:$0x10000] =	vst v63  }
.LBB1_10:
0x4d: {  	_ =	sfence.sel $0x180000  }
0x4e: {  	s2 =	simm.s32 $0x1;
	[bflag:$0x0] =	sbarrier.arrive $0xFFFF  }
0x4f: {  	s31 =	simm.s32 $0x2;
	[sflag:s2] =	ssyncpa.u1 $0x1  }
0x50: {  	[sflag:s31] =	ssyncpa.u1 $0x1  }
0x51: {  	p0 =	sne.s32 s0, $0x0;
	_ =	strace $0x90000056  }
0x52: {  	s0 =	sadd.s32 @!p0 $0x100000, s1;
	[bflag:$0x2] =	sbarrier.arrive $0xFFFF  }
0x53: {  	[sflag:s0] =	ssyncadd.tile.s32 @!p0 $0x1;
	_ =	shalt  }
.Lfunc_end1:
_tile_overlayer_lowered:
.L_overlay_start_2:
0x54: {  	(tag) =	ssettag $0x2  }
0x55: {  	s0 =	rddreg [dreg:$0x0];
	s2 =	stileid.u32  }
0x56: {  	s1 =	rddreg [dreg:$0x1];
	p0 =	sne.s32 s2, $0x0  }
0x57: {  	s3 =	rddreg [dreg:$0x2];
	[bflag:$0x3] =	sbarrier.arrive $0xFFFF;
	s2 =	simm.s32 @!p0 $0x1C01  }
0x58: {  	[timem:s3], [sflag:s2] =	dma.local @!p0 [hbm:s0], s1  }
0x59: {  	s0 =	simm.s32 @!p0 $0x1  }
0x5a: {  	_ =	swait.ge @!p0 [sflag:s0], s1  }
0x5b: {  	s1 =	ssub.s32 @!p0 $0x0, s1;
	[sflag:s0] =	ssyncset.done @!p0 $0x0  }
0x5c: {  	[sflag:s0] =	ssyncadd.s32 @!p0 s1  }
0x5d: {  	[bflag:$0x3] =	sbarrier.arrive $0xFFFF  }
0x5e: {  	_ =	shalt  }

</sc_bundles>
